<compile_context>
chip_gen: v7x
topology: tpu7x:2x2x1
jax: 0.10.2.dev20260603
libtpu: 0.0.44.dev20260713+nightly
codegen_flags: <defaults>
</compile_context>

<pallas_src>
import jax
import jax.numpy as jnp
from jax import lax
from jax.experimental import pallas as pl
from jax.experimental.pallas import tpu as pltpu
from jax.experimental.pallas import tpu_sc as plsc

B = 16384
DIM = 64
L = 16
NC = 2
NS = 16
NW = NC * NS
BPW = B // NW
C = 128
NCH = BPW // C
NG = C // L
N_ROWS = 1000000
HALF = N_ROWS // 2
BC = 32768
BCH = BC // 2
BSH = 15
L2 = 1e-4


def _tr_body(a_ref, o_ref):
    x = a_ref[...]
    eye = jnp.eye(DIM, dtype=jnp.float32)
    dn = (((0,), (0,)), ((), ()))
    o_ref[:, 0:DIM] = lax.dot_general(
        x[:, 0:BC // 2], eye, dn, preferred_element_type=jnp.float32)
    o_ref[:, DIM:2 * DIM] = lax.dot_general(
        x[:, BC // 2:BC], eye, dn, preferred_element_type=jnp.float32)


def _tc_transpose(tT):
    nb = (N_ROWS + BC - 1) // BC
    return pl.pallas_call(
        _tr_body,
        grid=(nb,),
        in_specs=[pl.BlockSpec((DIM, BC), lambda g: (0, g))],
        out_specs=pl.BlockSpec((BC // 2, 2 * DIM), lambda g: (g, 0)),
        out_shape=jax.ShapeDtypeStruct((nb * (BC // 2), 2 * DIM),
                                       jnp.float32),
    )(tT)


def _sc_body(users_hbm, pos_hbm, neg_hbm, u2_hbm, i2_hbm,
             pos_out, neg_out, reg_out,
             idx_u, idx_p, idx_n,
             tid0, tid1,
             bu0, bp0, bn0, bu1, bp1, bn1,
             pos_buf, neg_buf, reg_buf, sem0, sem1):
    wid = lax.axis_index("s") * NC + lax.axis_index("c")
    base = wid * BPW

    pltpu.sync_copy(users_hbm.at[pl.ds(base, BPW)], idx_u)
    pltpu.sync_copy(pos_hbm.at[pl.ds(base, BPW)], idx_p)
    pltpu.sync_copy(neg_hbm.at[pl.ds(base, BPW)], idx_n)

    idxs = (idx_u, idx_p, idx_n)
    tabs = (u2_hbm, i2_hbm, i2_hbm)
    bufs = ((bu0, bp0, bn0), (bu1, bp1, bn1))
    tids = (tid0, tid1)
    sems = (sem0, sem1)
    jvec = lax.iota(jnp.int32, L)

    def pair_id(t, iv):
        return (lax.shift_right_logical(iv, BSH) * BCH + (iv & (BCH - 1)))

    def pair_col(t, iv):
        return (lax.shift_right_logical(iv, BSH - 1) & 1) * DIM

    def fire(c, k):
        for t in range(3):
            for b in range(NG):
                sl = pl.ds(c * C + b * L, L)
                tids[k][t, pl.ds(b * L, L)] = pair_id(t, idxs[t][sl])
        for t in range(3):
            pltpu.async_copy(tabs[t].at[tids[k].at[t]], bufs[k][t], sems[k])

    def drain(k):
        for t in range(3):
            pltpu.make_async_copy(tabs[t].at[tids[k].at[t]], bufs[k][t],
                                  sems[k]).wait()

    def compute(c, k, acc_sq):
        bu, bp, bn = bufs[k]

        def group(b, acc_sq):
            sl = pl.ds(c * C + b * L, L)
            row = b * L + jvec
            cu = pair_col(0, idx_u[sl])
            cp = pair_col(1, idx_p[sl])
            cn = pair_col(2, idx_n[sl])
            acc_p = jnp.zeros((L,), jnp.float32)
            acc_n = jnp.zeros((L,), jnp.float32)
            for d in range(DIM):
                gu = plsc.load_gather(bu, [row, cu + d])
                gp = plsc.load_gather(bp, [row, cp + d])
                gn = plsc.load_gather(bn, [row, cn + d])
                acc_p = acc_p + gu * gp
                acc_n = acc_n + gu * gn
                acc_sq = acc_sq + gu * gu
                acc_sq = acc_sq + gp * gp
                acc_sq = acc_sq + gn * gn
            pos_buf[sl] = acc_p
            neg_buf[sl] = acc_n
            return acc_sq

        return lax.fori_loop(0, NG, group, acc_sq)

    fire(0, 0)

    def step(cc, acc_sq):
        c0 = 2 * cc
        fire(c0 + 1, 1)
        drain(0)
        acc_sq = compute(c0, 0, acc_sq)

        @pl.when(cc < NCH // 2 - 1)
        def _():
            fire(c0 + 2, 0)

        drain(1)
        acc_sq = compute(c0 + 1, 1, acc_sq)
        return acc_sq

    acc_sq = lax.fori_loop(0, NCH // 2, step, jnp.zeros((L,), jnp.float32))
    reg_buf[...] = acc_sq

    pltpu.sync_copy(pos_buf, pos_out.at[pl.ds(base, BPW)])
    pltpu.sync_copy(neg_buf, neg_out.at[pl.ds(base, BPW)])
    pltpu.sync_copy(reg_buf, reg_out.at[wid])


@jax.jit
def _sc_gather_scores(users, pos_items, neg0, u2, i2):
    mesh = plsc.VectorSubcoreMesh(core_axis_name="c", subcore_axis_name="s",
                                  num_cores=NC, num_subcores=NS)
    f = pl.kernel(
        _sc_body,
        out_type=[
            jax.ShapeDtypeStruct((B,), jnp.float32),
            jax.ShapeDtypeStruct((B,), jnp.float32),
            jax.ShapeDtypeStruct((NW, L), jnp.float32),
        ],
        mesh=mesh,
        compiler_params=pltpu.CompilerParams(needs_layout_passes=False),
        scratch_types=[
            pltpu.VMEM((BPW,), jnp.int32),
            pltpu.VMEM((BPW,), jnp.int32),
            pltpu.VMEM((BPW,), jnp.int32),
            pltpu.VMEM((3, C), jnp.int32),
            pltpu.VMEM((3, C), jnp.int32),
            pltpu.VMEM((C, 2 * DIM), jnp.float32),
            pltpu.VMEM((C, 2 * DIM), jnp.float32),
            pltpu.VMEM((C, 2 * DIM), jnp.float32),
            pltpu.VMEM((C, 2 * DIM), jnp.float32),
            pltpu.VMEM((C, 2 * DIM), jnp.float32),
            pltpu.VMEM((C, 2 * DIM), jnp.float32),
            pltpu.VMEM((BPW,), jnp.float32),
            pltpu.VMEM((BPW,), jnp.float32),
            pltpu.VMEM((L,), jnp.float32),
            pltpu.SemaphoreType.DMA,
            pltpu.SemaphoreType.DMA,
        ],
    )
    return f(users, pos_items, neg0, u2, i2)


def _tc_loss_body(pos_ref, neg_ref, reg_ref, out_ref):
    x = neg_ref[...] - pos_ref[...]
    mf = jnp.sum(jnp.log(1.0 + jnp.exp(x))) / B
    reg = jnp.sum(reg_ref[...])
    out_ref[0, 0] = mf + L2 * reg / (2.0 * B)


def _tc_loss(pos2d, neg2d, reg2d):
    return pl.pallas_call(
        _tc_loss_body,
        out_shape=jax.ShapeDtypeStruct((1, 1), jnp.float32),
        out_specs=pl.BlockSpec(memory_space=pltpu.SMEM),
    )(pos2d, neg2d, reg2d)


def kernel(cur_epoch, users, pos_items, neg_items, user_emb, item_emb):
    users = users.astype(jnp.int32)
    pos_items = pos_items.astype(jnp.int32)
    neg0 = neg_items[:, 0].astype(jnp.int32)
    u2 = _tc_transpose(user_emb.T)
    i2 = _tc_transpose(item_emb.T)
    pos_scores, neg_scores, reg = _sc_gather_scores(
        users, pos_items, neg0, u2, i2)
    loss = _tc_loss(pos_scores.reshape(128, 128),
                    neg_scores.reshape(128, 128),
                    reg.reshape(4, 128))[0, 0]
    return (loss, pos_scores, neg_scores.reshape(B, 1))

# --- scband reference (transcript-rebuilt; emitter-appended) ---
"""Pipeline reference for scband-mf-63840393887850 (READ-ONLY COPY).

The authoritative reference and input builder live on the scoring server;
editing this copy changes nothing except your own understanding.
"""

import jax, jax.numpy as jnp
import numpy as np

N_USERS = 1000000
N_ITEMS = 1000000
DIM = 64
B = 16384
K = 1
N_NEGS = 16
L2 = 1e-4


def setup_inputs(seed: int = 0) -> dict:
    key = jax.random.key(seed)
    k1, k2, k3, k4, k5 = jax.random.split(key, 5)
    users = jax.random.randint(k1, (B,), 0, N_USERS, dtype=jnp.int32).astype(jnp.int64)
    pos_items = jax.random.randint(k2, (B,), 0, N_ITEMS, dtype=jnp.int32).astype(jnp.int64)
    neg_items = jax.random.randint(k3, (B, N_NEGS), 0, N_ITEMS, dtype=jnp.int32).astype(jnp.int64)
    # xavier_uniform init for embedding tables
    scale_u = float(np.sqrt(6.0 / (N_USERS + DIM)))
    scale_i = float(np.sqrt(6.0 / (N_ITEMS + DIM)))
    user_emb = jax.random.uniform(k4, (N_USERS, DIM), minval=-scale_u, maxval=scale_u, dtype=jnp.float32)
    item_emb = jax.random.uniform(k5, (N_ITEMS, DIM), minval=-scale_i, maxval=scale_i, dtype=jnp.float32)
    return {
        "cur_epoch": 0,
        "users": users,
        "pos_items": pos_items,
        "neg_items": neg_items,
        "user_emb": user_emb,
        "item_emb": item_emb,
    }


def reference(cur_epoch, users, pos_items, neg_items, user_emb, item_emb):
    # MF.forward with ns == 'rns'
    user_embed = jnp.take(user_emb, users, axis=0)              # [B, d]
    pos_item_embed = jnp.take(item_emb, pos_items, axis=0)      # [B, d]
    neg_item_embs = jnp.take(item_emb, neg_items[:, :K], axis=0)  # [B, K, d]
    # create_bpr_loss
    pos_scores = jnp.sum(user_embed * pos_item_embed, axis=1)   # [B]
    neg_scores = jnp.sum(user_embed[:, None, :] * neg_item_embs, axis=-1)  # [B, K]
    mf_loss = jnp.mean(jnp.log(1.0 + jnp.sum(jnp.exp(neg_scores - pos_scores[:, None]), axis=1)))
    regularize = (jnp.linalg.norm(user_embed) ** 2
                  + jnp.linalg.norm(pos_item_embed) ** 2
                  + jnp.linalg.norm(neg_item_embs) ** 2) / 2.0
    emb_loss = L2 * regularize / B
    loss = mf_loss + emb_loss
    return (loss, jax.lax.stop_gradient(pos_scores), jax.lax.stop_gradient(neg_scores))

if __name__ == "__main__":
    import jax
    _d = setup_inputs()
    print(jax.jit(kernel)(*tuple(_d.values())))

</pallas_src>

<mosaic_0001>
#map = affine_map<(d0, d1) -> (0)>
#map1 = affine_map<(d0, d1) -> (0, 0)>
module attributes {stable_mosaic.version = 14 : i64} {
  func.func @_sc_body(%arg0: i32, %arg1: i32, %arg2: memref<16384xi32, #tpu.memory_space<hbm>>, %arg3: memref<16384xi32, #tpu.memory_space<hbm>>, %arg4: memref<16384xi32, #tpu.memory_space<hbm>>, %arg5: memref<507904x128xf32, #tpu.memory_space<hbm>>, %arg6: memref<507904x128xf32, #tpu.memory_space<hbm>>, %arg7: memref<16384xf32, #tpu.memory_space<hbm>>, %arg8: memref<16384xf32, #tpu.memory_space<hbm>>, %arg9: memref<32x16xf32, #tpu.memory_space<hbm>>, %arg10: memref<512xi32, #tpu.memory_space<vmem>>, %arg11: memref<512xi32, #tpu.memory_space<vmem>>, %arg12: memref<512xi32, #tpu.memory_space<vmem>>, %arg13: memref<3x128xi32, #tpu.memory_space<vmem>>, %arg14: memref<3x128xi32, #tpu.memory_space<vmem>>, %arg15: memref<128x128xf32, #tpu.memory_space<vmem>>, %arg16: memref<128x128xf32, #tpu.memory_space<vmem>>, %arg17: memref<128x128xf32, #tpu.memory_space<vmem>>, %arg18: memref<128x128xf32, #tpu.memory_space<vmem>>, %arg19: memref<128x128xf32, #tpu.memory_space<vmem>>, %arg20: memref<128x128xf32, #tpu.memory_space<vmem>>, %arg21: memref<512xf32, #tpu.memory_space<vmem>>, %arg22: memref<512xf32, #tpu.memory_space<vmem>>, %arg23: memref<16xf32, #tpu.memory_space<vmem>>, %arg24: memref<!tpu.dma_semaphore, #tpu.memory_space<semaphore_mem>>, %arg25: memref<!tpu.dma_semaphore, #tpu.memory_space<semaphore_mem>>) attributes {dimension_semantics = [#tpu.dimension_semantics<core_parallel>, #tpu.dimension_semantics<subcore_parallel>], iteration_bounds = array<i64: 2, 16>, scalar_prefetch = 0 : i64, scratch_operands = 16 : i64, tpu.core_type = #tpu.core_type<sc_vector_subcore>, window_params = [{transform_indices = #map}, {transform_indices = #map}, {transform_indices = #map}, {transform_indices = #map1}, {transform_indices = #map1}, {transform_indices = #map}, {transform_indices = #map}, {transform_indices = #map1}]} {
    %mul3A = arith.constant 2 : i32
    %mul3A_0 = arith.muli %arg1, %mul3A : i32
    %add3A = arith.addi %mul3A_0, %arg0 : i32
    %mul3A_1 = arith.constant 512 : i32
    %mul3A_2 = arith.muli %add3A, %mul3A_1 : i32
    "tpu.region"() ({
      %run_scoped3A = tpu.sem_alloc : memref<!tpu.dma_semaphore, #tpu.memory_space<semaphore_mem>>
      %dma_start3A_411 = tpu.memref_slice %arg2[%mul3A_2] : memref<16384xi32, #tpu.memory_space<hbm>> -> memref<512xi32, #tpu.memory_space<hbm>>
      %dma_start3A_412 = tpu.memref_slice %arg2[%mul3A_2] : memref<16384xi32, #tpu.memory_space<hbm>> -> memref<512xi32, #tpu.memory_space<hbm>>
      tpu.enqueue_dma source(%dma_start3A_412 : memref<512xi32, #tpu.memory_space<hbm>>) target(%arg10 : memref<512xi32, #tpu.memory_space<vmem>>) target_semaphore(%run_scoped3A : memref<!tpu.dma_semaphore, #tpu.memory_space<semaphore_mem>>)
      %dma_wait3A = tpu.memref_slice %arg2[%mul3A_2] : memref<16384xi32, #tpu.memory_space<hbm>> -> memref<512xi32, #tpu.memory_space<hbm>>
      %dma_wait3A_413 = tpu.memref_slice %arg2[%mul3A_2] : memref<16384xi32, #tpu.memory_space<hbm>> -> memref<512xi32, #tpu.memory_space<hbm>>
      tpu.wait_dma2 semaphore(%run_scoped3A : memref<!tpu.dma_semaphore, #tpu.memory_space<semaphore_mem>>) src(%dma_wait3A_413 : memref<512xi32, #tpu.memory_space<hbm>>) dst(%arg10 : memref<512xi32, #tpu.memory_space<vmem>>)
      tpu.yield
    }) : () -> ()
    "tpu.region"() ({
      %run_scoped3A = tpu.sem_alloc : memref<!tpu.dma_semaphore, #tpu.memory_space<semaphore_mem>>
      %dma_start3A_411 = tpu.memref_slice %arg3[%mul3A_2] : memref<16384xi32, #tpu.memory_space<hbm>> -> memref<512xi32, #tpu.memory_space<hbm>>
      %dma_start3A_412 = tpu.memref_slice %arg3[%mul3A_2] : memref<16384xi32, #tpu.memory_space<hbm>> -> memref<512xi32, #tpu.memory_space<hbm>>
      tpu.enqueue_dma source(%dma_start3A_412 : memref<512xi32, #tpu.memory_space<hbm>>) target(%arg11 : memref<512xi32, #tpu.memory_space<vmem>>) target_semaphore(%run_scoped3A : memref<!tpu.dma_semaphore, #tpu.memory_space<semaphore_mem>>)
      %dma_wait3A = tpu.memref_slice %arg3[%mul3A_2] : memref<16384xi32, #tpu.memory_space<hbm>> -> memref<512xi32, #tpu.memory_space<hbm>>
      %dma_wait3A_413 = tpu.memref_slice %arg3[%mul3A_2] : memref<16384xi32, #tpu.memory_space<hbm>> -> memref<512xi32, #tpu.memory_space<hbm>>
      tpu.wait_dma2 semaphore(%run_scoped3A : memref<!tpu.dma_semaphore, #tpu.memory_space<semaphore_mem>>) src(%dma_wait3A_413 : memref<512xi32, #tpu.memory_space<hbm>>) dst(%arg11 : memref<512xi32, #tpu.memory_space<vmem>>)
      tpu.yield
    }) : () -> ()
    "tpu.region"() ({
      %run_scoped3A = tpu.sem_alloc : memref<!tpu.dma_semaphore, #tpu.memory_space<semaphore_mem>>
      %dma_start3A_411 = tpu.memref_slice %arg4[%mul3A_2] : memref<16384xi32, #tpu.memory_space<hbm>> -> memref<512xi32, #tpu.memory_space<hbm>>
      %dma_start3A_412 = tpu.memref_slice %arg4[%mul3A_2] : memref<16384xi32, #tpu.memory_space<hbm>> -> memref<512xi32, #tpu.memory_space<hbm>>
      tpu.enqueue_dma source(%dma_start3A_412 : memref<512xi32, #tpu.memory_space<hbm>>) target(%arg12 : memref<512xi32, #tpu.memory_space<vmem>>) target_semaphore(%run_scoped3A : memref<!tpu.dma_semaphore, #tpu.memory_space<semaphore_mem>>)
      %dma_wait3A = tpu.memref_slice %arg4[%mul3A_2] : memref<16384xi32, #tpu.memory_space<hbm>> -> memref<512xi32, #tpu.memory_space<hbm>>
      %dma_wait3A_413 = tpu.memref_slice %arg4[%mul3A_2] : memref<16384xi32, #tpu.memory_space<hbm>> -> memref<512xi32, #tpu.memory_space<hbm>>
      tpu.wait_dma2 semaphore(%run_scoped3A : memref<!tpu.dma_semaphore, #tpu.memory_space<semaphore_mem>>) src(%dma_wait3A_413 : memref<512xi32, #tpu.memory_space<hbm>>) dst(%arg12 : memref<512xi32, #tpu.memory_space<vmem>>)
      tpu.yield
    }) : () -> ()
    %iota3A = tpu.iota {dimensions = array<i32: 0>} : vector<16xi32>
    %get3A = arith.constant 0 : index
    %get3A_3 = tpu.vector_load %arg10[%get3A] {strides = array<i32>} : memref<512xi32, #tpu.memory_space<vmem>>, vector<16xi32>,
    %shift_right_logical3A = arith.constant 15 : i32
    %shift_right_logical3A_4 = vector.broadcast %shift_right_logical3A : i32 to vector<16xi32>
    %shift_right_logical3A_5 = arith.shrui %get3A_3, %shift_right_logical3A_4 : vector<16xi32>
    %mul3A_6 = arith.constant 16384 : i32
    %mul3A_7 = vector.broadcast %mul3A_6 : i32 to vector<16xi32>
    %mul3A_8 = arith.muli %shift_right_logical3A_5, %mul3A_7 : vector<16xi32>
    %and3A = arith.constant 16383 : i32
    %and3A_9 = vector.broadcast %and3A : i32 to vector<16xi32>
    %and3A_10 = arith.andi %get3A_3, %and3A_9 : vector<16xi32>
    %add3A_11 = arith.addi %mul3A_8, %and3A_10 : vector<16xi32>
    %swap3A = arith.constant 0 : i32
    %swap3A_12 = arith.index_cast %swap3A : i32 to index
    %swap3A_13 = arith.constant 0 : index
    %swap3A_14 = tpu.vector_load %arg13[%swap3A_12, %swap3A_13] {strides = array<i32>} : memref<3x128xi32, #tpu.memory_space<vmem>>, vector<16xi32>,
    tpu.vector_store %arg13[%swap3A_12, %swap3A_13], %add3A_11 {strides = array<i32>} : memref<3x128xi32, #tpu.memory_space<vmem>>, vector<16xi32>,
    %get3A_15 = arith.constant 16 : index
    %get3A_16 = tpu.vector_load %arg10[%get3A_15] {strides = array<i32>} : memref<512xi32, #tpu.memory_space<vmem>>, vector<16xi32>,
    %shift_right_logical3A_17 = arith.constant 15 : i32
    %shift_right_logical3A_18 = vector.broadcast %shift_right_logical3A_17 : i32 to vector<16xi32>
    %shift_right_logical3A_19 = arith.shrui %get3A_16, %shift_right_logical3A_18 : vector<16xi32>
    %mul3A_20 = arith.constant 16384 : i32
    %mul3A_21 = vector.broadcast %mul3A_20 : i32 to vector<16xi32>
    %mul3A_22 = arith.muli %shift_right_logical3A_19, %mul3A_21 : vector<16xi32>
    %and3A_23 = arith.constant 16383 : i32
    %and3A_24 = vector.broadcast %and3A_23 : i32 to vector<16xi32>
    %and3A_25 = arith.andi %get3A_16, %and3A_24 : vector<16xi32>
    %add3A_26 = arith.addi %mul3A_22, %and3A_25 : vector<16xi32>
    %swap3A_27 = arith.constant 0 : i32
    %swap3A_28 = arith.index_cast %swap3A_27 : i32 to index
    %swap3A_29 = arith.constant 16 : index
    %swap3A_30 = tpu.vector_load %arg13[%swap3A_28, %swap3A_29] {strides = array<i32>} : memref<3x128xi32, #tpu.memory_space<vmem>>, vector<16xi32>,
    tpu.vector_store %arg13[%swap3A_28, %swap3A_29], %add3A_26 {strides = array<i32>} : memref<3x128xi32, #tpu.memory_space<vmem>>, vector<16xi32>,
    %get3A_31 = arith.constant 32 : index
    %get3A_32 = tpu.vector_load %arg10[%get3A_31] {strides = array<i32>} : memref<512xi32, #tpu.memory_space<vmem>>, vector<16xi32>,
    %shift_right_logical3A_33 = arith.constant 15 : i32
    %shift_right_logical3A_34 = vector.broadcast %shift_right_logical3A_33 : i32 to vector<16xi32>
    %shift_right_logical3A_35 = arith.shrui %get3A_32, %shift_right_logical3A_34 : vector<16xi32>
    %mul3A_36 = arith.constant 16384 : i32
    %mul3A_37 = vector.broadcast %mul3A_36 : i32 to vector<16xi32>
    %mul3A_38 = arith.muli %shift_right_logical3A_35, %mul3A_37 : vector<16xi32>
    %and3A_39 = arith.constant 16383 : i32
    %and3A_40 = vector.broadcast %and3A_39 : i32 to vector<16xi32>
    %and3A_41 = arith.andi %get3A_32, %and3A_40 : vector<16xi32>
    %add3A_42 = arith.addi %mul3A_38, %and3A_41 : vector<16xi32>
    %swap3A_43 = arith.constant 0 : i32
    %swap3A_44 = arith.index_cast %swap3A_43 : i32 to index
    %swap3A_45 = arith.constant 32 : index
    %swap3A_46 = tpu.vector_load %arg13[%swap3A_44, %swap3A_45] {strides = array<i32>} : memref<3x128xi32, #tpu.memory_space<vmem>>, vector<16xi32>,
    tpu.vector_store %arg13[%swap3A_44, %swap3A_45], %add3A_42 {strides = array<i32>} : memref<3x128xi32, #tpu.memory_space<vmem>>, vector<16xi32>,
    %get3A_47 = arith.constant 48 : index
    %get3A_48 = tpu.vector_load %arg10[%get3A_47] {strides = array<i32>} : memref<512xi32, #tpu.memory_space<vmem>>, vector<16xi32>,
    %shift_right_logical3A_49 = arith.constant 15 : i32
    %shift_right_logical3A_50 = vector.broadcast %shift_right_logical3A_49 : i32 to vector<16xi32>
    %shift_right_logical3A_51 = arith.shrui %get3A_48, %shift_right_logical3A_50 : vector<16xi32>
    %mul3A_52 = arith.constant 16384 : i32
    %mul3A_53 = vector.broadcast %mul3A_52 : i32 to vector<16xi32>
    %mul3A_54 = arith.muli %shift_right_logical3A_51, %mul3A_53 : vector<16xi32>
    %and3A_55 = arith.constant 16383 : i32
    %and3A_56 = vector.broadcast %and3A_55 : i32 to vector<16xi32>
    %and3A_57 = arith.andi %get3A_48, %and3A_56 : vector<16xi32>
    %add3A_58 = arith.addi %mul3A_54, %and3A_57 : vector<16xi32>
    %swap3A_59 = arith.constant 0 : i32
    %swap3A_60 = arith.index_cast %swap3A_59 : i32 to index
    %swap3A_61 = arith.constant 48 : index
    %swap3A_62 = tpu.vector_load %arg13[%swap3A_60, %swap3A_61] {strides = array<i32>} : memref<3x128xi32, #tpu.memory_space<vmem>>, vector<16xi32>,
    tpu.vector_store %arg13[%swap3A_60, %swap3A_61], %add3A_58 {strides = array<i32>} : memref<3x128xi32, #tpu.memory_space<vmem>>, vector<16xi32>,
    %get3A_63 = arith.constant 64 : index
    %get3A_64 = tpu.vector_load %arg10[%get3A_63] {strides = array<i32>} : memref<512xi32, #tpu.memory_space<vmem>>, vector<16xi32>,
    %shift_right_logical3A_65 = arith.constant 15 : i32
    %shift_right_logical3A_66 = vector.broadcast %shift_right_logical3A_65 : i32 to vector<16xi32>
    %shift_right_logical3A_67 = arith.shrui %get3A_64, %shift_right_logical3A_66 : vector<16xi32>
    %mul3A_68 = arith.constant 16384 : i32
    %mul3A_69 = vector.broadcast %mul3A_68 : i32 to vector<16xi32>
    %mul3A_70 = arith.muli %shift_right_logical3A_67, %mul3A_69 : vector<16xi32>
    %and3A_71 = arith.constant 16383 : i32
    %and3A_72 = vector.broadcast %and3A_71 : i32 to vector<16xi32>
    %and3A_73 = arith.andi %get3A_64, %and3A_72 : vector<16xi32>
    %add3A_74 = arith.addi %mul3A_70, %and3A_73 : vector<16xi32>
    %swap3A_75 = arith.constant 0 : i32
    %swap3A_76 = arith.index_cast %swap3A_75 : i32 to index
    %swap3A_77 = arith.constant 64 : index
    %swap3A_78 = tpu.vector_load %arg13[%swap3A_76, %swap3A_77] {strides = array<i32>} : memref<3x128xi32, #tpu.memory_space<vmem>>, vector<16xi32>,
    tpu.vector_store %arg13[%swap3A_76, %swap3A_77], %add3A_74 {strides = array<i32>} : memref<3x128xi32, #tpu.memory_space<vmem>>, vector<16xi32>,
    %get3A_79 = arith.constant 80 : index
    %get3A_80 = tpu.vector_load %arg10[%get3A_79] {strides = array<i32>} : memref<512xi32, #tpu.memory_space<vmem>>, vector<16xi32>,
    %shift_right_logical3A_81 = arith.constant 15 : i32
    %shift_right_logical3A_82 = vector.broadcast %shift_right_logical3A_81 : i32 to vector<16xi32>
    %shift_right_logical3A_83 = arith.shrui %get3A_80, %shift_right_logical3A_82 : vector<16xi32>
    %mul3A_84 = arith.constant 16384 : i32
    %mul3A_85 = vector.broadcast %mul3A_84 : i32 to vector<16xi32>
    %mul3A_86 = arith.muli %shift_right_logical3A_83, %mul3A_85 : vector<16xi32>
    %and3A_87 = arith.constant 16383 : i32
    %and3A_88 = vector.broadcast %and3A_87 : i32 to vector<16xi32>
    %and3A_89 = arith.andi %get3A_80, %and3A_88 : vector<16xi32>
    %add3A_90 = arith.addi %mul3A_86, %and3A_89 : vector<16xi32>
    %swap3A_91 = arith.constant 0 : i32
    %swap3A_92 = arith.index_cast %swap3A_91 : i32 to index
    %swap3A_93 = arith.constant 80 : index
    %swap3A_94 = tpu.vector_load %arg13[%swap3A_92, %swap3A_93] {strides = array<i32>} : memref<3x128xi32, #tpu.memory_space<vmem>>, vector<16xi32>,
    tpu.vector_store %arg13[%swap3A_92, %swap3A_93], %add3A_90 {strides = array<i32>} : memref<3x128xi32, #tpu.memory_space<vmem>>, vector<16xi32>,
    %get3A_95 = arith.constant 96 : index
    %get3A_96 = tpu.vector_load %arg10[%get3A_95] {strides = array<i32>} : memref<512xi32, #tpu.memory_space<vmem>>, vector<16xi32>,
    %shift_right_logical3A_97 = arith.constant 15 : i32
    %shift_right_logical3A_98 = vector.broadcast %shift_right_logical3A_97 : i32 to vector<16xi32>
    %shift_right_logical3A_99 = arith.shrui %get3A_96, %shift_right_logical3A_98 : vector<16xi32>
    %mul3A_100 = arith.constant 16384 : i32
    %mul3A_101 = vector.broadcast %mul3A_100 : i32 to vector<16xi32>
    %mul3A_102 = arith.muli %shift_right_logical3A_99, %mul3A_101 : vector<16xi32>
    %and3A_103 = arith.constant 16383 : i32
    %and3A_104 = vector.broadcast %and3A_103 : i32 to vector<16xi32>
    %and3A_105 = arith.andi %get3A_96, %and3A_104 : vector<16xi32>
    %add3A_106 = arith.addi %mul3A_102, %and3A_105 : vector<16xi32>
    %swap3A_107 = arith.constant 0 : i32
    %swap3A_108 = arith.index_cast %swap3A_107 : i32 to index
    %swap3A_109 = arith.constant 96 : index
    %swap3A_110 = tpu.vector_load %arg13[%swap3A_108, %swap3A_109] {strides = array<i32>} : memref<3x128xi32, #tpu.memory_space<vmem>>, vector<16xi32>,
    tpu.vector_store %arg13[%swap3A_108, %swap3A_109], %add3A_106 {strides = array<i32>} : memref<3x128xi32, #tpu.memory_space<vmem>>, vector<16xi32>,
    %get3A_111 = arith.constant 112 : index
    %get3A_112 = tpu.vector_load %arg10[%get3A_111] {strides = array<i32>} : memref<512xi32, #tpu.memory_space<vmem>>, vector<16xi32>,
    %shift_right_logical3A_113 = arith.constant 15 : i32
    %shift_right_logical3A_114 = vector.broadcast %shift_right_logical3A_113 : i32 to vector<16xi32>
    %shift_right_logical3A_115 = arith.shrui %get3A_112, %shift_right_logical3A_114 : vector<16xi32>
    %mul3A_116 = arith.constant 16384 : i32
    %mul3A_117 = vector.broadcast %mul3A_116 : i32 to vector<16xi32>
    %mul3A_118 = arith.muli %shift_right_logical3A_115, %mul3A_117 : vector<16xi32>
    %and3A_119 = arith.constant 16383 : i32
    %and3A_120 = vector.broadcast %and3A_119 : i32 to vector<16xi32>
    %and3A_121 = arith.andi %get3A_112, %and3A_120 : vector<16xi32>
    %add3A_122 = arith.addi %mul3A_118, %and3A_121 : vector<16xi32>
    %swap3A_123 = arith.constant 0 : i32
    %swap3A_124 = arith.index_cast %swap3A_123 : i32 to index
    %swap3A_125 = arith.constant 112 : index
    %swap3A_126 = tpu.vector_load %arg13[%swap3A_124, %swap3A_125] {strides = array<i32>} : memref<3x128xi32, #tpu.memory_space<vmem>>, vector<16xi32>,
    tpu.vector_store %arg13[%swap3A_124, %swap3A_125], %add3A_122 {strides = array<i32>} : memref<3x128xi32, #tpu.memory_space<vmem>>, vector<16xi32>,
    %get3A_127 = arith.constant 0 : index
    %get3A_128 = tpu.vector_load %arg11[%get3A_127] {strides = array<i32>} : memref<512xi32, #tpu.memory_space<vmem>>, vector<16xi32>,
    %shift_right_logical3A_129 = arith.constant 15 : i32
    %shift_right_logical3A_130 = vector.broadcast %shift_right_logical3A_129 : i32 to vector<16xi32>
    %shift_right_logical3A_131 = arith.shrui %get3A_128, %shift_right_logical3A_130 : vector<16xi32>
    %mul3A_132 = arith.constant 16384 : i32
    %mul3A_133 = vector.broadcast %mul3A_132 : i32 to vector<16xi32>
    %mul3A_134 = arith.muli %shift_right_logical3A_131, %mul3A_133 : vector<16xi32>
    %and3A_135 = arith.constant 16383 : i32
    %and3A_136 = vector.broadcast %and3A_135 : i32 to vector<16xi32>
    %and3A_137 = arith.andi %get3A_128, %and3A_136 : vector<16xi32>
    %add3A_138 = arith.addi %mul3A_134, %and3A_137 : vector<16xi32>
    %swap3A_139 = arith.constant 1 : i32
    %swap3A_140 = arith.index_cast %swap3A_139 : i32 to index
    %swap3A_141 = arith.constant 0 : index
    %swap3A_142 = tpu.vector_load %arg13[%swap3A_140, %swap3A_141] {strides = array<i32>} : memref<3x128xi32, #tpu.memory_space<vmem>>, vector<16xi32>,
    tpu.vector_store %arg13[%swap3A_140, %swap3A_141], %add3A_138 {strides = array<i32>} : memref<3x128xi32, #tpu.memory_space<vmem>>, vector<16xi32>,
    %get3A_143 = arith.constant 16 : index
    %get3A_144 = tpu.vector_load %arg11[%get3A_143] {strides = array<i32>} : memref<512xi32, #tpu.memory_space<vmem>>, vector<16xi32>,
    %shift_right_logical3A_145 = arith.constant 15 : i32
    %shift_right_logical3A_146 = vector.broadcast %shift_right_logical3A_145 : i32 to vector<16xi32>
    %shift_right_logical3A_147 = arith.shrui %get3A_144, %shift_right_logical3A_146 : vector<16xi32>
    %mul3A_148 = arith.constant 16384 : i32
    %mul3A_149 = vector.broadcast %mul3A_148 : i32 to vector<16xi32>
    %mul3A_150 = arith.muli %shift_right_logical3A_147, %mul3A_149 : vector<16xi32>
    %and3A_151 = arith.constant 16383 : i32
    %and3A_152 = vector.broadcast %and3A_151 : i32 to vector<16xi32>
    %and3A_153 = arith.andi %get3A_144, %and3A_152 : vector<16xi32>
    %add3A_154 = arith.addi %mul3A_150, %and3A_153 : vector<16xi32>
    %swap3A_155 = arith.constant 1 : i32
    %swap3A_156 = arith.index_cast %swap3A_155 : i32 to index
    %swap3A_157 = arith.constant 16 : index
    %swap3A_158 = tpu.vector_load %arg13[%swap3A_156, %swap3A_157] {strides = array<i32>} : memref<3x128xi32, #tpu.memory_space<vmem>>, vector<16xi32>,
    tpu.vector_store %arg13[%swap3A_156, %swap3A_157], %add3A_154 {strides = array<i32>} : memref<3x128xi32, #tpu.memory_space<vmem>>, vector<16xi32>,
    %get3A_159 = arith.constant 32 : index
    %get3A_160 = tpu.vector_load %arg11[%get3A_159] {strides = array<i32>} : memref<512xi32, #tpu.memory_space<vmem>>, vector<16xi32>,
    %shift_right_logical3A_161 = arith.constant 15 : i32
    %shift_right_logical3A_162 = vector.broadcast %shift_right_logical3A_161 : i32 to vector<16xi32>
    %shift_right_logical3A_163 = arith.shrui %get3A_160, %shift_right_logical3A_162 : vector<16xi32>
    %mul3A_164 = arith.constant 16384 : i32
    %mul3A_165 = vector.broadcast %mul3A_164 : i32 to vector<16xi32>
    %mul3A_166 = arith.muli %shift_right_logical3A_163, %mul3A_165 : vector<16xi32>
    %and3A_167 = arith.constant 16383 : i32
    %and3A_168 = vector.broadcast %and3A_167 : i32 to vector<16xi32>
    %and3A_169 = arith.andi %get3A_160, %and3A_168 : vector<16xi32>
    %add3A_170 = arith.addi %mul3A_166, %and3A_169 : vector<16xi32>
    %swap3A_171 = arith.constant 1 : i32
    %swap3A_172 = arith.index_cast %swap3A_171 : i32 to index
    %swap3A_173 = arith.constant 32 : index
    %swap3A_174 = tpu.vector_load %arg13[%swap3A_172, %swap3A_173] {strides = array<i32>} : memref<3x128xi32, #tpu.memory_space<vmem>>, vector<16xi32>,
    tpu.vector_store %arg13[%swap3A_172, %swap3A_173], %add3A_170 {strides = array<i32>} : memref<3x128xi32, #tpu.memory_space<vmem>>, vector<16xi32>,
    %get3A_175 = arith.constant 48 : index
    %get3A_176 = tpu.vector_load %arg11[%get3A_175] {strides = array<i32>} : memref<512xi32, #tpu.memory_space<vmem>>, vector<16xi32>,
    %shift_right_logical3A_177 = arith.constant 15 : i32
    %shift_right_logical3A_178 = vector.broadcast %shift_right_logical3A_177 : i32 to vector<16xi32>
    %shift_right_logical3A_179 = arith.shrui %get3A_176, %shift_right_logical3A_178 : vector<16xi32>
    %mul3A_180 = arith.constant 16384 : i32
    %mul3A_181 = vector.broadcast %mul3A_180 : i32 to vector<16xi32>
    %mul3A_182 = arith.muli %shift_right_logical3A_179, %mul3A_181 : vector<16xi32>
    %and3A_183 = arith.constant 16383 : i32
    %and3A_184 = vector.broadcast %and3A_183 : i32 to vector<16xi32>
    %and3A_185 = arith.andi %get3A_176, %and3A_184 : vector<16xi32>
    %add3A_186 = arith.addi %mul3A_182, %and3A_185 : vector<16xi32>
    %swap3A_187 = arith.constant 1 : i32
    %swap3A_188 = arith.index_cast %swap3A_187 : i32 to index
    %swap3A_189 = arith.constant 48 : index
    %swap3A_190 = tpu.vector_load %arg13[%swap3A_188, %swap3A_189] {strides = array<i32>} : memref<3x128xi32, #tpu.memory_space<vmem>>, vector<16xi32>,
    tpu.vector_store %arg13[%swap3A_188, %swap3A_189], %add3A_186 {strides = array<i32>} : memref<3x128xi32, #tpu.memory_space<vmem>>, vector<16xi32>,
    %get3A_191 = arith.constant 64 : index
    %get3A_192 = tpu.vector_load %arg11[%get3A_191] {strides = array<i32>} : memref<512xi32, #tpu.memory_space<vmem>>, vector<16xi32>,
    %shift_right_logical3A_193 = arith.constant 15 : i32
    %shift_right_logical3A_194 = vector.broadcast %shift_right_logical3A_193 : i32 to vector<16xi32>
    %shift_right_logical3A_195 = arith.shrui %get3A_192, %shift_right_logical3A_194 : vector<16xi32>
    %mul3A_196 = arith.constant 16384 : i32
    %mul3A_197 = vector.broadcast %mul3A_196 : i32 to vector<16xi32>
    %mul3A_198 = arith.muli %shift_right_logical3A_195, %mul3A_197 : vector<16xi32>
    %and3A_199 = arith.constant 16383 : i32
    %and3A_200 = vector.broadcast %and3A_199 : i32 to vector<16xi32>
    %and3A_201 = arith.andi %get3A_192, %and3A_200 : vector<16xi32>
    %add3A_202 = arith.addi %mul3A_198, %and3A_201 : vector<16xi32>
    %swap3A_203 = arith.constant 1 : i32
    %swap3A_204 = arith.index_cast %swap3A_203 : i32 to index
    %swap3A_205 = arith.constant 64 : index
    %swap3A_206 = tpu.vector_load %arg13[%swap3A_204, %swap3A_205] {strides = array<i32>} : memref<3x128xi32, #tpu.memory_space<vmem>>, vector<16xi32>,
    tpu.vector_store %arg13[%swap3A_204, %swap3A_205], %add3A_202 {strides = array<i32>} : memref<3x128xi32, #tpu.memory_space<vmem>>, vector<16xi32>,
    %get3A_207 = arith.constant 80 : index
    %get3A_208 = tpu.vector_load %arg11[%get3A_207] {strides = array<i32>} : memref<512xi32, #tpu.memory_space<vmem>>, vector<16xi32>,
    %shift_right_logical3A_209 = arith.constant 15 : i32
    %shift_right_logical3A_210 = vector.broadcast %shift_right_logical3A_209 : i32 to vector<16xi32>
    %shift_right_logical3A_211 = arith.shrui %get3A_208, %shift_right_logical3A_210 : vector<16xi32>
    %mul3A_212 = arith.constant 16384 : i32
    %mul3A_213 = vector.broadcast %mul3A_212 : i32 to vector<16xi32>
    %mul3A_214 = arith.muli %shift_right_logical3A_211, %mul3A_213 : vector<16xi32>
    %and3A_215 = arith.constant 16383 : i32
    %and3A_216 = vector.broadcast %and3A_215 : i32 to vector<16xi32>
    %and3A_217 = arith.andi %get3A_208, %and3A_216 : vector<16xi32>
    %add3A_218 = arith.addi %mul3A_214, %and3A_217 : vector<16xi32>
    %swap3A_219 = arith.constant 1 : i32
    %swap3A_220 = arith.index_cast %swap3A_219 : i32 to index
    %swap3A_221 = arith.constant 80 : index
    %swap3A_222 = tpu.vector_load %arg13[%swap3A_220, %swap3A_221] {strides = array<i32>} : memref<3x128xi32, #tpu.memory_space<vmem>>, vector<16xi32>,
    tpu.vector_store %arg13[%swap3A_220, %swap3A_221], %add3A_218 {strides = array<i32>} : memref<3x128xi32, #tpu.memory_space<vmem>>, vector<16xi32>,
    %get3A_223 = arith.constant 96 : index
    %get3A_224 = tpu.vector_load %arg11[%get3A_223] {strides = array<i32>} : memref<512xi32, #tpu.memory_space<vmem>>, vector<16xi32>,
    %shift_right_logical3A_225 = arith.constant 15 : i32
    %shift_right_logical3A_226 = vector.broadcast %shift_right_logical3A_225 : i32 to vector<16xi32>
    %shift_right_logical3A_227 = arith.shrui %get3A_224, %shift_right_logical3A_226 : vector<16xi32>
    %mul3A_228 = arith.constant 16384 : i32
    %mul3A_229 = vector.broadcast %mul3A_228 : i32 to vector<16xi32>
    %mul3A_230 = arith.muli %shift_right_logical3A_227, %mul3A_229 : vector<16xi32>
    %and3A_231 = arith.constant 16383 : i32
    %and3A_232 = vector.broadcast %and3A_231 : i32 to vector<16xi32>
    %and3A_233 = arith.andi %get3A_224, %and3A_232 : vector<16xi32>
    %add3A_234 = arith.addi %mul3A_230, %and3A_233 : vector<16xi32>
    %swap3A_235 = arith.constant 1 : i32
    %swap3A_236 = arith.index_cast %swap3A_235 : i32 to index
    %swap3A_237 = arith.constant 96 : index
    %swap3A_238 = tpu.vector_load %arg13[%swap3A_236, %swap3A_237] {strides = array<i32>} : memref<3x128xi32, #tpu.memory_space<vmem>>, vector<16xi32>,
    tpu.vector_store %arg13[%swap3A_236, %swap3A_237], %add3A_234 {strides = array<i32>} : memref<3x128xi32, #tpu.memory_space<vmem>>, vector<16xi32>,
    %get3A_239 = arith.constant 112 : index
    %get3A_240 = tpu.vector_load %arg11[%get3A_239] {strides = array<i32>} : memref<512xi32, #tpu.memory_space<vmem>>, vector<16xi32>,
    %shift_right_logical3A_241 = arith.constant 15 : i32
    %shift_right_logical3A_242 = vector.broadcast %shift_right_logical3A_241 : i32 to vector<16xi32>
    %shift_right_logical3A_243 = arith.shrui %get3A_240, %shift_right_logical3A_242 : vector<16xi32>
    %mul3A_244 = arith.constant 16384 : i32
    %mul3A_245 = vector.broadcast %mul3A_244 : i32 to vector<16xi32>
    %mul3A_246 = arith.muli %shift_right_logical3A_243, %mul3A_245 : vector<16xi32>
    %and3A_247 = arith.constant 16383 : i32
    %and3A_248 = vector.broadcast %and3A_247 : i32 to vector<16xi32>
    %and3A_249 = arith.andi %get3A_240, %and3A_248 : vector<16xi32>
    %add3A_250 = arith.addi %mul3A_246, %and3A_249 : vector<16xi32>
    %swap3A_251 = arith.constant 1 : i32
    %swap3A_252 = arith.index_cast %swap3A_251 : i32 to index
    %swap3A_253 = arith.constant 112 : index
    %swap3A_254 = tpu.vector_load %arg13[%swap3A_252, %swap3A_253] {strides = array<i32>} : memref<3x128xi32, #tpu.memory_space<vmem>>, vector<16xi32>,
    tpu.vector_store %arg13[%swap3A_252, %swap3A_253], %add3A_250 {strides = array<i32>} : memref<3x128xi32, #tpu.memory_space<vmem>>, vector<16xi32>,
    %get3A_255 = arith.constant 0 : index
    %get3A_256 = tpu.vector_load %arg12[%get3A_255] {strides = array<i32>} : memref<512xi32, #tpu.memory_space<vmem>>, vector<16xi32>,
    %shift_right_logical3A_257 = arith.constant 15 : i32
    %shift_right_logical3A_258 = vector.broadcast %shift_right_logical3A_257 : i32 to vector<16xi32>
    %shift_right_logical3A_259 = arith.shrui %get3A_256, %shift_right_logical3A_258 : vector<16xi32>
    %mul3A_260 = arith.constant 16384 : i32
    %mul3A_261 = vector.broadcast %mul3A_260 : i32 to vector<16xi32>
    %mul3A_262 = arith.muli %shift_right_logical3A_259, %mul3A_261 : vector<16xi32>
    %and3A_263 = arith.constant 16383 : i32
    %and3A_264 = vector.broadcast %and3A_263 : i32 to vector<16xi32>
    %and3A_265 = arith.andi %get3A_256, %and3A_264 : vector<16xi32>
    %add3A_266 = arith.addi %mul3A_262, %and3A_265 : vector<16xi32>
    %swap3A_267 = arith.constant 2 : i32
    %swap3A_268 = arith.index_cast %swap3A_267 : i32 to index
    %swap3A_269 = arith.constant 0 : index
    %swap3A_270 = tpu.vector_load %arg13[%swap3A_268, %swap3A_269] {strides = array<i32>} : memref<3x128xi32, #tpu.memory_space<vmem>>, vector<16xi32>,
    tpu.vector_store %arg13[%swap3A_268, %swap3A_269], %add3A_266 {strides = array<i32>} : memref<3x128xi32, #tpu.memory_space<vmem>>, vector<16xi32>,
    %get3A_271 = arith.constant 16 : index
    %get3A_272 = tpu.vector_load %arg12[%get3A_271] {strides = array<i32>} : memref<512xi32, #tpu.memory_space<vmem>>, vector<16xi32>,
    %shift_right_logical3A_273 = arith.constant 15 : i32
    %shift_right_logical3A_274 = vector.broadcast %shift_right_logical3A_273 : i32 to vector<16xi32>
    %shift_right_logical3A_275 = arith.shrui %get3A_272, %shift_right_logical3A_274 : vector<16xi32>
    %mul3A_276 = arith.constant 16384 : i32
    %mul3A_277 = vector.broadcast %mul3A_276 : i32 to vector<16xi32>
    %mul3A_278 = arith.muli %shift_right_logical3A_275, %mul3A_277 : vector<16xi32>
    %and3A_279 = arith.constant 16383 : i32
    %and3A_280 = vector.broadcast %and3A_279 : i32 to vector<16xi32>
    %and3A_281 = arith.andi %get3A_272, %and3A_280 : vector<16xi32>
    %add3A_282 = arith.addi %mul3A_278, %and3A_281 : vector<16xi32>
    %swap3A_283 = arith.constant 2 : i32
    %swap3A_284 = arith.index_cast %swap3A_283 : i32 to index
    %swap3A_285 = arith.constant 16 : index
    %swap3A_286 = tpu.vector_load %arg13[%swap3A_284, %swap3A_285] {strides = array<i32>} : memref<3x128xi32, #tpu.memory_space<vmem>>, vector<16xi32>,
    tpu.vector_store %arg13[%swap3A_284, %swap3A_285], %add3A_282 {strides = array<i32>} : memref<3x128xi32, #tpu.memory_space<vmem>>, vector<16xi32>,
    %get3A_287 = arith.constant 32 : index
    %get3A_288 = tpu.vector_load %arg12[%get3A_287] {strides = array<i32>} : memref<512xi32, #tpu.memory_space<vmem>>, vector<16xi32>,
    %shift_right_logical3A_289 = arith.constant 15 : i32
    %shift_right_logical3A_290 = vector.broadcast %shift_right_logical3A_289 : i32 to vector<16xi32>
    %shift_right_logical3A_291 = arith.shrui %get3A_288, %shift_right_logical3A_290 : vector<16xi32>
    %mul3A_292 = arith.constant 16384 : i32
    %mul3A_293 = vector.broadcast %mul3A_292 : i32 to vector<16xi32>
    %mul3A_294 = arith.muli %shift_right_logical3A_291, %mul3A_293 : vector<16xi32>
    %and3A_295 = arith.constant 16383 : i32
    %and3A_296 = vector.broadcast %and3A_295 : i32 to vector<16xi32>
    %and3A_297 = arith.andi %get3A_288, %and3A_296 : vector<16xi32>
    %add3A_298 = arith.addi %mul3A_294, %and3A_297 : vector<16xi32>
    %swap3A_299 = arith.constant 2 : i32
    %swap3A_300 = arith.index_cast %swap3A_299 : i32 to index
    %swap3A_301 = arith.constant 32 : index
    %swap3A_302 = tpu.vector_load %arg13[%swap3A_300, %swap3A_301] {strides = array<i32>} : memref<3x128xi32, #tpu.memory_space<vmem>>, vector<16xi32>,
    tpu.vector_store %arg13[%swap3A_300, %swap3A_301], %add3A_298 {strides = array<i32>} : memref<3x128xi32, #tpu.memory_space<vmem>>, vector<16xi32>,
    %get3A_303 = arith.constant 48 : index
    %get3A_304 = tpu.vector_load %arg12[%get3A_303] {strides = array<i32>} : memref<512xi32, #tpu.memory_space<vmem>>, vector<16xi32>,
    %shift_right_logical3A_305 = arith.constant 15 : i32
    %shift_right_logical3A_306 = vector.broadcast %shift_right_logical3A_305 : i32 to vector<16xi32>
    %shift_right_logical3A_307 = arith.shrui %get3A_304, %shift_right_logical3A_306 : vector<16xi32>
    %mul3A_308 = arith.constant 16384 : i32
    %mul3A_309 = vector.broadcast %mul3A_308 : i32 to vector<16xi32>
    %mul3A_310 = arith.muli %shift_right_logical3A_307, %mul3A_309 : vector<16xi32>
    %and3A_311 = arith.constant 16383 : i32
    %and3A_312 = vector.broadcast %and3A_311 : i32 to vector<16xi32>
    %and3A_313 = arith.andi %get3A_304, %and3A_312 : vector<16xi32>
    %add3A_314 = arith.addi %mul3A_310, %and3A_313 : vector<16xi32>
    %swap3A_315 = arith.constant 2 : i32
    %swap3A_316 = arith.index_cast %swap3A_315 : i32 to index
    %swap3A_317 = arith.constant 48 : index
    %swap3A_318 = tpu.vector_load %arg13[%swap3A_316, %swap3A_317] {strides = array<i32>} : memref<3x128xi32, #tpu.memory_space<vmem>>, vector<16xi32>,
    tpu.vector_store %arg13[%swap3A_316, %swap3A_317], %add3A_314 {strides = array<i32>} : memref<3x128xi32, #tpu.memory_space<vmem>>, vector<16xi32>,
    %get3A_319 = arith.constant 64 : index
    %get3A_320 = tpu.vector_load %arg12[%get3A_319] {strides = array<i32>} : memref<512xi32, #tpu.memory_space<vmem>>, vector<16xi32>,
    %shift_right_logical3A_321 = arith.constant 15 : i32
    %shift_right_logical3A_322 = vector.broadcast %shift_right_logical3A_321 : i32 to vector<16xi32>
    %shift_right_logical3A_323 = arith.shrui %get3A_320, %shift_right_logical3A_322 : vector<16xi32>
    %mul3A_324 = arith.constant 16384 : i32
    %mul3A_325 = vector.broadcast %mul3A_324 : i32 to vector<16xi32>
    %mul3A_326 = arith.muli %shift_right_logical3A_323, %mul3A_325 : vector<16xi32>
    %and3A_327 = arith.constant 16383 : i32
    %and3A_328 = vector.broadcast %and3A_327 : i32 to vector<16xi32>
    %and3A_329 = arith.andi %get3A_320, %and3A_328 : vector<16xi32>
    %add3A_330 = arith.addi %mul3A_326, %and3A_329 : vector<16xi32>
    %swap3A_331 = arith.constant 2 : i32
    %swap3A_332 = arith.index_cast %swap3A_331 : i32 to index
    %swap3A_333 = arith.constant 64 : index
    %swap3A_334 = tpu.vector_load %arg13[%swap3A_332, %swap3A_333] {strides = array<i32>} : memref<3x128xi32, #tpu.memory_space<vmem>>, vector<16xi32>,
    tpu.vector_store %arg13[%swap3A_332, %swap3A_333], %add3A_330 {strides = array<i32>} : memref<3x128xi32, #tpu.memory_space<vmem>>, vector<16xi32>,
    %get3A_335 = arith.constant 80 : index
    %get3A_336 = tpu.vector_load %arg12[%get3A_335] {strides = array<i32>} : memref<512xi32, #tpu.memory_space<vmem>>, vector<16xi32>,
    %shift_right_logical3A_337 = arith.constant 15 : i32
    %shift_right_logical3A_338 = vector.broadcast %shift_right_logical3A_337 : i32 to vector<16xi32>
    %shift_right_logical3A_339 = arith.shrui %get3A_336, %shift_right_logical3A_338 : vector<16xi32>
    %mul3A_340 = arith.constant 16384 : i32
    %mul3A_341 = vector.broadcast %mul3A_340 : i32 to vector<16xi32>
    %mul3A_342 = arith.muli %shift_right_logical3A_339, %mul3A_341 : vector<16xi32>
    %and3A_343 = arith.constant 16383 : i32
    %and3A_344 = vector.broadcast %and3A_343 : i32 to vector<16xi32>
    %and3A_345 = arith.andi %get3A_336, %and3A_344 : vector<16xi32>
    %add3A_346 = arith.addi %mul3A_342, %and3A_345 : vector<16xi32>
    %swap3A_347 = arith.constant 2 : i32
    %swap3A_348 = arith.index_cast %swap3A_347 : i32 to index
    %swap3A_349 = arith.constant 80 : index
    %swap3A_350 = tpu.vector_load %arg13[%swap3A_348, %swap3A_349] {strides = array<i32>} : memref<3x128xi32, #tpu.memory_space<vmem>>, vector<16xi32>,
    tpu.vector_store %arg13[%swap3A_348, %swap3A_349], %add3A_346 {strides = array<i32>} : memref<3x128xi32, #tpu.memory_space<vmem>>, vector<16xi32>,
    %get3A_351 = arith.constant 96 : index
    %get3A_352 = tpu.vector_load %arg12[%get3A_351] {strides = array<i32>} : memref<512xi32, #tpu.memory_space<vmem>>, vector<16xi32>,
    %shift_right_logical3A_353 = arith.constant 15 : i32
    %shift_right_logical3A_354 = vector.broadcast %shift_right_logical3A_353 : i32 to vector<16xi32>
    %shift_right_logical3A_355 = arith.shrui %get3A_352, %shift_right_logical3A_354 : vector<16xi32>
    %mul3A_356 = arith.constant 16384 : i32
    %mul3A_357 = vector.broadcast %mul3A_356 : i32 to vector<16xi32>
    %mul3A_358 = arith.muli %shift_right_logical3A_355, %mul3A_357 : vector<16xi32>
    %and3A_359 = arith.constant 16383 : i32
    %and3A_360 = vector.broadcast %and3A_359 : i32 to vector<16xi32>
    %and3A_361 = arith.andi %get3A_352, %and3A_360 : vector<16xi32>
    %add3A_362 = arith.addi %mul3A_358, %and3A_361 : vector<16xi32>
    %swap3A_363 = arith.constant 2 : i32
    %swap3A_364 = arith.index_cast %swap3A_363 : i32 to index
    %swap3A_365 = arith.constant 96 : index
    %swap3A_366 = tpu.vector_load %arg13[%swap3A_364, %swap3A_365] {strides = array<i32>} : memref<3x128xi32, #tpu.memory_space<vmem>>, vector<16xi32>,
    tpu.vector_store %arg13[%swap3A_364, %swap3A_365], %add3A_362 {strides = array<i32>} : memref<3x128xi32, #tpu.memory_space<vmem>>, vector<16xi32>,
    %get3A_367 = arith.constant 112 : index
    %get3A_368 = tpu.vector_load %arg12[%get3A_367] {strides = array<i32>} : memref<512xi32, #tpu.memory_space<vmem>>, vector<16xi32>,
    %shift_right_logical3A_369 = arith.constant 15 : i32
    %shift_right_logical3A_370 = vector.broadcast %shift_right_logical3A_369 : i32 to vector<16xi32>
    %shift_right_logical3A_371 = arith.shrui %get3A_368, %shift_right_logical3A_370 : vector<16xi32>
    %mul3A_372 = arith.constant 16384 : i32
    %mul3A_373 = vector.broadcast %mul3A_372 : i32 to vector<16xi32>
    %mul3A_374 = arith.muli %shift_right_logical3A_371, %mul3A_373 : vector<16xi32>
    %and3A_375 = arith.constant 16383 : i32
    %and3A_376 = vector.broadcast %and3A_375 : i32 to vector<16xi32>
    %and3A_377 = arith.andi %get3A_368, %and3A_376 : vector<16xi32>
    %add3A_378 = arith.addi %mul3A_374, %and3A_377 : vector<16xi32>
    %swap3A_379 = arith.constant 2 : i32
    %swap3A_380 = arith.index_cast %swap3A_379 : i32 to index
    %swap3A_381 = arith.constant 112 : index
    %swap3A_382 = tpu.vector_load %arg13[%swap3A_380, %swap3A_381] {strides = array<i32>} : memref<3x128xi32, #tpu.memory_space<vmem>>, vector<16xi32>,
    tpu.vector_store %arg13[%swap3A_380, %swap3A_381], %add3A_378 {strides = array<i32>} : memref<3x128xi32, #tpu.memory_space<vmem>>, vector<16xi32>,
    %dma_start3A = arith.constant 0 : i32
    %dma_start3A_383 = arith.constant 0 : i32
    %dma_start3A_384 = tpu.memref_slice %arg13[%dma_start3A, %dma_start3A_383] : memref<3x128xi32, #tpu.memory_space<vmem>> -> memref<1x128xi32, #tpu.memory_space<vmem>>
    %dma_start3A_385 = tpu.memref_squeeze %dma_start3A_384 : memref<1x128xi32, #tpu.memory_space<vmem>> -> memref<128xi32, #tpu.memory_space<vmem>>
    %dma_start3A_386 = arith.constant 0 : i32
    %dma_start3A_387 = arith.constant 0 : i32
    %dma_start3A_388 = tpu.memref_slice %arg5[%dma_start3A_386, %dma_start3A_387] : memref<507904x128xf32, #tpu.memory_space<hbm>> -> memref<507904x128xf32, #tpu.memory_space<hbm>>
    tpu.enqueue_indirect_dma source(%dma_start3A_388 : memref<507904x128xf32, #tpu.memory_space<hbm>>) target(%arg15 : memref<128x128xf32, #tpu.memory_space<vmem>>) offsets(%dma_start3A_385 : memref<128xi32, #tpu.memory_space<vmem>>) semaphore(%arg24 : memref<!tpu.dma_semaphore, #tpu.memory_space<semaphore_mem>>)
    %dma_start3A_389 = arith.constant 1 : i32
    %dma_start3A_390 = arith.constant 0 : i32
    %dma_start3A_391 = tpu.memref_slice %arg13[%dma_start3A_389, %dma_start3A_390] : memref<3x128xi32, #tpu.memory_space<vmem>> -> memref<1x128xi32, #tpu.memory_space<vmem>>
    %dma_start3A_392 = tpu.memref_squeeze %dma_start3A_391 : memref<1x128xi32, #tpu.memory_space<vmem>> -> memref<128xi32, #tpu.memory_space<vmem>>
    %dma_start3A_393 = arith.constant 0 : i32
    %dma_start3A_394 = arith.constant 0 : i32
    %dma_start3A_395 = tpu.memref_slice %arg6[%dma_start3A_393, %dma_start3A_394] : memref<507904x128xf32, #tpu.memory_space<hbm>> -> memref<507904x128xf32, #tpu.memory_space<hbm>>
    tpu.enqueue_indirect_dma source(%dma_start3A_395 : memref<507904x128xf32, #tpu.memory_space<hbm>>) target(%arg16 : memref<128x128xf32, #tpu.memory_space<vmem>>) offsets(%dma_start3A_392 : memref<128xi32, #tpu.memory_space<vmem>>) semaphore(%arg24 : memref<!tpu.dma_semaphore, #tpu.memory_space<semaphore_mem>>)
    %dma_start3A_396 = arith.constant 2 : i32
    %dma_start3A_397 = arith.constant 0 : i32
    %dma_start3A_398 = tpu.memref_slice %arg13[%dma_start3A_396, %dma_start3A_397] : memref<3x128xi32, #tpu.memory_space<vmem>> -> memref<1x128xi32, #tpu.memory_space<vmem>>
    %dma_start3A_399 = tpu.memref_squeeze %dma_start3A_398 : memref<1x128xi32, #tpu.memory_space<vmem>> -> memref<128xi32, #tpu.memory_space<vmem>>
    %dma_start3A_400 = arith.constant 0 : i32
    %dma_start3A_401 = arith.constant 0 : i32
    %dma_start3A_402 = tpu.memref_slice %arg6[%dma_start3A_400, %dma_start3A_401] : memref<507904x128xf32, #tpu.memory_space<hbm>> -> memref<507904x128xf32, #tpu.memory_space<hbm>>
    tpu.enqueue_indirect_dma source(%dma_start3A_402 : memref<507904x128xf32, #tpu.memory_space<hbm>>) target(%arg17 : memref<128x128xf32, #tpu.memory_space<vmem>>) offsets(%dma_start3A_399 : memref<128xi32, #tpu.memory_space<vmem>>) semaphore(%arg24 : memref<!tpu.dma_semaphore, #tpu.memory_space<semaphore_mem>>)
    %broadcast_in_dim3A = arith.constant 0.000000e+00 : f32
    %broadcast_in_dim3A_403 = vector.broadcast %broadcast_in_dim3A : f32 to vector<16xf32>
    %scan3A = arith.constant 0 : i32
    %scan3A_404 = arith.constant 2 : i32
    %scan3A_405 = arith.addi %scan3A, %scan3A_404 : i32
    %scan3A_406 = arith.constant 1 : i32
    %scan3A_407 = scf.for %scan3A_411 = %scan3A to %scan3A_405 step %scan3A_406 iter_args(%scan3A_412 = %broadcast_in_dim3A_403) -> (vector<16xf32>)  : i32 {
      %mul3A_413 = arith.constant 2 : i32
      %mul3A_414 = arith.muli %mul3A_413, %scan3A_411 : i32
      %add3A_415 = arith.constant 1 : i32
      %add3A_416 = arith.addi %mul3A_414, %add3A_415 : i32
      %mul3A_417 = arith.constant 128 : i32
      %mul3A_418 = arith.muli %add3A_416, %mul3A_417 : i32
      %add3A_419 = arith.constant 0 : i32
      %add3A_420 = arith.addi %mul3A_418, %add3A_419 : i32
      %get3A_421 = arith.index_cast %add3A_420 : i32 to index
      %get3A_422 = tpu.vector_load %arg10[%get3A_421] {strides = array<i32>} : memref<512xi32, #tpu.memory_space<vmem>>, vector<16xi32>,
      %shift_right_logical3A_423 = arith.constant 15 : i32
      %shift_right_logical3A_424 = vector.broadcast %shift_right_logical3A_423 : i32 to vector<16xi32>
      %shift_right_logical3A_425 = arith.shrui %get3A_422, %shift_right_logical3A_424 : vector<16xi32>
      %mul3A_426 = arith.constant 16384 : i32
      %mul3A_427 = vector.broadcast %mul3A_426 : i32 to vector<16xi32>
      %mul3A_428 = arith.muli %shift_right_logical3A_425, %mul3A_427 : vector<16xi32>
      %and3A_429 = arith.constant 16383 : i32
      %and3A_430 = vector.broadcast %and3A_429 : i32 to vector<16xi32>
      %and3A_431 = arith.andi %get3A_422, %and3A_430 : vector<16xi32>
      %add3A_432 = arith.addi %mul3A_428, %and3A_431 : vector<16xi32>
      %swap3A_433 = arith.constant 0 : i32
      %swap3A_434 = arith.index_cast %swap3A_433 : i32 to index
      %swap3A_435 = arith.constant 0 : index
      %swap3A_436 = tpu.vector_load %arg14[%swap3A_434, %swap3A_435] {strides = array<i32>} : memref<3x128xi32, #tpu.memory_space<vmem>>, vector<16xi32>,
      tpu.vector_store %arg14[%swap3A_434, %swap3A_435], %add3A_432 {strides = array<i32>} : memref<3x128xi32, #tpu.memory_space<vmem>>, vector<16xi32>,
      %mul3A_437 = arith.constant 128 : i32
      %mul3A_438 = arith.muli %add3A_416, %mul3A_437 : i32
      %add3A_439 = arith.constant 16 : i32
      %add3A_440 = arith.addi %mul3A_438, %add3A_439 : i32
      %get3A_441 = arith.index_cast %add3A_440 : i32 to index
      %get3A_442 = tpu.vector_load %arg10[%get3A_441] {strides = array<i32>} : memref<512xi32, #tpu.memory_space<vmem>>, vector<16xi32>,
      %shift_right_logical3A_443 = arith.constant 15 : i32
      %shift_right_logical3A_444 = vector.broadcast %shift_right_logical3A_443 : i32 to vector<16xi32>
      %shift_right_logical3A_445 = arith.shrui %get3A_442, %shift_right_logical3A_444 : vector<16xi32>
      %mul3A_446 = arith.constant 16384 : i32
      %mul3A_447 = vector.broadcast %mul3A_446 : i32 to vector<16xi32>
      %mul3A_448 = arith.muli %shift_right_logical3A_445, %mul3A_447 : vector<16xi32>
      %and3A_449 = arith.constant 16383 : i32
      %and3A_450 = vector.broadcast %and3A_449 : i32 to vector<16xi32>
      %and3A_451 = arith.andi %get3A_442, %and3A_450 : vector<16xi32>
      %add3A_452 = arith.addi %mul3A_448, %and3A_451 : vector<16xi32>
      %swap3A_453 = arith.constant 0 : i32
      %swap3A_454 = arith.index_cast %swap3A_453 : i32 to index
      %swap3A_455 = arith.constant 16 : index
      %swap3A_456 = tpu.vector_load %arg14[%swap3A_454, %swap3A_455] {strides = array<i32>} : memref<3x128xi32, #tpu.memory_space<vmem>>, vector<16xi32>,
      tpu.vector_store %arg14[%swap3A_454, %swap3A_455], %add3A_452 {strides = array<i32>} : memref<3x128xi32, #tpu.memory_space<vmem>>, vector<16xi32>,
      %mul3A_457 = arith.constant 128 : i32
      %mul3A_458 = arith.muli %add3A_416, %mul3A_457 : i32
      %add3A_459 = arith.constant 32 : i32
      %add3A_460 = arith.addi %mul3A_458, %add3A_459 : i32
      %get3A_461 = arith.index_cast %add3A_460 : i32 to index
      %get3A_462 = tpu.vector_load %arg10[%get3A_461] {strides = array<i32>} : memref<512xi32, #tpu.memory_space<vmem>>, vector<16xi32>,
      %shift_right_logical3A_463 = arith.constant 15 : i32
      %shift_right_logical3A_464 = vector.broadcast %shift_right_logical3A_463 : i32 to vector<16xi32>
      %shift_right_logical3A_465 = arith.shrui %get3A_462, %shift_right_logical3A_464 : vector<16xi32>
      %mul3A_466 = arith.constant 16384 : i32
      %mul3A_467 = vector.broadcast %mul3A_466 : i32 to vector<16xi32>
      %mul3A_468 = arith.muli %shift_right_logical3A_465, %mul3A_467 : vector<16xi32>
      %and3A_469 = arith.constant 16383 : i32
      %and3A_470 = vector.broadcast %and3A_469 : i32 to vector<16xi32>
      %and3A_471 = arith.andi %get3A_462, %and3A_470 : vector<16xi32>
      %add3A_472 = arith.addi %mul3A_468, %and3A_471 : vector<16xi32>
      %swap3A_473 = arith.constant 0 : i32
      %swap3A_474 = arith.index_cast %swap3A_473 : i32 to index
      %swap3A_475 = arith.constant 32 : index
      %swap3A_476 = tpu.vector_load %arg14[%swap3A_474, %swap3A_475] {strides = array<i32>} : memref<3x128xi32, #tpu.memory_space<vmem>>, vector<16xi32>,
      tpu.vector_store %arg14[%swap3A_474, %swap3A_475], %add3A_472 {strides = array<i32>} : memref<3x128xi32, #tpu.memory_space<vmem>>, vector<16xi32>,
      %mul3A_477 = arith.constant 128 : i32
      %mul3A_478 = arith.muli %add3A_416, %mul3A_477 : i32
      %add3A_479 = arith.constant 48 : i32
      %add3A_480 = arith.addi %mul3A_478, %add3A_479 : i32
      %get3A_481 = arith.index_cast %add3A_480 : i32 to index
      %get3A_482 = tpu.vector_load %arg10[%get3A_481] {strides = array<i32>} : memref<512xi32, #tpu.memory_space<vmem>>, vector<16xi32>,
      %shift_right_logical3A_483 = arith.constant 15 : i32
      %shift_right_logical3A_484 = vector.broadcast %shift_right_logical3A_483 : i32 to vector<16xi32>
      %shift_right_logical3A_485 = arith.shrui %get3A_482, %shift_right_logical3A_484 : vector<16xi32>
      %mul3A_486 = arith.constant 16384 : i32
      %mul3A_487 = vector.broadcast %mul3A_486 : i32 to vector<16xi32>
      %mul3A_488 = arith.muli %shift_right_logical3A_485, %mul3A_487 : vector<16xi32>
      %and3A_489 = arith.constant 16383 : i32
      %and3A_490 = vector.broadcast %and3A_489 : i32 to vector<16xi32>
      %and3A_491 = arith.andi %get3A_482, %and3A_490 : vector<16xi32>
      %add3A_492 = arith.addi %mul3A_488, %and3A_491 : vector<16xi32>
      %swap3A_493 = arith.constant 0 : i32
      %swap3A_494 = arith.index_cast %swap3A_493 : i32 to index
      %swap3A_495 = arith.constant 48 : index
      %swap3A_496 = tpu.vector_load %arg14[%swap3A_494, %swap3A_495] {strides = array<i32>} : memref<3x128xi32, #tpu.memory_space<vmem>>, vector<16xi32>,
      tpu.vector_store %arg14[%swap3A_494, %swap3A_495], %add3A_492 {strides = array<i32>} : memref<3x128xi32, #tpu.memory_space<vmem>>, vector<16xi32>,
      %mul3A_497 = arith.constant 128 : i32
      %mul3A_498 = arith.muli %add3A_416, %mul3A_497 : i32
      %add3A_499 = arith.constant 64 : i32
      %add3A_500 = arith.addi %mul3A_498, %add3A_499 : i32
      %get3A_501 = arith.index_cast %add3A_500 : i32 to index
      %get3A_502 = tpu.vector_load %arg10[%get3A_501] {strides = array<i32>} : memref<512xi32, #tpu.memory_space<vmem>>, vector<16xi32>,
      %shift_right_logical3A_503 = arith.constant 15 : i32
      %shift_right_logical3A_504 = vector.broadcast %shift_right_logical3A_503 : i32 to vector<16xi32>
      %shift_right_logical3A_505 = arith.shrui %get3A_502, %shift_right_logical3A_504 : vector<16xi32>
      %mul3A_506 = arith.constant 16384 : i32
      %mul3A_507 = vector.broadcast %mul3A_506 : i32 to vector<16xi32>
      %mul3A_508 = arith.muli %shift_right_logical3A_505, %mul3A_507 : vector<16xi32>
      %and3A_509 = arith.constant 16383 : i32
      %and3A_510 = vector.broadcast %and3A_509 : i32 to vector<16xi32>
      %and3A_511 = arith.andi %get3A_502, %and3A_510 : vector<16xi32>
      %add3A_512 = arith.addi %mul3A_508, %and3A_511 : vector<16xi32>
      %swap3A_513 = arith.constant 0 : i32
      %swap3A_514 = arith.index_cast %swap3A_513 : i32 to index
      %swap3A_515 = arith.constant 64 : index
      %swap3A_516 = tpu.vector_load %arg14[%swap3A_514, %swap3A_515] {strides = array<i32>} : memref<3x128xi32, #tpu.memory_space<vmem>>, vector<16xi32>,
      tpu.vector_store %arg14[%swap3A_514, %swap3A_515], %add3A_512 {strides = array<i32>} : memref<3x128xi32, #tpu.memory_space<vmem>>, vector<16xi32>,
      %mul3A_517 = arith.constant 128 : i32
      %mul3A_518 = arith.muli %add3A_416, %mul3A_517 : i32
      %add3A_519 = arith.constant 80 : i32
      %add3A_520 = arith.addi %mul3A_518, %add3A_519 : i32
      %get3A_521 = arith.index_cast %add3A_520 : i32 to index
      %get3A_522 = tpu.vector_load %arg10[%get3A_521] {strides = array<i32>} : memref<512xi32, #tpu.memory_space<vmem>>, vector<16xi32>,
      %shift_right_logical3A_523 = arith.constant 15 : i32
      %shift_right_logical3A_524 = vector.broadcast %shift_right_logical3A_523 : i32 to vector<16xi32>
      %shift_right_logical3A_525 = arith.shrui %get3A_522, %shift_right_logical3A_524 : vector<16xi32>
      %mul3A_526 = arith.constant 16384 : i32
      %mul3A_527 = vector.broadcast %mul3A_526 : i32 to vector<16xi32>
      %mul3A_528 = arith.muli %shift_right_logical3A_525, %mul3A_527 : vector<16xi32>
      %and3A_529 = arith.constant 16383 : i32
      %and3A_530 = vector.broadcast %and3A_529 : i32 to vector<16xi32>
      %and3A_531 = arith.andi %get3A_522, %and3A_530 : vector<16xi32>
      %add3A_532 = arith.addi %mul3A_528, %and3A_531 : vector<16xi32>
      %swap3A_533 = arith.constant 0 : i32
      %swap3A_534 = arith.index_cast %swap3A_533 : i32 to index
      %swap3A_535 = arith.constant 80 : index
      %swap3A_536 = tpu.vector_load %arg14[%swap3A_534, %swap3A_535] {strides = array<i32>} : memref<3x128xi32, #tpu.memory_space<vmem>>, vector<16xi32>,
      tpu.vector_store %arg14[%swap3A_534, %swap3A_535], %add3A_532 {strides = array<i32>} : memref<3x128xi32, #tpu.memory_space<vmem>>, vector<16xi32>,
      %mul3A_537 = arith.constant 128 : i32
      %mul3A_538 = arith.muli %add3A_416, %mul3A_537 : i32
      %add3A_539 = arith.constant 96 : i32
      %add3A_540 = arith.addi %mul3A_538, %add3A_539 : i32
      %get3A_541 = arith.index_cast %add3A_540 : i32 to index
      %get3A_542 = tpu.vector_load %arg10[%get3A_541] {strides = array<i32>} : memref<512xi32, #tpu.memory_space<vmem>>, vector<16xi32>,
      %shift_right_logical3A_543 = arith.constant 15 : i32
      %shift_right_logical3A_544 = vector.broadcast %shift_right_logical3A_543 : i32 to vector<16xi32>
      %shift_right_logical3A_545 = arith.shrui %get3A_542, %shift_right_logical3A_544 : vector<16xi32>
      %mul3A_546 = arith.constant 16384 : i32
      %mul3A_547 = vector.broadcast %mul3A_546 : i32 to vector<16xi32>
      %mul3A_548 = arith.muli %shift_right_logical3A_545, %mul3A_547 : vector<16xi32>
      %and3A_549 = arith.constant 16383 : i32
      %and3A_550 = vector.broadcast %and3A_549 : i32 to vector<16xi32>
      %and3A_551 = arith.andi %get3A_542, %and3A_550 : vector<16xi32>
      %add3A_552 = arith.addi %mul3A_548, %and3A_551 : vector<16xi32>
      %swap3A_553 = arith.constant 0 : i32
      %swap3A_554 = arith.index_cast %swap3A_553 : i32 to index
      %swap3A_555 = arith.constant 96 : index
      %swap3A_556 = tpu.vector_load %arg14[%swap3A_554, %swap3A_555] {strides = array<i32>} : memref<3x128xi32, #tpu.memory_space<vmem>>, vector<16xi32>,
      tpu.vector_store %arg14[%swap3A_554, %swap3A_555], %add3A_552 {strides = array<i32>} : memref<3x128xi32, #tpu.memory_space<vmem>>, vector<16xi32>,
      %mul3A_557 = arith.constant 128 : i32
      %mul3A_558 = arith.muli %add3A_416, %mul3A_557 : i32
      %add3A_559 = arith.constant 112 : i32
      %add3A_560 = arith.addi %mul3A_558, %add3A_559 : i32
      %get3A_561 = arith.index_cast %add3A_560 : i32 to index
      %get3A_562 = tpu.vector_load %arg10[%get3A_561] {strides = array<i32>} : memref<512xi32, #tpu.memory_space<vmem>>, vector<16xi32>,
      %shift_right_logical3A_563 = arith.constant 15 : i32
      %shift_right_logical3A_564 = vector.broadcast %shift_right_logical3A_563 : i32 to vector<16xi32>
      %shift_right_logical3A_565 = arith.shrui %get3A_562, %shift_right_logical3A_564 : vector<16xi32>
      %mul3A_566 = arith.constant 16384 : i32
      %mul3A_567 = vector.broadcast %mul3A_566 : i32 to vector<16xi32>
      %mul3A_568 = arith.muli %shift_right_logical3A_565, %mul3A_567 : vector<16xi32>
      %and3A_569 = arith.constant 16383 : i32
      %and3A_570 = vector.broadcast %and3A_569 : i32 to vector<16xi32>
      %and3A_571 = arith.andi %get3A_562, %and3A_570 : vector<16xi32>
      %add3A_572 = arith.addi %mul3A_568, %and3A_571 : vector<16xi32>
      %swap3A_573 = arith.constant 0 : i32
      %swap3A_574 = arith.index_cast %swap3A_573 : i32 to index
      %swap3A_575 = arith.constant 112 : index
      %swap3A_576 = tpu.vector_load %arg14[%swap3A_574, %swap3A_575] {strides = array<i32>} : memref<3x128xi32, #tpu.memory_space<vmem>>, vector<16xi32>,
      tpu.vector_store %arg14[%swap3A_574, %swap3A_575], %add3A_572 {strides = array<i32>} : memref<3x128xi32, #tpu.memory_space<vmem>>, vector<16xi32>,
      %mul3A_577 = arith.constant 128 : i32
      %mul3A_578 = arith.muli %add3A_416, %mul3A_577 : i32
      %add3A_579 = arith.constant 0 : i32
      %add3A_580 = arith.addi %mul3A_578, %add3A_579 : i32
      %get3A_581 = arith.index_cast %add3A_580 : i32 to index
      %get3A_582 = tpu.vector_load %arg11[%get3A_581] {strides = array<i32>} : memref<512xi32, #tpu.memory_space<vmem>>, vector<16xi32>,
      %shift_right_logical3A_583 = arith.constant 15 : i32
      %shift_right_logical3A_584 = vector.broadcast %shift_right_logical3A_583 : i32 to vector<16xi32>
      %shift_right_logical3A_585 = arith.shrui %get3A_582, %shift_right_logical3A_584 : vector<16xi32>
      %mul3A_586 = arith.constant 16384 : i32
      %mul3A_587 = vector.broadcast %mul3A_586 : i32 to vector<16xi32>
      %mul3A_588 = arith.muli %shift_right_logical3A_585, %mul3A_587 : vector<16xi32>
      %and3A_589 = arith.constant 16383 : i32
      %and3A_590 = vector.broadcast %and3A_589 : i32 to vector<16xi32>
      %and3A_591 = arith.andi %get3A_582, %and3A_590 : vector<16xi32>
      %add3A_592 = arith.addi %mul3A_588, %and3A_591 : vector<16xi32>
      %swap3A_593 = arith.constant 1 : i32
      %swap3A_594 = arith.index_cast %swap3A_593 : i32 to index
      %swap3A_595 = arith.constant 0 : index
      %swap3A_596 = tpu.vector_load %arg14[%swap3A_594, %swap3A_595] {strides = array<i32>} : memref<3x128xi32, #tpu.memory_space<vmem>>, vector<16xi32>,
      tpu.vector_store %arg14[%swap3A_594, %swap3A_595], %add3A_592 {strides = array<i32>} : memref<3x128xi32, #tpu.memory_space<vmem>>, vector<16xi32>,
      %mul3A_597 = arith.constant 128 : i32
      %mul3A_598 = arith.muli %add3A_416, %mul3A_597 : i32
      %add3A_599 = arith.constant 16 : i32
      %add3A_600 = arith.addi %mul3A_598, %add3A_599 : i32
      %get3A_601 = arith.index_cast %add3A_600 : i32 to index
      %get3A_602 = tpu.vector_load %arg11[%get3A_601] {strides = array<i32>} : memref<512xi32, #tpu.memory_space<vmem>>, vector<16xi32>,
      %shift_right_logical3A_603 = arith.constant 15 : i32
      %shift_right_logical3A_604 = vector.broadcast %shift_right_logical3A_603 : i32 to vector<16xi32>
      %shift_right_logical3A_605 = arith.shrui %get3A_602, %shift_right_logical3A_604 : vector<16xi32>
      %mul3A_606 = arith.constant 16384 : i32
      %mul3A_607 = vector.broadcast %mul3A_606 : i32 to vector<16xi32>
      %mul3A_608 = arith.muli %shift_right_logical3A_605, %mul3A_607 : vector<16xi32>
      %and3A_609 = arith.constant 16383 : i32
      %and3A_610 = vector.broadcast %and3A_609 : i32 to vector<16xi32>
      %and3A_611 = arith.andi %get3A_602, %and3A_610 : vector<16xi32>
      %add3A_612 = arith.addi %mul3A_608, %and3A_611 : vector<16xi32>
      %swap3A_613 = arith.constant 1 : i32
      %swap3A_614 = arith.index_cast %swap3A_613 : i32 to index
      %swap3A_615 = arith.constant 16 : index
      %swap3A_616 = tpu.vector_load %arg14[%swap3A_614, %swap3A_615] {strides = array<i32>} : memref<3x128xi32, #tpu.memory_space<vmem>>, vector<16xi32>,
      tpu.vector_store %arg14[%swap3A_614, %swap3A_615], %add3A_612 {strides = array<i32>} : memref<3x128xi32, #tpu.memory_space<vmem>>, vector<16xi32>,
      %mul3A_617 = arith.constant 128 : i32
      %mul3A_618 = arith.muli %add3A_416, %mul3A_617 : i32
      %add3A_619 = arith.constant 32 : i32
      %add3A_620 = arith.addi %mul3A_618, %add3A_619 : i32
      %get3A_621 = arith.index_cast %add3A_620 : i32 to index
      %get3A_622 = tpu.vector_load %arg11[%get3A_621] {strides = array<i32>} : memref<512xi32, #tpu.memory_space<vmem>>, vector<16xi32>,
      %shift_right_logical3A_623 = arith.constant 15 : i32
      %shift_right_logical3A_624 = vector.broadcast %shift_right_logical3A_623 : i32 to vector<16xi32>
      %shift_right_logical3A_625 = arith.shrui %get3A_622, %shift_right_logical3A_624 : vector<16xi32>
      %mul3A_626 = arith.constant 16384 : i32
      %mul3A_627 = vector.broadcast %mul3A_626 : i32 to vector<16xi32>
      %mul3A_628 = arith.muli %shift_right_logical3A_625, %mul3A_627 : vector<16xi32>
      %and3A_629 = arith.constant 16383 : i32
      %and3A_630 = vector.broadcast %and3A_629 : i32 to vector<16xi32>
      %and3A_631 = arith.andi %get3A_622, %and3A_630 : vector<16xi32>
      %add3A_632 = arith.addi %mul3A_628, %and3A_631 : vector<16xi32>
      %swap3A_633 = arith.constant 1 : i32
      %swap3A_634 = arith.index_cast %swap3A_633 : i32 to index
      %swap3A_635 = arith.constant 32 : index
      %swap3A_636 = tpu.vector_load %arg14[%swap3A_634, %swap3A_635] {strides = array<i32>} : memref<3x128xi32, #tpu.memory_space<vmem>>, vector<16xi32>,
      tpu.vector_store %arg14[%swap3A_634, %swap3A_635], %add3A_632 {strides = array<i32>} : memref<3x128xi32, #tpu.memory_space<vmem>>, vector<16xi32>,
      %mul3A_637 = arith.constant 128 : i32
      %mul3A_638 = arith.muli %add3A_416, %mul3A_637 : i32
      %add3A_639 = arith.constant 48 : i32
      %add3A_640 = arith.addi %mul3A_638, %add3A_639 : i32
      %get3A_641 = arith.index_cast %add3A_640 : i32 to index
      %get3A_642 = tpu.vector_load %arg11[%get3A_641] {strides = array<i32>} : memref<512xi32, #tpu.memory_space<vmem>>, vector<16xi32>,
      %shift_right_logical3A_643 = arith.constant 15 : i32
      %shift_right_logical3A_644 = vector.broadcast %shift_right_logical3A_643 : i32 to vector<16xi32>
      %shift_right_logical3A_645 = arith.shrui %get3A_642, %shift_right_logical3A_644 : vector<16xi32>
      %mul3A_646 = arith.constant 16384 : i32
      %mul3A_647 = vector.broadcast %mul3A_646 : i32 to vector<16xi32>
      %mul3A_648 = arith.muli %shift_right_logical3A_645, %mul3A_647 : vector<16xi32>
      %and3A_649 = arith.constant 16383 : i32
      %and3A_650 = vector.broadcast %and3A_649 : i32 to vector<16xi32>
      %and3A_651 = arith.andi %get3A_642, %and3A_650 : vector<16xi32>
      %add3A_652 = arith.addi %mul3A_648, %and3A_651 : vector<16xi32>
      %swap3A_653 = arith.constant 1 : i32
      %swap3A_654 = arith.index_cast %swap3A_653 : i32 to index
      %swap3A_655 = arith.constant 48 : index
      %swap3A_656 = tpu.vector_load %arg14[%swap3A_654, %swap3A_655] {strides = array<i32>} : memref<3x128xi32, #tpu.memory_space<vmem>>, vector<16xi32>,
      tpu.vector_store %arg14[%swap3A_654, %swap3A_655], %add3A_652 {strides = array<i32>} : memref<3x128xi32, #tpu.memory_space<vmem>>, vector<16xi32>,
      %mul3A_657 = arith.constant 128 : i32
      %mul3A_658 = arith.muli %add3A_416, %mul3A_657 : i32
      %add3A_659 = arith.constant 64 : i32
      %add3A_660 = arith.addi %mul3A_658, %add3A_659 : i32
      %get3A_661 = arith.index_cast %add3A_660 : i32 to index
      %get3A_662 = tpu.vector_load %arg11[%get3A_661] {strides = array<i32>} : memref<512xi32, #tpu.memory_space<vmem>>, vector<16xi32>,
      %shift_right_logical3A_663 = arith.constant 15 : i32
      %shift_right_logical3A_664 = vector.broadcast %shift_right_logical3A_663 : i32 to vector<16xi32>
      %shift_right_logical3A_665 = arith.shrui %get3A_662, %shift_right_logical3A_664 : vector<16xi32>
      %mul3A_666 = arith.constant 16384 : i32
      %mul3A_667 = vector.broadcast %mul3A_666 : i32 to vector<16xi32>
      %mul3A_668 = arith.muli %shift_right_logical3A_665, %mul3A_667 : vector<16xi32>
      %and3A_669 = arith.constant 16383 : i32
      %and3A_670 = vector.broadcast %and3A_669 : i32 to vector<16xi32>
      %and3A_671 = arith.andi %get3A_662, %and3A_670 : vector<16xi32>
      %add3A_672 = arith.addi %mul3A_668, %and3A_671 : vector<16xi32>
      %swap3A_673 = arith.constant 1 : i32
      %swap3A_674 = arith.index_cast %swap3A_673 : i32 to index
      %swap3A_675 = arith.constant 64 : index
      %swap3A_676 = tpu.vector_load %arg14[%swap3A_674, %swap3A_675] {strides = array<i32>} : memref<3x128xi32, #tpu.memory_space<vmem>>, vector<16xi32>,
      tpu.vector_store %arg14[%swap3A_674, %swap3A_675], %add3A_672 {strides = array<i32>} : memref<3x128xi32, #tpu.memory_space<vmem>>, vector<16xi32>,
      %mul3A_677 = arith.constant 128 : i32
      %mul3A_678 = arith.muli %add3A_416, %mul3A_677 : i32
      %add3A_679 = arith.constant 80 : i32
      %add3A_680 = arith.addi %mul3A_678, %add3A_679 : i32
      %get3A_681 = arith.index_cast %add3A_680 : i32 to index
      %get3A_682 = tpu.vector_load %arg11[%get3A_681] {strides = array<i32>} : memref<512xi32, #tpu.memory_space<vmem>>, vector<16xi32>,
      %shift_right_logical3A_683 = arith.constant 15 : i32
      %shift_right_logical3A_684 = vector.broadcast %shift_right_logical3A_683 : i32 to vector<16xi32>
      %shift_right_logical3A_685 = arith.shrui %get3A_682, %shift_right_logical3A_684 : vector<16xi32>
      %mul3A_686 = arith.constant 16384 : i32
      %mul3A_687 = vector.broadcast %mul3A_686 : i32 to vector<16xi32>
      %mul3A_688 = arith.muli %shift_right_logical3A_685, %mul3A_687 : vector<16xi32>
      %and3A_689 = arith.constant 16383 : i32
      %and3A_690 = vector.broadcast %and3A_689 : i32 to vector<16xi32>
      %and3A_691 = arith.andi %get3A_682, %and3A_690 : vector<16xi32>
      %add3A_692 = arith.addi %mul3A_688, %and3A_691 : vector<16xi32>
      %swap3A_693 = arith.constant 1 : i32
      %swap3A_694 = arith.index_cast %swap3A_693 : i32 to index
      %swap3A_695 = arith.constant 80 : index
      %swap3A_696 = tpu.vector_load %arg14[%swap3A_694, %swap3A_695] {strides = array<i32>} : memref<3x128xi32, #tpu.memory_space<vmem>>, vector<16xi32>,
      tpu.vector_store %arg14[%swap3A_694, %swap3A_695], %add3A_692 {strides = array<i32>} : memref<3x128xi32, #tpu.memory_space<vmem>>, vector<16xi32>,
      %mul3A_697 = arith.constant 128 : i32
      %mul3A_698 = arith.muli %add3A_416, %mul3A_697 : i32
      %add3A_699 = arith.constant 96 : i32
      %add3A_700 = arith.addi %mul3A_698, %add3A_699 : i32
      %get3A_701 = arith.index_cast %add3A_700 : i32 to index
      %get3A_702 = tpu.vector_load %arg11[%get3A_701] {strides = array<i32>} : memref<512xi32, #tpu.memory_space<vmem>>, vector<16xi32>,
      %shift_right_logical3A_703 = arith.constant 15 : i32
      %shift_right_logical3A_704 = vector.broadcast %shift_right_logical3A_703 : i32 to vector<16xi32>
      %shift_right_logical3A_705 = arith.shrui %get3A_702, %shift_right_logical3A_704 : vector<16xi32>
      %mul3A_706 = arith.constant 16384 : i32
      %mul3A_707 = vector.broadcast %mul3A_706 : i32 to vector<16xi32>
      %mul3A_708 = arith.muli %shift_right_logical3A_705, %mul3A_707 : vector<16xi32>
      %and3A_709 = arith.constant 16383 : i32
      %and3A_710 = vector.broadcast %and3A_709 : i32 to vector<16xi32>
      %and3A_711 = arith.andi %get3A_702, %and3A_710 : vector<16xi32>
      %add3A_712 = arith.addi %mul3A_708, %and3A_711 : vector<16xi32>
      %swap3A_713 = arith.constant 1 : i32
      %swap3A_714 = arith.index_cast %swap3A_713 : i32 to index
      %swap3A_715 = arith.constant 96 : index
      %swap3A_716 = tpu.vector_load %arg14[%swap3A_714, %swap3A_715] {strides = array<i32>} : memref<3x128xi32, #tpu.memory_space<vmem>>, vector<16xi32>,
      tpu.vector_store %arg14[%swap3A_714, %swap3A_715], %add3A_712 {strides = array<i32>} : memref<3x128xi32, #tpu.memory_space<vmem>>, vector<16xi32>,
      %mul3A_717 = arith.constant 128 : i32
      %mul3A_718 = arith.muli %add3A_416, %mul3A_717 : i32
      %add3A_719 = arith.constant 112 : i32
      %add3A_720 = arith.addi %mul3A_718, %add3A_719 : i32
      %get3A_721 = arith.index_cast %add3A_720 : i32 to index
      %get3A_722 = tpu.vector_load %arg11[%get3A_721] {strides = array<i32>} : memref<512xi32, #tpu.memory_space<vmem>>, vector<16xi32>,
      %shift_right_logical3A_723 = arith.constant 15 : i32
      %shift_right_logical3A_724 = vector.broadcast %shift_right_logical3A_723 : i32 to vector<16xi32>
      %shift_right_logical3A_725 = arith.shrui %get3A_722, %shift_right_logical3A_724 : vector<16xi32>
      %mul3A_726 = arith.constant 16384 : i32
      %mul3A_727 = vector.broadcast %mul3A_726 : i32 to vector<16xi32>
      %mul3A_728 = arith.muli %shift_right_logical3A_725, %mul3A_727 : vector<16xi32>
      %and3A_729 = arith.constant 16383 : i32
      %and3A_730 = vector.broadcast %and3A_729 : i32 to vector<16xi32>
      %and3A_731 = arith.andi %get3A_722, %and3A_730 : vector<16xi32>
      %add3A_732 = arith.addi %mul3A_728, %and3A_731 : vector<16xi32>
      %swap3A_733 = arith.constant 1 : i32
      %swap3A_734 = arith.index_cast %swap3A_733 : i32 to index
      %swap3A_735 = arith.constant 112 : index
      %swap3A_736 = tpu.vector_load %arg14[%swap3A_734, %swap3A_735] {strides = array<i32>} : memref<3x128xi32, #tpu.memory_space<vmem>>, vector<16xi32>,
      tpu.vector_store %arg14[%swap3A_734, %swap3A_735], %add3A_732 {strides = array<i32>} : memref<3x128xi32, #tpu.memory_space<vmem>>, vector<16xi32>,
      %mul3A_737 = arith.constant 128 : i32
      %mul3A_738 = arith.muli %add3A_416, %mul3A_737 : i32
      %add3A_739 = arith.constant 0 : i32
      %add3A_740 = arith.addi %mul3A_738, %add3A_739 : i32
      %get3A_741 = arith.index_cast %add3A_740 : i32 to index
      %get3A_742 = tpu.vector_load %arg12[%get3A_741] {strides = array<i32>} : memref<512xi32, #tpu.memory_space<vmem>>, vector<16xi32>,
      %shift_right_logical3A_743 = arith.constant 15 : i32
      %shift_right_logical3A_744 = vector.broadcast %shift_right_logical3A_743 : i32 to vector<16xi32>
      %shift_right_logical3A_745 = arith.shrui %get3A_742, %shift_right_logical3A_744 : vector<16xi32>
      %mul3A_746 = arith.constant 16384 : i32
      %mul3A_747 = vector.broadcast %mul3A_746 : i32 to vector<16xi32>
      %mul3A_748 = arith.muli %shift_right_logical3A_745, %mul3A_747 : vector<16xi32>
      %and3A_749 = arith.constant 16383 : i32
      %and3A_750 = vector.broadcast %and3A_749 : i32 to vector<16xi32>
      %and3A_751 = arith.andi %get3A_742, %and3A_750 : vector<16xi32>
      %add3A_752 = arith.addi %mul3A_748, %and3A_751 : vector<16xi32>
      %swap3A_753 = arith.constant 2 : i32
      %swap3A_754 = arith.index_cast %swap3A_753 : i32 to index
      %swap3A_755 = arith.constant 0 : index
      %swap3A_756 = tpu.vector_load %arg14[%swap3A_754, %swap3A_755] {strides = array<i32>} : memref<3x128xi32, #tpu.memory_space<vmem>>, vector<16xi32>,
      tpu.vector_store %arg14[%swap3A_754, %swap3A_755], %add3A_752 {strides = array<i32>} : memref<3x128xi32, #tpu.memory_space<vmem>>, vector<16xi32>,
      %mul3A_757 = arith.constant 128 : i32
      %mul3A_758 = arith.muli %add3A_416, %mul3A_757 : i32
      %add3A_759 = arith.constant 16 : i32
      %add3A_760 = arith.addi %mul3A_758, %add3A_759 : i32
      %get3A_761 = arith.index_cast %add3A_760 : i32 to index
      %get3A_762 = tpu.vector_load %arg12[%get3A_761] {strides = array<i32>} : memref<512xi32, #tpu.memory_space<vmem>>, vector<16xi32>,
      %shift_right_logical3A_763 = arith.constant 15 : i32
      %shift_right_logical3A_764 = vector.broadcast %shift_right_logical3A_763 : i32 to vector<16xi32>
      %shift_right_logical3A_765 = arith.shrui %get3A_762, %shift_right_logical3A_764 : vector<16xi32>
      %mul3A_766 = arith.constant 16384 : i32
      %mul3A_767 = vector.broadcast %mul3A_766 : i32 to vector<16xi32>
      %mul3A_768 = arith.muli %shift_right_logical3A_765, %mul3A_767 : vector<16xi32>
      %and3A_769 = arith.constant 16383 : i32
      %and3A_770 = vector.broadcast %and3A_769 : i32 to vector<16xi32>
      %and3A_771 = arith.andi %get3A_762, %and3A_770 : vector<16xi32>
      %add3A_772 = arith.addi %mul3A_768, %and3A_771 : vector<16xi32>
      %swap3A_773 = arith.constant 2 : i32
      %swap3A_774 = arith.index_cast %swap3A_773 : i32 to index
      %swap3A_775 = arith.constant 16 : index
      %swap3A_776 = tpu.vector_load %arg14[%swap3A_774, %swap3A_775] {strides = array<i32>} : memref<3x128xi32, #tpu.memory_space<vmem>>, vector<16xi32>,
      tpu.vector_store %arg14[%swap3A_774, %swap3A_775], %add3A_772 {strides = array<i32>} : memref<3x128xi32, #tpu.memory_space<vmem>>, vector<16xi32>,
      %mul3A_777 = arith.constant 128 : i32
      %mul3A_778 = arith.muli %add3A_416, %mul3A_777 : i32
      %add3A_779 = arith.constant 32 : i32
      %add3A_780 = arith.addi %mul3A_778, %add3A_779 : i32
      %get3A_781 = arith.index_cast %add3A_780 : i32 to index
      %get3A_782 = tpu.vector_load %arg12[%get3A_781] {strides = array<i32>} : memref<512xi32, #tpu.memory_space<vmem>>, vector<16xi32>,
      %shift_right_logical3A_783 = arith.constant 15 : i32
      %shift_right_logical3A_784 = vector.broadcast %shift_right_logical3A_783 : i32 to vector<16xi32>
      %shift_right_logical3A_785 = arith.shrui %get3A_782, %shift_right_logical3A_784 : vector<16xi32>
      %mul3A_786 = arith.constant 16384 : i32
      %mul3A_787 = vector.broadcast %mul3A_786 : i32 to vector<16xi32>
      %mul3A_788 = arith.muli %shift_right_logical3A_785, %mul3A_787 : vector<16xi32>
      %and3A_789 = arith.constant 16383 : i32
      %and3A_790 = vector.broadcast %and3A_789 : i32 to vector<16xi32>
      %and3A_791 = arith.andi %get3A_782, %and3A_790 : vector<16xi32>
      %add3A_792 = arith.addi %mul3A_788, %and3A_791 : vector<16xi32>
      %swap3A_793 = arith.constant 2 : i32
      %swap3A_794 = arith.index_cast %swap3A_793 : i32 to index
      %swap3A_795 = arith.constant 32 : index
      %swap3A_796 = tpu.vector_load %arg14[%swap3A_794, %swap3A_795] {strides = array<i32>} : memref<3x128xi32, #tpu.memory_space<vmem>>, vector<16xi32>,
      tpu.vector_store %arg14[%swap3A_794, %swap3A_795], %add3A_792 {strides = array<i32>} : memref<3x128xi32, #tpu.memory_space<vmem>>, vector<16xi32>,
      %mul3A_797 = arith.constant 128 : i32
      %mul3A_798 = arith.muli %add3A_416, %mul3A_797 : i32
      %add3A_799 = arith.constant 48 : i32
      %add3A_800 = arith.addi %mul3A_798, %add3A_799 : i32
      %get3A_801 = arith.index_cast %add3A_800 : i32 to index
      %get3A_802 = tpu.vector_load %arg12[%get3A_801] {strides = array<i32>} : memref<512xi32, #tpu.memory_space<vmem>>, vector<16xi32>,
      %shift_right_logical3A_803 = arith.constant 15 : i32
      %shift_right_logical3A_804 = vector.broadcast %shift_right_logical3A_803 : i32 to vector<16xi32>
      %shift_right_logical3A_805 = arith.shrui %get3A_802, %shift_right_logical3A_804 : vector<16xi32>
      %mul3A_806 = arith.constant 16384 : i32
      %mul3A_807 = vector.broadcast %mul3A_806 : i32 to vector<16xi32>
      %mul3A_808 = arith.muli %shift_right_logical3A_805, %mul3A_807 : vector<16xi32>
      %and3A_809 = arith.constant 16383 : i32
      %and3A_810 = vector.broadcast %and3A_809 : i32 to vector<16xi32>
      %and3A_811 = arith.andi %get3A_802, %and3A_810 : vector<16xi32>
      %add3A_812 = arith.addi %mul3A_808, %and3A_811 : vector<16xi32>
      %swap3A_813 = arith.constant 2 : i32
      %swap3A_814 = arith.index_cast %swap3A_813 : i32 to index
      %swap3A_815 = arith.constant 48 : index
      %swap3A_816 = tpu.vector_load %arg14[%swap3A_814, %swap3A_815] {strides = array<i32>} : memref<3x128xi32, #tpu.memory_space<vmem>>, vector<16xi32>,
      tpu.vector_store %arg14[%swap3A_814, %swap3A_815], %add3A_812 {strides = array<i32>} : memref<3x128xi32, #tpu.memory_space<vmem>>, vector<16xi32>,
      %mul3A_817 = arith.constant 128 : i32
      %mul3A_818 = arith.muli %add3A_416, %mul3A_817 : i32
      %add3A_819 = arith.constant 64 : i32
      %add3A_820 = arith.addi %mul3A_818, %add3A_819 : i32
      %get3A_821 = arith.index_cast %add3A_820 : i32 to index
      %get3A_822 = tpu.vector_load %arg12[%get3A_821] {strides = array<i32>} : memref<512xi32, #tpu.memory_space<vmem>>, vector<16xi32>,
      %shift_right_logical3A_823 = arith.constant 15 : i32
      %shift_right_logical3A_824 = vector.broadcast %shift_right_logical3A_823 : i32 to vector<16xi32>
      %shift_right_logical3A_825 = arith.shrui %get3A_822, %shift_right_logical3A_824 : vector<16xi32>
      %mul3A_826 = arith.constant 16384 : i32
      %mul3A_827 = vector.broadcast %mul3A_826 : i32 to vector<16xi32>
      %mul3A_828 = arith.muli %shift_right_logical3A_825, %mul3A_827 : vector<16xi32>
      %and3A_829 = arith.constant 16383 : i32
      %and3A_830 = vector.broadcast %and3A_829 : i32 to vector<16xi32>
      %and3A_831 = arith.andi %get3A_822, %and3A_830 : vector<16xi32>
      %add3A_832 = arith.addi %mul3A_828, %and3A_831 : vector<16xi32>
      %swap3A_833 = arith.constant 2 : i32
      %swap3A_834 = arith.index_cast %swap3A_833 : i32 to index
      %swap3A_835 = arith.constant 64 : index
      %swap3A_836 = tpu.vector_load %arg14[%swap3A_834, %swap3A_835] {strides = array<i32>} : memref<3x128xi32, #tpu.memory_space<vmem>>, vector<16xi32>,
      tpu.vector_store %arg14[%swap3A_834, %swap3A_835], %add3A_832 {strides = array<i32>} : memref<3x128xi32, #tpu.memory_space<vmem>>, vector<16xi32>,
      %mul3A_837 = arith.constant 128 : i32
      %mul3A_838 = arith.muli %add3A_416, %mul3A_837 : i32
      %add3A_839 = arith.constant 80 : i32
      %add3A_840 = arith.addi %mul3A_838, %add3A_839 : i32
      %get3A_841 = arith.index_cast %add3A_840 : i32 to index
      %get3A_842 = tpu.vector_load %arg12[%get3A_841] {strides = array<i32>} : memref<512xi32, #tpu.memory_space<vmem>>, vector<16xi32>,
      %shift_right_logical3A_843 = arith.constant 15 : i32
      %shift_right_logical3A_844 = vector.broadcast %shift_right_logical3A_843 : i32 to vector<16xi32>
      %shift_right_logical3A_845 = arith.shrui %get3A_842, %shift_right_logical3A_844 : vector<16xi32>
      %mul3A_846 = arith.constant 16384 : i32
      %mul3A_847 = vector.broadcast %mul3A_846 : i32 to vector<16xi32>
      %mul3A_848 = arith.muli %shift_right_logical3A_845, %mul3A_847 : vector<16xi32>
      %and3A_849 = arith.constant 16383 : i32
      %and3A_850 = vector.broadcast %and3A_849 : i32 to vector<16xi32>
      %and3A_851 = arith.andi %get3A_842, %and3A_850 : vector<16xi32>
      %add3A_852 = arith.addi %mul3A_848, %and3A_851 : vector<16xi32>
      %swap3A_853 = arith.constant 2 : i32
      %swap3A_854 = arith.index_cast %swap3A_853 : i32 to index
      %swap3A_855 = arith.constant 80 : index
      %swap3A_856 = tpu.vector_load %arg14[%swap3A_854, %swap3A_855] {strides = array<i32>} : memref<3x128xi32, #tpu.memory_space<vmem>>, vector<16xi32>,
      tpu.vector_store %arg14[%swap3A_854, %swap3A_855], %add3A_852 {strides = array<i32>} : memref<3x128xi32, #tpu.memory_space<vmem>>, vector<16xi32>,
      %mul3A_857 = arith.constant 128 : i32
      %mul3A_858 = arith.muli %add3A_416, %mul3A_857 : i32
      %add3A_859 = arith.constant 96 : i32
      %add3A_860 = arith.addi %mul3A_858, %add3A_859 : i32
      %get3A_861 = arith.index_cast %add3A_860 : i32 to index
      %get3A_862 = tpu.vector_load %arg12[%get3A_861] {strides = array<i32>} : memref<512xi32, #tpu.memory_space<vmem>>, vector<16xi32>,
      %shift_right_logical3A_863 = arith.constant 15 : i32
      %shift_right_logical3A_864 = vector.broadcast %shift_right_logical3A_863 : i32 to vector<16xi32>
      %shift_right_logical3A_865 = arith.shrui %get3A_862, %shift_right_logical3A_864 : vector<16xi32>
      %mul3A_866 = arith.constant 16384 : i32
      %mul3A_867 = vector.broadcast %mul3A_866 : i32 to vector<16xi32>
      %mul3A_868 = arith.muli %shift_right_logical3A_865, %mul3A_867 : vector<16xi32>
      %and3A_869 = arith.constant 16383 : i32
      %and3A_870 = vector.broadcast %and3A_869 : i32 to vector<16xi32>
      %and3A_871 = arith.andi %get3A_862, %and3A_870 : vector<16xi32>
      %add3A_872 = arith.addi %mul3A_868, %and3A_871 : vector<16xi32>
      %swap3A_873 = arith.constant 2 : i32
      %swap3A_874 = arith.index_cast %swap3A_873 : i32 to index
      %swap3A_875 = arith.constant 96 : index
      %swap3A_876 = tpu.vector_load %arg14[%swap3A_874, %swap3A_875] {strides = array<i32>} : memref<3x128xi32, #tpu.memory_space<vmem>>, vector<16xi32>,
      tpu.vector_store %arg14[%swap3A_874, %swap3A_875], %add3A_872 {strides = array<i32>} : memref<3x128xi32, #tpu.memory_space<vmem>>, vector<16xi32>,
      %mul3A_877 = arith.constant 128 : i32
      %mul3A_878 = arith.muli %add3A_416, %mul3A_877 : i32
      %add3A_879 = arith.constant 112 : i32
      %add3A_880 = arith.addi %mul3A_878, %add3A_879 : i32
      %get3A_881 = arith.index_cast %add3A_880 : i32 to index
      %get3A_882 = tpu.vector_load %arg12[%get3A_881] {strides = array<i32>} : memref<512xi32, #tpu.memory_space<vmem>>, vector<16xi32>,
      %shift_right_logical3A_883 = arith.constant 15 : i32
      %shift_right_logical3A_884 = vector.broadcast %shift_right_logical3A_883 : i32 to vector<16xi32>
      %shift_right_logical3A_885 = arith.shrui %get3A_882, %shift_right_logical3A_884 : vector<16xi32>
      %mul3A_886 = arith.constant 16384 : i32
      %mul3A_887 = vector.broadcast %mul3A_886 : i32 to vector<16xi32>
      %mul3A_888 = arith.muli %shift_right_logical3A_885, %mul3A_887 : vector<16xi32>
      %and3A_889 = arith.constant 16383 : i32
      %and3A_890 = vector.broadcast %and3A_889 : i32 to vector<16xi32>
      %and3A_891 = arith.andi %get3A_882, %and3A_890 : vector<16xi32>
      %add3A_892 = arith.addi %mul3A_888, %and3A_891 : vector<16xi32>
      %swap3A_893 = arith.constant 2 : i32
      %swap3A_894 = arith.index_cast %swap3A_893 : i32 to index
      %swap3A_895 = arith.constant 112 : index
      %swap3A_896 = tpu.vector_load %arg14[%swap3A_894, %swap3A_895] {strides = array<i32>} : memref<3x128xi32, #tpu.memory_space<vmem>>, vector<16xi32>,
      tpu.vector_store %arg14[%swap3A_894, %swap3A_895], %add3A_892 {strides = array<i32>} : memref<3x128xi32, #tpu.memory_space<vmem>>, vector<16xi32>,
      %dma_start3A_897 = arith.constant 0 : i32
      %dma_start3A_898 = arith.constant 0 : i32
      %dma_start3A_899 = tpu.memref_slice %arg14[%dma_start3A_897, %dma_start3A_898] : memref<3x128xi32, #tpu.memory_space<vmem>> -> memref<1x128xi32, #tpu.memory_space<vmem>>
      %dma_start3A_900 = tpu.memref_squeeze %dma_start3A_899 : memref<1x128xi32, #tpu.memory_space<vmem>> -> memref<128xi32, #tpu.memory_space<vmem>>
      %dma_start3A_901 = arith.constant 0 : i32
      %dma_start3A_902 = arith.constant 0 : i32
      %dma_start3A_903 = tpu.memref_slice %arg5[%dma_start3A_901, %dma_start3A_902] : memref<507904x128xf32, #tpu.memory_space<hbm>> -> memref<507904x128xf32, #tpu.memory_space<hbm>>
      tpu.enqueue_indirect_dma source(%dma_start3A_903 : memref<507904x128xf32, #tpu.memory_space<hbm>>) target(%arg18 : memref<128x128xf32, #tpu.memory_space<vmem>>) offsets(%dma_start3A_900 : memref<128xi32, #tpu.memory_space<vmem>>) semaphore(%arg25 : memref<!tpu.dma_semaphore, #tpu.memory_space<semaphore_mem>>)
      %dma_start3A_904 = arith.constant 1 : i32
      %dma_start3A_905 = arith.constant 0 : i32
      %dma_start3A_906 = tpu.memref_slice %arg14[%dma_start3A_904, %dma_start3A_905] : memref<3x128xi32, #tpu.memory_space<vmem>> -> memref<1x128xi32, #tpu.memory_space<vmem>>
      %dma_start3A_907 = tpu.memref_squeeze %dma_start3A_906 : memref<1x128xi32, #tpu.memory_space<vmem>> -> memref<128xi32, #tpu.memory_space<vmem>>
      %dma_start3A_908 = arith.constant 0 : i32
      %dma_start3A_909 = arith.constant 0 : i32
      %dma_start3A_910 = tpu.memref_slice %arg6[%dma_start3A_908, %dma_start3A_909] : memref<507904x128xf32, #tpu.memory_space<hbm>> -> memref<507904x128xf32, #tpu.memory_space<hbm>>
      tpu.enqueue_indirect_dma source(%dma_start3A_910 : memref<507904x128xf32, #tpu.memory_space<hbm>>) target(%arg19 : memref<128x128xf32, #tpu.memory_space<vmem>>) offsets(%dma_start3A_907 : memref<128xi32, #tpu.memory_space<vmem>>) semaphore(%arg25 : memref<!tpu.dma_semaphore, #tpu.memory_space<semaphore_mem>>)
      %dma_start3A_911 = arith.constant 2 : i32
      %dma_start3A_912 = arith.constant 0 : i32
      %dma_start3A_913 = tpu.memref_slice %arg14[%dma_start3A_911, %dma_start3A_912] : memref<3x128xi32, #tpu.memory_space<vmem>> -> memref<1x128xi32, #tpu.memory_space<vmem>>
      %dma_start3A_914 = tpu.memref_squeeze %dma_start3A_913 : memref<1x128xi32, #tpu.memory_space<vmem>> -> memref<128xi32, #tpu.memory_space<vmem>>
      %dma_start3A_915 = arith.constant 0 : i32
      %dma_start3A_916 = arith.constant 0 : i32
      %dma_start3A_917 = tpu.memref_slice %arg6[%dma_start3A_915, %dma_start3A_916] : memref<507904x128xf32, #tpu.memory_space<hbm>> -> memref<507904x128xf32, #tpu.memory_space<hbm>>
      tpu.enqueue_indirect_dma source(%dma_start3A_917 : memref<507904x128xf32, #tpu.memory_space<hbm>>) target(%arg20 : memref<128x128xf32, #tpu.memory_space<vmem>>) offsets(%dma_start3A_914 : memref<128xi32, #tpu.memory_space<vmem>>) semaphore(%arg25 : memref<!tpu.dma_semaphore, #tpu.memory_space<semaphore_mem>>)
      %dma_wait3A = arith.constant 0 : i32
      %dma_wait3A_918 = arith.constant 0 : i32
      %dma_wait3A_919 = tpu.memref_slice %arg13[%dma_wait3A, %dma_wait3A_918] : memref<3x128xi32, #tpu.memory_space<vmem>> -> memref<1x128xi32, #tpu.memory_space<vmem>>
      %dma_wait3A_920 = tpu.memref_squeeze %dma_wait3A_919 : memref<1x128xi32, #tpu.memory_space<vmem>> -> memref<128xi32, #tpu.memory_space<vmem>>
      %dma_wait3A_921 = arith.constant 0 : i32
      %dma_wait3A_922 = arith.constant 0 : i32
      %dma_wait3A_923 = tpu.memref_slice %arg5[%dma_wait3A_921, %dma_wait3A_922] : memref<507904x128xf32, #tpu.memory_space<hbm>> -> memref<507904x128xf32, #tpu.memory_space<hbm>>
      tpu.wait_indirect_dma semaphore(%arg24 : memref<!tpu.dma_semaphore, #tpu.memory_space<semaphore_mem>>) src(%dma_wait3A_923 : memref<507904x128xf32, #tpu.memory_space<hbm>>) dst(%arg15 : memref<128x128xf32, #tpu.memory_space<vmem>>)
      %dma_wait3A_924 = arith.constant 1 : i32
      %dma_wait3A_925 = arith.constant 0 : i32
      %dma_wait3A_926 = tpu.memref_slice %arg13[%dma_wait3A_924, %dma_wait3A_925] : memref<3x128xi32, #tpu.memory_space<vmem>> -> memref<1x128xi32, #tpu.memory_space<vmem>>
      %dma_wait3A_927 = tpu.memref_squeeze %dma_wait3A_926 : memref<1x128xi32, #tpu.memory_space<vmem>> -> memref<128xi32, #tpu.memory_space<vmem>>
      %dma_wait3A_928 = arith.constant 0 : i32
      %dma_wait3A_929 = arith.constant 0 : i32
      %dma_wait3A_930 = tpu.memref_slice %arg6[%dma_wait3A_928, %dma_wait3A_929] : memref<507904x128xf32, #tpu.memory_space<hbm>> -> memref<507904x128xf32, #tpu.memory_space<hbm>>
      tpu.wait_indirect_dma semaphore(%arg24 : memref<!tpu.dma_semaphore, #tpu.memory_space<semaphore_mem>>) src(%dma_wait3A_930 : memref<507904x128xf32, #tpu.memory_space<hbm>>) dst(%arg16 : memref<128x128xf32, #tpu.memory_space<vmem>>)
      %dma_wait3A_931 = arith.constant 2 : i32
      %dma_wait3A_932 = arith.constant 0 : i32
      %dma_wait3A_933 = tpu.memref_slice %arg13[%dma_wait3A_931, %dma_wait3A_932] : memref<3x128xi32, #tpu.memory_space<vmem>> -> memref<1x128xi32, #tpu.memory_space<vmem>>
      %dma_wait3A_934 = tpu.memref_squeeze %dma_wait3A_933 : memref<1x128xi32, #tpu.memory_space<vmem>> -> memref<128xi32, #tpu.memory_space<vmem>>
      %dma_wait3A_935 = arith.constant 0 : i32
      %dma_wait3A_936 = arith.constant 0 : i32
      %dma_wait3A_937 = tpu.memref_slice %arg6[%dma_wait3A_935, %dma_wait3A_936] : memref<507904x128xf32, #tpu.memory_space<hbm>> -> memref<507904x128xf32, #tpu.memory_space<hbm>>
      tpu.wait_indirect_dma semaphore(%arg24 : memref<!tpu.dma_semaphore, #tpu.memory_space<semaphore_mem>>) src(%dma_wait3A_937 : memref<507904x128xf32, #tpu.memory_space<hbm>>) dst(%arg17 : memref<128x128xf32, #tpu.memory_space<vmem>>)
      %scan3A_938 = arith.constant 0 : i32
      %scan3A_939 = arith.constant 8 : i32
      %scan3A_940 = arith.addi %scan3A_938, %scan3A_939 : i32
      %scan3A_941 = arith.constant 1 : i32
      %scan3A_942 = scf.for %scan3A_975 = %scan3A_938 to %scan3A_940 step %scan3A_941 iter_args(%scan3A_976 = %scan3A_412) -> (vector<16xf32>)  : i32 {
        %mul3A_977 = arith.constant 128 : i32
        %mul3A_978 = arith.muli %mul3A_414, %mul3A_977 : i32
        %mul3A_979 = arith.constant 16 : i32
        %mul3A_980 = arith.muli %scan3A_975, %mul3A_979 : i32
        %add3A_981 = arith.addi %mul3A_978, %mul3A_980 : i32
        %mul3A_982 = arith.constant 16 : i32
        %mul3A_983 = arith.muli %scan3A_975, %mul3A_982 : i32
        %add3A_984 = vector.broadcast %mul3A_983 : i32 to vector<16xi32>
        %add3A_985 = arith.addi %add3A_984, %iota3A : vector<16xi32>
        %get3A_986 = arith.index_cast %add3A_981 : i32 to index
        %get3A_987 = tpu.vector_load %arg10[%get3A_986] {strides = array<i32>} : memref<512xi32, #tpu.memory_space<vmem>>, vector<16xi32>,
        %shift_right_logical3A_988 = arith.constant 14 : i32
        %shift_right_logical3A_989 = vector.broadcast %shift_right_logical3A_988 : i32 to vector<16xi32>
        %shift_right_logical3A_990 = arith.shrui %get3A_987, %shift_right_logical3A_989 : vector<16xi32>
        %and3A_991 = arith.constant 1 : i32
        %and3A_992 = vector.broadcast %and3A_991 : i32 to vector<16xi32>
        %and3A_993 = arith.andi %shift_right_logical3A_990, %and3A_992 : vector<16xi32>
        %mul3A_994 = arith.constant 64 : i32
        %mul3A_995 = vector.broadcast %mul3A_994 : i32 to vector<16xi32>
        %mul3A_996 = arith.muli %and3A_993, %mul3A_995 : vector<16xi32>
        %get3A_997 = arith.index_cast %add3A_981 : i32 to index
        %get3A_998 = tpu.vector_load %arg11[%get3A_997] {strides = array<i32>} : memref<512xi32, #tpu.memory_space<vmem>>, vector<16xi32>,
        %shift_right_logical3A_999 = arith.constant 14 : i32
        %shift_right_logical3A_1000 = vector.broadcast %shift_right_logical3A_999 : i32 to vector<16xi32>
        %shift_right_logical3A_1001 = arith.shrui %get3A_998, %shift_right_logical3A_1000 : vector<16xi32>
        %and3A_1002 = arith.constant 1 : i32
        %and3A_1003 = vector.broadcast %and3A_1002 : i32 to vector<16xi32>
        %and3A_1004 = arith.andi %shift_right_logical3A_1001, %and3A_1003 : vector<16xi32>
        %mul3A_1005 = arith.constant 64 : i32
        %mul3A_1006 = vector.broadcast %mul3A_1005 : i32 to vector<16xi32>
        %mul3A_1007 = arith.muli %and3A_1004, %mul3A_1006 : vector<16xi32>
        %get3A_1008 = arith.index_cast %add3A_981 : i32 to index
        %get3A_1009 = tpu.vector_load %arg12[%get3A_1008] {strides = array<i32>} : memref<512xi32, #tpu.memory_space<vmem>>, vector<16xi32>,
        %shift_right_logical3A_1010 = arith.constant 14 : i32
        %shift_right_logical3A_1011 = vector.broadcast %shift_right_logical3A_1010 : i32 to vector<16xi32>
        %shift_right_logical3A_1012 = arith.shrui %get3A_1009, %shift_right_logical3A_1011 : vector<16xi32>
        %and3A_1013 = arith.constant 1 : i32
        %and3A_1014 = vector.broadcast %and3A_1013 : i32 to vector<16xi32>
        %and3A_1015 = arith.andi %shift_right_logical3A_1012, %and3A_1014 : vector<16xi32>
        %mul3A_1016 = arith.constant 64 : i32
        %mul3A_1017 = vector.broadcast %mul3A_1016 : i32 to vector<16xi32>
        %mul3A_1018 = arith.muli %and3A_1015, %mul3A_1017 : vector<16xi32>
        %broadcast_in_dim3A_1019 = arith.constant 0.000000e+00 : f32
        %broadcast_in_dim3A_1020 = vector.broadcast %broadcast_in_dim3A_1019 : f32 to vector<16xf32>
        %broadcast_in_dim3A_1021 = arith.constant 0.000000e+00 : f32
        %broadcast_in_dim3A_1022 = vector.broadcast %broadcast_in_dim3A_1021 : f32 to vector<16xf32>
        %add3A_1023 = arith.constant 0 : i32
        %add3A_1024 = vector.broadcast %add3A_1023 : i32 to vector<16xi32>
        %add3A_1025 = arith.addi %mul3A_996, %add3A_1024 : vector<16xi32>
        %gather3A = tpu.vector_load_idx %arg15[%add3A_985, %add3A_1025] : memref<128x128xf32, #tpu.memory_space<vmem>>[vector<16xi32>, vector<16xi32>], vector<16xf32>,
        %add3A_1026 = arith.constant 0 : i32
        %add3A_1027 = vector.broadcast %add3A_1026 : i32 to vector<16xi32>
        %add3A_1028 = arith.addi %mul3A_1007, %add3A_1027 : vector<16xi32>
        %gather3A_1029 = tpu.vector_load_idx %arg16[%add3A_985, %add3A_1028] : memref<128x128xf32, #tpu.memory_space<vmem>>[vector<16xi32>, vector<16xi32>], vector<16xf32>,
        %add3A_1030 = arith.constant 0 : i32
        %add3A_1031 = vector.broadcast %add3A_1030 : i32 to vector<16xi32>
        %add3A_1032 = arith.addi %mul3A_1018, %add3A_1031 : vector<16xi32>
        %gather3A_1033 = tpu.vector_load_idx %arg17[%add3A_985, %add3A_1032] : memref<128x128xf32, #tpu.memory_space<vmem>>[vector<16xi32>, vector<16xi32>], vector<16xf32>,
        %mul3A_1034 = arith.mulf %gather3A, %gather3A_1029 : vector<16xf32>
        %add3A_1035 = arith.addf %broadcast_in_dim3A_1020, %mul3A_1034 : vector<16xf32>
        %mul3A_1036 = arith.mulf %gather3A, %gather3A_1033 : vector<16xf32>
        %add3A_1037 = arith.addf %broadcast_in_dim3A_1022, %mul3A_1036 : vector<16xf32>
        %mul3A_1038 = arith.mulf %gather3A, %gather3A : vector<16xf32>
        %add3A_1039 = arith.addf %scan3A_976, %mul3A_1038 : vector<16xf32>
        %mul3A_1040 = arith.mulf %gather3A_1029, %gather3A_1029 : vector<16xf32>
        %add3A_1041 = arith.addf %add3A_1039, %mul3A_1040 : vector<16xf32>
        %mul3A_1042 = arith.mulf %gather3A_1033, %gather3A_1033 : vector<16xf32>
        %add3A_1043 = arith.addf %add3A_1041, %mul3A_1042 : vector<16xf32>
        %add3A_1044 = arith.constant 1 : i32
        %add3A_1045 = vector.broadcast %add3A_1044 : i32 to vector<16xi32>
        %add3A_1046 = arith.addi %mul3A_996, %add3A_1045 : vector<16xi32>
        %gather3A_1047 = tpu.vector_load_idx %arg15[%add3A_985, %add3A_1046] : memref<128x128xf32, #tpu.memory_space<vmem>>[vector<16xi32>, vector<16xi32>], vector<16xf32>,
        %add3A_1048 = arith.constant 1 : i32
        %add3A_1049 = vector.broadcast %add3A_1048 : i32 to vector<16xi32>
        %add3A_1050 = arith.addi %mul3A_1007, %add3A_1049 : vector<16xi32>
        %gather3A_1051 = tpu.vector_load_idx %arg16[%add3A_985, %add3A_1050] : memref<128x128xf32, #tpu.memory_space<vmem>>[vector<16xi32>, vector<16xi32>], vector<16xf32>,
        %add3A_1052 = arith.constant 1 : i32
        %add3A_1053 = vector.broadcast %add3A_1052 : i32 to vector<16xi32>
        %add3A_1054 = arith.addi %mul3A_1018, %add3A_1053 : vector<16xi32>
        %gather3A_1055 = tpu.vector_load_idx %arg17[%add3A_985, %add3A_1054] : memref<128x128xf32, #tpu.memory_space<vmem>>[vector<16xi32>, vector<16xi32>], vector<16xf32>,
        %mul3A_1056 = arith.mulf %gather3A_1047, %gather3A_1051 : vector<16xf32>
        %add3A_1057 = arith.addf %add3A_1035, %mul3A_1056 : vector<16xf32>
        %mul3A_1058 = arith.mulf %gather3A_1047, %gather3A_1055 : vector<16xf32>
        %add3A_1059 = arith.addf %add3A_1037, %mul3A_1058 : vector<16xf32>
        %mul3A_1060 = arith.mulf %gather3A_1047, %gather3A_1047 : vector<16xf32>
        %add3A_1061 = arith.addf %add3A_1043, %mul3A_1060 : vector<16xf32>
        %mul3A_1062 = arith.mulf %gather3A_1051, %gather3A_1051 : vector<16xf32>
        %add3A_1063 = arith.addf %add3A_1061, %mul3A_1062 : vector<16xf32>
        %mul3A_1064 = arith.mulf %gather3A_1055, %gather3A_1055 : vector<16xf32>
        %add3A_1065 = arith.addf %add3A_1063, %mul3A_1064 : vector<16xf32>
        %add3A_1066 = arith.constant 2 : i32
        %add3A_1067 = vector.broadcast %add3A_1066 : i32 to vector<16xi32>
        %add3A_1068 = arith.addi %mul3A_996, %add3A_1067 : vector<16xi32>
        %gather3A_1069 = tpu.vector_load_idx %arg15[%add3A_985, %add3A_1068] : memref<128x128xf32, #tpu.memory_space<vmem>>[vector<16xi32>, vector<16xi32>], vector<16xf32>,
        %add3A_1070 = arith.constant 2 : i32
        %add3A_1071 = vector.broadcast %add3A_1070 : i32 to vector<16xi32>
        %add3A_1072 = arith.addi %mul3A_1007, %add3A_1071 : vector<16xi32>
        %gather3A_1073 = tpu.vector_load_idx %arg16[%add3A_985, %add3A_1072] : memref<128x128xf32, #tpu.memory_space<vmem>>[vector<16xi32>, vector<16xi32>], vector<16xf32>,
        %add3A_1074 = arith.constant 2 : i32
        %add3A_1075 = vector.broadcast %add3A_1074 : i32 to vector<16xi32>
        %add3A_1076 = arith.addi %mul3A_1018, %add3A_1075 : vector<16xi32>
        %gather3A_1077 = tpu.vector_load_idx %arg17[%add3A_985, %add3A_1076] : memref<128x128xf32, #tpu.memory_space<vmem>>[vector<16xi32>, vector<16xi32>], vector<16xf32>,
        %mul3A_1078 = arith.mulf %gather3A_1069, %gather3A_1073 : vector<16xf32>
        %add3A_1079 = arith.addf %add3A_1057, %mul3A_1078 : vector<16xf32>
        %mul3A_1080 = arith.mulf %gather3A_1069, %gather3A_1077 : vector<16xf32>
        %add3A_1081 = arith.addf %add3A_1059, %mul3A_1080 : vector<16xf32>
        %mul3A_1082 = arith.mulf %gather3A_1069, %gather3A_1069 : vector<16xf32>
        %add3A_1083 = arith.addf %add3A_1065, %mul3A_1082 : vector<16xf32>
        %mul3A_1084 = arith.mulf %gather3A_1073, %gather3A_1073 : vector<16xf32>
        %add3A_1085 = arith.addf %add3A_1083, %mul3A_1084 : vector<16xf32>
        %mul3A_1086 = arith.mulf %gather3A_1077, %gather3A_1077 : vector<16xf32>
        %add3A_1087 = arith.addf %add3A_1085, %mul3A_1086 : vector<16xf32>
        %add3A_1088 = arith.constant 3 : i32
        %add3A_1089 = vector.broadcast %add3A_1088 : i32 to vector<16xi32>
        %add3A_1090 = arith.addi %mul3A_996, %add3A_1089 : vector<16xi32>
        %gather3A_1091 = tpu.vector_load_idx %arg15[%add3A_985, %add3A_1090] : memref<128x128xf32, #tpu.memory_space<vmem>>[vector<16xi32>, vector<16xi32>], vector<16xf32>,
        %add3A_1092 = arith.constant 3 : i32
        %add3A_1093 = vector.broadcast %add3A_1092 : i32 to vector<16xi32>
        %add3A_1094 = arith.addi %mul3A_1007, %add3A_1093 : vector<16xi32>
        %gather3A_1095 = tpu.vector_load_idx %arg16[%add3A_985, %add3A_1094] : memref<128x128xf32, #tpu.memory_space<vmem>>[vector<16xi32>, vector<16xi32>], vector<16xf32>,
        %add3A_1096 = arith.constant 3 : i32
        %add3A_1097 = vector.broadcast %add3A_1096 : i32 to vector<16xi32>
        %add3A_1098 = arith.addi %mul3A_1018, %add3A_1097 : vector<16xi32>
        %gather3A_1099 = tpu.vector_load_idx %arg17[%add3A_985, %add3A_1098] : memref<128x128xf32, #tpu.memory_space<vmem>>[vector<16xi32>, vector<16xi32>], vector<16xf32>,
        %mul3A_1100 = arith.mulf %gather3A_1091, %gather3A_1095 : vector<16xf32>
        %add3A_1101 = arith.addf %add3A_1079, %mul3A_1100 : vector<16xf32>
        %mul3A_1102 = arith.mulf %gather3A_1091, %gather3A_1099 : vector<16xf32>
        %add3A_1103 = arith.addf %add3A_1081, %mul3A_1102 : vector<16xf32>
        %mul3A_1104 = arith.mulf %gather3A_1091, %gather3A_1091 : vector<16xf32>
        %add3A_1105 = arith.addf %add3A_1087, %mul3A_1104 : vector<16xf32>
        %mul3A_1106 = arith.mulf %gather3A_1095, %gather3A_1095 : vector<16xf32>
        %add3A_1107 = arith.addf %add3A_1105, %mul3A_1106 : vector<16xf32>
        %mul3A_1108 = arith.mulf %gather3A_1099, %gather3A_1099 : vector<16xf32>
        %add3A_1109 = arith.addf %add3A_1107, %mul3A_1108 : vector<16xf32>
        %add3A_1110 = arith.constant 4 : i32
        %add3A_1111 = vector.broadcast %add3A_1110 : i32 to vector<16xi32>
        %add3A_1112 = arith.addi %mul3A_996, %add3A_1111 : vector<16xi32>
        %gather3A_1113 = tpu.vector_load_idx %arg15[%add3A_985, %add3A_1112] : memref<128x128xf32, #tpu.memory_space<vmem>>[vector<16xi32>, vector<16xi32>], vector<16xf32>,
        %add3A_1114 = arith.constant 4 : i32
        %add3A_1115 = vector.broadcast %add3A_1114 : i32 to vector<16xi32>
        %add3A_1116 = arith.addi %mul3A_1007, %add3A_1115 : vector<16xi32>
        %gather3A_1117 = tpu.vector_load_idx %arg16[%add3A_985, %add3A_1116] : memref<128x128xf32, #tpu.memory_space<vmem>>[vector<16xi32>, vector<16xi32>], vector<16xf32>,
        %add3A_1118 = arith.constant 4 : i32
        %add3A_1119 = vector.broadcast %add3A_1118 : i32 to vector<16xi32>
        %add3A_1120 = arith.addi %mul3A_1018, %add3A_1119 : vector<16xi32>
        %gather3A_1121 = tpu.vector_load_idx %arg17[%add3A_985, %add3A_1120] : memref<128x128xf32, #tpu.memory_space<vmem>>[vector<16xi32>, vector<16xi32>], vector<16xf32>,
        %mul3A_1122 = arith.mulf %gather3A_1113, %gather3A_1117 : vector<16xf32>
        %add3A_1123 = arith.addf %add3A_1101, %mul3A_1122 : vector<16xf32>
        %mul3A_1124 = arith.mulf %gather3A_1113, %gather3A_1121 : vector<16xf32>
        %add3A_1125 = arith.addf %add3A_1103, %mul3A_1124 : vector<16xf32>
        %mul3A_1126 = arith.mulf %gather3A_1113, %gather3A_1113 : vector<16xf32>
        %add3A_1127 = arith.addf %add3A_1109, %mul3A_1126 : vector<16xf32>
        %mul3A_1128 = arith.mulf %gather3A_1117, %gather3A_1117 : vector<16xf32>
        %add3A_1129 = arith.addf %add3A_1127, %mul3A_1128 : vector<16xf32>
        %mul3A_1130 = arith.mulf %gather3A_1121, %gather3A_1121 : vector<16xf32>
        %add3A_1131 = arith.addf %add3A_1129, %mul3A_1130 : vector<16xf32>
        %add3A_1132 = arith.constant 5 : i32
        %add3A_1133 = vector.broadcast %add3A_1132 : i32 to vector<16xi32>
        %add3A_1134 = arith.addi %mul3A_996, %add3A_1133 : vector<16xi32>
        %gather3A_1135 = tpu.vector_load_idx %arg15[%add3A_985, %add3A_1134] : memref<128x128xf32, #tpu.memory_space<vmem>>[vector<16xi32>, vector<16xi32>], vector<16xf32>,
        %add3A_1136 = arith.constant 5 : i32
        %add3A_1137 = vector.broadcast %add3A_1136 : i32 to vector<16xi32>
        %add3A_1138 = arith.addi %mul3A_1007, %add3A_1137 : vector<16xi32>
        %gather3A_1139 = tpu.vector_load_idx %arg16[%add3A_985, %add3A_1138] : memref<128x128xf32, #tpu.memory_space<vmem>>[vector<16xi32>, vector<16xi32>], vector<16xf32>,
        %add3A_1140 = arith.constant 5 : i32
        %add3A_1141 = vector.broadcast %add3A_1140 : i32 to vector<16xi32>
        %add3A_1142 = arith.addi %mul3A_1018, %add3A_1141 : vector<16xi32>
        %gather3A_1143 = tpu.vector_load_idx %arg17[%add3A_985, %add3A_1142] : memref<128x128xf32, #tpu.memory_space<vmem>>[vector<16xi32>, vector<16xi32>], vector<16xf32>,
        %mul3A_1144 = arith.mulf %gather3A_1135, %gather3A_1139 : vector<16xf32>
        %add3A_1145 = arith.addf %add3A_1123, %mul3A_1144 : vector<16xf32>
        %mul3A_1146 = arith.mulf %gather3A_1135, %gather3A_1143 : vector<16xf32>
        %add3A_1147 = arith.addf %add3A_1125, %mul3A_1146 : vector<16xf32>
        %mul3A_1148 = arith.mulf %gather3A_1135, %gather3A_1135 : vector<16xf32>
        %add3A_1149 = arith.addf %add3A_1131, %mul3A_1148 : vector<16xf32>
        %mul3A_1150 = arith.mulf %gather3A_1139, %gather3A_1139 : vector<16xf32>
        %add3A_1151 = arith.addf %add3A_1149, %mul3A_1150 : vector<16xf32>
        %mul3A_1152 = arith.mulf %gather3A_1143, %gather3A_1143 : vector<16xf32>
        %add3A_1153 = arith.addf %add3A_1151, %mul3A_1152 : vector<16xf32>
        %add3A_1154 = arith.constant 6 : i32
        %add3A_1155 = vector.broadcast %add3A_1154 : i32 to vector<16xi32>
        %add3A_1156 = arith.addi %mul3A_996, %add3A_1155 : vector<16xi32>
        %gather3A_1157 = tpu.vector_load_idx %arg15[%add3A_985, %add3A_1156] : memref<128x128xf32, #tpu.memory_space<vmem>>[vector<16xi32>, vector<16xi32>], vector<16xf32>,
        %add3A_1158 = arith.constant 6 : i32
        %add3A_1159 = vector.broadcast %add3A_1158 : i32 to vector<16xi32>
        %add3A_1160 = arith.addi %mul3A_1007, %add3A_1159 : vector<16xi32>
        %gather3A_1161 = tpu.vector_load_idx %arg16[%add3A_985, %add3A_1160] : memref<128x128xf32, #tpu.memory_space<vmem>>[vector<16xi32>, vector<16xi32>], vector<16xf32>,
        %add3A_1162 = arith.constant 6 : i32
        %add3A_1163 = vector.broadcast %add3A_1162 : i32 to vector<16xi32>
        %add3A_1164 = arith.addi %mul3A_1018, %add3A_1163 : vector<16xi32>
        %gather3A_1165 = tpu.vector_load_idx %arg17[%add3A_985, %add3A_1164] : memref<128x128xf32, #tpu.memory_space<vmem>>[vector<16xi32>, vector<16xi32>], vector<16xf32>,
        %mul3A_1166 = arith.mulf %gather3A_1157, %gather3A_1161 : vector<16xf32>
        %add3A_1167 = arith.addf %add3A_1145, %mul3A_1166 : vector<16xf32>
        %mul3A_1168 = arith.mulf %gather3A_1157, %gather3A_1165 : vector<16xf32>
        %add3A_1169 = arith.addf %add3A_1147, %mul3A_1168 : vector<16xf32>
        %mul3A_1170 = arith.mulf %gather3A_1157, %gather3A_1157 : vector<16xf32>
        %add3A_1171 = arith.addf %add3A_1153, %mul3A_1170 : vector<16xf32>
        %mul3A_1172 = arith.mulf %gather3A_1161, %gather3A_1161 : vector<16xf32>
        %add3A_1173 = arith.addf %add3A_1171, %mul3A_1172 : vector<16xf32>
        %mul3A_1174 = arith.mulf %gather3A_1165, %gather3A_1165 : vector<16xf32>
        %add3A_1175 = arith.addf %add3A_1173, %mul3A_1174 : vector<16xf32>
        %add3A_1176 = arith.constant 7 : i32
        %add3A_1177 = vector.broadcast %add3A_1176 : i32 to vector<16xi32>
        %add3A_1178 = arith.addi %mul3A_996, %add3A_1177 : vector<16xi32>
        %gather3A_1179 = tpu.vector_load_idx %arg15[%add3A_985, %add3A_1178] : memref<128x128xf32, #tpu.memory_space<vmem>>[vector<16xi32>, vector<16xi32>], vector<16xf32>,
        %add3A_1180 = arith.constant 7 : i32
        %add3A_1181 = vector.broadcast %add3A_1180 : i32 to vector<16xi32>
        %add3A_1182 = arith.addi %mul3A_1007, %add3A_1181 : vector<16xi32>
        %gather3A_1183 = tpu.vector_load_idx %arg16[%add3A_985, %add3A_1182] : memref<128x128xf32, #tpu.memory_space<vmem>>[vector<16xi32>, vector<16xi32>], vector<16xf32>,
        %add3A_1184 = arith.constant 7 : i32
        %add3A_1185 = vector.broadcast %add3A_1184 : i32 to vector<16xi32>
        %add3A_1186 = arith.addi %mul3A_1018, %add3A_1185 : vector<16xi32>
        %gather3A_1187 = tpu.vector_load_idx %arg17[%add3A_985, %add3A_1186] : memref<128x128xf32, #tpu.memory_space<vmem>>[vector<16xi32>, vector<16xi32>], vector<16xf32>,
        %mul3A_1188 = arith.mulf %gather3A_1179, %gather3A_1183 : vector<16xf32>
        %add3A_1189 = arith.addf %add3A_1167, %mul3A_1188 : vector<16xf32>
        %mul3A_1190 = arith.mulf %gather3A_1179, %gather3A_1187 : vector<16xf32>
        %add3A_1191 = arith.addf %add3A_1169, %mul3A_1190 : vector<16xf32>
        %mul3A_1192 = arith.mulf %gather3A_1179, %gather3A_1179 : vector<16xf32>
        %add3A_1193 = arith.addf %add3A_1175, %mul3A_1192 : vector<16xf32>
        %mul3A_1194 = arith.mulf %gather3A_1183, %gather3A_1183 : vector<16xf32>
        %add3A_1195 = arith.addf %add3A_1193, %mul3A_1194 : vector<16xf32>
        %mul3A_1196 = arith.mulf %gather3A_1187, %gather3A_1187 : vector<16xf32>
        %add3A_1197 = arith.addf %add3A_1195, %mul3A_1196 : vector<16xf32>
        %add3A_1198 = arith.constant 8 : i32
        %add3A_1199 = vector.broadcast %add3A_1198 : i32 to vector<16xi32>
        %add3A_1200 = arith.addi %mul3A_996, %add3A_1199 : vector<16xi32>
        %gather3A_1201 = tpu.vector_load_idx %arg15[%add3A_985, %add3A_1200] : memref<128x128xf32, #tpu.memory_space<vmem>>[vector<16xi32>, vector<16xi32>], vector<16xf32>,
        %add3A_1202 = arith.constant 8 : i32
        %add3A_1203 = vector.broadcast %add3A_1202 : i32 to vector<16xi32>
        %add3A_1204 = arith.addi %mul3A_1007, %add3A_1203 : vector<16xi32>
        %gather3A_1205 = tpu.vector_load_idx %arg16[%add3A_985, %add3A_1204] : memref<128x128xf32, #tpu.memory_space<vmem>>[vector<16xi32>, vector<16xi32>], vector<16xf32>,
        %add3A_1206 = arith.constant 8 : i32
        %add3A_1207 = vector.broadcast %add3A_1206 : i32 to vector<16xi32>
        %add3A_1208 = arith.addi %mul3A_1018, %add3A_1207 : vector<16xi32>
        %gather3A_1209 = tpu.vector_load_idx %arg17[%add3A_985, %add3A_1208] : memref<128x128xf32, #tpu.memory_space<vmem>>[vector<16xi32>, vector<16xi32>], vector<16xf32>,
        %mul3A_1210 = arith.mulf %gather3A_1201, %gather3A_1205 : vector<16xf32>
        %add3A_1211 = arith.addf %add3A_1189, %mul3A_1210 : vector<16xf32>
        %mul3A_1212 = arith.mulf %gather3A_1201, %gather3A_1209 : vector<16xf32>
        %add3A_1213 = arith.addf %add3A_1191, %mul3A_1212 : vector<16xf32>
        %mul3A_1214 = arith.mulf %gather3A_1201, %gather3A_1201 : vector<16xf32>
        %add3A_1215 = arith.addf %add3A_1197, %mul3A_1214 : vector<16xf32>
        %mul3A_1216 = arith.mulf %gather3A_1205, %gather3A_1205 : vector<16xf32>
        %add3A_1217 = arith.addf %add3A_1215, %mul3A_1216 : vector<16xf32>
        %mul3A_1218 = arith.mulf %gather3A_1209, %gather3A_1209 : vector<16xf32>
        %add3A_1219 = arith.addf %add3A_1217, %mul3A_1218 : vector<16xf32>
        %add3A_1220 = arith.constant 9 : i32
        %add3A_1221 = vector.broadcast %add3A_1220 : i32 to vector<16xi32>
        %add3A_1222 = arith.addi %mul3A_996, %add3A_1221 : vector<16xi32>
        %gather3A_1223 = tpu.vector_load_idx %arg15[%add3A_985, %add3A_1222] : memref<128x128xf32, #tpu.memory_space<vmem>>[vector<16xi32>, vector<16xi32>], vector<16xf32>,
        %add3A_1224 = arith.constant 9 : i32
        %add3A_1225 = vector.broadcast %add3A_1224 : i32 to vector<16xi32>
        %add3A_1226 = arith.addi %mul3A_1007, %add3A_1225 : vector<16xi32>
        %gather3A_1227 = tpu.vector_load_idx %arg16[%add3A_985, %add3A_1226] : memref<128x128xf32, #tpu.memory_space<vmem>>[vector<16xi32>, vector<16xi32>], vector<16xf32>,
        %add3A_1228 = arith.constant 9 : i32
        %add3A_1229 = vector.broadcast %add3A_1228 : i32 to vector<16xi32>
        %add3A_1230 = arith.addi %mul3A_1018, %add3A_1229 : vector<16xi32>
        %gather3A_1231 = tpu.vector_load_idx %arg17[%add3A_985, %add3A_1230] : memref<128x128xf32, #tpu.memory_space<vmem>>[vector<16xi32>, vector<16xi32>], vector<16xf32>,
        %mul3A_1232 = arith.mulf %gather3A_1223, %gather3A_1227 : vector<16xf32>
        %add3A_1233 = arith.addf %add3A_1211, %mul3A_1232 : vector<16xf32>
        %mul3A_1234 = arith.mulf %gather3A_1223, %gather3A_1231 : vector<16xf32>
        %add3A_1235 = arith.addf %add3A_1213, %mul3A_1234 : vector<16xf32>
        %mul3A_1236 = arith.mulf %gather3A_1223, %gather3A_1223 : vector<16xf32>
        %add3A_1237 = arith.addf %add3A_1219, %mul3A_1236 : vector<16xf32>
        %mul3A_1238 = arith.mulf %gather3A_1227, %gather3A_1227 : vector<16xf32>
        %add3A_1239 = arith.addf %add3A_1237, %mul3A_1238 : vector<16xf32>
        %mul3A_1240 = arith.mulf %gather3A_1231, %gather3A_1231 : vector<16xf32>
        %add3A_1241 = arith.addf %add3A_1239, %mul3A_1240 : vector<16xf32>
        %add3A_1242 = arith.constant 10 : i32
        %add3A_1243 = vector.broadcast %add3A_1242 : i32 to vector<16xi32>
        %add3A_1244 = arith.addi %mul3A_996, %add3A_1243 : vector<16xi32>
        %gather3A_1245 = tpu.vector_load_idx %arg15[%add3A_985, %add3A_1244] : memref<128x128xf32, #tpu.memory_space<vmem>>[vector<16xi32>, vector<16xi32>], vector<16xf32>,
        %add3A_1246 = arith.constant 10 : i32
        %add3A_1247 = vector.broadcast %add3A_1246 : i32 to vector<16xi32>
        %add3A_1248 = arith.addi %mul3A_1007, %add3A_1247 : vector<16xi32>
        %gather3A_1249 = tpu.vector_load_idx %arg16[%add3A_985, %add3A_1248] : memref<128x128xf32, #tpu.memory_space<vmem>>[vector<16xi32>, vector<16xi32>], vector<16xf32>,
        %add3A_1250 = arith.constant 10 : i32
        %add3A_1251 = vector.broadcast %add3A_1250 : i32 to vector<16xi32>
        %add3A_1252 = arith.addi %mul3A_1018, %add3A_1251 : vector<16xi32>
        %gather3A_1253 = tpu.vector_load_idx %arg17[%add3A_985, %add3A_1252] : memref<128x128xf32, #tpu.memory_space<vmem>>[vector<16xi32>, vector<16xi32>], vector<16xf32>,
        %mul3A_1254 = arith.mulf %gather3A_1245, %gather3A_1249 : vector<16xf32>
        %add3A_1255 = arith.addf %add3A_1233, %mul3A_1254 : vector<16xf32>
        %mul3A_1256 = arith.mulf %gather3A_1245, %gather3A_1253 : vector<16xf32>
        %add3A_1257 = arith.addf %add3A_1235, %mul3A_1256 : vector<16xf32>
        %mul3A_1258 = arith.mulf %gather3A_1245, %gather3A_1245 : vector<16xf32>
        %add3A_1259 = arith.addf %add3A_1241, %mul3A_1258 : vector<16xf32>
        %mul3A_1260 = arith.mulf %gather3A_1249, %gather3A_1249 : vector<16xf32>
        %add3A_1261 = arith.addf %add3A_1259, %mul3A_1260 : vector<16xf32>
        %mul3A_1262 = arith.mulf %gather3A_1253, %gather3A_1253 : vector<16xf32>
        %add3A_1263 = arith.addf %add3A_1261, %mul3A_1262 : vector<16xf32>
        %add3A_1264 = arith.constant 11 : i32
        %add3A_1265 = vector.broadcast %add3A_1264 : i32 to vector<16xi32>
        %add3A_1266 = arith.addi %mul3A_996, %add3A_1265 : vector<16xi32>
        %gather3A_1267 = tpu.vector_load_idx %arg15[%add3A_985, %add3A_1266] : memref<128x128xf32, #tpu.memory_space<vmem>>[vector<16xi32>, vector<16xi32>], vector<16xf32>,
        %add3A_1268 = arith.constant 11 : i32
        %add3A_1269 = vector.broadcast %add3A_1268 : i32 to vector<16xi32>
        %add3A_1270 = arith.addi %mul3A_1007, %add3A_1269 : vector<16xi32>
        %gather3A_1271 = tpu.vector_load_idx %arg16[%add3A_985, %add3A_1270] : memref<128x128xf32, #tpu.memory_space<vmem>>[vector<16xi32>, vector<16xi32>], vector<16xf32>,
        %add3A_1272 = arith.constant 11 : i32
        %add3A_1273 = vector.broadcast %add3A_1272 : i32 to vector<16xi32>
        %add3A_1274 = arith.addi %mul3A_1018, %add3A_1273 : vector<16xi32>
        %gather3A_1275 = tpu.vector_load_idx %arg17[%add3A_985, %add3A_1274] : memref<128x128xf32, #tpu.memory_space<vmem>>[vector<16xi32>, vector<16xi32>], vector<16xf32>,
        %mul3A_1276 = arith.mulf %gather3A_1267, %gather3A_1271 : vector<16xf32>
        %add3A_1277 = arith.addf %add3A_1255, %mul3A_1276 : vector<16xf32>
        %mul3A_1278 = arith.mulf %gather3A_1267, %gather3A_1275 : vector<16xf32>
        %add3A_1279 = arith.addf %add3A_1257, %mul3A_1278 : vector<16xf32>
        %mul3A_1280 = arith.mulf %gather3A_1267, %gather3A_1267 : vector<16xf32>
        %add3A_1281 = arith.addf %add3A_1263, %mul3A_1280 : vector<16xf32>
        %mul3A_1282 = arith.mulf %gather3A_1271, %gather3A_1271 : vector<16xf32>
        %add3A_1283 = arith.addf %add3A_1281, %mul3A_1282 : vector<16xf32>
        %mul3A_1284 = arith.mulf %gather3A_1275, %gather3A_1275 : vector<16xf32>
        %add3A_1285 = arith.addf %add3A_1283, %mul3A_1284 : vector<16xf32>
        %add3A_1286 = arith.constant 12 : i32
        %add3A_1287 = vector.broadcast %add3A_1286 : i32 to vector<16xi32>
        %add3A_1288 = arith.addi %mul3A_996, %add3A_1287 : vector<16xi32>
        %gather3A_1289 = tpu.vector_load_idx %arg15[%add3A_985, %add3A_1288] : memref<128x128xf32, #tpu.memory_space<vmem>>[vector<16xi32>, vector<16xi32>], vector<16xf32>,
        %add3A_1290 = arith.constant 12 : i32
        %add3A_1291 = vector.broadcast %add3A_1290 : i32 to vector<16xi32>
        %add3A_1292 = arith.addi %mul3A_1007, %add3A_1291 : vector<16xi32>
        %gather3A_1293 = tpu.vector_load_idx %arg16[%add3A_985, %add3A_1292] : memref<128x128xf32, #tpu.memory_space<vmem>>[vector<16xi32>, vector<16xi32>], vector<16xf32>,
        %add3A_1294 = arith.constant 12 : i32
        %add3A_1295 = vector.broadcast %add3A_1294 : i32 to vector<16xi32>
        %add3A_1296 = arith.addi %mul3A_1018, %add3A_1295 : vector<16xi32>
        %gather3A_1297 = tpu.vector_load_idx %arg17[%add3A_985, %add3A_1296] : memref<128x128xf32, #tpu.memory_space<vmem>>[vector<16xi32>, vector<16xi32>], vector<16xf32>,
        %mul3A_1298 = arith.mulf %gather3A_1289, %gather3A_1293 : vector<16xf32>
        %add3A_1299 = arith.addf %add3A_1277, %mul3A_1298 : vector<16xf32>
        %mul3A_1300 = arith.mulf %gather3A_1289, %gather3A_1297 : vector<16xf32>
        %add3A_1301 = arith.addf %add3A_1279, %mul3A_1300 : vector<16xf32>
        %mul3A_1302 = arith.mulf %gather3A_1289, %gather3A_1289 : vector<16xf32>
        %add3A_1303 = arith.addf %add3A_1285, %mul3A_1302 : vector<16xf32>
        %mul3A_1304 = arith.mulf %gather3A_1293, %gather3A_1293 : vector<16xf32>
        %add3A_1305 = arith.addf %add3A_1303, %mul3A_1304 : vector<16xf32>
        %mul3A_1306 = arith.mulf %gather3A_1297, %gather3A_1297 : vector<16xf32>
        %add3A_1307 = arith.addf %add3A_1305, %mul3A_1306 : vector<16xf32>
        %add3A_1308 = arith.constant 13 : i32
        %add3A_1309 = vector.broadcast %add3A_1308 : i32 to vector<16xi32>
        %add3A_1310 = arith.addi %mul3A_996, %add3A_1309 : vector<16xi32>
        %gather3A_1311 = tpu.vector_load_idx %arg15[%add3A_985, %add3A_1310] : memref<128x128xf32, #tpu.memory_space<vmem>>[vector<16xi32>, vector<16xi32>], vector<16xf32>,
        %add3A_1312 = arith.constant 13 : i32
        %add3A_1313 = vector.broadcast %add3A_1312 : i32 to vector<16xi32>
        %add3A_1314 = arith.addi %mul3A_1007, %add3A_1313 : vector<16xi32>
        %gather3A_1315 = tpu.vector_load_idx %arg16[%add3A_985, %add3A_1314] : memref<128x128xf32, #tpu.memory_space<vmem>>[vector<16xi32>, vector<16xi32>], vector<16xf32>,
        %add3A_1316 = arith.constant 13 : i32
        %add3A_1317 = vector.broadcast %add3A_1316 : i32 to vector<16xi32>
        %add3A_1318 = arith.addi %mul3A_1018, %add3A_1317 : vector<16xi32>
        %gather3A_1319 = tpu.vector_load_idx %arg17[%add3A_985, %add3A_1318] : memref<128x128xf32, #tpu.memory_space<vmem>>[vector<16xi32>, vector<16xi32>], vector<16xf32>,
        %mul3A_1320 = arith.mulf %gather3A_1311, %gather3A_1315 : vector<16xf32>
        %add3A_1321 = arith.addf %add3A_1299, %mul3A_1320 : vector<16xf32>
        %mul3A_1322 = arith.mulf %gather3A_1311, %gather3A_1319 : vector<16xf32>
        %add3A_1323 = arith.addf %add3A_1301, %mul3A_1322 : vector<16xf32>
        %mul3A_1324 = arith.mulf %gather3A_1311, %gather3A_1311 : vector<16xf32>
        %add3A_1325 = arith.addf %add3A_1307, %mul3A_1324 : vector<16xf32>
        %mul3A_1326 = arith.mulf %gather3A_1315, %gather3A_1315 : vector<16xf32>
        %add3A_1327 = arith.addf %add3A_1325, %mul3A_1326 : vector<16xf32>
        %mul3A_1328 = arith.mulf %gather3A_1319, %gather3A_1319 : vector<16xf32>
        %add3A_1329 = arith.addf %add3A_1327, %mul3A_1328 : vector<16xf32>
        %add3A_1330 = arith.constant 14 : i32
        %add3A_1331 = vector.broadcast %add3A_1330 : i32 to vector<16xi32>
        %add3A_1332 = arith.addi %mul3A_996, %add3A_1331 : vector<16xi32>
        %gather3A_1333 = tpu.vector_load_idx %arg15[%add3A_985, %add3A_1332] : memref<128x128xf32, #tpu.memory_space<vmem>>[vector<16xi32>, vector<16xi32>], vector<16xf32>,
        %add3A_1334 = arith.constant 14 : i32
        %add3A_1335 = vector.broadcast %add3A_1334 : i32 to vector<16xi32>
        %add3A_1336 = arith.addi %mul3A_1007, %add3A_1335 : vector<16xi32>
        %gather3A_1337 = tpu.vector_load_idx %arg16[%add3A_985, %add3A_1336] : memref<128x128xf32, #tpu.memory_space<vmem>>[vector<16xi32>, vector<16xi32>], vector<16xf32>,
        %add3A_1338 = arith.constant 14 : i32
        %add3A_1339 = vector.broadcast %add3A_1338 : i32 to vector<16xi32>
        %add3A_1340 = arith.addi %mul3A_1018, %add3A_1339 : vector<16xi32>
        %gather3A_1341 = tpu.vector_load_idx %arg17[%add3A_985, %add3A_1340] : memref<128x128xf32, #tpu.memory_space<vmem>>[vector<16xi32>, vector<16xi32>], vector<16xf32>,
        %mul3A_1342 = arith.mulf %gather3A_1333, %gather3A_1337 : vector<16xf32>
        %add3A_1343 = arith.addf %add3A_1321, %mul3A_1342 : vector<16xf32>
        %mul3A_1344 = arith.mulf %gather3A_1333, %gather3A_1341 : vector<16xf32>
        %add3A_1345 = arith.addf %add3A_1323, %mul3A_1344 : vector<16xf32>
        %mul3A_1346 = arith.mulf %gather3A_1333, %gather3A_1333 : vector<16xf32>
        %add3A_1347 = arith.addf %add3A_1329, %mul3A_1346 : vector<16xf32>
        %mul3A_1348 = arith.mulf %gather3A_1337, %gather3A_1337 : vector<16xf32>
        %add3A_1349 = arith.addf %add3A_1347, %mul3A_1348 : vector<16xf32>
        %mul3A_1350 = arith.mulf %gather3A_1341, %gather3A_1341 : vector<16xf32>
        %add3A_1351 = arith.addf %add3A_1349, %mul3A_1350 : vector<16xf32>
        %add3A_1352 = arith.constant 15 : i32
        %add3A_1353 = vector.broadcast %add3A_1352 : i32 to vector<16xi32>
        %add3A_1354 = arith.addi %mul3A_996, %add3A_1353 : vector<16xi32>
        %gather3A_1355 = tpu.vector_load_idx %arg15[%add3A_985, %add3A_1354] : memref<128x128xf32, #tpu.memory_space<vmem>>[vector<16xi32>, vector<16xi32>], vector<16xf32>,
        %add3A_1356 = arith.constant 15 : i32
        %add3A_1357 = vector.broadcast %add3A_1356 : i32 to vector<16xi32>
        %add3A_1358 = arith.addi %mul3A_1007, %add3A_1357 : vector<16xi32>
        %gather3A_1359 = tpu.vector_load_idx %arg16[%add3A_985, %add3A_1358] : memref<128x128xf32, #tpu.memory_space<vmem>>[vector<16xi32>, vector<16xi32>], vector<16xf32>,
        %add3A_1360 = arith.constant 15 : i32
        %add3A_1361 = vector.broadcast %add3A_1360 : i32 to vector<16xi32>
        %add3A_1362 = arith.addi %mul3A_1018, %add3A_1361 : vector<16xi32>
        %gather3A_1363 = tpu.vector_load_idx %arg17[%add3A_985, %add3A_1362] : memref<128x128xf32, #tpu.memory_space<vmem>>[vector<16xi32>, vector<16xi32>], vector<16xf32>,
        %mul3A_1364 = arith.mulf %gather3A_1355, %gather3A_1359 : vector<16xf32>
        %add3A_1365 = arith.addf %add3A_1343, %mul3A_1364 : vector<16xf32>
        %mul3A_1366 = arith.mulf %gather3A_1355, %gather3A_1363 : vector<16xf32>
        %add3A_1367 = arith.addf %add3A_1345, %mul3A_1366 : vector<16xf32>
        %mul3A_1368 = arith.mulf %gather3A_1355, %gather3A_1355 : vector<16xf32>
        %add3A_1369 = arith.addf %add3A_1351, %mul3A_1368 : vector<16xf32>
        %mul3A_1370 = arith.mulf %gather3A_1359, %gather3A_1359 : vector<16xf32>
        %add3A_1371 = arith.addf %add3A_1369, %mul3A_1370 : vector<16xf32>
        %mul3A_1372 = arith.mulf %gather3A_1363, %gather3A_1363 : vector<16xf32>
        %add3A_1373 = arith.addf %add3A_1371, %mul3A_1372 : vector<16xf32>
        %add3A_1374 = arith.constant 16 : i32
        %add3A_1375 = vector.broadcast %add3A_1374 : i32 to vector<16xi32>
        %add3A_1376 = arith.addi %mul3A_996, %add3A_1375 : vector<16xi32>
        %gather3A_1377 = tpu.vector_load_idx %arg15[%add3A_985, %add3A_1376] : memref<128x128xf32, #tpu.memory_space<vmem>>[vector<16xi32>, vector<16xi32>], vector<16xf32>,
        %add3A_1378 = arith.constant 16 : i32
        %add3A_1379 = vector.broadcast %add3A_1378 : i32 to vector<16xi32>
        %add3A_1380 = arith.addi %mul3A_1007, %add3A_1379 : vector<16xi32>
        %gather3A_1381 = tpu.vector_load_idx %arg16[%add3A_985, %add3A_1380] : memref<128x128xf32, #tpu.memory_space<vmem>>[vector<16xi32>, vector<16xi32>], vector<16xf32>,
        %add3A_1382 = arith.constant 16 : i32
        %add3A_1383 = vector.broadcast %add3A_1382 : i32 to vector<16xi32>
        %add3A_1384 = arith.addi %mul3A_1018, %add3A_1383 : vector<16xi32>
        %gather3A_1385 = tpu.vector_load_idx %arg17[%add3A_985, %add3A_1384] : memref<128x128xf32, #tpu.memory_space<vmem>>[vector<16xi32>, vector<16xi32>], vector<16xf32>,
        %mul3A_1386 = arith.mulf %gather3A_1377, %gather3A_1381 : vector<16xf32>
        %add3A_1387 = arith.addf %add3A_1365, %mul3A_1386 : vector<16xf32>
        %mul3A_1388 = arith.mulf %gather3A_1377, %gather3A_1385 : vector<16xf32>
        %add3A_1389 = arith.addf %add3A_1367, %mul3A_1388 : vector<16xf32>
        %mul3A_1390 = arith.mulf %gather3A_1377, %gather3A_1377 : vector<16xf32>
        %add3A_1391 = arith.addf %add3A_1373, %mul3A_1390 : vector<16xf32>
        %mul3A_1392 = arith.mulf %gather3A_1381, %gather3A_1381 : vector<16xf32>
        %add3A_1393 = arith.addf %add3A_1391, %mul3A_1392 : vector<16xf32>
        %mul3A_1394 = arith.mulf %gather3A_1385, %gather3A_1385 : vector<16xf32>
        %add3A_1395 = arith.addf %add3A_1393, %mul3A_1394 : vector<16xf32>
        %add3A_1396 = arith.constant 17 : i32
        %add3A_1397 = vector.broadcast %add3A_1396 : i32 to vector<16xi32>
        %add3A_1398 = arith.addi %mul3A_996, %add3A_1397 : vector<16xi32>
        %gather3A_1399 = tpu.vector_load_idx %arg15[%add3A_985, %add3A_1398] : memref<128x128xf32, #tpu.memory_space<vmem>>[vector<16xi32>, vector<16xi32>], vector<16xf32>,
        %add3A_1400 = arith.constant 17 : i32
        %add3A_1401 = vector.broadcast %add3A_1400 : i32 to vector<16xi32>
        %add3A_1402 = arith.addi %mul3A_1007, %add3A_1401 : vector<16xi32>
        %gather3A_1403 = tpu.vector_load_idx %arg16[%add3A_985, %add3A_1402] : memref<128x128xf32, #tpu.memory_space<vmem>>[vector<16xi32>, vector<16xi32>], vector<16xf32>,
        %add3A_1404 = arith.constant 17 : i32
        %add3A_1405 = vector.broadcast %add3A_1404 : i32 to vector<16xi32>
        %add3A_1406 = arith.addi %mul3A_1018, %add3A_1405 : vector<16xi32>
        %gather3A_1407 = tpu.vector_load_idx %arg17[%add3A_985, %add3A_1406] : memref<128x128xf32, #tpu.memory_space<vmem>>[vector<16xi32>, vector<16xi32>], vector<16xf32>,
        %mul3A_1408 = arith.mulf %gather3A_1399, %gather3A_1403 : vector<16xf32>
        %add3A_1409 = arith.addf %add3A_1387, %mul3A_1408 : vector<16xf32>
        %mul3A_1410 = arith.mulf %gather3A_1399, %gather3A_1407 : vector<16xf32>
        %add3A_1411 = arith.addf %add3A_1389, %mul3A_1410 : vector<16xf32>
        %mul3A_1412 = arith.mulf %gather3A_1399, %gather3A_1399 : vector<16xf32>
        %add3A_1413 = arith.addf %add3A_1395, %mul3A_1412 : vector<16xf32>
        %mul3A_1414 = arith.mulf %gather3A_1403, %gather3A_1403 : vector<16xf32>
        %add3A_1415 = arith.addf %add3A_1413, %mul3A_1414 : vector<16xf32>
        %mul3A_1416 = arith.mulf %gather3A_1407, %gather3A_1407 : vector<16xf32>
        %add3A_1417 = arith.addf %add3A_1415, %mul3A_1416 : vector<16xf32>
        %add3A_1418 = arith.constant 18 : i32
        %add3A_1419 = vector.broadcast %add3A_1418 : i32 to vector<16xi32>
        %add3A_1420 = arith.addi %mul3A_996, %add3A_1419 : vector<16xi32>
        %gather3A_1421 = tpu.vector_load_idx %arg15[%add3A_985, %add3A_1420] : memref<128x128xf32, #tpu.memory_space<vmem>>[vector<16xi32>, vector<16xi32>], vector<16xf32>,
        %add3A_1422 = arith.constant 18 : i32
        %add3A_1423 = vector.broadcast %add3A_1422 : i32 to vector<16xi32>
        %add3A_1424 = arith.addi %mul3A_1007, %add3A_1423 : vector<16xi32>
        %gather3A_1425 = tpu.vector_load_idx %arg16[%add3A_985, %add3A_1424] : memref<128x128xf32, #tpu.memory_space<vmem>>[vector<16xi32>, vector<16xi32>], vector<16xf32>,
        %add3A_1426 = arith.constant 18 : i32
        %add3A_1427 = vector.broadcast %add3A_1426 : i32 to vector<16xi32>
        %add3A_1428 = arith.addi %mul3A_1018, %add3A_1427 : vector<16xi32>
        %gather3A_1429 = tpu.vector_load_idx %arg17[%add3A_985, %add3A_1428] : memref<128x128xf32, #tpu.memory_space<vmem>>[vector<16xi32>, vector<16xi32>], vector<16xf32>,
        %mul3A_1430 = arith.mulf %gather3A_1421, %gather3A_1425 : vector<16xf32>
        %add3A_1431 = arith.addf %add3A_1409, %mul3A_1430 : vector<16xf32>
        %mul3A_1432 = arith.mulf %gather3A_1421, %gather3A_1429 : vector<16xf32>
        %add3A_1433 = arith.addf %add3A_1411, %mul3A_1432 : vector<16xf32>
        %mul3A_1434 = arith.mulf %gather3A_1421, %gather3A_1421 : vector<16xf32>
        %add3A_1435 = arith.addf %add3A_1417, %mul3A_1434 : vector<16xf32>
        %mul3A_1436 = arith.mulf %gather3A_1425, %gather3A_1425 : vector<16xf32>
        %add3A_1437 = arith.addf %add3A_1435, %mul3A_1436 : vector<16xf32>
        %mul3A_1438 = arith.mulf %gather3A_1429, %gather3A_1429 : vector<16xf32>
        %add3A_1439 = arith.addf %add3A_1437, %mul3A_1438 : vector<16xf32>
        %add3A_1440 = arith.constant 19 : i32
        %add3A_1441 = vector.broadcast %add3A_1440 : i32 to vector<16xi32>
        %add3A_1442 = arith.addi %mul3A_996, %add3A_1441 : vector<16xi32>
        %gather3A_1443 = tpu.vector_load_idx %arg15[%add3A_985, %add3A_1442] : memref<128x128xf32, #tpu.memory_space<vmem>>[vector<16xi32>, vector<16xi32>], vector<16xf32>,
        %add3A_1444 = arith.constant 19 : i32
        %add3A_1445 = vector.broadcast %add3A_1444 : i32 to vector<16xi32>
        %add3A_1446 = arith.addi %mul3A_1007, %add3A_1445 : vector<16xi32>
        %gather3A_1447 = tpu.vector_load_idx %arg16[%add3A_985, %add3A_1446] : memref<128x128xf32, #tpu.memory_space<vmem>>[vector<16xi32>, vector<16xi32>], vector<16xf32>,
        %add3A_1448 = arith.constant 19 : i32
        %add3A_1449 = vector.broadcast %add3A_1448 : i32 to vector<16xi32>
        %add3A_1450 = arith.addi %mul3A_1018, %add3A_1449 : vector<16xi32>
        %gather3A_1451 = tpu.vector_load_idx %arg17[%add3A_985, %add3A_1450] : memref<128x128xf32, #tpu.memory_space<vmem>>[vector<16xi32>, vector<16xi32>], vector<16xf32>,
        %mul3A_1452 = arith.mulf %gather3A_1443, %gather3A_1447 : vector<16xf32>
        %add3A_1453 = arith.addf %add3A_1431, %mul3A_1452 : vector<16xf32>
        %mul3A_1454 = arith.mulf %gather3A_1443, %gather3A_1451 : vector<16xf32>
        %add3A_1455 = arith.addf %add3A_1433, %mul3A_1454 : vector<16xf32>
        %mul3A_1456 = arith.mulf %gather3A_1443, %gather3A_1443 : vector<16xf32>
        %add3A_1457 = arith.addf %add3A_1439, %mul3A_1456 : vector<16xf32>
        %mul3A_1458 = arith.mulf %gather3A_1447, %gather3A_1447 : vector<16xf32>
        %add3A_1459 = arith.addf %add3A_1457, %mul3A_1458 : vector<16xf32>
        %mul3A_1460 = arith.mulf %gather3A_1451, %gather3A_1451 : vector<16xf32>
        %add3A_1461 = arith.addf %add3A_1459, %mul3A_1460 : vector<16xf32>
        %add3A_1462 = arith.constant 20 : i32
        %add3A_1463 = vector.broadcast %add3A_1462 : i32 to vector<16xi32>
        %add3A_1464 = arith.addi %mul3A_996, %add3A_1463 : vector<16xi32>
        %gather3A_1465 = tpu.vector_load_idx %arg15[%add3A_985, %add3A_1464] : memref<128x128xf32, #tpu.memory_space<vmem>>[vector<16xi32>, vector<16xi32>], vector<16xf32>,
        %add3A_1466 = arith.constant 20 : i32
        %add3A_1467 = vector.broadcast %add3A_1466 : i32 to vector<16xi32>
        %add3A_1468 = arith.addi %mul3A_1007, %add3A_1467 : vector<16xi32>
        %gather3A_1469 = tpu.vector_load_idx %arg16[%add3A_985, %add3A_1468] : memref<128x128xf32, #tpu.memory_space<vmem>>[vector<16xi32>, vector<16xi32>], vector<16xf32>,
        %add3A_1470 = arith.constant 20 : i32
        %add3A_1471 = vector.broadcast %add3A_1470 : i32 to vector<16xi32>
        %add3A_1472 = arith.addi %mul3A_1018, %add3A_1471 : vector<16xi32>
        %gather3A_1473 = tpu.vector_load_idx %arg17[%add3A_985, %add3A_1472] : memref<128x128xf32, #tpu.memory_space<vmem>>[vector<16xi32>, vector<16xi32>], vector<16xf32>,
        %mul3A_1474 = arith.mulf %gather3A_1465, %gather3A_1469 : vector<16xf32>
        %add3A_1475 = arith.addf %add3A_1453, %mul3A_1474 : vector<16xf32>
        %mul3A_1476 = arith.mulf %gather3A_1465, %gather3A_1473 : vector<16xf32>
        %add3A_1477 = arith.addf %add3A_1455, %mul3A_1476 : vector<16xf32>
        %mul3A_1478 = arith.mulf %gather3A_1465, %gather3A_1465 : vector<16xf32>
        %add3A_1479 = arith.addf %add3A_1461, %mul3A_1478 : vector<16xf32>
        %mul3A_1480 = arith.mulf %gather3A_1469, %gather3A_1469 : vector<16xf32>
        %add3A_1481 = arith.addf %add3A_1479, %mul3A_1480 : vector<16xf32>
        %mul3A_1482 = arith.mulf %gather3A_1473, %gather3A_1473 : vector<16xf32>
        %add3A_1483 = arith.addf %add3A_1481, %mul3A_1482 : vector<16xf32>
        %add3A_1484 = arith.constant 21 : i32
        %add3A_1485 = vector.broadcast %add3A_1484 : i32 to vector<16xi32>
        %add3A_1486 = arith.addi %mul3A_996, %add3A_1485 : vector<16xi32>
        %gather3A_1487 = tpu.vector_load_idx %arg15[%add3A_985, %add3A_1486] : memref<128x128xf32, #tpu.memory_space<vmem>>[vector<16xi32>, vector<16xi32>], vector<16xf32>,
        %add3A_1488 = arith.constant 21 : i32
        %add3A_1489 = vector.broadcast %add3A_1488 : i32 to vector<16xi32>
        %add3A_1490 = arith.addi %mul3A_1007, %add3A_1489 : vector<16xi32>
        %gather3A_1491 = tpu.vector_load_idx %arg16[%add3A_985, %add3A_1490] : memref<128x128xf32, #tpu.memory_space<vmem>>[vector<16xi32>, vector<16xi32>], vector<16xf32>,
        %add3A_1492 = arith.constant 21 : i32
        %add3A_1493 = vector.broadcast %add3A_1492 : i32 to vector<16xi32>
        %add3A_1494 = arith.addi %mul3A_1018, %add3A_1493 : vector<16xi32>
        %gather3A_1495 = tpu.vector_load_idx %arg17[%add3A_985, %add3A_1494] : memref<128x128xf32, #tpu.memory_space<vmem>>[vector<16xi32>, vector<16xi32>], vector<16xf32>,
        %mul3A_1496 = arith.mulf %gather3A_1487, %gather3A_1491 : vector<16xf32>
        %add3A_1497 = arith.addf %add3A_1475, %mul3A_1496 : vector<16xf32>
        %mul3A_1498 = arith.mulf %gather3A_1487, %gather3A_1495 : vector<16xf32>
        %add3A_1499 = arith.addf %add3A_1477, %mul3A_1498 : vector<16xf32>
        %mul3A_1500 = arith.mulf %gather3A_1487, %gather3A_1487 : vector<16xf32>
        %add3A_1501 = arith.addf %add3A_1483, %mul3A_1500 : vector<16xf32>
        %mul3A_1502 = arith.mulf %gather3A_1491, %gather3A_1491 : vector<16xf32>
        %add3A_1503 = arith.addf %add3A_1501, %mul3A_1502 : vector<16xf32>
        %mul3A_1504 = arith.mulf %gather3A_1495, %gather3A_1495 : vector<16xf32>
        %add3A_1505 = arith.addf %add3A_1503, %mul3A_1504 : vector<16xf32>
        %add3A_1506 = arith.constant 22 : i32
        %add3A_1507 = vector.broadcast %add3A_1506 : i32 to vector<16xi32>
        %add3A_1508 = arith.addi %mul3A_996, %add3A_1507 : vector<16xi32>
        %gather3A_1509 = tpu.vector_load_idx %arg15[%add3A_985, %add3A_1508] : memref<128x128xf32, #tpu.memory_space<vmem>>[vector<16xi32>, vector<16xi32>], vector<16xf32>,
        %add3A_1510 = arith.constant 22 : i32
        %add3A_1511 = vector.broadcast %add3A_1510 : i32 to vector<16xi32>
        %add3A_1512 = arith.addi %mul3A_1007, %add3A_1511 : vector<16xi32>
        %gather3A_1513 = tpu.vector_load_idx %arg16[%add3A_985, %add3A_1512] : memref<128x128xf32, #tpu.memory_space<vmem>>[vector<16xi32>, vector<16xi32>], vector<16xf32>,
        %add3A_1514 = arith.constant 22 : i32
        %add3A_1515 = vector.broadcast %add3A_1514 : i32 to vector<16xi32>
        %add3A_1516 = arith.addi %mul3A_1018, %add3A_1515 : vector<16xi32>
        %gather3A_1517 = tpu.vector_load_idx %arg17[%add3A_985, %add3A_1516] : memref<128x128xf32, #tpu.memory_space<vmem>>[vector<16xi32>, vector<16xi32>], vector<16xf32>,
        %mul3A_1518 = arith.mulf %gather3A_1509, %gather3A_1513 : vector<16xf32>
        %add3A_1519 = arith.addf %add3A_1497, %mul3A_1518 : vector<16xf32>
        %mul3A_1520 = arith.mulf %gather3A_1509, %gather3A_1517 : vector<16xf32>
        %add3A_1521 = arith.addf %add3A_1499, %mul3A_1520 : vector<16xf32>
        %mul3A_1522 = arith.mulf %gather3A_1509, %gather3A_1509 : vector<16xf32>
        %add3A_1523 = arith.addf %add3A_1505, %mul3A_1522 : vector<16xf32>
        %mul3A_1524 = arith.mulf %gather3A_1513, %gather3A_1513 : vector<16xf32>
        %add3A_1525 = arith.addf %add3A_1523, %mul3A_1524 : vector<16xf32>
        %mul3A_1526 = arith.mulf %gather3A_1517, %gather3A_1517 : vector<16xf32>
        %add3A_1527 = arith.addf %add3A_1525, %mul3A_1526 : vector<16xf32>
        %add3A_1528 = arith.constant 23 : i32
        %add3A_1529 = vector.broadcast %add3A_1528 : i32 to vector<16xi32>
        %add3A_1530 = arith.addi %mul3A_996, %add3A_1529 : vector<16xi32>
        %gather3A_1531 = tpu.vector_load_idx %arg15[%add3A_985, %add3A_1530] : memref<128x128xf32, #tpu.memory_space<vmem>>[vector<16xi32>, vector<16xi32>], vector<16xf32>,
        %add3A_1532 = arith.constant 23 : i32
        %add3A_1533 = vector.broadcast %add3A_1532 : i32 to vector<16xi32>
        %add3A_1534 = arith.addi %mul3A_1007, %add3A_1533 : vector<16xi32>
        %gather3A_1535 = tpu.vector_load_idx %arg16[%add3A_985, %add3A_1534] : memref<128x128xf32, #tpu.memory_space<vmem>>[vector<16xi32>, vector<16xi32>], vector<16xf32>,
        %add3A_1536 = arith.constant 23 : i32
        %add3A_1537 = vector.broadcast %add3A_1536 : i32 to vector<16xi32>
        %add3A_1538 = arith.addi %mul3A_1018, %add3A_1537 : vector<16xi32>
        %gather3A_1539 = tpu.vector_load_idx %arg17[%add3A_985, %add3A_1538] : memref<128x128xf32, #tpu.memory_space<vmem>>[vector<16xi32>, vector<16xi32>], vector<16xf32>,
        %mul3A_1540 = arith.mulf %gather3A_1531, %gather3A_1535 : vector<16xf32>
        %add3A_1541 = arith.addf %add3A_1519, %mul3A_1540 : vector<16xf32>
        %mul3A_1542 = arith.mulf %gather3A_1531, %gather3A_1539 : vector<16xf32>
        %add3A_1543 = arith.addf %add3A_1521, %mul3A_1542 : vector<16xf32>
        %mul3A_1544 = arith.mulf %gather3A_1531, %gather3A_1531 : vector<16xf32>
        %add3A_1545 = arith.addf %add3A_1527, %mul3A_1544 : vector<16xf32>
        %mul3A_1546 = arith.mulf %gather3A_1535, %gather3A_1535 : vector<16xf32>
        %add3A_1547 = arith.addf %add3A_1545, %mul3A_1546 : vector<16xf32>
        %mul3A_1548 = arith.mulf %gather3A_1539, %gather3A_1539 : vector<16xf32>
        %add3A_1549 = arith.addf %add3A_1547, %mul3A_1548 : vector<16xf32>
        %add3A_1550 = arith.constant 24 : i32
        %add3A_1551 = vector.broadcast %add3A_1550 : i32 to vector<16xi32>
        %add3A_1552 = arith.addi %mul3A_996, %add3A_1551 : vector<16xi32>
        %gather3A_1553 = tpu.vector_load_idx %arg15[%add3A_985, %add3A_1552] : memref<128x128xf32, #tpu.memory_space<vmem>>[vector<16xi32>, vector<16xi32>], vector<16xf32>,
        %add3A_1554 = arith.constant 24 : i32
        %add3A_1555 = vector.broadcast %add3A_1554 : i32 to vector<16xi32>
        %add3A_1556 = arith.addi %mul3A_1007, %add3A_1555 : vector<16xi32>
        %gather3A_1557 = tpu.vector_load_idx %arg16[%add3A_985, %add3A_1556] : memref<128x128xf32, #tpu.memory_space<vmem>>[vector<16xi32>, vector<16xi32>], vector<16xf32>,
        %add3A_1558 = arith.constant 24 : i32
        %add3A_1559 = vector.broadcast %add3A_1558 : i32 to vector<16xi32>
        %add3A_1560 = arith.addi %mul3A_1018, %add3A_1559 : vector<16xi32>
        %gather3A_1561 = tpu.vector_load_idx %arg17[%add3A_985, %add3A_1560] : memref<128x128xf32, #tpu.memory_space<vmem>>[vector<16xi32>, vector<16xi32>], vector<16xf32>,
        %mul3A_1562 = arith.mulf %gather3A_1553, %gather3A_1557 : vector<16xf32>
        %add3A_1563 = arith.addf %add3A_1541, %mul3A_1562 : vector<16xf32>
        %mul3A_1564 = arith.mulf %gather3A_1553, %gather3A_1561 : vector<16xf32>
        %add3A_1565 = arith.addf %add3A_1543, %mul3A_1564 : vector<16xf32>
        %mul3A_1566 = arith.mulf %gather3A_1553, %gather3A_1553 : vector<16xf32>
        %add3A_1567 = arith.addf %add3A_1549, %mul3A_1566 : vector<16xf32>
        %mul3A_1568 = arith.mulf %gather3A_1557, %gather3A_1557 : vector<16xf32>
        %add3A_1569 = arith.addf %add3A_1567, %mul3A_1568 : vector<16xf32>
        %mul3A_1570 = arith.mulf %gather3A_1561, %gather3A_1561 : vector<16xf32>
        %add3A_1571 = arith.addf %add3A_1569, %mul3A_1570 : vector<16xf32>
        %add3A_1572 = arith.constant 25 : i32
        %add3A_1573 = vector.broadcast %add3A_1572 : i32 to vector<16xi32>
        %add3A_1574 = arith.addi %mul3A_996, %add3A_1573 : vector<16xi32>
        %gather3A_1575 = tpu.vector_load_idx %arg15[%add3A_985, %add3A_1574] : memref<128x128xf32, #tpu.memory_space<vmem>>[vector<16xi32>, vector<16xi32>], vector<16xf32>,
        %add3A_1576 = arith.constant 25 : i32
        %add3A_1577 = vector.broadcast %add3A_1576 : i32 to vector<16xi32>
        %add3A_1578 = arith.addi %mul3A_1007, %add3A_1577 : vector<16xi32>
        %gather3A_1579 = tpu.vector_load_idx %arg16[%add3A_985, %add3A_1578] : memref<128x128xf32, #tpu.memory_space<vmem>>[vector<16xi32>, vector<16xi32>], vector<16xf32>,
        %add3A_1580 = arith.constant 25 : i32
        %add3A_1581 = vector.broadcast %add3A_1580 : i32 to vector<16xi32>
        %add3A_1582 = arith.addi %mul3A_1018, %add3A_1581 : vector<16xi32>
        %gather3A_1583 = tpu.vector_load_idx %arg17[%add3A_985, %add3A_1582] : memref<128x128xf32, #tpu.memory_space<vmem>>[vector<16xi32>, vector<16xi32>], vector<16xf32>,
        %mul3A_1584 = arith.mulf %gather3A_1575, %gather3A_1579 : vector<16xf32>
        %add3A_1585 = arith.addf %add3A_1563, %mul3A_1584 : vector<16xf32>
        %mul3A_1586 = arith.mulf %gather3A_1575, %gather3A_1583 : vector<16xf32>
        %add3A_1587 = arith.addf %add3A_1565, %mul3A_1586 : vector<16xf32>
        %mul3A_1588 = arith.mulf %gather3A_1575, %gather3A_1575 : vector<16xf32>
        %add3A_1589 = arith.addf %add3A_1571, %mul3A_1588 : vector<16xf32>
        %mul3A_1590 = arith.mulf %gather3A_1579, %gather3A_1579 : vector<16xf32>
        %add3A_1591 = arith.addf %add3A_1589, %mul3A_1590 : vector<16xf32>
        %mul3A_1592 = arith.mulf %gather3A_1583, %gather3A_1583 : vector<16xf32>
        %add3A_1593 = arith.addf %add3A_1591, %mul3A_1592 : vector<16xf32>
        %add3A_1594 = arith.constant 26 : i32
        %add3A_1595 = vector.broadcast %add3A_1594 : i32 to vector<16xi32>
        %add3A_1596 = arith.addi %mul3A_996, %add3A_1595 : vector<16xi32>
        %gather3A_1597 = tpu.vector_load_idx %arg15[%add3A_985, %add3A_1596] : memref<128x128xf32, #tpu.memory_space<vmem>>[vector<16xi32>, vector<16xi32>], vector<16xf32>,
        %add3A_1598 = arith.constant 26 : i32
        %add3A_1599 = vector.broadcast %add3A_1598 : i32 to vector<16xi32>
        %add3A_1600 = arith.addi %mul3A_1007, %add3A_1599 : vector<16xi32>
        %gather3A_1601 = tpu.vector_load_idx %arg16[%add3A_985, %add3A_1600] : memref<128x128xf32, #tpu.memory_space<vmem>>[vector<16xi32>, vector<16xi32>], vector<16xf32>,
        %add3A_1602 = arith.constant 26 : i32
        %add3A_1603 = vector.broadcast %add3A_1602 : i32 to vector<16xi32>
        %add3A_1604 = arith.addi %mul3A_1018, %add3A_1603 : vector<16xi32>
        %gather3A_1605 = tpu.vector_load_idx %arg17[%add3A_985, %add3A_1604] : memref<128x128xf32, #tpu.memory_space<vmem>>[vector<16xi32>, vector<16xi32>], vector<16xf32>,
        %mul3A_1606 = arith.mulf %gather3A_1597, %gather3A_1601 : vector<16xf32>
        %add3A_1607 = arith.addf %add3A_1585, %mul3A_1606 : vector<16xf32>
        %mul3A_1608 = arith.mulf %gather3A_1597, %gather3A_1605 : vector<16xf32>
        %add3A_1609 = arith.addf %add3A_1587, %mul3A_1608 : vector<16xf32>
        %mul3A_1610 = arith.mulf %gather3A_1597, %gather3A_1597 : vector<16xf32>
        %add3A_1611 = arith.addf %add3A_1593, %mul3A_1610 : vector<16xf32>
        %mul3A_1612 = arith.mulf %gather3A_1601, %gather3A_1601 : vector<16xf32>
        %add3A_1613 = arith.addf %add3A_1611, %mul3A_1612 : vector<16xf32>
        %mul3A_1614 = arith.mulf %gather3A_1605, %gather3A_1605 : vector<16xf32>
        %add3A_1615 = arith.addf %add3A_1613, %mul3A_1614 : vector<16xf32>
        %add3A_1616 = arith.constant 27 : i32
        %add3A_1617 = vector.broadcast %add3A_1616 : i32 to vector<16xi32>
        %add3A_1618 = arith.addi %mul3A_996, %add3A_1617 : vector<16xi32>
        %gather3A_1619 = tpu.vector_load_idx %arg15[%add3A_985, %add3A_1618] : memref<128x128xf32, #tpu.memory_space<vmem>>[vector<16xi32>, vector<16xi32>], vector<16xf32>,
        %add3A_1620 = arith.constant 27 : i32
        %add3A_1621 = vector.broadcast %add3A_1620 : i32 to vector<16xi32>
        %add3A_1622 = arith.addi %mul3A_1007, %add3A_1621 : vector<16xi32>
        %gather3A_1623 = tpu.vector_load_idx %arg16[%add3A_985, %add3A_1622] : memref<128x128xf32, #tpu.memory_space<vmem>>[vector<16xi32>, vector<16xi32>], vector<16xf32>,
        %add3A_1624 = arith.constant 27 : i32
        %add3A_1625 = vector.broadcast %add3A_1624 : i32 to vector<16xi32>
        %add3A_1626 = arith.addi %mul3A_1018, %add3A_1625 : vector<16xi32>
        %gather3A_1627 = tpu.vector_load_idx %arg17[%add3A_985, %add3A_1626] : memref<128x128xf32, #tpu.memory_space<vmem>>[vector<16xi32>, vector<16xi32>], vector<16xf32>,
        %mul3A_1628 = arith.mulf %gather3A_1619, %gather3A_1623 : vector<16xf32>
        %add3A_1629 = arith.addf %add3A_1607, %mul3A_1628 : vector<16xf32>
        %mul3A_1630 = arith.mulf %gather3A_1619, %gather3A_1627 : vector<16xf32>
        %add3A_1631 = arith.addf %add3A_1609, %mul3A_1630 : vector<16xf32>
        %mul3A_1632 = arith.mulf %gather3A_1619, %gather3A_1619 : vector<16xf32>
        %add3A_1633 = arith.addf %add3A_1615, %mul3A_1632 : vector<16xf32>
        %mul3A_1634 = arith.mulf %gather3A_1623, %gather3A_1623 : vector<16xf32>
        %add3A_1635 = arith.addf %add3A_1633, %mul3A_1634 : vector<16xf32>
        %mul3A_1636 = arith.mulf %gather3A_1627, %gather3A_1627 : vector<16xf32>
        %add3A_1637 = arith.addf %add3A_1635, %mul3A_1636 : vector<16xf32>
        %add3A_1638 = arith.constant 28 : i32
        %add3A_1639 = vector.broadcast %add3A_1638 : i32 to vector<16xi32>
        %add3A_1640 = arith.addi %mul3A_996, %add3A_1639 : vector<16xi32>
        %gather3A_1641 = tpu.vector_load_idx %arg15[%add3A_985, %add3A_1640] : memref<128x128xf32, #tpu.memory_space<vmem>>[vector<16xi32>, vector<16xi32>], vector<16xf32>,
        %add3A_1642 = arith.constant 28 : i32
        %add3A_1643 = vector.broadcast %add3A_1642 : i32 to vector<16xi32>
        %add3A_1644 = arith.addi %mul3A_1007, %add3A_1643 : vector<16xi32>
        %gather3A_1645 = tpu.vector_load_idx %arg16[%add3A_985, %add3A_1644] : memref<128x128xf32, #tpu.memory_space<vmem>>[vector<16xi32>, vector<16xi32>], vector<16xf32>,
        %add3A_1646 = arith.constant 28 : i32
        %add3A_1647 = vector.broadcast %add3A_1646 : i32 to vector<16xi32>
        %add3A_1648 = arith.addi %mul3A_1018, %add3A_1647 : vector<16xi32>
        %gather3A_1649 = tpu.vector_load_idx %arg17[%add3A_985, %add3A_1648] : memref<128x128xf32, #tpu.memory_space<vmem>>[vector<16xi32>, vector<16xi32>], vector<16xf32>,
        %mul3A_1650 = arith.mulf %gather3A_1641, %gather3A_1645 : vector<16xf32>
        %add3A_1651 = arith.addf %add3A_1629, %mul3A_1650 : vector<16xf32>
        %mul3A_1652 = arith.mulf %gather3A_1641, %gather3A_1649 : vector<16xf32>
        %add3A_1653 = arith.addf %add3A_1631, %mul3A_1652 : vector<16xf32>
        %mul3A_1654 = arith.mulf %gather3A_1641, %gather3A_1641 : vector<16xf32>
        %add3A_1655 = arith.addf %add3A_1637, %mul3A_1654 : vector<16xf32>
        %mul3A_1656 = arith.mulf %gather3A_1645, %gather3A_1645 : vector<16xf32>
        %add3A_1657 = arith.addf %add3A_1655, %mul3A_1656 : vector<16xf32>
        %mul3A_1658 = arith.mulf %gather3A_1649, %gather3A_1649 : vector<16xf32>
        %add3A_1659 = arith.addf %add3A_1657, %mul3A_1658 : vector<16xf32>
        %add3A_1660 = arith.constant 29 : i32
        %add3A_1661 = vector.broadcast %add3A_1660 : i32 to vector<16xi32>
        %add3A_1662 = arith.addi %mul3A_996, %add3A_1661 : vector<16xi32>
        %gather3A_1663 = tpu.vector_load_idx %arg15[%add3A_985, %add3A_1662] : memref<128x128xf32, #tpu.memory_space<vmem>>[vector<16xi32>, vector<16xi32>], vector<16xf32>,
        %add3A_1664 = arith.constant 29 : i32
        %add3A_1665 = vector.broadcast %add3A_1664 : i32 to vector<16xi32>
        %add3A_1666 = arith.addi %mul3A_1007, %add3A_1665 : vector<16xi32>
        %gather3A_1667 = tpu.vector_load_idx %arg16[%add3A_985, %add3A_1666] : memref<128x128xf32, #tpu.memory_space<vmem>>[vector<16xi32>, vector<16xi32>], vector<16xf32>,
        %add3A_1668 = arith.constant 29 : i32
        %add3A_1669 = vector.broadcast %add3A_1668 : i32 to vector<16xi32>
        %add3A_1670 = arith.addi %mul3A_1018, %add3A_1669 : vector<16xi32>
        %gather3A_1671 = tpu.vector_load_idx %arg17[%add3A_985, %add3A_1670] : memref<128x128xf32, #tpu.memory_space<vmem>>[vector<16xi32>, vector<16xi32>], vector<16xf32>,
        %mul3A_1672 = arith.mulf %gather3A_1663, %gather3A_1667 : vector<16xf32>
        %add3A_1673 = arith.addf %add3A_1651, %mul3A_1672 : vector<16xf32>
        %mul3A_1674 = arith.mulf %gather3A_1663, %gather3A_1671 : vector<16xf32>
        %add3A_1675 = arith.addf %add3A_1653, %mul3A_1674 : vector<16xf32>
        %mul3A_1676 = arith.mulf %gather3A_1663, %gather3A_1663 : vector<16xf32>
        %add3A_1677 = arith.addf %add3A_1659, %mul3A_1676 : vector<16xf32>
        %mul3A_1678 = arith.mulf %gather3A_1667, %gather3A_1667 : vector<16xf32>
        %add3A_1679 = arith.addf %add3A_1677, %mul3A_1678 : vector<16xf32>
        %mul3A_1680 = arith.mulf %gather3A_1671, %gather3A_1671 : vector<16xf32>
        %add3A_1681 = arith.addf %add3A_1679, %mul3A_1680 : vector<16xf32>
        %add3A_1682 = arith.constant 30 : i32
        %add3A_1683 = vector.broadcast %add3A_1682 : i32 to vector<16xi32>
        %add3A_1684 = arith.addi %mul3A_996, %add3A_1683 : vector<16xi32>
        %gather3A_1685 = tpu.vector_load_idx %arg15[%add3A_985, %add3A_1684] : memref<128x128xf32, #tpu.memory_space<vmem>>[vector<16xi32>, vector<16xi32>], vector<16xf32>,
        %add3A_1686 = arith.constant 30 : i32
        %add3A_1687 = vector.broadcast %add3A_1686 : i32 to vector<16xi32>
        %add3A_1688 = arith.addi %mul3A_1007, %add3A_1687 : vector<16xi32>
        %gather3A_1689 = tpu.vector_load_idx %arg16[%add3A_985, %add3A_1688] : memref<128x128xf32, #tpu.memory_space<vmem>>[vector<16xi32>, vector<16xi32>], vector<16xf32>,
        %add3A_1690 = arith.constant 30 : i32
        %add3A_1691 = vector.broadcast %add3A_1690 : i32 to vector<16xi32>
        %add3A_1692 = arith.addi %mul3A_1018, %add3A_1691 : vector<16xi32>
        %gather3A_1693 = tpu.vector_load_idx %arg17[%add3A_985, %add3A_1692] : memref<128x128xf32, #tpu.memory_space<vmem>>[vector<16xi32>, vector<16xi32>], vector<16xf32>,
        %mul3A_1694 = arith.mulf %gather3A_1685, %gather3A_1689 : vector<16xf32>
        %add3A_1695 = arith.addf %add3A_1673, %mul3A_1694 : vector<16xf32>
        %mul3A_1696 = arith.mulf %gather3A_1685, %gather3A_1693 : vector<16xf32>
        %add3A_1697 = arith.addf %add3A_1675, %mul3A_1696 : vector<16xf32>
        %mul3A_1698 = arith.mulf %gather3A_1685, %gather3A_1685 : vector<16xf32>
        %add3A_1699 = arith.addf %add3A_1681, %mul3A_1698 : vector<16xf32>
        %mul3A_1700 = arith.mulf %gather3A_1689, %gather3A_1689 : vector<16xf32>
        %add3A_1701 = arith.addf %add3A_1699, %mul3A_1700 : vector<16xf32>
        %mul3A_1702 = arith.mulf %gather3A_1693, %gather3A_1693 : vector<16xf32>
        %add3A_1703 = arith.addf %add3A_1701, %mul3A_1702 : vector<16xf32>
        %add3A_1704 = arith.constant 31 : i32
        %add3A_1705 = vector.broadcast %add3A_1704 : i32 to vector<16xi32>
        %add3A_1706 = arith.addi %mul3A_996, %add3A_1705 : vector<16xi32>
        %gather3A_1707 = tpu.vector_load_idx %arg15[%add3A_985, %add3A_1706] : memref<128x128xf32, #tpu.memory_space<vmem>>[vector<16xi32>, vector<16xi32>], vector<16xf32>,
        %add3A_1708 = arith.constant 31 : i32
        %add3A_1709 = vector.broadcast %add3A_1708 : i32 to vector<16xi32>
        %add3A_1710 = arith.addi %mul3A_1007, %add3A_1709 : vector<16xi32>
        %gather3A_1711 = tpu.vector_load_idx %arg16[%add3A_985, %add3A_1710] : memref<128x128xf32, #tpu.memory_space<vmem>>[vector<16xi32>, vector<16xi32>], vector<16xf32>,
        %add3A_1712 = arith.constant 31 : i32
        %add3A_1713 = vector.broadcast %add3A_1712 : i32 to vector<16xi32>
        %add3A_1714 = arith.addi %mul3A_1018, %add3A_1713 : vector<16xi32>
        %gather3A_1715 = tpu.vector_load_idx %arg17[%add3A_985, %add3A_1714] : memref<128x128xf32, #tpu.memory_space<vmem>>[vector<16xi32>, vector<16xi32>], vector<16xf32>,
        %mul3A_1716 = arith.mulf %gather3A_1707, %gather3A_1711 : vector<16xf32>
        %add3A_1717 = arith.addf %add3A_1695, %mul3A_1716 : vector<16xf32>
        %mul3A_1718 = arith.mulf %gather3A_1707, %gather3A_1715 : vector<16xf32>
        %add3A_1719 = arith.addf %add3A_1697, %mul3A_1718 : vector<16xf32>
        %mul3A_1720 = arith.mulf %gather3A_1707, %gather3A_1707 : vector<16xf32>
        %add3A_1721 = arith.addf %add3A_1703, %mul3A_1720 : vector<16xf32>
        %mul3A_1722 = arith.mulf %gather3A_1711, %gather3A_1711 : vector<16xf32>
        %add3A_1723 = arith.addf %add3A_1721, %mul3A_1722 : vector<16xf32>
        %mul3A_1724 = arith.mulf %gather3A_1715, %gather3A_1715 : vector<16xf32>
        %add3A_1725 = arith.addf %add3A_1723, %mul3A_1724 : vector<16xf32>
        %add3A_1726 = arith.constant 32 : i32
        %add3A_1727 = vector.broadcast %add3A_1726 : i32 to vector<16xi32>
        %add3A_1728 = arith.addi %mul3A_996, %add3A_1727 : vector<16xi32>
        %gather3A_1729 = tpu.vector_load_idx %arg15[%add3A_985, %add3A_1728] : memref<128x128xf32, #tpu.memory_space<vmem>>[vector<16xi32>, vector<16xi32>], vector<16xf32>,
        %add3A_1730 = arith.constant 32 : i32
        %add3A_1731 = vector.broadcast %add3A_1730 : i32 to vector<16xi32>
        %add3A_1732 = arith.addi %mul3A_1007, %add3A_1731 : vector<16xi32>
        %gather3A_1733 = tpu.vector_load_idx %arg16[%add3A_985, %add3A_1732] : memref<128x128xf32, #tpu.memory_space<vmem>>[vector<16xi32>, vector<16xi32>], vector<16xf32>,
        %add3A_1734 = arith.constant 32 : i32
        %add3A_1735 = vector.broadcast %add3A_1734 : i32 to vector<16xi32>
        %add3A_1736 = arith.addi %mul3A_1018, %add3A_1735 : vector<16xi32>
        %gather3A_1737 = tpu.vector_load_idx %arg17[%add3A_985, %add3A_1736] : memref<128x128xf32, #tpu.memory_space<vmem>>[vector<16xi32>, vector<16xi32>], vector<16xf32>,
        %mul3A_1738 = arith.mulf %gather3A_1729, %gather3A_1733 : vector<16xf32>
        %add3A_1739 = arith.addf %add3A_1717, %mul3A_1738 : vector<16xf32>
        %mul3A_1740 = arith.mulf %gather3A_1729, %gather3A_1737 : vector<16xf32>
        %add3A_1741 = arith.addf %add3A_1719, %mul3A_1740 : vector<16xf32>
        %mul3A_1742 = arith.mulf %gather3A_1729, %gather3A_1729 : vector<16xf32>
        %add3A_1743 = arith.addf %add3A_1725, %mul3A_1742 : vector<16xf32>
        %mul3A_1744 = arith.mulf %gather3A_1733, %gather3A_1733 : vector<16xf32>
        %add3A_1745 = arith.addf %add3A_1743, %mul3A_1744 : vector<16xf32>
        %mul3A_1746 = arith.mulf %gather3A_1737, %gather3A_1737 : vector<16xf32>
        %add3A_1747 = arith.addf %add3A_1745, %mul3A_1746 : vector<16xf32>
        %add3A_1748 = arith.constant 33 : i32
        %add3A_1749 = vector.broadcast %add3A_1748 : i32 to vector<16xi32>
        %add3A_1750 = arith.addi %mul3A_996, %add3A_1749 : vector<16xi32>
        %gather3A_1751 = tpu.vector_load_idx %arg15[%add3A_985, %add3A_1750] : memref<128x128xf32, #tpu.memory_space<vmem>>[vector<16xi32>, vector<16xi32>], vector<16xf32>,
        %add3A_1752 = arith.constant 33 : i32
        %add3A_1753 = vector.broadcast %add3A_1752 : i32 to vector<16xi32>
        %add3A_1754 = arith.addi %mul3A_1007, %add3A_1753 : vector<16xi32>
        %gather3A_1755 = tpu.vector_load_idx %arg16[%add3A_985, %add3A_1754] : memref<128x128xf32, #tpu.memory_space<vmem>>[vector<16xi32>, vector<16xi32>], vector<16xf32>,
        %add3A_1756 = arith.constant 33 : i32
        %add3A_1757 = vector.broadcast %add3A_1756 : i32 to vector<16xi32>
        %add3A_1758 = arith.addi %mul3A_1018, %add3A_1757 : vector<16xi32>
        %gather3A_1759 = tpu.vector_load_idx %arg17[%add3A_985, %add3A_1758] : memref<128x128xf32, #tpu.memory_space<vmem>>[vector<16xi32>, vector<16xi32>], vector<16xf32>,
        %mul3A_1760 = arith.mulf %gather3A_1751, %gather3A_1755 : vector<16xf32>
        %add3A_1761 = arith.addf %add3A_1739, %mul3A_1760 : vector<16xf32>
        %mul3A_1762 = arith.mulf %gather3A_1751, %gather3A_1759 : vector<16xf32>
        %add3A_1763 = arith.addf %add3A_1741, %mul3A_1762 : vector<16xf32>
        %mul3A_1764 = arith.mulf %gather3A_1751, %gather3A_1751 : vector<16xf32>
        %add3A_1765 = arith.addf %add3A_1747, %mul3A_1764 : vector<16xf32>
        %mul3A_1766 = arith.mulf %gather3A_1755, %gather3A_1755 : vector<16xf32>
        %add3A_1767 = arith.addf %add3A_1765, %mul3A_1766 : vector<16xf32>
        %mul3A_1768 = arith.mulf %gather3A_1759, %gather3A_1759 : vector<16xf32>
        %add3A_1769 = arith.addf %add3A_1767, %mul3A_1768 : vector<16xf32>
        %add3A_1770 = arith.constant 34 : i32
        %add3A_1771 = vector.broadcast %add3A_1770 : i32 to vector<16xi32>
        %add3A_1772 = arith.addi %mul3A_996, %add3A_1771 : vector<16xi32>
        %gather3A_1773 = tpu.vector_load_idx %arg15[%add3A_985, %add3A_1772] : memref<128x128xf32, #tpu.memory_space<vmem>>[vector<16xi32>, vector<16xi32>], vector<16xf32>,
        %add3A_1774 = arith.constant 34 : i32
        %add3A_1775 = vector.broadcast %add3A_1774 : i32 to vector<16xi32>
        %add3A_1776 = arith.addi %mul3A_1007, %add3A_1775 : vector<16xi32>
        %gather3A_1777 = tpu.vector_load_idx %arg16[%add3A_985, %add3A_1776] : memref<128x128xf32, #tpu.memory_space<vmem>>[vector<16xi32>, vector<16xi32>], vector<16xf32>,
        %add3A_1778 = arith.constant 34 : i32
        %add3A_1779 = vector.broadcast %add3A_1778 : i32 to vector<16xi32>
        %add3A_1780 = arith.addi %mul3A_1018, %add3A_1779 : vector<16xi32>
        %gather3A_1781 = tpu.vector_load_idx %arg17[%add3A_985, %add3A_1780] : memref<128x128xf32, #tpu.memory_space<vmem>>[vector<16xi32>, vector<16xi32>], vector<16xf32>,
        %mul3A_1782 = arith.mulf %gather3A_1773, %gather3A_1777 : vector<16xf32>
        %add3A_1783 = arith.addf %add3A_1761, %mul3A_1782 : vector<16xf32>
        %mul3A_1784 = arith.mulf %gather3A_1773, %gather3A_1781 : vector<16xf32>
        %add3A_1785 = arith.addf %add3A_1763, %mul3A_1784 : vector<16xf32>
        %mul3A_1786 = arith.mulf %gather3A_1773, %gather3A_1773 : vector<16xf32>
        %add3A_1787 = arith.addf %add3A_1769, %mul3A_1786 : vector<16xf32>
        %mul3A_1788 = arith.mulf %gather3A_1777, %gather3A_1777 : vector<16xf32>
        %add3A_1789 = arith.addf %add3A_1787, %mul3A_1788 : vector<16xf32>
        %mul3A_1790 = arith.mulf %gather3A_1781, %gather3A_1781 : vector<16xf32>
        %add3A_1791 = arith.addf %add3A_1789, %mul3A_1790 : vector<16xf32>
        %add3A_1792 = arith.constant 35 : i32
        %add3A_1793 = vector.broadcast %add3A_1792 : i32 to vector<16xi32>
        %add3A_1794 = arith.addi %mul3A_996, %add3A_1793 : vector<16xi32>
        %gather3A_1795 = tpu.vector_load_idx %arg15[%add3A_985, %add3A_1794] : memref<128x128xf32, #tpu.memory_space<vmem>>[vector<16xi32>, vector<16xi32>], vector<16xf32>,
        %add3A_1796 = arith.constant 35 : i32
        %add3A_1797 = vector.broadcast %add3A_1796 : i32 to vector<16xi32>
        %add3A_1798 = arith.addi %mul3A_1007, %add3A_1797 : vector<16xi32>
        %gather3A_1799 = tpu.vector_load_idx %arg16[%add3A_985, %add3A_1798] : memref<128x128xf32, #tpu.memory_space<vmem>>[vector<16xi32>, vector<16xi32>], vector<16xf32>,
        %add3A_1800 = arith.constant 35 : i32
        %add3A_1801 = vector.broadcast %add3A_1800 : i32 to vector<16xi32>
        %add3A_1802 = arith.addi %mul3A_1018, %add3A_1801 : vector<16xi32>
        %gather3A_1803 = tpu.vector_load_idx %arg17[%add3A_985, %add3A_1802] : memref<128x128xf32, #tpu.memory_space<vmem>>[vector<16xi32>, vector<16xi32>], vector<16xf32>,
        %mul3A_1804 = arith.mulf %gather3A_1795, %gather3A_1799 : vector<16xf32>
        %add3A_1805 = arith.addf %add3A_1783, %mul3A_1804 : vector<16xf32>
        %mul3A_1806 = arith.mulf %gather3A_1795, %gather3A_1803 : vector<16xf32>
        %add3A_1807 = arith.addf %add3A_1785, %mul3A_1806 : vector<16xf32>
        %mul3A_1808 = arith.mulf %gather3A_1795, %gather3A_1795 : vector<16xf32>
        %add3A_1809 = arith.addf %add3A_1791, %mul3A_1808 : vector<16xf32>
        %mul3A_1810 = arith.mulf %gather3A_1799, %gather3A_1799 : vector<16xf32>
        %add3A_1811 = arith.addf %add3A_1809, %mul3A_1810 : vector<16xf32>
        %mul3A_1812 = arith.mulf %gather3A_1803, %gather3A_1803 : vector<16xf32>
        %add3A_1813 = arith.addf %add3A_1811, %mul3A_1812 : vector<16xf32>
        %add3A_1814 = arith.constant 36 : i32
        %add3A_1815 = vector.broadcast %add3A_1814 : i32 to vector<16xi32>
        %add3A_1816 = arith.addi %mul3A_996, %add3A_1815 : vector<16xi32>
        %gather3A_1817 = tpu.vector_load_idx %arg15[%add3A_985, %add3A_1816] : memref<128x128xf32, #tpu.memory_space<vmem>>[vector<16xi32>, vector<16xi32>], vector<16xf32>,
        %add3A_1818 = arith.constant 36 : i32
        %add3A_1819 = vector.broadcast %add3A_1818 : i32 to vector<16xi32>
        %add3A_1820 = arith.addi %mul3A_1007, %add3A_1819 : vector<16xi32>
        %gather3A_1821 = tpu.vector_load_idx %arg16[%add3A_985, %add3A_1820] : memref<128x128xf32, #tpu.memory_space<vmem>>[vector<16xi32>, vector<16xi32>], vector<16xf32>,
        %add3A_1822 = arith.constant 36 : i32
        %add3A_1823 = vector.broadcast %add3A_1822 : i32 to vector<16xi32>
        %add3A_1824 = arith.addi %mul3A_1018, %add3A_1823 : vector<16xi32>
        %gather3A_1825 = tpu.vector_load_idx %arg17[%add3A_985, %add3A_1824] : memref<128x128xf32, #tpu.memory_space<vmem>>[vector<16xi32>, vector<16xi32>], vector<16xf32>,
        %mul3A_1826 = arith.mulf %gather3A_1817, %gather3A_1821 : vector<16xf32>
        %add3A_1827 = arith.addf %add3A_1805, %mul3A_1826 : vector<16xf32>
        %mul3A_1828 = arith.mulf %gather3A_1817, %gather3A_1825 : vector<16xf32>
        %add3A_1829 = arith.addf %add3A_1807, %mul3A_1828 : vector<16xf32>
        %mul3A_1830 = arith.mulf %gather3A_1817, %gather3A_1817 : vector<16xf32>
        %add3A_1831 = arith.addf %add3A_1813, %mul3A_1830 : vector<16xf32>
        %mul3A_1832 = arith.mulf %gather3A_1821, %gather3A_1821 : vector<16xf32>
        %add3A_1833 = arith.addf %add3A_1831, %mul3A_1832 : vector<16xf32>
        %mul3A_1834 = arith.mulf %gather3A_1825, %gather3A_1825 : vector<16xf32>
        %add3A_1835 = arith.addf %add3A_1833, %mul3A_1834 : vector<16xf32>
        %add3A_1836 = arith.constant 37 : i32
        %add3A_1837 = vector.broadcast %add3A_1836 : i32 to vector<16xi32>
        %add3A_1838 = arith.addi %mul3A_996, %add3A_1837 : vector<16xi32>
        %gather3A_1839 = tpu.vector_load_idx %arg15[%add3A_985, %add3A_1838] : memref<128x128xf32, #tpu.memory_space<vmem>>[vector<16xi32>, vector<16xi32>], vector<16xf32>,
        %add3A_1840 = arith.constant 37 : i32
        %add3A_1841 = vector.broadcast %add3A_1840 : i32 to vector<16xi32>
        %add3A_1842 = arith.addi %mul3A_1007, %add3A_1841 : vector<16xi32>
        %gather3A_1843 = tpu.vector_load_idx %arg16[%add3A_985, %add3A_1842] : memref<128x128xf32, #tpu.memory_space<vmem>>[vector<16xi32>, vector<16xi32>], vector<16xf32>,
        %add3A_1844 = arith.constant 37 : i32
        %add3A_1845 = vector.broadcast %add3A_1844 : i32 to vector<16xi32>
        %add3A_1846 = arith.addi %mul3A_1018, %add3A_1845 : vector<16xi32>
        %gather3A_1847 = tpu.vector_load_idx %arg17[%add3A_985, %add3A_1846] : memref<128x128xf32, #tpu.memory_space<vmem>>[vector<16xi32>, vector<16xi32>], vector<16xf32>,
        %mul3A_1848 = arith.mulf %gather3A_1839, %gather3A_1843 : vector<16xf32>
        %add3A_1849 = arith.addf %add3A_1827, %mul3A_1848 : vector<16xf32>
        %mul3A_1850 = arith.mulf %gather3A_1839, %gather3A_1847 : vector<16xf32>
        %add3A_1851 = arith.addf %add3A_1829, %mul3A_1850 : vector<16xf32>
        %mul3A_1852 = arith.mulf %gather3A_1839, %gather3A_1839 : vector<16xf32>
        %add3A_1853 = arith.addf %add3A_1835, %mul3A_1852 : vector<16xf32>
        %mul3A_1854 = arith.mulf %gather3A_1843, %gather3A_1843 : vector<16xf32>
        %add3A_1855 = arith.addf %add3A_1853, %mul3A_1854 : vector<16xf32>
        %mul3A_1856 = arith.mulf %gather3A_1847, %gather3A_1847 : vector<16xf32>
        %add3A_1857 = arith.addf %add3A_1855, %mul3A_1856 : vector<16xf32>
        %add3A_1858 = arith.constant 38 : i32
        %add3A_1859 = vector.broadcast %add3A_1858 : i32 to vector<16xi32>
        %add3A_1860 = arith.addi %mul3A_996, %add3A_1859 : vector<16xi32>
        %gather3A_1861 = tpu.vector_load_idx %arg15[%add3A_985, %add3A_1860] : memref<128x128xf32, #tpu.memory_space<vmem>>[vector<16xi32>, vector<16xi32>], vector<16xf32>,
        %add3A_1862 = arith.constant 38 : i32
        %add3A_1863 = vector.broadcast %add3A_1862 : i32 to vector<16xi32>
        %add3A_1864 = arith.addi %mul3A_1007, %add3A_1863 : vector<16xi32>
        %gather3A_1865 = tpu.vector_load_idx %arg16[%add3A_985, %add3A_1864] : memref<128x128xf32, #tpu.memory_space<vmem>>[vector<16xi32>, vector<16xi32>], vector<16xf32>,
        %add3A_1866 = arith.constant 38 : i32
        %add3A_1867 = vector.broadcast %add3A_1866 : i32 to vector<16xi32>
        %add3A_1868 = arith.addi %mul3A_1018, %add3A_1867 : vector<16xi32>
        %gather3A_1869 = tpu.vector_load_idx %arg17[%add3A_985, %add3A_1868] : memref<128x128xf32, #tpu.memory_space<vmem>>[vector<16xi32>, vector<16xi32>], vector<16xf32>,
        %mul3A_1870 = arith.mulf %gather3A_1861, %gather3A_1865 : vector<16xf32>
        %add3A_1871 = arith.addf %add3A_1849, %mul3A_1870 : vector<16xf32>
        %mul3A_1872 = arith.mulf %gather3A_1861, %gather3A_1869 : vector<16xf32>
        %add3A_1873 = arith.addf %add3A_1851, %mul3A_1872 : vector<16xf32>
        %mul3A_1874 = arith.mulf %gather3A_1861, %gather3A_1861 : vector<16xf32>
        %add3A_1875 = arith.addf %add3A_1857, %mul3A_1874 : vector<16xf32>
        %mul3A_1876 = arith.mulf %gather3A_1865, %gather3A_1865 : vector<16xf32>
        %add3A_1877 = arith.addf %add3A_1875, %mul3A_1876 : vector<16xf32>
        %mul3A_1878 = arith.mulf %gather3A_1869, %gather3A_1869 : vector<16xf32>
        %add3A_1879 = arith.addf %add3A_1877, %mul3A_1878 : vector<16xf32>
        %add3A_1880 = arith.constant 39 : i32
        %add3A_1881 = vector.broadcast %add3A_1880 : i32 to vector<16xi32>
        %add3A_1882 = arith.addi %mul3A_996, %add3A_1881 : vector<16xi32>
        %gather3A_1883 = tpu.vector_load_idx %arg15[%add3A_985, %add3A_1882] : memref<128x128xf32, #tpu.memory_space<vmem>>[vector<16xi32>, vector<16xi32>], vector<16xf32>,
        %add3A_1884 = arith.constant 39 : i32
        %add3A_1885 = vector.broadcast %add3A_1884 : i32 to vector<16xi32>
        %add3A_1886 = arith.addi %mul3A_1007, %add3A_1885 : vector<16xi32>
        %gather3A_1887 = tpu.vector_load_idx %arg16[%add3A_985, %add3A_1886] : memref<128x128xf32, #tpu.memory_space<vmem>>[vector<16xi32>, vector<16xi32>], vector<16xf32>,
        %add3A_1888 = arith.constant 39 : i32
        %add3A_1889 = vector.broadcast %add3A_1888 : i32 to vector<16xi32>
        %add3A_1890 = arith.addi %mul3A_1018, %add3A_1889 : vector<16xi32>
        %gather3A_1891 = tpu.vector_load_idx %arg17[%add3A_985, %add3A_1890] : memref<128x128xf32, #tpu.memory_space<vmem>>[vector<16xi32>, vector<16xi32>], vector<16xf32>,
        %mul3A_1892 = arith.mulf %gather3A_1883, %gather3A_1887 : vector<16xf32>
        %add3A_1893 = arith.addf %add3A_1871, %mul3A_1892 : vector<16xf32>
        %mul3A_1894 = arith.mulf %gather3A_1883, %gather3A_1891 : vector<16xf32>
        %add3A_1895 = arith.addf %add3A_1873, %mul3A_1894 : vector<16xf32>
        %mul3A_1896 = arith.mulf %gather3A_1883, %gather3A_1883 : vector<16xf32>
        %add3A_1897 = arith.addf %add3A_1879, %mul3A_1896 : vector<16xf32>
        %mul3A_1898 = arith.mulf %gather3A_1887, %gather3A_1887 : vector<16xf32>
        %add3A_1899 = arith.addf %add3A_1897, %mul3A_1898 : vector<16xf32>
        %mul3A_1900 = arith.mulf %gather3A_1891, %gather3A_1891 : vector<16xf32>
        %add3A_1901 = arith.addf %add3A_1899, %mul3A_1900 : vector<16xf32>
        %add3A_1902 = arith.constant 40 : i32
        %add3A_1903 = vector.broadcast %add3A_1902 : i32 to vector<16xi32>
        %add3A_1904 = arith.addi %mul3A_996, %add3A_1903 : vector<16xi32>
        %gather3A_1905 = tpu.vector_load_idx %arg15[%add3A_985, %add3A_1904] : memref<128x128xf32, #tpu.memory_space<vmem>>[vector<16xi32>, vector<16xi32>], vector<16xf32>,
        %add3A_1906 = arith.constant 40 : i32
        %add3A_1907 = vector.broadcast %add3A_1906 : i32 to vector<16xi32>
        %add3A_1908 = arith.addi %mul3A_1007, %add3A_1907 : vector<16xi32>
        %gather3A_1909 = tpu.vector_load_idx %arg16[%add3A_985, %add3A_1908] : memref<128x128xf32, #tpu.memory_space<vmem>>[vector<16xi32>, vector<16xi32>], vector<16xf32>,
        %add3A_1910 = arith.constant 40 : i32
        %add3A_1911 = vector.broadcast %add3A_1910 : i32 to vector<16xi32>
        %add3A_1912 = arith.addi %mul3A_1018, %add3A_1911 : vector<16xi32>
        %gather3A_1913 = tpu.vector_load_idx %arg17[%add3A_985, %add3A_1912] : memref<128x128xf32, #tpu.memory_space<vmem>>[vector<16xi32>, vector<16xi32>], vector<16xf32>,
        %mul3A_1914 = arith.mulf %gather3A_1905, %gather3A_1909 : vector<16xf32>
        %add3A_1915 = arith.addf %add3A_1893, %mul3A_1914 : vector<16xf32>
        %mul3A_1916 = arith.mulf %gather3A_1905, %gather3A_1913 : vector<16xf32>
        %add3A_1917 = arith.addf %add3A_1895, %mul3A_1916 : vector<16xf32>
        %mul3A_1918 = arith.mulf %gather3A_1905, %gather3A_1905 : vector<16xf32>
        %add3A_1919 = arith.addf %add3A_1901, %mul3A_1918 : vector<16xf32>
        %mul3A_1920 = arith.mulf %gather3A_1909, %gather3A_1909 : vector<16xf32>
        %add3A_1921 = arith.addf %add3A_1919, %mul3A_1920 : vector<16xf32>
        %mul3A_1922 = arith.mulf %gather3A_1913, %gather3A_1913 : vector<16xf32>
        %add3A_1923 = arith.addf %add3A_1921, %mul3A_1922 : vector<16xf32>
        %add3A_1924 = arith.constant 41 : i32
        %add3A_1925 = vector.broadcast %add3A_1924 : i32 to vector<16xi32>
        %add3A_1926 = arith.addi %mul3A_996, %add3A_1925 : vector<16xi32>
        %gather3A_1927 = tpu.vector_load_idx %arg15[%add3A_985, %add3A_1926] : memref<128x128xf32, #tpu.memory_space<vmem>>[vector<16xi32>, vector<16xi32>], vector<16xf32>,
        %add3A_1928 = arith.constant 41 : i32
        %add3A_1929 = vector.broadcast %add3A_1928 : i32 to vector<16xi32>
        %add3A_1930 = arith.addi %mul3A_1007, %add3A_1929 : vector<16xi32>
        %gather3A_1931 = tpu.vector_load_idx %arg16[%add3A_985, %add3A_1930] : memref<128x128xf32, #tpu.memory_space<vmem>>[vector<16xi32>, vector<16xi32>], vector<16xf32>,
        %add3A_1932 = arith.constant 41 : i32
        %add3A_1933 = vector.broadcast %add3A_1932 : i32 to vector<16xi32>
        %add3A_1934 = arith.addi %mul3A_1018, %add3A_1933 : vector<16xi32>
        %gather3A_1935 = tpu.vector_load_idx %arg17[%add3A_985, %add3A_1934] : memref<128x128xf32, #tpu.memory_space<vmem>>[vector<16xi32>, vector<16xi32>], vector<16xf32>,
        %mul3A_1936 = arith.mulf %gather3A_1927, %gather3A_1931 : vector<16xf32>
        %add3A_1937 = arith.addf %add3A_1915, %mul3A_1936 : vector<16xf32>
        %mul3A_1938 = arith.mulf %gather3A_1927, %gather3A_1935 : vector<16xf32>
        %add3A_1939 = arith.addf %add3A_1917, %mul3A_1938 : vector<16xf32>
        %mul3A_1940 = arith.mulf %gather3A_1927, %gather3A_1927 : vector<16xf32>
        %add3A_1941 = arith.addf %add3A_1923, %mul3A_1940 : vector<16xf32>
        %mul3A_1942 = arith.mulf %gather3A_1931, %gather3A_1931 : vector<16xf32>
        %add3A_1943 = arith.addf %add3A_1941, %mul3A_1942 : vector<16xf32>
        %mul3A_1944 = arith.mulf %gather3A_1935, %gather3A_1935 : vector<16xf32>
        %add3A_1945 = arith.addf %add3A_1943, %mul3A_1944 : vector<16xf32>
        %add3A_1946 = arith.constant 42 : i32
        %add3A_1947 = vector.broadcast %add3A_1946 : i32 to vector<16xi32>
        %add3A_1948 = arith.addi %mul3A_996, %add3A_1947 : vector<16xi32>
        %gather3A_1949 = tpu.vector_load_idx %arg15[%add3A_985, %add3A_1948] : memref<128x128xf32, #tpu.memory_space<vmem>>[vector<16xi32>, vector<16xi32>], vector<16xf32>,
        %add3A_1950 = arith.constant 42 : i32
        %add3A_1951 = vector.broadcast %add3A_1950 : i32 to vector<16xi32>
        %add3A_1952 = arith.addi %mul3A_1007, %add3A_1951 : vector<16xi32>
        %gather3A_1953 = tpu.vector_load_idx %arg16[%add3A_985, %add3A_1952] : memref<128x128xf32, #tpu.memory_space<vmem>>[vector<16xi32>, vector<16xi32>], vector<16xf32>,
        %add3A_1954 = arith.constant 42 : i32
        %add3A_1955 = vector.broadcast %add3A_1954 : i32 to vector<16xi32>
        %add3A_1956 = arith.addi %mul3A_1018, %add3A_1955 : vector<16xi32>
        %gather3A_1957 = tpu.vector_load_idx %arg17[%add3A_985, %add3A_1956] : memref<128x128xf32, #tpu.memory_space<vmem>>[vector<16xi32>, vector<16xi32>], vector<16xf32>,
        %mul3A_1958 = arith.mulf %gather3A_1949, %gather3A_1953 : vector<16xf32>
        %add3A_1959 = arith.addf %add3A_1937, %mul3A_1958 : vector<16xf32>
        %mul3A_1960 = arith.mulf %gather3A_1949, %gather3A_1957 : vector<16xf32>
        %add3A_1961 = arith.addf %add3A_1939, %mul3A_1960 : vector<16xf32>
        %mul3A_1962 = arith.mulf %gather3A_1949, %gather3A_1949 : vector<16xf32>
        %add3A_1963 = arith.addf %add3A_1945, %mul3A_1962 : vector<16xf32>
        %mul3A_1964 = arith.mulf %gather3A_1953, %gather3A_1953 : vector<16xf32>
        %add3A_1965 = arith.addf %add3A_1963, %mul3A_1964 : vector<16xf32>
        %mul3A_1966 = arith.mulf %gather3A_1957, %gather3A_1957 : vector<16xf32>
        %add3A_1967 = arith.addf %add3A_1965, %mul3A_1966 : vector<16xf32>
        %add3A_1968 = arith.constant 43 : i32
        %add3A_1969 = vector.broadcast %add3A_1968 : i32 to vector<16xi32>
        %add3A_1970 = arith.addi %mul3A_996, %add3A_1969 : vector<16xi32>
        %gather3A_1971 = tpu.vector_load_idx %arg15[%add3A_985, %add3A_1970] : memref<128x128xf32, #tpu.memory_space<vmem>>[vector<16xi32>, vector<16xi32>], vector<16xf32>,
        %add3A_1972 = arith.constant 43 : i32
        %add3A_1973 = vector.broadcast %add3A_1972 : i32 to vector<16xi32>
        %add3A_1974 = arith.addi %mul3A_1007, %add3A_1973 : vector<16xi32>
        %gather3A_1975 = tpu.vector_load_idx %arg16[%add3A_985, %add3A_1974] : memref<128x128xf32, #tpu.memory_space<vmem>>[vector<16xi32>, vector<16xi32>], vector<16xf32>,
        %add3A_1976 = arith.constant 43 : i32
        %add3A_1977 = vector.broadcast %add3A_1976 : i32 to vector<16xi32>
        %add3A_1978 = arith.addi %mul3A_1018, %add3A_1977 : vector<16xi32>
        %gather3A_1979 = tpu.vector_load_idx %arg17[%add3A_985, %add3A_1978] : memref<128x128xf32, #tpu.memory_space<vmem>>[vector<16xi32>, vector<16xi32>], vector<16xf32>,
        %mul3A_1980 = arith.mulf %gather3A_1971, %gather3A_1975 : vector<16xf32>
        %add3A_1981 = arith.addf %add3A_1959, %mul3A_1980 : vector<16xf32>
        %mul3A_1982 = arith.mulf %gather3A_1971, %gather3A_1979 : vector<16xf32>
        %add3A_1983 = arith.addf %add3A_1961, %mul3A_1982 : vector<16xf32>
        %mul3A_1984 = arith.mulf %gather3A_1971, %gather3A_1971 : vector<16xf32>
        %add3A_1985 = arith.addf %add3A_1967, %mul3A_1984 : vector<16xf32>
        %mul3A_1986 = arith.mulf %gather3A_1975, %gather3A_1975 : vector<16xf32>
        %add3A_1987 = arith.addf %add3A_1985, %mul3A_1986 : vector<16xf32>
        %mul3A_1988 = arith.mulf %gather3A_1979, %gather3A_1979 : vector<16xf32>
        %add3A_1989 = arith.addf %add3A_1987, %mul3A_1988 : vector<16xf32>
        %add3A_1990 = arith.constant 44 : i32
        %add3A_1991 = vector.broadcast %add3A_1990 : i32 to vector<16xi32>
        %add3A_1992 = arith.addi %mul3A_996, %add3A_1991 : vector<16xi32>
        %gather3A_1993 = tpu.vector_load_idx %arg15[%add3A_985, %add3A_1992] : memref<128x128xf32, #tpu.memory_space<vmem>>[vector<16xi32>, vector<16xi32>], vector<16xf32>,
        %add3A_1994 = arith.constant 44 : i32
        %add3A_1995 = vector.broadcast %add3A_1994 : i32 to vector<16xi32>
        %add3A_1996 = arith.addi %mul3A_1007, %add3A_1995 : vector<16xi32>
        %gather3A_1997 = tpu.vector_load_idx %arg16[%add3A_985, %add3A_1996] : memref<128x128xf32, #tpu.memory_space<vmem>>[vector<16xi32>, vector<16xi32>], vector<16xf32>,
        %add3A_1998 = arith.constant 44 : i32
        %add3A_1999 = vector.broadcast %add3A_1998 : i32 to vector<16xi32>
        %add3A_2000 = arith.addi %mul3A_1018, %add3A_1999 : vector<16xi32>
        %gather3A_2001 = tpu.vector_load_idx %arg17[%add3A_985, %add3A_2000] : memref<128x128xf32, #tpu.memory_space<vmem>>[vector<16xi32>, vector<16xi32>], vector<16xf32>,
        %mul3A_2002 = arith.mulf %gather3A_1993, %gather3A_1997 : vector<16xf32>
        %add3A_2003 = arith.addf %add3A_1981, %mul3A_2002 : vector<16xf32>
        %mul3A_2004 = arith.mulf %gather3A_1993, %gather3A_2001 : vector<16xf32>
        %add3A_2005 = arith.addf %add3A_1983, %mul3A_2004 : vector<16xf32>
        %mul3A_2006 = arith.mulf %gather3A_1993, %gather3A_1993 : vector<16xf32>
        %add3A_2007 = arith.addf %add3A_1989, %mul3A_2006 : vector<16xf32>
        %mul3A_2008 = arith.mulf %gather3A_1997, %gather3A_1997 : vector<16xf32>
        %add3A_2009 = arith.addf %add3A_2007, %mul3A_2008 : vector<16xf32>
        %mul3A_2010 = arith.mulf %gather3A_2001, %gather3A_2001 : vector<16xf32>
        %add3A_2011 = arith.addf %add3A_2009, %mul3A_2010 : vector<16xf32>
        %add3A_2012 = arith.constant 45 : i32
        %add3A_2013 = vector.broadcast %add3A_2012 : i32 to vector<16xi32>
        %add3A_2014 = arith.addi %mul3A_996, %add3A_2013 : vector<16xi32>
        %gather3A_2015 = tpu.vector_load_idx %arg15[%add3A_985, %add3A_2014] : memref<128x128xf32, #tpu.memory_space<vmem>>[vector<16xi32>, vector<16xi32>], vector<16xf32>,
        %add3A_2016 = arith.constant 45 : i32
        %add3A_2017 = vector.broadcast %add3A_2016 : i32 to vector<16xi32>
        %add3A_2018 = arith.addi %mul3A_1007, %add3A_2017 : vector<16xi32>
        %gather3A_2019 = tpu.vector_load_idx %arg16[%add3A_985, %add3A_2018] : memref<128x128xf32, #tpu.memory_space<vmem>>[vector<16xi32>, vector<16xi32>], vector<16xf32>,
        %add3A_2020 = arith.constant 45 : i32
        %add3A_2021 = vector.broadcast %add3A_2020 : i32 to vector<16xi32>
        %add3A_2022 = arith.addi %mul3A_1018, %add3A_2021 : vector<16xi32>
        %gather3A_2023 = tpu.vector_load_idx %arg17[%add3A_985, %add3A_2022] : memref<128x128xf32, #tpu.memory_space<vmem>>[vector<16xi32>, vector<16xi32>], vector<16xf32>,
        %mul3A_2024 = arith.mulf %gather3A_2015, %gather3A_2019 : vector<16xf32>
        %add3A_2025 = arith.addf %add3A_2003, %mul3A_2024 : vector<16xf32>
        %mul3A_2026 = arith.mulf %gather3A_2015, %gather3A_2023 : vector<16xf32>
        %add3A_2027 = arith.addf %add3A_2005, %mul3A_2026 : vector<16xf32>
        %mul3A_2028 = arith.mulf %gather3A_2015, %gather3A_2015 : vector<16xf32>
        %add3A_2029 = arith.addf %add3A_2011, %mul3A_2028 : vector<16xf32>
        %mul3A_2030 = arith.mulf %gather3A_2019, %gather3A_2019 : vector<16xf32>
        %add3A_2031 = arith.addf %add3A_2029, %mul3A_2030 : vector<16xf32>
        %mul3A_2032 = arith.mulf %gather3A_2023, %gather3A_2023 : vector<16xf32>
        %add3A_2033 = arith.addf %add3A_2031, %mul3A_2032 : vector<16xf32>
        %add3A_2034 = arith.constant 46 : i32
        %add3A_2035 = vector.broadcast %add3A_2034 : i32 to vector<16xi32>
        %add3A_2036 = arith.addi %mul3A_996, %add3A_2035 : vector<16xi32>
        %gather3A_2037 = tpu.vector_load_idx %arg15[%add3A_985, %add3A_2036] : memref<128x128xf32, #tpu.memory_space<vmem>>[vector<16xi32>, vector<16xi32>], vector<16xf32>,
        %add3A_2038 = arith.constant 46 : i32
        %add3A_2039 = vector.broadcast %add3A_2038 : i32 to vector<16xi32>
        %add3A_2040 = arith.addi %mul3A_1007, %add3A_2039 : vector<16xi32>
        %gather3A_2041 = tpu.vector_load_idx %arg16[%add3A_985, %add3A_2040] : memref<128x128xf32, #tpu.memory_space<vmem>>[vector<16xi32>, vector<16xi32>], vector<16xf32>,
        %add3A_2042 = arith.constant 46 : i32
        %add3A_2043 = vector.broadcast %add3A_2042 : i32 to vector<16xi32>
        %add3A_2044 = arith.addi %mul3A_1018, %add3A_2043 : vector<16xi32>
        %gather3A_2045 = tpu.vector_load_idx %arg17[%add3A_985, %add3A_2044] : memref<128x128xf32, #tpu.memory_space<vmem>>[vector<16xi32>, vector<16xi32>], vector<16xf32>,
        %mul3A_2046 = arith.mulf %gather3A_2037, %gather3A_2041 : vector<16xf32>
        %add3A_2047 = arith.addf %add3A_2025, %mul3A_2046 : vector<16xf32>
        %mul3A_2048 = arith.mulf %gather3A_2037, %gather3A_2045 : vector<16xf32>
        %add3A_2049 = arith.addf %add3A_2027, %mul3A_2048 : vector<16xf32>
        %mul3A_2050 = arith.mulf %gather3A_2037, %gather3A_2037 : vector<16xf32>
        %add3A_2051 = arith.addf %add3A_2033, %mul3A_2050 : vector<16xf32>
        %mul3A_2052 = arith.mulf %gather3A_2041, %gather3A_2041 : vector<16xf32>
        %add3A_2053 = arith.addf %add3A_2051, %mul3A_2052 : vector<16xf32>
        %mul3A_2054 = arith.mulf %gather3A_2045, %gather3A_2045 : vector<16xf32>
        %add3A_2055 = arith.addf %add3A_2053, %mul3A_2054 : vector<16xf32>
        %add3A_2056 = arith.constant 47 : i32
        %add3A_2057 = vector.broadcast %add3A_2056 : i32 to vector<16xi32>
        %add3A_2058 = arith.addi %mul3A_996, %add3A_2057 : vector<16xi32>
        %gather3A_2059 = tpu.vector_load_idx %arg15[%add3A_985, %add3A_2058] : memref<128x128xf32, #tpu.memory_space<vmem>>[vector<16xi32>, vector<16xi32>], vector<16xf32>,
        %add3A_2060 = arith.constant 47 : i32
        %add3A_2061 = vector.broadcast %add3A_2060 : i32 to vector<16xi32>
        %add3A_2062 = arith.addi %mul3A_1007, %add3A_2061 : vector<16xi32>
        %gather3A_2063 = tpu.vector_load_idx %arg16[%add3A_985, %add3A_2062] : memref<128x128xf32, #tpu.memory_space<vmem>>[vector<16xi32>, vector<16xi32>], vector<16xf32>,
        %add3A_2064 = arith.constant 47 : i32
        %add3A_2065 = vector.broadcast %add3A_2064 : i32 to vector<16xi32>
        %add3A_2066 = arith.addi %mul3A_1018, %add3A_2065 : vector<16xi32>
        %gather3A_2067 = tpu.vector_load_idx %arg17[%add3A_985, %add3A_2066] : memref<128x128xf32, #tpu.memory_space<vmem>>[vector<16xi32>, vector<16xi32>], vector<16xf32>,
        %mul3A_2068 = arith.mulf %gather3A_2059, %gather3A_2063 : vector<16xf32>
        %add3A_2069 = arith.addf %add3A_2047, %mul3A_2068 : vector<16xf32>
        %mul3A_2070 = arith.mulf %gather3A_2059, %gather3A_2067 : vector<16xf32>
        %add3A_2071 = arith.addf %add3A_2049, %mul3A_2070 : vector<16xf32>
        %mul3A_2072 = arith.mulf %gather3A_2059, %gather3A_2059 : vector<16xf32>
        %add3A_2073 = arith.addf %add3A_2055, %mul3A_2072 : vector<16xf32>
        %mul3A_2074 = arith.mulf %gather3A_2063, %gather3A_2063 : vector<16xf32>
        %add3A_2075 = arith.addf %add3A_2073, %mul3A_2074 : vector<16xf32>
        %mul3A_2076 = arith.mulf %gather3A_2067, %gather3A_2067 : vector<16xf32>
        %add3A_2077 = arith.addf %add3A_2075, %mul3A_2076 : vector<16xf32>
        %add3A_2078 = arith.constant 48 : i32
        %add3A_2079 = vector.broadcast %add3A_2078 : i32 to vector<16xi32>
        %add3A_2080 = arith.addi %mul3A_996, %add3A_2079 : vector<16xi32>
        %gather3A_2081 = tpu.vector_load_idx %arg15[%add3A_985, %add3A_2080] : memref<128x128xf32, #tpu.memory_space<vmem>>[vector<16xi32>, vector<16xi32>], vector<16xf32>,
        %add3A_2082 = arith.constant 48 : i32
        %add3A_2083 = vector.broadcast %add3A_2082 : i32 to vector<16xi32>
        %add3A_2084 = arith.addi %mul3A_1007, %add3A_2083 : vector<16xi32>
        %gather3A_2085 = tpu.vector_load_idx %arg16[%add3A_985, %add3A_2084] : memref<128x128xf32, #tpu.memory_space<vmem>>[vector<16xi32>, vector<16xi32>], vector<16xf32>,
        %add3A_2086 = arith.constant 48 : i32
        %add3A_2087 = vector.broadcast %add3A_2086 : i32 to vector<16xi32>
        %add3A_2088 = arith.addi %mul3A_1018, %add3A_2087 : vector<16xi32>
        %gather3A_2089 = tpu.vector_load_idx %arg17[%add3A_985, %add3A_2088] : memref<128x128xf32, #tpu.memory_space<vmem>>[vector<16xi32>, vector<16xi32>], vector<16xf32>,
        %mul3A_2090 = arith.mulf %gather3A_2081, %gather3A_2085 : vector<16xf32>
        %add3A_2091 = arith.addf %add3A_2069, %mul3A_2090 : vector<16xf32>
        %mul3A_2092 = arith.mulf %gather3A_2081, %gather3A_2089 : vector<16xf32>
        %add3A_2093 = arith.addf %add3A_2071, %mul3A_2092 : vector<16xf32>
        %mul3A_2094 = arith.mulf %gather3A_2081, %gather3A_2081 : vector<16xf32>
        %add3A_2095 = arith.addf %add3A_2077, %mul3A_2094 : vector<16xf32>
        %mul3A_2096 = arith.mulf %gather3A_2085, %gather3A_2085 : vector<16xf32>
        %add3A_2097 = arith.addf %add3A_2095, %mul3A_2096 : vector<16xf32>
        %mul3A_2098 = arith.mulf %gather3A_2089, %gather3A_2089 : vector<16xf32>
        %add3A_2099 = arith.addf %add3A_2097, %mul3A_2098 : vector<16xf32>
        %add3A_2100 = arith.constant 49 : i32
        %add3A_2101 = vector.broadcast %add3A_2100 : i32 to vector<16xi32>
        %add3A_2102 = arith.addi %mul3A_996, %add3A_2101 : vector<16xi32>
        %gather3A_2103 = tpu.vector_load_idx %arg15[%add3A_985, %add3A_2102] : memref<128x128xf32, #tpu.memory_space<vmem>>[vector<16xi32>, vector<16xi32>], vector<16xf32>,
        %add3A_2104 = arith.constant 49 : i32
        %add3A_2105 = vector.broadcast %add3A_2104 : i32 to vector<16xi32>
        %add3A_2106 = arith.addi %mul3A_1007, %add3A_2105 : vector<16xi32>
        %gather3A_2107 = tpu.vector_load_idx %arg16[%add3A_985, %add3A_2106] : memref<128x128xf32, #tpu.memory_space<vmem>>[vector<16xi32>, vector<16xi32>], vector<16xf32>,
        %add3A_2108 = arith.constant 49 : i32
        %add3A_2109 = vector.broadcast %add3A_2108 : i32 to vector<16xi32>
        %add3A_2110 = arith.addi %mul3A_1018, %add3A_2109 : vector<16xi32>
        %gather3A_2111 = tpu.vector_load_idx %arg17[%add3A_985, %add3A_2110] : memref<128x128xf32, #tpu.memory_space<vmem>>[vector<16xi32>, vector<16xi32>], vector<16xf32>,
        %mul3A_2112 = arith.mulf %gather3A_2103, %gather3A_2107 : vector<16xf32>
        %add3A_2113 = arith.addf %add3A_2091, %mul3A_2112 : vector<16xf32>
        %mul3A_2114 = arith.mulf %gather3A_2103, %gather3A_2111 : vector<16xf32>
        %add3A_2115 = arith.addf %add3A_2093, %mul3A_2114 : vector<16xf32>
        %mul3A_2116 = arith.mulf %gather3A_2103, %gather3A_2103 : vector<16xf32>
        %add3A_2117 = arith.addf %add3A_2099, %mul3A_2116 : vector<16xf32>
        %mul3A_2118 = arith.mulf %gather3A_2107, %gather3A_2107 : vector<16xf32>
        %add3A_2119 = arith.addf %add3A_2117, %mul3A_2118 : vector<16xf32>
        %mul3A_2120 = arith.mulf %gather3A_2111, %gather3A_2111 : vector<16xf32>
        %add3A_2121 = arith.addf %add3A_2119, %mul3A_2120 : vector<16xf32>
        %add3A_2122 = arith.constant 50 : i32
        %add3A_2123 = vector.broadcast %add3A_2122 : i32 to vector<16xi32>
        %add3A_2124 = arith.addi %mul3A_996, %add3A_2123 : vector<16xi32>
        %gather3A_2125 = tpu.vector_load_idx %arg15[%add3A_985, %add3A_2124] : memref<128x128xf32, #tpu.memory_space<vmem>>[vector<16xi32>, vector<16xi32>], vector<16xf32>,
        %add3A_2126 = arith.constant 50 : i32
        %add3A_2127 = vector.broadcast %add3A_2126 : i32 to vector<16xi32>
        %add3A_2128 = arith.addi %mul3A_1007, %add3A_2127 : vector<16xi32>
        %gather3A_2129 = tpu.vector_load_idx %arg16[%add3A_985, %add3A_2128] : memref<128x128xf32, #tpu.memory_space<vmem>>[vector<16xi32>, vector<16xi32>], vector<16xf32>,
        %add3A_2130 = arith.constant 50 : i32
        %add3A_2131 = vector.broadcast %add3A_2130 : i32 to vector<16xi32>
        %add3A_2132 = arith.addi %mul3A_1018, %add3A_2131 : vector<16xi32>
        %gather3A_2133 = tpu.vector_load_idx %arg17[%add3A_985, %add3A_2132] : memref<128x128xf32, #tpu.memory_space<vmem>>[vector<16xi32>, vector<16xi32>], vector<16xf32>,
        %mul3A_2134 = arith.mulf %gather3A_2125, %gather3A_2129 : vector<16xf32>
        %add3A_2135 = arith.addf %add3A_2113, %mul3A_2134 : vector<16xf32>
        %mul3A_2136 = arith.mulf %gather3A_2125, %gather3A_2133 : vector<16xf32>
        %add3A_2137 = arith.addf %add3A_2115, %mul3A_2136 : vector<16xf32>
        %mul3A_2138 = arith.mulf %gather3A_2125, %gather3A_2125 : vector<16xf32>
        %add3A_2139 = arith.addf %add3A_2121, %mul3A_2138 : vector<16xf32>
        %mul3A_2140 = arith.mulf %gather3A_2129, %gather3A_2129 : vector<16xf32>
        %add3A_2141 = arith.addf %add3A_2139, %mul3A_2140 : vector<16xf32>
        %mul3A_2142 = arith.mulf %gather3A_2133, %gather3A_2133 : vector<16xf32>
        %add3A_2143 = arith.addf %add3A_2141, %mul3A_2142 : vector<16xf32>
        %add3A_2144 = arith.constant 51 : i32
        %add3A_2145 = vector.broadcast %add3A_2144 : i32 to vector<16xi32>
        %add3A_2146 = arith.addi %mul3A_996, %add3A_2145 : vector<16xi32>
        %gather3A_2147 = tpu.vector_load_idx %arg15[%add3A_985, %add3A_2146] : memref<128x128xf32, #tpu.memory_space<vmem>>[vector<16xi32>, vector<16xi32>], vector<16xf32>,
        %add3A_2148 = arith.constant 51 : i32
        %add3A_2149 = vector.broadcast %add3A_2148 : i32 to vector<16xi32>
        %add3A_2150 = arith.addi %mul3A_1007, %add3A_2149 : vector<16xi32>
        %gather3A_2151 = tpu.vector_load_idx %arg16[%add3A_985, %add3A_2150] : memref<128x128xf32, #tpu.memory_space<vmem>>[vector<16xi32>, vector<16xi32>], vector<16xf32>,
        %add3A_2152 = arith.constant 51 : i32
        %add3A_2153 = vector.broadcast %add3A_2152 : i32 to vector<16xi32>
        %add3A_2154 = arith.addi %mul3A_1018, %add3A_2153 : vector<16xi32>
        %gather3A_2155 = tpu.vector_load_idx %arg17[%add3A_985, %add3A_2154] : memref<128x128xf32, #tpu.memory_space<vmem>>[vector<16xi32>, vector<16xi32>], vector<16xf32>,
        %mul3A_2156 = arith.mulf %gather3A_2147, %gather3A_2151 : vector<16xf32>
        %add3A_2157 = arith.addf %add3A_2135, %mul3A_2156 : vector<16xf32>
        %mul3A_2158 = arith.mulf %gather3A_2147, %gather3A_2155 : vector<16xf32>
        %add3A_2159 = arith.addf %add3A_2137, %mul3A_2158 : vector<16xf32>
        %mul3A_2160 = arith.mulf %gather3A_2147, %gather3A_2147 : vector<16xf32>
        %add3A_2161 = arith.addf %add3A_2143, %mul3A_2160 : vector<16xf32>
        %mul3A_2162 = arith.mulf %gather3A_2151, %gather3A_2151 : vector<16xf32>
        %add3A_2163 = arith.addf %add3A_2161, %mul3A_2162 : vector<16xf32>
        %mul3A_2164 = arith.mulf %gather3A_2155, %gather3A_2155 : vector<16xf32>
        %add3A_2165 = arith.addf %add3A_2163, %mul3A_2164 : vector<16xf32>
        %add3A_2166 = arith.constant 52 : i32
        %add3A_2167 = vector.broadcast %add3A_2166 : i32 to vector<16xi32>
        %add3A_2168 = arith.addi %mul3A_996, %add3A_2167 : vector<16xi32>
        %gather3A_2169 = tpu.vector_load_idx %arg15[%add3A_985, %add3A_2168] : memref<128x128xf32, #tpu.memory_space<vmem>>[vector<16xi32>, vector<16xi32>], vector<16xf32>,
        %add3A_2170 = arith.constant 52 : i32
        %add3A_2171 = vector.broadcast %add3A_2170 : i32 to vector<16xi32>
        %add3A_2172 = arith.addi %mul3A_1007, %add3A_2171 : vector<16xi32>
        %gather3A_2173 = tpu.vector_load_idx %arg16[%add3A_985, %add3A_2172] : memref<128x128xf32, #tpu.memory_space<vmem>>[vector<16xi32>, vector<16xi32>], vector<16xf32>,
        %add3A_2174 = arith.constant 52 : i32
        %add3A_2175 = vector.broadcast %add3A_2174 : i32 to vector<16xi32>
        %add3A_2176 = arith.addi %mul3A_1018, %add3A_2175 : vector<16xi32>
        %gather3A_2177 = tpu.vector_load_idx %arg17[%add3A_985, %add3A_2176] : memref<128x128xf32, #tpu.memory_space<vmem>>[vector<16xi32>, vector<16xi32>], vector<16xf32>,
        %mul3A_2178 = arith.mulf %gather3A_2169, %gather3A_2173 : vector<16xf32>
        %add3A_2179 = arith.addf %add3A_2157, %mul3A_2178 : vector<16xf32>
        %mul3A_2180 = arith.mulf %gather3A_2169, %gather3A_2177 : vector<16xf32>
        %add3A_2181 = arith.addf %add3A_2159, %mul3A_2180 : vector<16xf32>
        %mul3A_2182 = arith.mulf %gather3A_2169, %gather3A_2169 : vector<16xf32>
        %add3A_2183 = arith.addf %add3A_2165, %mul3A_2182 : vector<16xf32>
        %mul3A_2184 = arith.mulf %gather3A_2173, %gather3A_2173 : vector<16xf32>
        %add3A_2185 = arith.addf %add3A_2183, %mul3A_2184 : vector<16xf32>
        %mul3A_2186 = arith.mulf %gather3A_2177, %gather3A_2177 : vector<16xf32>
        %add3A_2187 = arith.addf %add3A_2185, %mul3A_2186 : vector<16xf32>
        %add3A_2188 = arith.constant 53 : i32
        %add3A_2189 = vector.broadcast %add3A_2188 : i32 to vector<16xi32>
        %add3A_2190 = arith.addi %mul3A_996, %add3A_2189 : vector<16xi32>
        %gather3A_2191 = tpu.vector_load_idx %arg15[%add3A_985, %add3A_2190] : memref<128x128xf32, #tpu.memory_space<vmem>>[vector<16xi32>, vector<16xi32>], vector<16xf32>,
        %add3A_2192 = arith.constant 53 : i32
        %add3A_2193 = vector.broadcast %add3A_2192 : i32 to vector<16xi32>
        %add3A_2194 = arith.addi %mul3A_1007, %add3A_2193 : vector<16xi32>
        %gather3A_2195 = tpu.vector_load_idx %arg16[%add3A_985, %add3A_2194] : memref<128x128xf32, #tpu.memory_space<vmem>>[vector<16xi32>, vector<16xi32>], vector<16xf32>,
        %add3A_2196 = arith.constant 53 : i32
        %add3A_2197 = vector.broadcast %add3A_2196 : i32 to vector<16xi32>
        %add3A_2198 = arith.addi %mul3A_1018, %add3A_2197 : vector<16xi32>
        %gather3A_2199 = tpu.vector_load_idx %arg17[%add3A_985, %add3A_2198] : memref<128x128xf32, #tpu.memory_space<vmem>>[vector<16xi32>, vector<16xi32>], vector<16xf32>,
        %mul3A_2200 = arith.mulf %gather3A_2191, %gather3A_2195 : vector<16xf32>
        %add3A_2201 = arith.addf %add3A_2179, %mul3A_2200 : vector<16xf32>
        %mul3A_2202 = arith.mulf %gather3A_2191, %gather3A_2199 : vector<16xf32>
        %add3A_2203 = arith.addf %add3A_2181, %mul3A_2202 : vector<16xf32>
        %mul3A_2204 = arith.mulf %gather3A_2191, %gather3A_2191 : vector<16xf32>
        %add3A_2205 = arith.addf %add3A_2187, %mul3A_2204 : vector<16xf32>
        %mul3A_2206 = arith.mulf %gather3A_2195, %gather3A_2195 : vector<16xf32>
        %add3A_2207 = arith.addf %add3A_2205, %mul3A_2206 : vector<16xf32>
        %mul3A_2208 = arith.mulf %gather3A_2199, %gather3A_2199 : vector<16xf32>
        %add3A_2209 = arith.addf %add3A_2207, %mul3A_2208 : vector<16xf32>
        %add3A_2210 = arith.constant 54 : i32
        %add3A_2211 = vector.broadcast %add3A_2210 : i32 to vector<16xi32>
        %add3A_2212 = arith.addi %mul3A_996, %add3A_2211 : vector<16xi32>
        %gather3A_2213 = tpu.vector_load_idx %arg15[%add3A_985, %add3A_2212] : memref<128x128xf32, #tpu.memory_space<vmem>>[vector<16xi32>, vector<16xi32>], vector<16xf32>,
        %add3A_2214 = arith.constant 54 : i32
        %add3A_2215 = vector.broadcast %add3A_2214 : i32 to vector<16xi32>
        %add3A_2216 = arith.addi %mul3A_1007, %add3A_2215 : vector<16xi32>
        %gather3A_2217 = tpu.vector_load_idx %arg16[%add3A_985, %add3A_2216] : memref<128x128xf32, #tpu.memory_space<vmem>>[vector<16xi32>, vector<16xi32>], vector<16xf32>,
        %add3A_2218 = arith.constant 54 : i32
        %add3A_2219 = vector.broadcast %add3A_2218 : i32 to vector<16xi32>
        %add3A_2220 = arith.addi %mul3A_1018, %add3A_2219 : vector<16xi32>
        %gather3A_2221 = tpu.vector_load_idx %arg17[%add3A_985, %add3A_2220] : memref<128x128xf32, #tpu.memory_space<vmem>>[vector<16xi32>, vector<16xi32>], vector<16xf32>,
        %mul3A_2222 = arith.mulf %gather3A_2213, %gather3A_2217 : vector<16xf32>
        %add3A_2223 = arith.addf %add3A_2201, %mul3A_2222 : vector<16xf32>
        %mul3A_2224 = arith.mulf %gather3A_2213, %gather3A_2221 : vector<16xf32>
        %add3A_2225 = arith.addf %add3A_2203, %mul3A_2224 : vector<16xf32>
        %mul3A_2226 = arith.mulf %gather3A_2213, %gather3A_2213 : vector<16xf32>
        %add3A_2227 = arith.addf %add3A_2209, %mul3A_2226 : vector<16xf32>
        %mul3A_2228 = arith.mulf %gather3A_2217, %gather3A_2217 : vector<16xf32>
        %add3A_2229 = arith.addf %add3A_2227, %mul3A_2228 : vector<16xf32>
        %mul3A_2230 = arith.mulf %gather3A_2221, %gather3A_2221 : vector<16xf32>
        %add3A_2231 = arith.addf %add3A_2229, %mul3A_2230 : vector<16xf32>
        %add3A_2232 = arith.constant 55 : i32
        %add3A_2233 = vector.broadcast %add3A_2232 : i32 to vector<16xi32>
        %add3A_2234 = arith.addi %mul3A_996, %add3A_2233 : vector<16xi32>
        %gather3A_2235 = tpu.vector_load_idx %arg15[%add3A_985, %add3A_2234] : memref<128x128xf32, #tpu.memory_space<vmem>>[vector<16xi32>, vector<16xi32>], vector<16xf32>,
        %add3A_2236 = arith.constant 55 : i32
        %add3A_2237 = vector.broadcast %add3A_2236 : i32 to vector<16xi32>
        %add3A_2238 = arith.addi %mul3A_1007, %add3A_2237 : vector<16xi32>
        %gather3A_2239 = tpu.vector_load_idx %arg16[%add3A_985, %add3A_2238] : memref<128x128xf32, #tpu.memory_space<vmem>>[vector<16xi32>, vector<16xi32>], vector<16xf32>,
        %add3A_2240 = arith.constant 55 : i32
        %add3A_2241 = vector.broadcast %add3A_2240 : i32 to vector<16xi32>
        %add3A_2242 = arith.addi %mul3A_1018, %add3A_2241 : vector<16xi32>
        %gather3A_2243 = tpu.vector_load_idx %arg17[%add3A_985, %add3A_2242] : memref<128x128xf32, #tpu.memory_space<vmem>>[vector<16xi32>, vector<16xi32>], vector<16xf32>,
        %mul3A_2244 = arith.mulf %gather3A_2235, %gather3A_2239 : vector<16xf32>
        %add3A_2245 = arith.addf %add3A_2223, %mul3A_2244 : vector<16xf32>
        %mul3A_2246 = arith.mulf %gather3A_2235, %gather3A_2243 : vector<16xf32>
        %add3A_2247 = arith.addf %add3A_2225, %mul3A_2246 : vector<16xf32>
        %mul3A_2248 = arith.mulf %gather3A_2235, %gather3A_2235 : vector<16xf32>
        %add3A_2249 = arith.addf %add3A_2231, %mul3A_2248 : vector<16xf32>
        %mul3A_2250 = arith.mulf %gather3A_2239, %gather3A_2239 : vector<16xf32>
        %add3A_2251 = arith.addf %add3A_2249, %mul3A_2250 : vector<16xf32>
        %mul3A_2252 = arith.mulf %gather3A_2243, %gather3A_2243 : vector<16xf32>
        %add3A_2253 = arith.addf %add3A_2251, %mul3A_2252 : vector<16xf32>
        %add3A_2254 = arith.constant 56 : i32
        %add3A_2255 = vector.broadcast %add3A_2254 : i32 to vector<16xi32>
        %add3A_2256 = arith.addi %mul3A_996, %add3A_2255 : vector<16xi32>
        %gather3A_2257 = tpu.vector_load_idx %arg15[%add3A_985, %add3A_2256] : memref<128x128xf32, #tpu.memory_space<vmem>>[vector<16xi32>, vector<16xi32>], vector<16xf32>,
        %add3A_2258 = arith.constant 56 : i32
        %add3A_2259 = vector.broadcast %add3A_2258 : i32 to vector<16xi32>
        %add3A_2260 = arith.addi %mul3A_1007, %add3A_2259 : vector<16xi32>
        %gather3A_2261 = tpu.vector_load_idx %arg16[%add3A_985, %add3A_2260] : memref<128x128xf32, #tpu.memory_space<vmem>>[vector<16xi32>, vector<16xi32>], vector<16xf32>,
        %add3A_2262 = arith.constant 56 : i32
        %add3A_2263 = vector.broadcast %add3A_2262 : i32 to vector<16xi32>
        %add3A_2264 = arith.addi %mul3A_1018, %add3A_2263 : vector<16xi32>
        %gather3A_2265 = tpu.vector_load_idx %arg17[%add3A_985, %add3A_2264] : memref<128x128xf32, #tpu.memory_space<vmem>>[vector<16xi32>, vector<16xi32>], vector<16xf32>,
        %mul3A_2266 = arith.mulf %gather3A_2257, %gather3A_2261 : vector<16xf32>
        %add3A_2267 = arith.addf %add3A_2245, %mul3A_2266 : vector<16xf32>
        %mul3A_2268 = arith.mulf %gather3A_2257, %gather3A_2265 : vector<16xf32>
        %add3A_2269 = arith.addf %add3A_2247, %mul3A_2268 : vector<16xf32>
        %mul3A_2270 = arith.mulf %gather3A_2257, %gather3A_2257 : vector<16xf32>
        %add3A_2271 = arith.addf %add3A_2253, %mul3A_2270 : vector<16xf32>
        %mul3A_2272 = arith.mulf %gather3A_2261, %gather3A_2261 : vector<16xf32>
        %add3A_2273 = arith.addf %add3A_2271, %mul3A_2272 : vector<16xf32>
        %mul3A_2274 = arith.mulf %gather3A_2265, %gather3A_2265 : vector<16xf32>
        %add3A_2275 = arith.addf %add3A_2273, %mul3A_2274 : vector<16xf32>
        %add3A_2276 = arith.constant 57 : i32
        %add3A_2277 = vector.broadcast %add3A_2276 : i32 to vector<16xi32>
        %add3A_2278 = arith.addi %mul3A_996, %add3A_2277 : vector<16xi32>
        %gather3A_2279 = tpu.vector_load_idx %arg15[%add3A_985, %add3A_2278] : memref<128x128xf32, #tpu.memory_space<vmem>>[vector<16xi32>, vector<16xi32>], vector<16xf32>,
        %add3A_2280 = arith.constant 57 : i32
        %add3A_2281 = vector.broadcast %add3A_2280 : i32 to vector<16xi32>
        %add3A_2282 = arith.addi %mul3A_1007, %add3A_2281 : vector<16xi32>
        %gather3A_2283 = tpu.vector_load_idx %arg16[%add3A_985, %add3A_2282] : memref<128x128xf32, #tpu.memory_space<vmem>>[vector<16xi32>, vector<16xi32>], vector<16xf32>,
        %add3A_2284 = arith.constant 57 : i32
        %add3A_2285 = vector.broadcast %add3A_2284 : i32 to vector<16xi32>
        %add3A_2286 = arith.addi %mul3A_1018, %add3A_2285 : vector<16xi32>
        %gather3A_2287 = tpu.vector_load_idx %arg17[%add3A_985, %add3A_2286] : memref<128x128xf32, #tpu.memory_space<vmem>>[vector<16xi32>, vector<16xi32>], vector<16xf32>,
        %mul3A_2288 = arith.mulf %gather3A_2279, %gather3A_2283 : vector<16xf32>
        %add3A_2289 = arith.addf %add3A_2267, %mul3A_2288 : vector<16xf32>
        %mul3A_2290 = arith.mulf %gather3A_2279, %gather3A_2287 : vector<16xf32>
        %add3A_2291 = arith.addf %add3A_2269, %mul3A_2290 : vector<16xf32>
        %mul3A_2292 = arith.mulf %gather3A_2279, %gather3A_2279 : vector<16xf32>
        %add3A_2293 = arith.addf %add3A_2275, %mul3A_2292 : vector<16xf32>
        %mul3A_2294 = arith.mulf %gather3A_2283, %gather3A_2283 : vector<16xf32>
        %add3A_2295 = arith.addf %add3A_2293, %mul3A_2294 : vector<16xf32>
        %mul3A_2296 = arith.mulf %gather3A_2287, %gather3A_2287 : vector<16xf32>
        %add3A_2297 = arith.addf %add3A_2295, %mul3A_2296 : vector<16xf32>
        %add3A_2298 = arith.constant 58 : i32
        %add3A_2299 = vector.broadcast %add3A_2298 : i32 to vector<16xi32>
        %add3A_2300 = arith.addi %mul3A_996, %add3A_2299 : vector<16xi32>
        %gather3A_2301 = tpu.vector_load_idx %arg15[%add3A_985, %add3A_2300] : memref<128x128xf32, #tpu.memory_space<vmem>>[vector<16xi32>, vector<16xi32>], vector<16xf32>,
        %add3A_2302 = arith.constant 58 : i32
        %add3A_2303 = vector.broadcast %add3A_2302 : i32 to vector<16xi32>
        %add3A_2304 = arith.addi %mul3A_1007, %add3A_2303 : vector<16xi32>
        %gather3A_2305 = tpu.vector_load_idx %arg16[%add3A_985, %add3A_2304] : memref<128x128xf32, #tpu.memory_space<vmem>>[vector<16xi32>, vector<16xi32>], vector<16xf32>,
        %add3A_2306 = arith.constant 58 : i32
        %add3A_2307 = vector.broadcast %add3A_2306 : i32 to vector<16xi32>
        %add3A_2308 = arith.addi %mul3A_1018, %add3A_2307 : vector<16xi32>
        %gather3A_2309 = tpu.vector_load_idx %arg17[%add3A_985, %add3A_2308] : memref<128x128xf32, #tpu.memory_space<vmem>>[vector<16xi32>, vector<16xi32>], vector<16xf32>,
        %mul3A_2310 = arith.mulf %gather3A_2301, %gather3A_2305 : vector<16xf32>
        %add3A_2311 = arith.addf %add3A_2289, %mul3A_2310 : vector<16xf32>
        %mul3A_2312 = arith.mulf %gather3A_2301, %gather3A_2309 : vector<16xf32>
        %add3A_2313 = arith.addf %add3A_2291, %mul3A_2312 : vector<16xf32>
        %mul3A_2314 = arith.mulf %gather3A_2301, %gather3A_2301 : vector<16xf32>
        %add3A_2315 = arith.addf %add3A_2297, %mul3A_2314 : vector<16xf32>
        %mul3A_2316 = arith.mulf %gather3A_2305, %gather3A_2305 : vector<16xf32>
        %add3A_2317 = arith.addf %add3A_2315, %mul3A_2316 : vector<16xf32>
        %mul3A_2318 = arith.mulf %gather3A_2309, %gather3A_2309 : vector<16xf32>
        %add3A_2319 = arith.addf %add3A_2317, %mul3A_2318 : vector<16xf32>
        %add3A_2320 = arith.constant 59 : i32
        %add3A_2321 = vector.broadcast %add3A_2320 : i32 to vector<16xi32>
        %add3A_2322 = arith.addi %mul3A_996, %add3A_2321 : vector<16xi32>
        %gather3A_2323 = tpu.vector_load_idx %arg15[%add3A_985, %add3A_2322] : memref<128x128xf32, #tpu.memory_space<vmem>>[vector<16xi32>, vector<16xi32>], vector<16xf32>,
        %add3A_2324 = arith.constant 59 : i32
        %add3A_2325 = vector.broadcast %add3A_2324 : i32 to vector<16xi32>
        %add3A_2326 = arith.addi %mul3A_1007, %add3A_2325 : vector<16xi32>
        %gather3A_2327 = tpu.vector_load_idx %arg16[%add3A_985, %add3A_2326] : memref<128x128xf32, #tpu.memory_space<vmem>>[vector<16xi32>, vector<16xi32>], vector<16xf32>,
        %add3A_2328 = arith.constant 59 : i32
        %add3A_2329 = vector.broadcast %add3A_2328 : i32 to vector<16xi32>
        %add3A_2330 = arith.addi %mul3A_1018, %add3A_2329 : vector<16xi32>
        %gather3A_2331 = tpu.vector_load_idx %arg17[%add3A_985, %add3A_2330] : memref<128x128xf32, #tpu.memory_space<vmem>>[vector<16xi32>, vector<16xi32>], vector<16xf32>,
        %mul3A_2332 = arith.mulf %gather3A_2323, %gather3A_2327 : vector<16xf32>
        %add3A_2333 = arith.addf %add3A_2311, %mul3A_2332 : vector<16xf32>
        %mul3A_2334 = arith.mulf %gather3A_2323, %gather3A_2331 : vector<16xf32>
        %add3A_2335 = arith.addf %add3A_2313, %mul3A_2334 : vector<16xf32>
        %mul3A_2336 = arith.mulf %gather3A_2323, %gather3A_2323 : vector<16xf32>
        %add3A_2337 = arith.addf %add3A_2319, %mul3A_2336 : vector<16xf32>
        %mul3A_2338 = arith.mulf %gather3A_2327, %gather3A_2327 : vector<16xf32>
        %add3A_2339 = arith.addf %add3A_2337, %mul3A_2338 : vector<16xf32>
        %mul3A_2340 = arith.mulf %gather3A_2331, %gather3A_2331 : vector<16xf32>
        %add3A_2341 = arith.addf %add3A_2339, %mul3A_2340 : vector<16xf32>
        %add3A_2342 = arith.constant 60 : i32
        %add3A_2343 = vector.broadcast %add3A_2342 : i32 to vector<16xi32>
        %add3A_2344 = arith.addi %mul3A_996, %add3A_2343 : vector<16xi32>
        %gather3A_2345 = tpu.vector_load_idx %arg15[%add3A_985, %add3A_2344] : memref<128x128xf32, #tpu.memory_space<vmem>>[vector<16xi32>, vector<16xi32>], vector<16xf32>,
        %add3A_2346 = arith.constant 60 : i32
        %add3A_2347 = vector.broadcast %add3A_2346 : i32 to vector<16xi32>
        %add3A_2348 = arith.addi %mul3A_1007, %add3A_2347 : vector<16xi32>
        %gather3A_2349 = tpu.vector_load_idx %arg16[%add3A_985, %add3A_2348] : memref<128x128xf32, #tpu.memory_space<vmem>>[vector<16xi32>, vector<16xi32>], vector<16xf32>,
        %add3A_2350 = arith.constant 60 : i32
        %add3A_2351 = vector.broadcast %add3A_2350 : i32 to vector<16xi32>
        %add3A_2352 = arith.addi %mul3A_1018, %add3A_2351 : vector<16xi32>
        %gather3A_2353 = tpu.vector_load_idx %arg17[%add3A_985, %add3A_2352] : memref<128x128xf32, #tpu.memory_space<vmem>>[vector<16xi32>, vector<16xi32>], vector<16xf32>,
        %mul3A_2354 = arith.mulf %gather3A_2345, %gather3A_2349 : vector<16xf32>
        %add3A_2355 = arith.addf %add3A_2333, %mul3A_2354 : vector<16xf32>
        %mul3A_2356 = arith.mulf %gather3A_2345, %gather3A_2353 : vector<16xf32>
        %add3A_2357 = arith.addf %add3A_2335, %mul3A_2356 : vector<16xf32>
        %mul3A_2358 = arith.mulf %gather3A_2345, %gather3A_2345 : vector<16xf32>
        %add3A_2359 = arith.addf %add3A_2341, %mul3A_2358 : vector<16xf32>
        %mul3A_2360 = arith.mulf %gather3A_2349, %gather3A_2349 : vector<16xf32>
        %add3A_2361 = arith.addf %add3A_2359, %mul3A_2360 : vector<16xf32>
        %mul3A_2362 = arith.mulf %gather3A_2353, %gather3A_2353 : vector<16xf32>
        %add3A_2363 = arith.addf %add3A_2361, %mul3A_2362 : vector<16xf32>
        %add3A_2364 = arith.constant 61 : i32
        %add3A_2365 = vector.broadcast %add3A_2364 : i32 to vector<16xi32>
        %add3A_2366 = arith.addi %mul3A_996, %add3A_2365 : vector<16xi32>
        %gather3A_2367 = tpu.vector_load_idx %arg15[%add3A_985, %add3A_2366] : memref<128x128xf32, #tpu.memory_space<vmem>>[vector<16xi32>, vector<16xi32>], vector<16xf32>,
        %add3A_2368 = arith.constant 61 : i32
        %add3A_2369 = vector.broadcast %add3A_2368 : i32 to vector<16xi32>
        %add3A_2370 = arith.addi %mul3A_1007, %add3A_2369 : vector<16xi32>
        %gather3A_2371 = tpu.vector_load_idx %arg16[%add3A_985, %add3A_2370] : memref<128x128xf32, #tpu.memory_space<vmem>>[vector<16xi32>, vector<16xi32>], vector<16xf32>,
        %add3A_2372 = arith.constant 61 : i32
        %add3A_2373 = vector.broadcast %add3A_2372 : i32 to vector<16xi32>
        %add3A_2374 = arith.addi %mul3A_1018, %add3A_2373 : vector<16xi32>
        %gather3A_2375 = tpu.vector_load_idx %arg17[%add3A_985, %add3A_2374] : memref<128x128xf32, #tpu.memory_space<vmem>>[vector<16xi32>, vector<16xi32>], vector<16xf32>,
        %mul3A_2376 = arith.mulf %gather3A_2367, %gather3A_2371 : vector<16xf32>
        %add3A_2377 = arith.addf %add3A_2355, %mul3A_2376 : vector<16xf32>
        %mul3A_2378 = arith.mulf %gather3A_2367, %gather3A_2375 : vector<16xf32>
        %add3A_2379 = arith.addf %add3A_2357, %mul3A_2378 : vector<16xf32>
        %mul3A_2380 = arith.mulf %gather3A_2367, %gather3A_2367 : vector<16xf32>
        %add3A_2381 = arith.addf %add3A_2363, %mul3A_2380 : vector<16xf32>
        %mul3A_2382 = arith.mulf %gather3A_2371, %gather3A_2371 : vector<16xf32>
        %add3A_2383 = arith.addf %add3A_2381, %mul3A_2382 : vector<16xf32>
        %mul3A_2384 = arith.mulf %gather3A_2375, %gather3A_2375 : vector<16xf32>
        %add3A_2385 = arith.addf %add3A_2383, %mul3A_2384 : vector<16xf32>
        %add3A_2386 = arith.constant 62 : i32
        %add3A_2387 = vector.broadcast %add3A_2386 : i32 to vector<16xi32>
        %add3A_2388 = arith.addi %mul3A_996, %add3A_2387 : vector<16xi32>
        %gather3A_2389 = tpu.vector_load_idx %arg15[%add3A_985, %add3A_2388] : memref<128x128xf32, #tpu.memory_space<vmem>>[vector<16xi32>, vector<16xi32>], vector<16xf32>,
        %add3A_2390 = arith.constant 62 : i32
        %add3A_2391 = vector.broadcast %add3A_2390 : i32 to vector<16xi32>
        %add3A_2392 = arith.addi %mul3A_1007, %add3A_2391 : vector<16xi32>
        %gather3A_2393 = tpu.vector_load_idx %arg16[%add3A_985, %add3A_2392] : memref<128x128xf32, #tpu.memory_space<vmem>>[vector<16xi32>, vector<16xi32>], vector<16xf32>,
        %add3A_2394 = arith.constant 62 : i32
        %add3A_2395 = vector.broadcast %add3A_2394 : i32 to vector<16xi32>
        %add3A_2396 = arith.addi %mul3A_1018, %add3A_2395 : vector<16xi32>
        %gather3A_2397 = tpu.vector_load_idx %arg17[%add3A_985, %add3A_2396] : memref<128x128xf32, #tpu.memory_space<vmem>>[vector<16xi32>, vector<16xi32>], vector<16xf32>,
        %mul3A_2398 = arith.mulf %gather3A_2389, %gather3A_2393 : vector<16xf32>
        %add3A_2399 = arith.addf %add3A_2377, %mul3A_2398 : vector<16xf32>
        %mul3A_2400 = arith.mulf %gather3A_2389, %gather3A_2397 : vector<16xf32>
        %add3A_2401 = arith.addf %add3A_2379, %mul3A_2400 : vector<16xf32>
        %mul3A_2402 = arith.mulf %gather3A_2389, %gather3A_2389 : vector<16xf32>
        %add3A_2403 = arith.addf %add3A_2385, %mul3A_2402 : vector<16xf32>
        %mul3A_2404 = arith.mulf %gather3A_2393, %gather3A_2393 : vector<16xf32>
        %add3A_2405 = arith.addf %add3A_2403, %mul3A_2404 : vector<16xf32>
        %mul3A_2406 = arith.mulf %gather3A_2397, %gather3A_2397 : vector<16xf32>
        %add3A_2407 = arith.addf %add3A_2405, %mul3A_2406 : vector<16xf32>
        %add3A_2408 = arith.constant 63 : i32
        %add3A_2409 = vector.broadcast %add3A_2408 : i32 to vector<16xi32>
        %add3A_2410 = arith.addi %mul3A_996, %add3A_2409 : vector<16xi32>
        %gather3A_2411 = tpu.vector_load_idx %arg15[%add3A_985, %add3A_2410] : memref<128x128xf32, #tpu.memory_space<vmem>>[vector<16xi32>, vector<16xi32>], vector<16xf32>,
        %add3A_2412 = arith.constant 63 : i32
        %add3A_2413 = vector.broadcast %add3A_2412 : i32 to vector<16xi32>
        %add3A_2414 = arith.addi %mul3A_1007, %add3A_2413 : vector<16xi32>
        %gather3A_2415 = tpu.vector_load_idx %arg16[%add3A_985, %add3A_2414] : memref<128x128xf32, #tpu.memory_space<vmem>>[vector<16xi32>, vector<16xi32>], vector<16xf32>,
        %add3A_2416 = arith.constant 63 : i32
        %add3A_2417 = vector.broadcast %add3A_2416 : i32 to vector<16xi32>
        %add3A_2418 = arith.addi %mul3A_1018, %add3A_2417 : vector<16xi32>
        %gather3A_2419 = tpu.vector_load_idx %arg17[%add3A_985, %add3A_2418] : memref<128x128xf32, #tpu.memory_space<vmem>>[vector<16xi32>, vector<16xi32>], vector<16xf32>,
        %mul3A_2420 = arith.mulf %gather3A_2411, %gather3A_2415 : vector<16xf32>
        %add3A_2421 = arith.addf %add3A_2399, %mul3A_2420 : vector<16xf32>
        %mul3A_2422 = arith.mulf %gather3A_2411, %gather3A_2419 : vector<16xf32>
        %add3A_2423 = arith.addf %add3A_2401, %mul3A_2422 : vector<16xf32>
        %mul3A_2424 = arith.mulf %gather3A_2411, %gather3A_2411 : vector<16xf32>
        %add3A_2425 = arith.addf %add3A_2407, %mul3A_2424 : vector<16xf32>
        %mul3A_2426 = arith.mulf %gather3A_2415, %gather3A_2415 : vector<16xf32>
        %add3A_2427 = arith.addf %add3A_2425, %mul3A_2426 : vector<16xf32>
        %mul3A_2428 = arith.mulf %gather3A_2419, %gather3A_2419 : vector<16xf32>
        %add3A_2429 = arith.addf %add3A_2427, %mul3A_2428 : vector<16xf32>
        %swap3A_2430 = arith.index_cast %add3A_981 : i32 to index
        %swap3A_2431 = tpu.vector_load %arg21[%swap3A_2430] {strides = array<i32>} : memref<512xf32, #tpu.memory_space<vmem>>, vector<16xf32>,
        tpu.vector_store %arg21[%swap3A_2430], %add3A_2421 {strides = array<i32>} : memref<512xf32, #tpu.memory_space<vmem>>, vector<16xf32>,
        %swap3A_2432 = arith.index_cast %add3A_981 : i32 to index
        %swap3A_2433 = tpu.vector_load %arg22[%swap3A_2432] {strides = array<i32>} : memref<512xf32, #tpu.memory_space<vmem>>, vector<16xf32>,
        tpu.vector_store %arg22[%swap3A_2432], %add3A_2423 {strides = array<i32>} : memref<512xf32, #tpu.memory_space<vmem>>, vector<16xf32>,
        scf.yield %add3A_2429 : vector<16xf32>
      }
      %scan3A_943 = arith.constant 8 : i32
      %lt3A = arith.constant 1 : i32
      %lt3A_944 = arith.cmpi slt, %scan3A_411, %lt3A : i32
      %convert_element_type3A = arith.extui %lt3A_944 : i1 to i32
      %cond3A = arith.constant 0 : i32
      %cond3A_945 = arith.cmpi ne, %convert_element_type3A, %cond3A : i32
      scf.if %cond3A_945 {
        %add3A_975 = arith.constant 2 : i32
        %add3A_976 = arith.addi %mul3A_414, %add3A_975 : i32
        %mul3A_977 = arith.constant 128 : i32
        %mul3A_978 = arith.muli %add3A_976, %mul3A_977 : i32
        %add3A_979 = arith.constant 0 : i32
        %add3A_980 = arith.addi %mul3A_978, %add3A_979 : i32
        %get3A_981 = arith.index_cast %add3A_980 : i32 to index
        %get3A_982 = tpu.vector_load %arg10[%get3A_981] {strides = array<i32>} : memref<512xi32, #tpu.memory_space<vmem>>, vector<16xi32>,
        %shift_right_logical3A_983 = arith.constant 15 : i32
        %shift_right_logical3A_984 = vector.broadcast %shift_right_logical3A_983 : i32 to vector<16xi32>
        %shift_right_logical3A_985 = arith.shrui %get3A_982, %shift_right_logical3A_984 : vector<16xi32>
        %mul3A_986 = arith.constant 16384 : i32
        %mul3A_987 = vector.broadcast %mul3A_986 : i32 to vector<16xi32>
        %mul3A_988 = arith.muli %shift_right_logical3A_985, %mul3A_987 : vector<16xi32>
        %and3A_989 = arith.constant 16383 : i32
        %and3A_990 = vector.broadcast %and3A_989 : i32 to vector<16xi32>
        %and3A_991 = arith.andi %get3A_982, %and3A_990 : vector<16xi32>
        %add3A_992 = arith.addi %mul3A_988, %and3A_991 : vector<16xi32>
        %swap3A_993 = arith.constant 0 : i32
        %swap3A_994 = arith.index_cast %swap3A_993 : i32 to index
        %swap3A_995 = arith.constant 0 : index
        %swap3A_996 = tpu.vector_load %arg13[%swap3A_994, %swap3A_995] {strides = array<i32>} : memref<3x128xi32, #tpu.memory_space<vmem>>, vector<16xi32>,
        tpu.vector_store %arg13[%swap3A_994, %swap3A_995], %add3A_992 {strides = array<i32>} : memref<3x128xi32, #tpu.memory_space<vmem>>, vector<16xi32>,
        %mul3A_997 = arith.constant 128 : i32
        %mul3A_998 = arith.muli %add3A_976, %mul3A_997 : i32
        %add3A_999 = arith.constant 16 : i32
        %add3A_1000 = arith.addi %mul3A_998, %add3A_999 : i32
        %get3A_1001 = arith.index_cast %add3A_1000 : i32 to index
        %get3A_1002 = tpu.vector_load %arg10[%get3A_1001] {strides = array<i32>} : memref<512xi32, #tpu.memory_space<vmem>>, vector<16xi32>,
        %shift_right_logical3A_1003 = arith.constant 15 : i32
        %shift_right_logical3A_1004 = vector.broadcast %shift_right_logical3A_1003 : i32 to vector<16xi32>
        %shift_right_logical3A_1005 = arith.shrui %get3A_1002, %shift_right_logical3A_1004 : vector<16xi32>
        %mul3A_1006 = arith.constant 16384 : i32
        %mul3A_1007 = vector.broadcast %mul3A_1006 : i32 to vector<16xi32>
        %mul3A_1008 = arith.muli %shift_right_logical3A_1005, %mul3A_1007 : vector<16xi32>
        %and3A_1009 = arith.constant 16383 : i32
        %and3A_1010 = vector.broadcast %and3A_1009 : i32 to vector<16xi32>
        %and3A_1011 = arith.andi %get3A_1002, %and3A_1010 : vector<16xi32>
        %add3A_1012 = arith.addi %mul3A_1008, %and3A_1011 : vector<16xi32>
        %swap3A_1013 = arith.constant 0 : i32
        %swap3A_1014 = arith.index_cast %swap3A_1013 : i32 to index
        %swap3A_1015 = arith.constant 16 : index
        %swap3A_1016 = tpu.vector_load %arg13[%swap3A_1014, %swap3A_1015] {strides = array<i32>} : memref<3x128xi32, #tpu.memory_space<vmem>>, vector<16xi32>,
        tpu.vector_store %arg13[%swap3A_1014, %swap3A_1015], %add3A_1012 {strides = array<i32>} : memref<3x128xi32, #tpu.memory_space<vmem>>, vector<16xi32>,
        %mul3A_1017 = arith.constant 128 : i32
        %mul3A_1018 = arith.muli %add3A_976, %mul3A_1017 : i32
        %add3A_1019 = arith.constant 32 : i32
        %add3A_1020 = arith.addi %mul3A_1018, %add3A_1019 : i32
        %get3A_1021 = arith.index_cast %add3A_1020 : i32 to index
        %get3A_1022 = tpu.vector_load %arg10[%get3A_1021] {strides = array<i32>} : memref<512xi32, #tpu.memory_space<vmem>>, vector<16xi32>,
        %shift_right_logical3A_1023 = arith.constant 15 : i32
        %shift_right_logical3A_1024 = vector.broadcast %shift_right_logical3A_1023 : i32 to vector<16xi32>
        %shift_right_logical3A_1025 = arith.shrui %get3A_1022, %shift_right_logical3A_1024 : vector<16xi32>
        %mul3A_1026 = arith.constant 16384 : i32
        %mul3A_1027 = vector.broadcast %mul3A_1026 : i32 to vector<16xi32>
        %mul3A_1028 = arith.muli %shift_right_logical3A_1025, %mul3A_1027 : vector<16xi32>
        %and3A_1029 = arith.constant 16383 : i32
        %and3A_1030 = vector.broadcast %and3A_1029 : i32 to vector<16xi32>
        %and3A_1031 = arith.andi %get3A_1022, %and3A_1030 : vector<16xi32>
        %add3A_1032 = arith.addi %mul3A_1028, %and3A_1031 : vector<16xi32>
        %swap3A_1033 = arith.constant 0 : i32
        %swap3A_1034 = arith.index_cast %swap3A_1033 : i32 to index
        %swap3A_1035 = arith.constant 32 : index
        %swap3A_1036 = tpu.vector_load %arg13[%swap3A_1034, %swap3A_1035] {strides = array<i32>} : memref<3x128xi32, #tpu.memory_space<vmem>>, vector<16xi32>,
        tpu.vector_store %arg13[%swap3A_1034, %swap3A_1035], %add3A_1032 {strides = array<i32>} : memref<3x128xi32, #tpu.memory_space<vmem>>, vector<16xi32>,
        %mul3A_1037 = arith.constant 128 : i32
        %mul3A_1038 = arith.muli %add3A_976, %mul3A_1037 : i32
        %add3A_1039 = arith.constant 48 : i32
        %add3A_1040 = arith.addi %mul3A_1038, %add3A_1039 : i32
        %get3A_1041 = arith.index_cast %add3A_1040 : i32 to index
        %get3A_1042 = tpu.vector_load %arg10[%get3A_1041] {strides = array<i32>} : memref<512xi32, #tpu.memory_space<vmem>>, vector<16xi32>,
        %shift_right_logical3A_1043 = arith.constant 15 : i32
        %shift_right_logical3A_1044 = vector.broadcast %shift_right_logical3A_1043 : i32 to vector<16xi32>
        %shift_right_logical3A_1045 = arith.shrui %get3A_1042, %shift_right_logical3A_1044 : vector<16xi32>
        %mul3A_1046 = arith.constant 16384 : i32
        %mul3A_1047 = vector.broadcast %mul3A_1046 : i32 to vector<16xi32>
        %mul3A_1048 = arith.muli %shift_right_logical3A_1045, %mul3A_1047 : vector<16xi32>
        %and3A_1049 = arith.constant 16383 : i32
        %and3A_1050 = vector.broadcast %and3A_1049 : i32 to vector<16xi32>
        %and3A_1051 = arith.andi %get3A_1042, %and3A_1050 : vector<16xi32>
        %add3A_1052 = arith.addi %mul3A_1048, %and3A_1051 : vector<16xi32>
        %swap3A_1053 = arith.constant 0 : i32
        %swap3A_1054 = arith.index_cast %swap3A_1053 : i32 to index
        %swap3A_1055 = arith.constant 48 : index
        %swap3A_1056 = tpu.vector_load %arg13[%swap3A_1054, %swap3A_1055] {strides = array<i32>} : memref<3x128xi32, #tpu.memory_space<vmem>>, vector<16xi32>,
        tpu.vector_store %arg13[%swap3A_1054, %swap3A_1055], %add3A_1052 {strides = array<i32>} : memref<3x128xi32, #tpu.memory_space<vmem>>, vector<16xi32>,
        %mul3A_1057 = arith.constant 128 : i32
        %mul3A_1058 = arith.muli %add3A_976, %mul3A_1057 : i32
        %add3A_1059 = arith.constant 64 : i32
        %add3A_1060 = arith.addi %mul3A_1058, %add3A_1059 : i32
        %get3A_1061 = arith.index_cast %add3A_1060 : i32 to index
        %get3A_1062 = tpu.vector_load %arg10[%get3A_1061] {strides = array<i32>} : memref<512xi32, #tpu.memory_space<vmem>>, vector<16xi32>,
        %shift_right_logical3A_1063 = arith.constant 15 : i32
        %shift_right_logical3A_1064 = vector.broadcast %shift_right_logical3A_1063 : i32 to vector<16xi32>
        %shift_right_logical3A_1065 = arith.shrui %get3A_1062, %shift_right_logical3A_1064 : vector<16xi32>
        %mul3A_1066 = arith.constant 16384 : i32
        %mul3A_1067 = vector.broadcast %mul3A_1066 : i32 to vector<16xi32>
        %mul3A_1068 = arith.muli %shift_right_logical3A_1065, %mul3A_1067 : vector<16xi32>
        %and3A_1069 = arith.constant 16383 : i32
        %and3A_1070 = vector.broadcast %and3A_1069 : i32 to vector<16xi32>
        %and3A_1071 = arith.andi %get3A_1062, %and3A_1070 : vector<16xi32>
        %add3A_1072 = arith.addi %mul3A_1068, %and3A_1071 : vector<16xi32>
        %swap3A_1073 = arith.constant 0 : i32
        %swap3A_1074 = arith.index_cast %swap3A_1073 : i32 to index
        %swap3A_1075 = arith.constant 64 : index
        %swap3A_1076 = tpu.vector_load %arg13[%swap3A_1074, %swap3A_1075] {strides = array<i32>} : memref<3x128xi32, #tpu.memory_space<vmem>>, vector<16xi32>,
        tpu.vector_store %arg13[%swap3A_1074, %swap3A_1075], %add3A_1072 {strides = array<i32>} : memref<3x128xi32, #tpu.memory_space<vmem>>, vector<16xi32>,
        %mul3A_1077 = arith.constant 128 : i32
        %mul3A_1078 = arith.muli %add3A_976, %mul3A_1077 : i32
        %add3A_1079 = arith.constant 80 : i32
        %add3A_1080 = arith.addi %mul3A_1078, %add3A_1079 : i32
        %get3A_1081 = arith.index_cast %add3A_1080 : i32 to index
        %get3A_1082 = tpu.vector_load %arg10[%get3A_1081] {strides = array<i32>} : memref<512xi32, #tpu.memory_space<vmem>>, vector<16xi32>,
        %shift_right_logical3A_1083 = arith.constant 15 : i32
        %shift_right_logical3A_1084 = vector.broadcast %shift_right_logical3A_1083 : i32 to vector<16xi32>
        %shift_right_logical3A_1085 = arith.shrui %get3A_1082, %shift_right_logical3A_1084 : vector<16xi32>
        %mul3A_1086 = arith.constant 16384 : i32
        %mul3A_1087 = vector.broadcast %mul3A_1086 : i32 to vector<16xi32>
        %mul3A_1088 = arith.muli %shift_right_logical3A_1085, %mul3A_1087 : vector<16xi32>
        %and3A_1089 = arith.constant 16383 : i32
        %and3A_1090 = vector.broadcast %and3A_1089 : i32 to vector<16xi32>
        %and3A_1091 = arith.andi %get3A_1082, %and3A_1090 : vector<16xi32>
        %add3A_1092 = arith.addi %mul3A_1088, %and3A_1091 : vector<16xi32>
        %swap3A_1093 = arith.constant 0 : i32
        %swap3A_1094 = arith.index_cast %swap3A_1093 : i32 to index
        %swap3A_1095 = arith.constant 80 : index
        %swap3A_1096 = tpu.vector_load %arg13[%swap3A_1094, %swap3A_1095] {strides = array<i32>} : memref<3x128xi32, #tpu.memory_space<vmem>>, vector<16xi32>,
        tpu.vector_store %arg13[%swap3A_1094, %swap3A_1095], %add3A_1092 {strides = array<i32>} : memref<3x128xi32, #tpu.memory_space<vmem>>, vector<16xi32>,
        %mul3A_1097 = arith.constant 128 : i32
        %mul3A_1098 = arith.muli %add3A_976, %mul3A_1097 : i32
        %add3A_1099 = arith.constant 96 : i32
        %add3A_1100 = arith.addi %mul3A_1098, %add3A_1099 : i32
        %get3A_1101 = arith.index_cast %add3A_1100 : i32 to index
        %get3A_1102 = tpu.vector_load %arg10[%get3A_1101] {strides = array<i32>} : memref<512xi32, #tpu.memory_space<vmem>>, vector<16xi32>,
        %shift_right_logical3A_1103 = arith.constant 15 : i32
        %shift_right_logical3A_1104 = vector.broadcast %shift_right_logical3A_1103 : i32 to vector<16xi32>
        %shift_right_logical3A_1105 = arith.shrui %get3A_1102, %shift_right_logical3A_1104 : vector<16xi32>
        %mul3A_1106 = arith.constant 16384 : i32
        %mul3A_1107 = vector.broadcast %mul3A_1106 : i32 to vector<16xi32>
        %mul3A_1108 = arith.muli %shift_right_logical3A_1105, %mul3A_1107 : vector<16xi32>
        %and3A_1109 = arith.constant 16383 : i32
        %and3A_1110 = vector.broadcast %and3A_1109 : i32 to vector<16xi32>
        %and3A_1111 = arith.andi %get3A_1102, %and3A_1110 : vector<16xi32>
        %add3A_1112 = arith.addi %mul3A_1108, %and3A_1111 : vector<16xi32>
        %swap3A_1113 = arith.constant 0 : i32
        %swap3A_1114 = arith.index_cast %swap3A_1113 : i32 to index
        %swap3A_1115 = arith.constant 96 : index
        %swap3A_1116 = tpu.vector_load %arg13[%swap3A_1114, %swap3A_1115] {strides = array<i32>} : memref<3x128xi32, #tpu.memory_space<vmem>>, vector<16xi32>,
        tpu.vector_store %arg13[%swap3A_1114, %swap3A_1115], %add3A_1112 {strides = array<i32>} : memref<3x128xi32, #tpu.memory_space<vmem>>, vector<16xi32>,
        %mul3A_1117 = arith.constant 128 : i32
        %mul3A_1118 = arith.muli %add3A_976, %mul3A_1117 : i32
        %add3A_1119 = arith.constant 112 : i32
        %add3A_1120 = arith.addi %mul3A_1118, %add3A_1119 : i32
        %get3A_1121 = arith.index_cast %add3A_1120 : i32 to index
        %get3A_1122 = tpu.vector_load %arg10[%get3A_1121] {strides = array<i32>} : memref<512xi32, #tpu.memory_space<vmem>>, vector<16xi32>,
        %shift_right_logical3A_1123 = arith.constant 15 : i32
        %shift_right_logical3A_1124 = vector.broadcast %shift_right_logical3A_1123 : i32 to vector<16xi32>
        %shift_right_logical3A_1125 = arith.shrui %get3A_1122, %shift_right_logical3A_1124 : vector<16xi32>
        %mul3A_1126 = arith.constant 16384 : i32
        %mul3A_1127 = vector.broadcast %mul3A_1126 : i32 to vector<16xi32>
        %mul3A_1128 = arith.muli %shift_right_logical3A_1125, %mul3A_1127 : vector<16xi32>
        %and3A_1129 = arith.constant 16383 : i32
        %and3A_1130 = vector.broadcast %and3A_1129 : i32 to vector<16xi32>
        %and3A_1131 = arith.andi %get3A_1122, %and3A_1130 : vector<16xi32>
        %add3A_1132 = arith.addi %mul3A_1128, %and3A_1131 : vector<16xi32>
        %swap3A_1133 = arith.constant 0 : i32
        %swap3A_1134 = arith.index_cast %swap3A_1133 : i32 to index
        %swap3A_1135 = arith.constant 112 : index
        %swap3A_1136 = tpu.vector_load %arg13[%swap3A_1134, %swap3A_1135] {strides = array<i32>} : memref<3x128xi32, #tpu.memory_space<vmem>>, vector<16xi32>,
        tpu.vector_store %arg13[%swap3A_1134, %swap3A_1135], %add3A_1132 {strides = array<i32>} : memref<3x128xi32, #tpu.memory_space<vmem>>, vector<16xi32>,
        %mul3A_1137 = arith.constant 128 : i32
        %mul3A_1138 = arith.muli %add3A_976, %mul3A_1137 : i32
        %add3A_1139 = arith.constant 0 : i32
        %add3A_1140 = arith.addi %mul3A_1138, %add3A_1139 : i32
        %get3A_1141 = arith.index_cast %add3A_1140 : i32 to index
        %get3A_1142 = tpu.vector_load %arg11[%get3A_1141] {strides = array<i32>} : memref<512xi32, #tpu.memory_space<vmem>>, vector<16xi32>,
        %shift_right_logical3A_1143 = arith.constant 15 : i32
        %shift_right_logical3A_1144 = vector.broadcast %shift_right_logical3A_1143 : i32 to vector<16xi32>
        %shift_right_logical3A_1145 = arith.shrui %get3A_1142, %shift_right_logical3A_1144 : vector<16xi32>
        %mul3A_1146 = arith.constant 16384 : i32
        %mul3A_1147 = vector.broadcast %mul3A_1146 : i32 to vector<16xi32>
        %mul3A_1148 = arith.muli %shift_right_logical3A_1145, %mul3A_1147 : vector<16xi32>
        %and3A_1149 = arith.constant 16383 : i32
        %and3A_1150 = vector.broadcast %and3A_1149 : i32 to vector<16xi32>
        %and3A_1151 = arith.andi %get3A_1142, %and3A_1150 : vector<16xi32>
        %add3A_1152 = arith.addi %mul3A_1148, %and3A_1151 : vector<16xi32>
        %swap3A_1153 = arith.constant 1 : i32
        %swap3A_1154 = arith.index_cast %swap3A_1153 : i32 to index
        %swap3A_1155 = arith.constant 0 : index
        %swap3A_1156 = tpu.vector_load %arg13[%swap3A_1154, %swap3A_1155] {strides = array<i32>} : memref<3x128xi32, #tpu.memory_space<vmem>>, vector<16xi32>,
        tpu.vector_store %arg13[%swap3A_1154, %swap3A_1155], %add3A_1152 {strides = array<i32>} : memref<3x128xi32, #tpu.memory_space<vmem>>, vector<16xi32>,
        %mul3A_1157 = arith.constant 128 : i32
        %mul3A_1158 = arith.muli %add3A_976, %mul3A_1157 : i32
        %add3A_1159 = arith.constant 16 : i32
        %add3A_1160 = arith.addi %mul3A_1158, %add3A_1159 : i32
        %get3A_1161 = arith.index_cast %add3A_1160 : i32 to index
        %get3A_1162 = tpu.vector_load %arg11[%get3A_1161] {strides = array<i32>} : memref<512xi32, #tpu.memory_space<vmem>>, vector<16xi32>,
        %shift_right_logical3A_1163 = arith.constant 15 : i32
        %shift_right_logical3A_1164 = vector.broadcast %shift_right_logical3A_1163 : i32 to vector<16xi32>
        %shift_right_logical3A_1165 = arith.shrui %get3A_1162, %shift_right_logical3A_1164 : vector<16xi32>
        %mul3A_1166 = arith.constant 16384 : i32
        %mul3A_1167 = vector.broadcast %mul3A_1166 : i32 to vector<16xi32>
        %mul3A_1168 = arith.muli %shift_right_logical3A_1165, %mul3A_1167 : vector<16xi32>
        %and3A_1169 = arith.constant 16383 : i32
        %and3A_1170 = vector.broadcast %and3A_1169 : i32 to vector<16xi32>
        %and3A_1171 = arith.andi %get3A_1162, %and3A_1170 : vector<16xi32>
        %add3A_1172 = arith.addi %mul3A_1168, %and3A_1171 : vector<16xi32>
        %swap3A_1173 = arith.constant 1 : i32
        %swap3A_1174 = arith.index_cast %swap3A_1173 : i32 to index
        %swap3A_1175 = arith.constant 16 : index
        %swap3A_1176 = tpu.vector_load %arg13[%swap3A_1174, %swap3A_1175] {strides = array<i32>} : memref<3x128xi32, #tpu.memory_space<vmem>>, vector<16xi32>,
        tpu.vector_store %arg13[%swap3A_1174, %swap3A_1175], %add3A_1172 {strides = array<i32>} : memref<3x128xi32, #tpu.memory_space<vmem>>, vector<16xi32>,
        %mul3A_1177 = arith.constant 128 : i32
        %mul3A_1178 = arith.muli %add3A_976, %mul3A_1177 : i32
        %add3A_1179 = arith.constant 32 : i32
        %add3A_1180 = arith.addi %mul3A_1178, %add3A_1179 : i32
        %get3A_1181 = arith.index_cast %add3A_1180 : i32 to index
        %get3A_1182 = tpu.vector_load %arg11[%get3A_1181] {strides = array<i32>} : memref<512xi32, #tpu.memory_space<vmem>>, vector<16xi32>,
        %shift_right_logical3A_1183 = arith.constant 15 : i32
        %shift_right_logical3A_1184 = vector.broadcast %shift_right_logical3A_1183 : i32 to vector<16xi32>
        %shift_right_logical3A_1185 = arith.shrui %get3A_1182, %shift_right_logical3A_1184 : vector<16xi32>
        %mul3A_1186 = arith.constant 16384 : i32
        %mul3A_1187 = vector.broadcast %mul3A_1186 : i32 to vector<16xi32>
        %mul3A_1188 = arith.muli %shift_right_logical3A_1185, %mul3A_1187 : vector<16xi32>
        %and3A_1189 = arith.constant 16383 : i32
        %and3A_1190 = vector.broadcast %and3A_1189 : i32 to vector<16xi32>
        %and3A_1191 = arith.andi %get3A_1182, %and3A_1190 : vector<16xi32>
        %add3A_1192 = arith.addi %mul3A_1188, %and3A_1191 : vector<16xi32>
        %swap3A_1193 = arith.constant 1 : i32
        %swap3A_1194 = arith.index_cast %swap3A_1193 : i32 to index
        %swap3A_1195 = arith.constant 32 : index
        %swap3A_1196 = tpu.vector_load %arg13[%swap3A_1194, %swap3A_1195] {strides = array<i32>} : memref<3x128xi32, #tpu.memory_space<vmem>>, vector<16xi32>,
        tpu.vector_store %arg13[%swap3A_1194, %swap3A_1195], %add3A_1192 {strides = array<i32>} : memref<3x128xi32, #tpu.memory_space<vmem>>, vector<16xi32>,
        %mul3A_1197 = arith.constant 128 : i32
        %mul3A_1198 = arith.muli %add3A_976, %mul3A_1197 : i32
        %add3A_1199 = arith.constant 48 : i32
        %add3A_1200 = arith.addi %mul3A_1198, %add3A_1199 : i32
        %get3A_1201 = arith.index_cast %add3A_1200 : i32 to index
        %get3A_1202 = tpu.vector_load %arg11[%get3A_1201] {strides = array<i32>} : memref<512xi32, #tpu.memory_space<vmem>>, vector<16xi32>,
        %shift_right_logical3A_1203 = arith.constant 15 : i32
        %shift_right_logical3A_1204 = vector.broadcast %shift_right_logical3A_1203 : i32 to vector<16xi32>
        %shift_right_logical3A_1205 = arith.shrui %get3A_1202, %shift_right_logical3A_1204 : vector<16xi32>
        %mul3A_1206 = arith.constant 16384 : i32
        %mul3A_1207 = vector.broadcast %mul3A_1206 : i32 to vector<16xi32>
        %mul3A_1208 = arith.muli %shift_right_logical3A_1205, %mul3A_1207 : vector<16xi32>
        %and3A_1209 = arith.constant 16383 : i32
        %and3A_1210 = vector.broadcast %and3A_1209 : i32 to vector<16xi32>
        %and3A_1211 = arith.andi %get3A_1202, %and3A_1210 : vector<16xi32>
        %add3A_1212 = arith.addi %mul3A_1208, %and3A_1211 : vector<16xi32>
        %swap3A_1213 = arith.constant 1 : i32
        %swap3A_1214 = arith.index_cast %swap3A_1213 : i32 to index
        %swap3A_1215 = arith.constant 48 : index
        %swap3A_1216 = tpu.vector_load %arg13[%swap3A_1214, %swap3A_1215] {strides = array<i32>} : memref<3x128xi32, #tpu.memory_space<vmem>>, vector<16xi32>,
        tpu.vector_store %arg13[%swap3A_1214, %swap3A_1215], %add3A_1212 {strides = array<i32>} : memref<3x128xi32, #tpu.memory_space<vmem>>, vector<16xi32>,
        %mul3A_1217 = arith.constant 128 : i32
        %mul3A_1218 = arith.muli %add3A_976, %mul3A_1217 : i32
        %add3A_1219 = arith.constant 64 : i32
        %add3A_1220 = arith.addi %mul3A_1218, %add3A_1219 : i32
        %get3A_1221 = arith.index_cast %add3A_1220 : i32 to index
        %get3A_1222 = tpu.vector_load %arg11[%get3A_1221] {strides = array<i32>} : memref<512xi32, #tpu.memory_space<vmem>>, vector<16xi32>,
        %shift_right_logical3A_1223 = arith.constant 15 : i32
        %shift_right_logical3A_1224 = vector.broadcast %shift_right_logical3A_1223 : i32 to vector<16xi32>
        %shift_right_logical3A_1225 = arith.shrui %get3A_1222, %shift_right_logical3A_1224 : vector<16xi32>
        %mul3A_1226 = arith.constant 16384 : i32
        %mul3A_1227 = vector.broadcast %mul3A_1226 : i32 to vector<16xi32>
        %mul3A_1228 = arith.muli %shift_right_logical3A_1225, %mul3A_1227 : vector<16xi32>
        %and3A_1229 = arith.constant 16383 : i32
        %and3A_1230 = vector.broadcast %and3A_1229 : i32 to vector<16xi32>
        %and3A_1231 = arith.andi %get3A_1222, %and3A_1230 : vector<16xi32>
        %add3A_1232 = arith.addi %mul3A_1228, %and3A_1231 : vector<16xi32>
        %swap3A_1233 = arith.constant 1 : i32
        %swap3A_1234 = arith.index_cast %swap3A_1233 : i32 to index
        %swap3A_1235 = arith.constant 64 : index
        %swap3A_1236 = tpu.vector_load %arg13[%swap3A_1234, %swap3A_1235] {strides = array<i32>} : memref<3x128xi32, #tpu.memory_space<vmem>>, vector<16xi32>,
        tpu.vector_store %arg13[%swap3A_1234, %swap3A_1235], %add3A_1232 {strides = array<i32>} : memref<3x128xi32, #tpu.memory_space<vmem>>, vector<16xi32>,
        %mul3A_1237 = arith.constant 128 : i32
        %mul3A_1238 = arith.muli %add3A_976, %mul3A_1237 : i32
        %add3A_1239 = arith.constant 80 : i32
        %add3A_1240 = arith.addi %mul3A_1238, %add3A_1239 : i32
        %get3A_1241 = arith.index_cast %add3A_1240 : i32 to index
        %get3A_1242 = tpu.vector_load %arg11[%get3A_1241] {strides = array<i32>} : memref<512xi32, #tpu.memory_space<vmem>>, vector<16xi32>,
        %shift_right_logical3A_1243 = arith.constant 15 : i32
        %shift_right_logical3A_1244 = vector.broadcast %shift_right_logical3A_1243 : i32 to vector<16xi32>
        %shift_right_logical3A_1245 = arith.shrui %get3A_1242, %shift_right_logical3A_1244 : vector<16xi32>
        %mul3A_1246 = arith.constant 16384 : i32
        %mul3A_1247 = vector.broadcast %mul3A_1246 : i32 to vector<16xi32>
        %mul3A_1248 = arith.muli %shift_right_logical3A_1245, %mul3A_1247 : vector<16xi32>
        %and3A_1249 = arith.constant 16383 : i32
        %and3A_1250 = vector.broadcast %and3A_1249 : i32 to vector<16xi32>
        %and3A_1251 = arith.andi %get3A_1242, %and3A_1250 : vector<16xi32>
        %add3A_1252 = arith.addi %mul3A_1248, %and3A_1251 : vector<16xi32>
        %swap3A_1253 = arith.constant 1 : i32
        %swap3A_1254 = arith.index_cast %swap3A_1253 : i32 to index
        %swap3A_1255 = arith.constant 80 : index
        %swap3A_1256 = tpu.vector_load %arg13[%swap3A_1254, %swap3A_1255] {strides = array<i32>} : memref<3x128xi32, #tpu.memory_space<vmem>>, vector<16xi32>,
        tpu.vector_store %arg13[%swap3A_1254, %swap3A_1255], %add3A_1252 {strides = array<i32>} : memref<3x128xi32, #tpu.memory_space<vmem>>, vector<16xi32>,
        %mul3A_1257 = arith.constant 128 : i32
        %mul3A_1258 = arith.muli %add3A_976, %mul3A_1257 : i32
        %add3A_1259 = arith.constant 96 : i32
        %add3A_1260 = arith.addi %mul3A_1258, %add3A_1259 : i32
        %get3A_1261 = arith.index_cast %add3A_1260 : i32 to index
        %get3A_1262 = tpu.vector_load %arg11[%get3A_1261] {strides = array<i32>} : memref<512xi32, #tpu.memory_space<vmem>>, vector<16xi32>,
        %shift_right_logical3A_1263 = arith.constant 15 : i32
        %shift_right_logical3A_1264 = vector.broadcast %shift_right_logical3A_1263 : i32 to vector<16xi32>
        %shift_right_logical3A_1265 = arith.shrui %get3A_1262, %shift_right_logical3A_1264 : vector<16xi32>
        %mul3A_1266 = arith.constant 16384 : i32
        %mul3A_1267 = vector.broadcast %mul3A_1266 : i32 to vector<16xi32>
        %mul3A_1268 = arith.muli %shift_right_logical3A_1265, %mul3A_1267 : vector<16xi32>
        %and3A_1269 = arith.constant 16383 : i32
        %and3A_1270 = vector.broadcast %and3A_1269 : i32 to vector<16xi32>
        %and3A_1271 = arith.andi %get3A_1262, %and3A_1270 : vector<16xi32>
        %add3A_1272 = arith.addi %mul3A_1268, %and3A_1271 : vector<16xi32>
        %swap3A_1273 = arith.constant 1 : i32
        %swap3A_1274 = arith.index_cast %swap3A_1273 : i32 to index
        %swap3A_1275 = arith.constant 96 : index
        %swap3A_1276 = tpu.vector_load %arg13[%swap3A_1274, %swap3A_1275] {strides = array<i32>} : memref<3x128xi32, #tpu.memory_space<vmem>>, vector<16xi32>,
        tpu.vector_store %arg13[%swap3A_1274, %swap3A_1275], %add3A_1272 {strides = array<i32>} : memref<3x128xi32, #tpu.memory_space<vmem>>, vector<16xi32>,
        %mul3A_1277 = arith.constant 128 : i32
        %mul3A_1278 = arith.muli %add3A_976, %mul3A_1277 : i32
        %add3A_1279 = arith.constant 112 : i32
        %add3A_1280 = arith.addi %mul3A_1278, %add3A_1279 : i32
        %get3A_1281 = arith.index_cast %add3A_1280 : i32 to index
        %get3A_1282 = tpu.vector_load %arg11[%get3A_1281] {strides = array<i32>} : memref<512xi32, #tpu.memory_space<vmem>>, vector<16xi32>,
        %shift_right_logical3A_1283 = arith.constant 15 : i32
        %shift_right_logical3A_1284 = vector.broadcast %shift_right_logical3A_1283 : i32 to vector<16xi32>
        %shift_right_logical3A_1285 = arith.shrui %get3A_1282, %shift_right_logical3A_1284 : vector<16xi32>
        %mul3A_1286 = arith.constant 16384 : i32
        %mul3A_1287 = vector.broadcast %mul3A_1286 : i32 to vector<16xi32>
        %mul3A_1288 = arith.muli %shift_right_logical3A_1285, %mul3A_1287 : vector<16xi32>
        %and3A_1289 = arith.constant 16383 : i32
        %and3A_1290 = vector.broadcast %and3A_1289 : i32 to vector<16xi32>
        %and3A_1291 = arith.andi %get3A_1282, %and3A_1290 : vector<16xi32>
        %add3A_1292 = arith.addi %mul3A_1288, %and3A_1291 : vector<16xi32>
        %swap3A_1293 = arith.constant 1 : i32
        %swap3A_1294 = arith.index_cast %swap3A_1293 : i32 to index
        %swap3A_1295 = arith.constant 112 : index
        %swap3A_1296 = tpu.vector_load %arg13[%swap3A_1294, %swap3A_1295] {strides = array<i32>} : memref<3x128xi32, #tpu.memory_space<vmem>>, vector<16xi32>,
        tpu.vector_store %arg13[%swap3A_1294, %swap3A_1295], %add3A_1292 {strides = array<i32>} : memref<3x128xi32, #tpu.memory_space<vmem>>, vector<16xi32>,
        %mul3A_1297 = arith.constant 128 : i32
        %mul3A_1298 = arith.muli %add3A_976, %mul3A_1297 : i32
        %add3A_1299 = arith.constant 0 : i32
        %add3A_1300 = arith.addi %mul3A_1298, %add3A_1299 : i32
        %get3A_1301 = arith.index_cast %add3A_1300 : i32 to index
        %get3A_1302 = tpu.vector_load %arg12[%get3A_1301] {strides = array<i32>} : memref<512xi32, #tpu.memory_space<vmem>>, vector<16xi32>,
        %shift_right_logical3A_1303 = arith.constant 15 : i32
        %shift_right_logical3A_1304 = vector.broadcast %shift_right_logical3A_1303 : i32 to vector<16xi32>
        %shift_right_logical3A_1305 = arith.shrui %get3A_1302, %shift_right_logical3A_1304 : vector<16xi32>
        %mul3A_1306 = arith.constant 16384 : i32
        %mul3A_1307 = vector.broadcast %mul3A_1306 : i32 to vector<16xi32>
        %mul3A_1308 = arith.muli %shift_right_logical3A_1305, %mul3A_1307 : vector<16xi32>
        %and3A_1309 = arith.constant 16383 : i32
        %and3A_1310 = vector.broadcast %and3A_1309 : i32 to vector<16xi32>
        %and3A_1311 = arith.andi %get3A_1302, %and3A_1310 : vector<16xi32>
        %add3A_1312 = arith.addi %mul3A_1308, %and3A_1311 : vector<16xi32>
        %swap3A_1313 = arith.constant 2 : i32
        %swap3A_1314 = arith.index_cast %swap3A_1313 : i32 to index
        %swap3A_1315 = arith.constant 0 : index
        %swap3A_1316 = tpu.vector_load %arg13[%swap3A_1314, %swap3A_1315] {strides = array<i32>} : memref<3x128xi32, #tpu.memory_space<vmem>>, vector<16xi32>,
        tpu.vector_store %arg13[%swap3A_1314, %swap3A_1315], %add3A_1312 {strides = array<i32>} : memref<3x128xi32, #tpu.memory_space<vmem>>, vector<16xi32>,
        %mul3A_1317 = arith.constant 128 : i32
        %mul3A_1318 = arith.muli %add3A_976, %mul3A_1317 : i32
        %add3A_1319 = arith.constant 16 : i32
        %add3A_1320 = arith.addi %mul3A_1318, %add3A_1319 : i32
        %get3A_1321 = arith.index_cast %add3A_1320 : i32 to index
        %get3A_1322 = tpu.vector_load %arg12[%get3A_1321] {strides = array<i32>} : memref<512xi32, #tpu.memory_space<vmem>>, vector<16xi32>,
        %shift_right_logical3A_1323 = arith.constant 15 : i32
        %shift_right_logical3A_1324 = vector.broadcast %shift_right_logical3A_1323 : i32 to vector<16xi32>
        %shift_right_logical3A_1325 = arith.shrui %get3A_1322, %shift_right_logical3A_1324 : vector<16xi32>
        %mul3A_1326 = arith.constant 16384 : i32
        %mul3A_1327 = vector.broadcast %mul3A_1326 : i32 to vector<16xi32>
        %mul3A_1328 = arith.muli %shift_right_logical3A_1325, %mul3A_1327 : vector<16xi32>
        %and3A_1329 = arith.constant 16383 : i32
        %and3A_1330 = vector.broadcast %and3A_1329 : i32 to vector<16xi32>
        %and3A_1331 = arith.andi %get3A_1322, %and3A_1330 : vector<16xi32>
        %add3A_1332 = arith.addi %mul3A_1328, %and3A_1331 : vector<16xi32>
        %swap3A_1333 = arith.constant 2 : i32
        %swap3A_1334 = arith.index_cast %swap3A_1333 : i32 to index
        %swap3A_1335 = arith.constant 16 : index
        %swap3A_1336 = tpu.vector_load %arg13[%swap3A_1334, %swap3A_1335] {strides = array<i32>} : memref<3x128xi32, #tpu.memory_space<vmem>>, vector<16xi32>,
        tpu.vector_store %arg13[%swap3A_1334, %swap3A_1335], %add3A_1332 {strides = array<i32>} : memref<3x128xi32, #tpu.memory_space<vmem>>, vector<16xi32>,
        %mul3A_1337 = arith.constant 128 : i32
        %mul3A_1338 = arith.muli %add3A_976, %mul3A_1337 : i32
        %add3A_1339 = arith.constant 32 : i32
        %add3A_1340 = arith.addi %mul3A_1338, %add3A_1339 : i32
        %get3A_1341 = arith.index_cast %add3A_1340 : i32 to index
        %get3A_1342 = tpu.vector_load %arg12[%get3A_1341] {strides = array<i32>} : memref<512xi32, #tpu.memory_space<vmem>>, vector<16xi32>,
        %shift_right_logical3A_1343 = arith.constant 15 : i32
        %shift_right_logical3A_1344 = vector.broadcast %shift_right_logical3A_1343 : i32 to vector<16xi32>
        %shift_right_logical3A_1345 = arith.shrui %get3A_1342, %shift_right_logical3A_1344 : vector<16xi32>
        %mul3A_1346 = arith.constant 16384 : i32
        %mul3A_1347 = vector.broadcast %mul3A_1346 : i32 to vector<16xi32>
        %mul3A_1348 = arith.muli %shift_right_logical3A_1345, %mul3A_1347 : vector<16xi32>
        %and3A_1349 = arith.constant 16383 : i32
        %and3A_1350 = vector.broadcast %and3A_1349 : i32 to vector<16xi32>
        %and3A_1351 = arith.andi %get3A_1342, %and3A_1350 : vector<16xi32>
        %add3A_1352 = arith.addi %mul3A_1348, %and3A_1351 : vector<16xi32>
        %swap3A_1353 = arith.constant 2 : i32
        %swap3A_1354 = arith.index_cast %swap3A_1353 : i32 to index
        %swap3A_1355 = arith.constant 32 : index
        %swap3A_1356 = tpu.vector_load %arg13[%swap3A_1354, %swap3A_1355] {strides = array<i32>} : memref<3x128xi32, #tpu.memory_space<vmem>>, vector<16xi32>,
        tpu.vector_store %arg13[%swap3A_1354, %swap3A_1355], %add3A_1352 {strides = array<i32>} : memref<3x128xi32, #tpu.memory_space<vmem>>, vector<16xi32>,
        %mul3A_1357 = arith.constant 128 : i32
        %mul3A_1358 = arith.muli %add3A_976, %mul3A_1357 : i32
        %add3A_1359 = arith.constant 48 : i32
        %add3A_1360 = arith.addi %mul3A_1358, %add3A_1359 : i32
        %get3A_1361 = arith.index_cast %add3A_1360 : i32 to index
        %get3A_1362 = tpu.vector_load %arg12[%get3A_1361] {strides = array<i32>} : memref<512xi32, #tpu.memory_space<vmem>>, vector<16xi32>,
        %shift_right_logical3A_1363 = arith.constant 15 : i32
        %shift_right_logical3A_1364 = vector.broadcast %shift_right_logical3A_1363 : i32 to vector<16xi32>
        %shift_right_logical3A_1365 = arith.shrui %get3A_1362, %shift_right_logical3A_1364 : vector<16xi32>
        %mul3A_1366 = arith.constant 16384 : i32
        %mul3A_1367 = vector.broadcast %mul3A_1366 : i32 to vector<16xi32>
        %mul3A_1368 = arith.muli %shift_right_logical3A_1365, %mul3A_1367 : vector<16xi32>
        %and3A_1369 = arith.constant 16383 : i32
        %and3A_1370 = vector.broadcast %and3A_1369 : i32 to vector<16xi32>
        %and3A_1371 = arith.andi %get3A_1362, %and3A_1370 : vector<16xi32>
        %add3A_1372 = arith.addi %mul3A_1368, %and3A_1371 : vector<16xi32>
        %swap3A_1373 = arith.constant 2 : i32
        %swap3A_1374 = arith.index_cast %swap3A_1373 : i32 to index
        %swap3A_1375 = arith.constant 48 : index
        %swap3A_1376 = tpu.vector_load %arg13[%swap3A_1374, %swap3A_1375] {strides = array<i32>} : memref<3x128xi32, #tpu.memory_space<vmem>>, vector<16xi32>,
        tpu.vector_store %arg13[%swap3A_1374, %swap3A_1375], %add3A_1372 {strides = array<i32>} : memref<3x128xi32, #tpu.memory_space<vmem>>, vector<16xi32>,
        %mul3A_1377 = arith.constant 128 : i32
        %mul3A_1378 = arith.muli %add3A_976, %mul3A_1377 : i32
        %add3A_1379 = arith.constant 64 : i32
        %add3A_1380 = arith.addi %mul3A_1378, %add3A_1379 : i32
        %get3A_1381 = arith.index_cast %add3A_1380 : i32 to index
        %get3A_1382 = tpu.vector_load %arg12[%get3A_1381] {strides = array<i32>} : memref<512xi32, #tpu.memory_space<vmem>>, vector<16xi32>,
        %shift_right_logical3A_1383 = arith.constant 15 : i32
        %shift_right_logical3A_1384 = vector.broadcast %shift_right_logical3A_1383 : i32 to vector<16xi32>
        %shift_right_logical3A_1385 = arith.shrui %get3A_1382, %shift_right_logical3A_1384 : vector<16xi32>
        %mul3A_1386 = arith.constant 16384 : i32
        %mul3A_1387 = vector.broadcast %mul3A_1386 : i32 to vector<16xi32>
        %mul3A_1388 = arith.muli %shift_right_logical3A_1385, %mul3A_1387 : vector<16xi32>
        %and3A_1389 = arith.constant 16383 : i32
        %and3A_1390 = vector.broadcast %and3A_1389 : i32 to vector<16xi32>
        %and3A_1391 = arith.andi %get3A_1382, %and3A_1390 : vector<16xi32>
        %add3A_1392 = arith.addi %mul3A_1388, %and3A_1391 : vector<16xi32>
        %swap3A_1393 = arith.constant 2 : i32
        %swap3A_1394 = arith.index_cast %swap3A_1393 : i32 to index
        %swap3A_1395 = arith.constant 64 : index
        %swap3A_1396 = tpu.vector_load %arg13[%swap3A_1394, %swap3A_1395] {strides = array<i32>} : memref<3x128xi32, #tpu.memory_space<vmem>>, vector<16xi32>,
        tpu.vector_store %arg13[%swap3A_1394, %swap3A_1395], %add3A_1392 {strides = array<i32>} : memref<3x128xi32, #tpu.memory_space<vmem>>, vector<16xi32>,
        %mul3A_1397 = arith.constant 128 : i32
        %mul3A_1398 = arith.muli %add3A_976, %mul3A_1397 : i32
        %add3A_1399 = arith.constant 80 : i32
        %add3A_1400 = arith.addi %mul3A_1398, %add3A_1399 : i32
        %get3A_1401 = arith.index_cast %add3A_1400 : i32 to index
        %get3A_1402 = tpu.vector_load %arg12[%get3A_1401] {strides = array<i32>} : memref<512xi32, #tpu.memory_space<vmem>>, vector<16xi32>,
        %shift_right_logical3A_1403 = arith.constant 15 : i32
        %shift_right_logical3A_1404 = vector.broadcast %shift_right_logical3A_1403 : i32 to vector<16xi32>
        %shift_right_logical3A_1405 = arith.shrui %get3A_1402, %shift_right_logical3A_1404 : vector<16xi32>
        %mul3A_1406 = arith.constant 16384 : i32
        %mul3A_1407 = vector.broadcast %mul3A_1406 : i32 to vector<16xi32>
        %mul3A_1408 = arith.muli %shift_right_logical3A_1405, %mul3A_1407 : vector<16xi32>
        %and3A_1409 = arith.constant 16383 : i32
        %and3A_1410 = vector.broadcast %and3A_1409 : i32 to vector<16xi32>
        %and3A_1411 = arith.andi %get3A_1402, %and3A_1410 : vector<16xi32>
        %add3A_1412 = arith.addi %mul3A_1408, %and3A_1411 : vector<16xi32>
        %swap3A_1413 = arith.constant 2 : i32
        %swap3A_1414 = arith.index_cast %swap3A_1413 : i32 to index
        %swap3A_1415 = arith.constant 80 : index
        %swap3A_1416 = tpu.vector_load %arg13[%swap3A_1414, %swap3A_1415] {strides = array<i32>} : memref<3x128xi32, #tpu.memory_space<vmem>>, vector<16xi32>,
        tpu.vector_store %arg13[%swap3A_1414, %swap3A_1415], %add3A_1412 {strides = array<i32>} : memref<3x128xi32, #tpu.memory_space<vmem>>, vector<16xi32>,
        %mul3A_1417 = arith.constant 128 : i32
        %mul3A_1418 = arith.muli %add3A_976, %mul3A_1417 : i32
        %add3A_1419 = arith.constant 96 : i32
        %add3A_1420 = arith.addi %mul3A_1418, %add3A_1419 : i32
        %get3A_1421 = arith.index_cast %add3A_1420 : i32 to index
        %get3A_1422 = tpu.vector_load %arg12[%get3A_1421] {strides = array<i32>} : memref<512xi32, #tpu.memory_space<vmem>>, vector<16xi32>,
        %shift_right_logical3A_1423 = arith.constant 15 : i32
        %shift_right_logical3A_1424 = vector.broadcast %shift_right_logical3A_1423 : i32 to vector<16xi32>
        %shift_right_logical3A_1425 = arith.shrui %get3A_1422, %shift_right_logical3A_1424 : vector<16xi32>
        %mul3A_1426 = arith.constant 16384 : i32
        %mul3A_1427 = vector.broadcast %mul3A_1426 : i32 to vector<16xi32>
        %mul3A_1428 = arith.muli %shift_right_logical3A_1425, %mul3A_1427 : vector<16xi32>
        %and3A_1429 = arith.constant 16383 : i32
        %and3A_1430 = vector.broadcast %and3A_1429 : i32 to vector<16xi32>
        %and3A_1431 = arith.andi %get3A_1422, %and3A_1430 : vector<16xi32>
        %add3A_1432 = arith.addi %mul3A_1428, %and3A_1431 : vector<16xi32>
        %swap3A_1433 = arith.constant 2 : i32
        %swap3A_1434 = arith.index_cast %swap3A_1433 : i32 to index
        %swap3A_1435 = arith.constant 96 : index
        %swap3A_1436 = tpu.vector_load %arg13[%swap3A_1434, %swap3A_1435] {strides = array<i32>} : memref<3x128xi32, #tpu.memory_space<vmem>>, vector<16xi32>,
        tpu.vector_store %arg13[%swap3A_1434, %swap3A_1435], %add3A_1432 {strides = array<i32>} : memref<3x128xi32, #tpu.memory_space<vmem>>, vector<16xi32>,
        %mul3A_1437 = arith.constant 128 : i32
        %mul3A_1438 = arith.muli %add3A_976, %mul3A_1437 : i32
        %add3A_1439 = arith.constant 112 : i32
        %add3A_1440 = arith.addi %mul3A_1438, %add3A_1439 : i32
        %get3A_1441 = arith.index_cast %add3A_1440 : i32 to index
        %get3A_1442 = tpu.vector_load %arg12[%get3A_1441] {strides = array<i32>} : memref<512xi32, #tpu.memory_space<vmem>>, vector<16xi32>,
        %shift_right_logical3A_1443 = arith.constant 15 : i32
        %shift_right_logical3A_1444 = vector.broadcast %shift_right_logical3A_1443 : i32 to vector<16xi32>
        %shift_right_logical3A_1445 = arith.shrui %get3A_1442, %shift_right_logical3A_1444 : vector<16xi32>
        %mul3A_1446 = arith.constant 16384 : i32
        %mul3A_1447 = vector.broadcast %mul3A_1446 : i32 to vector<16xi32>
        %mul3A_1448 = arith.muli %shift_right_logical3A_1445, %mul3A_1447 : vector<16xi32>
        %and3A_1449 = arith.constant 16383 : i32
        %and3A_1450 = vector.broadcast %and3A_1449 : i32 to vector<16xi32>
        %and3A_1451 = arith.andi %get3A_1442, %and3A_1450 : vector<16xi32>
        %add3A_1452 = arith.addi %mul3A_1448, %and3A_1451 : vector<16xi32>
        %swap3A_1453 = arith.constant 2 : i32
        %swap3A_1454 = arith.index_cast %swap3A_1453 : i32 to index
        %swap3A_1455 = arith.constant 112 : index
        %swap3A_1456 = tpu.vector_load %arg13[%swap3A_1454, %swap3A_1455] {strides = array<i32>} : memref<3x128xi32, #tpu.memory_space<vmem>>, vector<16xi32>,
        tpu.vector_store %arg13[%swap3A_1454, %swap3A_1455], %add3A_1452 {strides = array<i32>} : memref<3x128xi32, #tpu.memory_space<vmem>>, vector<16xi32>,
        %dma_start3A_1457 = arith.constant 0 : i32
        %dma_start3A_1458 = arith.constant 0 : i32
        %dma_start3A_1459 = tpu.memref_slice %arg13[%dma_start3A_1457, %dma_start3A_1458] : memref<3x128xi32, #tpu.memory_space<vmem>> -> memref<1x128xi32, #tpu.memory_space<vmem>>
        %dma_start3A_1460 = tpu.memref_squeeze %dma_start3A_1459 : memref<1x128xi32, #tpu.memory_space<vmem>> -> memref<128xi32, #tpu.memory_space<vmem>>
        %dma_start3A_1461 = arith.constant 0 : i32
        %dma_start3A_1462 = arith.constant 0 : i32
        %dma_start3A_1463 = tpu.memref_slice %arg5[%dma_start3A_1461, %dma_start3A_1462] : memref<507904x128xf32, #tpu.memory_space<hbm>> -> memref<507904x128xf32, #tpu.memory_space<hbm>>
        tpu.enqueue_indirect_dma source(%dma_start3A_1463 : memref<507904x128xf32, #tpu.memory_space<hbm>>) target(%arg15 : memref<128x128xf32, #tpu.memory_space<vmem>>) offsets(%dma_start3A_1460 : memref<128xi32, #tpu.memory_space<vmem>>) semaphore(%arg24 : memref<!tpu.dma_semaphore, #tpu.memory_space<semaphore_mem>>)
        %dma_start3A_1464 = arith.constant 1 : i32
        %dma_start3A_1465 = arith.constant 0 : i32
        %dma_start3A_1466 = tpu.memref_slice %arg13[%dma_start3A_1464, %dma_start3A_1465] : memref<3x128xi32, #tpu.memory_space<vmem>> -> memref<1x128xi32, #tpu.memory_space<vmem>>
        %dma_start3A_1467 = tpu.memref_squeeze %dma_start3A_1466 : memref<1x128xi32, #tpu.memory_space<vmem>> -> memref<128xi32, #tpu.memory_space<vmem>>
        %dma_start3A_1468 = arith.constant 0 : i32
        %dma_start3A_1469 = arith.constant 0 : i32
        %dma_start3A_1470 = tpu.memref_slice %arg6[%dma_start3A_1468, %dma_start3A_1469] : memref<507904x128xf32, #tpu.memory_space<hbm>> -> memref<507904x128xf32, #tpu.memory_space<hbm>>
        tpu.enqueue_indirect_dma source(%dma_start3A_1470 : memref<507904x128xf32, #tpu.memory_space<hbm>>) target(%arg16 : memref<128x128xf32, #tpu.memory_space<vmem>>) offsets(%dma_start3A_1467 : memref<128xi32, #tpu.memory_space<vmem>>) semaphore(%arg24 : memref<!tpu.dma_semaphore, #tpu.memory_space<semaphore_mem>>)
        %dma_start3A_1471 = arith.constant 2 : i32
        %dma_start3A_1472 = arith.constant 0 : i32
        %dma_start3A_1473 = tpu.memref_slice %arg13[%dma_start3A_1471, %dma_start3A_1472] : memref<3x128xi32, #tpu.memory_space<vmem>> -> memref<1x128xi32, #tpu.memory_space<vmem>>
        %dma_start3A_1474 = tpu.memref_squeeze %dma_start3A_1473 : memref<1x128xi32, #tpu.memory_space<vmem>> -> memref<128xi32, #tpu.memory_space<vmem>>
        %dma_start3A_1475 = arith.constant 0 : i32
        %dma_start3A_1476 = arith.constant 0 : i32
        %dma_start3A_1477 = tpu.memref_slice %arg6[%dma_start3A_1475, %dma_start3A_1476] : memref<507904x128xf32, #tpu.memory_space<hbm>> -> memref<507904x128xf32, #tpu.memory_space<hbm>>
        tpu.enqueue_indirect_dma source(%dma_start3A_1477 : memref<507904x128xf32, #tpu.memory_space<hbm>>) target(%arg17 : memref<128x128xf32, #tpu.memory_space<vmem>>) offsets(%dma_start3A_1474 : memref<128xi32, #tpu.memory_space<vmem>>) semaphore(%arg24 : memref<!tpu.dma_semaphore, #tpu.memory_space<semaphore_mem>>)
      } else {
      }
      %dma_wait3A_946 = arith.constant 0 : i32
      %dma_wait3A_947 = arith.constant 0 : i32
      %dma_wait3A_948 = tpu.memref_slice %arg14[%dma_wait3A_946, %dma_wait3A_947] : memref<3x128xi32, #tpu.memory_space<vmem>> -> memref<1x128xi32, #tpu.memory_space<vmem>>
      %dma_wait3A_949 = tpu.memref_squeeze %dma_wait3A_948 : memref<1x128xi32, #tpu.memory_space<vmem>> -> memref<128xi32, #tpu.memory_space<vmem>>
      %dma_wait3A_950 = arith.constant 0 : i32
      %dma_wait3A_951 = arith.constant 0 : i32
      %dma_wait3A_952 = tpu.memref_slice %arg5[%dma_wait3A_950, %dma_wait3A_951] : memref<507904x128xf32, #tpu.memory_space<hbm>> -> memref<507904x128xf32, #tpu.memory_space<hbm>>
      tpu.wait_indirect_dma semaphore(%arg25 : memref<!tpu.dma_semaphore, #tpu.memory_space<semaphore_mem>>) src(%dma_wait3A_952 : memref<507904x128xf32, #tpu.memory_space<hbm>>) dst(%arg18 : memref<128x128xf32, #tpu.memory_space<vmem>>)
      %dma_wait3A_953 = arith.constant 1 : i32
      %dma_wait3A_954 = arith.constant 0 : i32
      %dma_wait3A_955 = tpu.memref_slice %arg14[%dma_wait3A_953, %dma_wait3A_954] : memref<3x128xi32, #tpu.memory_space<vmem>> -> memref<1x128xi32, #tpu.memory_space<vmem>>
      %dma_wait3A_956 = tpu.memref_squeeze %dma_wait3A_955 : memref<1x128xi32, #tpu.memory_space<vmem>> -> memref<128xi32, #tpu.memory_space<vmem>>
      %dma_wait3A_957 = arith.constant 0 : i32
      %dma_wait3A_958 = arith.constant 0 : i32
      %dma_wait3A_959 = tpu.memref_slice %arg6[%dma_wait3A_957, %dma_wait3A_958] : memref<507904x128xf32, #tpu.memory_space<hbm>> -> memref<507904x128xf32, #tpu.memory_space<hbm>>
      tpu.wait_indirect_dma semaphore(%arg25 : memref<!tpu.dma_semaphore, #tpu.memory_space<semaphore_mem>>) src(%dma_wait3A_959 : memref<507904x128xf32, #tpu.memory_space<hbm>>) dst(%arg19 : memref<128x128xf32, #tpu.memory_space<vmem>>)
      %dma_wait3A_960 = arith.constant 2 : i32
      %dma_wait3A_961 = arith.constant 0 : i32
      %dma_wait3A_962 = tpu.memref_slice %arg14[%dma_wait3A_960, %dma_wait3A_961] : memref<3x128xi32, #tpu.memory_space<vmem>> -> memref<1x128xi32, #tpu.memory_space<vmem>>
      %dma_wait3A_963 = tpu.memref_squeeze %dma_wait3A_962 : memref<1x128xi32, #tpu.memory_space<vmem>> -> memref<128xi32, #tpu.memory_space<vmem>>
      %dma_wait3A_964 = arith.constant 0 : i32
      %dma_wait3A_965 = arith.constant 0 : i32
      %dma_wait3A_966 = tpu.memref_slice %arg6[%dma_wait3A_964, %dma_wait3A_965] : memref<507904x128xf32, #tpu.memory_space<hbm>> -> memref<507904x128xf32, #tpu.memory_space<hbm>>
      tpu.wait_indirect_dma semaphore(%arg25 : memref<!tpu.dma_semaphore, #tpu.memory_space<semaphore_mem>>) src(%dma_wait3A_966 : memref<507904x128xf32, #tpu.memory_space<hbm>>) dst(%arg20 : memref<128x128xf32, #tpu.memory_space<vmem>>)
      %add3A_967 = arith.constant 1 : i32
      %add3A_968 = arith.addi %mul3A_414, %add3A_967 : i32
      %scan3A_969 = arith.constant 0 : i32
      %scan3A_970 = arith.constant 8 : i32
      %scan3A_971 = arith.addi %scan3A_969, %scan3A_970 : i32
      %scan3A_972 = arith.constant 1 : i32
      %scan3A_973 = scf.for %scan3A_975 = %scan3A_969 to %scan3A_971 step %scan3A_972 iter_args(%scan3A_976 = %scan3A_942) -> (vector<16xf32>)  : i32 {
        %mul3A_977 = arith.constant 128 : i32
        %mul3A_978 = arith.muli %add3A_968, %mul3A_977 : i32
        %mul3A_979 = arith.constant 16 : i32
        %mul3A_980 = arith.muli %scan3A_975, %mul3A_979 : i32
        %add3A_981 = arith.addi %mul3A_978, %mul3A_980 : i32
        %mul3A_982 = arith.constant 16 : i32
        %mul3A_983 = arith.muli %scan3A_975, %mul3A_982 : i32
        %add3A_984 = vector.broadcast %mul3A_983 : i32 to vector<16xi32>
        %add3A_985 = arith.addi %add3A_984, %iota3A : vector<16xi32>
        %get3A_986 = arith.index_cast %add3A_981 : i32 to index
        %get3A_987 = tpu.vector_load %arg10[%get3A_986] {strides = array<i32>} : memref<512xi32, #tpu.memory_space<vmem>>, vector<16xi32>,
        %shift_right_logical3A_988 = arith.constant 14 : i32
        %shift_right_logical3A_989 = vector.broadcast %shift_right_logical3A_988 : i32 to vector<16xi32>
        %shift_right_logical3A_990 = arith.shrui %get3A_987, %shift_right_logical3A_989 : vector<16xi32>
        %and3A_991 = arith.constant 1 : i32
        %and3A_992 = vector.broadcast %and3A_991 : i32 to vector<16xi32>
        %and3A_993 = arith.andi %shift_right_logical3A_990, %and3A_992 : vector<16xi32>
        %mul3A_994 = arith.constant 64 : i32
        %mul3A_995 = vector.broadcast %mul3A_994 : i32 to vector<16xi32>
        %mul3A_996 = arith.muli %and3A_993, %mul3A_995 : vector<16xi32>
        %get3A_997 = arith.index_cast %add3A_981 : i32 to index
        %get3A_998 = tpu.vector_load %arg11[%get3A_997] {strides = array<i32>} : memref<512xi32, #tpu.memory_space<vmem>>, vector<16xi32>,
        %shift_right_logical3A_999 = arith.constant 14 : i32
        %shift_right_logical3A_1000 = vector.broadcast %shift_right_logical3A_999 : i32 to vector<16xi32>
        %shift_right_logical3A_1001 = arith.shrui %get3A_998, %shift_right_logical3A_1000 : vector<16xi32>
        %and3A_1002 = arith.constant 1 : i32
        %and3A_1003 = vector.broadcast %and3A_1002 : i32 to vector<16xi32>
        %and3A_1004 = arith.andi %shift_right_logical3A_1001, %and3A_1003 : vector<16xi32>
        %mul3A_1005 = arith.constant 64 : i32
        %mul3A_1006 = vector.broadcast %mul3A_1005 : i32 to vector<16xi32>
        %mul3A_1007 = arith.muli %and3A_1004, %mul3A_1006 : vector<16xi32>
        %get3A_1008 = arith.index_cast %add3A_981 : i32 to index
        %get3A_1009 = tpu.vector_load %arg12[%get3A_1008] {strides = array<i32>} : memref<512xi32, #tpu.memory_space<vmem>>, vector<16xi32>,
        %shift_right_logical3A_1010 = arith.constant 14 : i32
        %shift_right_logical3A_1011 = vector.broadcast %shift_right_logical3A_1010 : i32 to vector<16xi32>
        %shift_right_logical3A_1012 = arith.shrui %get3A_1009, %shift_right_logical3A_1011 : vector<16xi32>
        %and3A_1013 = arith.constant 1 : i32
        %and3A_1014 = vector.broadcast %and3A_1013 : i32 to vector<16xi32>
        %and3A_1015 = arith.andi %shift_right_logical3A_1012, %and3A_1014 : vector<16xi32>
        %mul3A_1016 = arith.constant 64 : i32
        %mul3A_1017 = vector.broadcast %mul3A_1016 : i32 to vector<16xi32>
        %mul3A_1018 = arith.muli %and3A_1015, %mul3A_1017 : vector<16xi32>
        %broadcast_in_dim3A_1019 = arith.constant 0.000000e+00 : f32
        %broadcast_in_dim3A_1020 = vector.broadcast %broadcast_in_dim3A_1019 : f32 to vector<16xf32>
        %broadcast_in_dim3A_1021 = arith.constant 0.000000e+00 : f32
        %broadcast_in_dim3A_1022 = vector.broadcast %broadcast_in_dim3A_1021 : f32 to vector<16xf32>
        %add3A_1023 = arith.constant 0 : i32
        %add3A_1024 = vector.broadcast %add3A_1023 : i32 to vector<16xi32>
        %add3A_1025 = arith.addi %mul3A_996, %add3A_1024 : vector<16xi32>
        %gather3A = tpu.vector_load_idx %arg18[%add3A_985, %add3A_1025] : memref<128x128xf32, #tpu.memory_space<vmem>>[vector<16xi32>, vector<16xi32>], vector<16xf32>,
        %add3A_1026 = arith.constant 0 : i32
        %add3A_1027 = vector.broadcast %add3A_1026 : i32 to vector<16xi32>
        %add3A_1028 = arith.addi %mul3A_1007, %add3A_1027 : vector<16xi32>
        %gather3A_1029 = tpu.vector_load_idx %arg19[%add3A_985, %add3A_1028] : memref<128x128xf32, #tpu.memory_space<vmem>>[vector<16xi32>, vector<16xi32>], vector<16xf32>,
        %add3A_1030 = arith.constant 0 : i32
        %add3A_1031 = vector.broadcast %add3A_1030 : i32 to vector<16xi32>
        %add3A_1032 = arith.addi %mul3A_1018, %add3A_1031 : vector<16xi32>
        %gather3A_1033 = tpu.vector_load_idx %arg20[%add3A_985, %add3A_1032] : memref<128x128xf32, #tpu.memory_space<vmem>>[vector<16xi32>, vector<16xi32>], vector<16xf32>,
        %mul3A_1034 = arith.mulf %gather3A, %gather3A_1029 : vector<16xf32>
        %add3A_1035 = arith.addf %broadcast_in_dim3A_1020, %mul3A_1034 : vector<16xf32>
        %mul3A_1036 = arith.mulf %gather3A, %gather3A_1033 : vector<16xf32>
        %add3A_1037 = arith.addf %broadcast_in_dim3A_1022, %mul3A_1036 : vector<16xf32>
        %mul3A_1038 = arith.mulf %gather3A, %gather3A : vector<16xf32>
        %add3A_1039 = arith.addf %scan3A_976, %mul3A_1038 : vector<16xf32>
        %mul3A_1040 = arith.mulf %gather3A_1029, %gather3A_1029 : vector<16xf32>
        %add3A_1041 = arith.addf %add3A_1039, %mul3A_1040 : vector<16xf32>
        %mul3A_1042 = arith.mulf %gather3A_1033, %gather3A_1033 : vector<16xf32>
        %add3A_1043 = arith.addf %add3A_1041, %mul3A_1042 : vector<16xf32>
        %add3A_1044 = arith.constant 1 : i32
        %add3A_1045 = vector.broadcast %add3A_1044 : i32 to vector<16xi32>
        %add3A_1046 = arith.addi %mul3A_996, %add3A_1045 : vector<16xi32>
        %gather3A_1047 = tpu.vector_load_idx %arg18[%add3A_985, %add3A_1046] : memref<128x128xf32, #tpu.memory_space<vmem>>[vector<16xi32>, vector<16xi32>], vector<16xf32>,
        %add3A_1048 = arith.constant 1 : i32
        %add3A_1049 = vector.broadcast %add3A_1048 : i32 to vector<16xi32>
        %add3A_1050 = arith.addi %mul3A_1007, %add3A_1049 : vector<16xi32>
        %gather3A_1051 = tpu.vector_load_idx %arg19[%add3A_985, %add3A_1050] : memref<128x128xf32, #tpu.memory_space<vmem>>[vector<16xi32>, vector<16xi32>], vector<16xf32>,
        %add3A_1052 = arith.constant 1 : i32
        %add3A_1053 = vector.broadcast %add3A_1052 : i32 to vector<16xi32>
        %add3A_1054 = arith.addi %mul3A_1018, %add3A_1053 : vector<16xi32>
        %gather3A_1055 = tpu.vector_load_idx %arg20[%add3A_985, %add3A_1054] : memref<128x128xf32, #tpu.memory_space<vmem>>[vector<16xi32>, vector<16xi32>], vector<16xf32>,
        %mul3A_1056 = arith.mulf %gather3A_1047, %gather3A_1051 : vector<16xf32>
        %add3A_1057 = arith.addf %add3A_1035, %mul3A_1056 : vector<16xf32>
        %mul3A_1058 = arith.mulf %gather3A_1047, %gather3A_1055 : vector<16xf32>
        %add3A_1059 = arith.addf %add3A_1037, %mul3A_1058 : vector<16xf32>
        %mul3A_1060 = arith.mulf %gather3A_1047, %gather3A_1047 : vector<16xf32>
        %add3A_1061 = arith.addf %add3A_1043, %mul3A_1060 : vector<16xf32>
        %mul3A_1062 = arith.mulf %gather3A_1051, %gather3A_1051 : vector<16xf32>
        %add3A_1063 = arith.addf %add3A_1061, %mul3A_1062 : vector<16xf32>
        %mul3A_1064 = arith.mulf %gather3A_1055, %gather3A_1055 : vector<16xf32>
        %add3A_1065 = arith.addf %add3A_1063, %mul3A_1064 : vector<16xf32>
        %add3A_1066 = arith.constant 2 : i32
        %add3A_1067 = vector.broadcast %add3A_1066 : i32 to vector<16xi32>
        %add3A_1068 = arith.addi %mul3A_996, %add3A_1067 : vector<16xi32>
        %gather3A_1069 = tpu.vector_load_idx %arg18[%add3A_985, %add3A_1068] : memref<128x128xf32, #tpu.memory_space<vmem>>[vector<16xi32>, vector<16xi32>], vector<16xf32>,
        %add3A_1070 = arith.constant 2 : i32
        %add3A_1071 = vector.broadcast %add3A_1070 : i32 to vector<16xi32>
        %add3A_1072 = arith.addi %mul3A_1007, %add3A_1071 : vector<16xi32>
        %gather3A_1073 = tpu.vector_load_idx %arg19[%add3A_985, %add3A_1072] : memref<128x128xf32, #tpu.memory_space<vmem>>[vector<16xi32>, vector<16xi32>], vector<16xf32>,
        %add3A_1074 = arith.constant 2 : i32
        %add3A_1075 = vector.broadcast %add3A_1074 : i32 to vector<16xi32>
        %add3A_1076 = arith.addi %mul3A_1018, %add3A_1075 : vector<16xi32>
        %gather3A_1077 = tpu.vector_load_idx %arg20[%add3A_985, %add3A_1076] : memref<128x128xf32, #tpu.memory_space<vmem>>[vector<16xi32>, vector<16xi32>], vector<16xf32>,
        %mul3A_1078 = arith.mulf %gather3A_1069, %gather3A_1073 : vector<16xf32>
        %add3A_1079 = arith.addf %add3A_1057, %mul3A_1078 : vector<16xf32>
        %mul3A_1080 = arith.mulf %gather3A_1069, %gather3A_1077 : vector<16xf32>
        %add3A_1081 = arith.addf %add3A_1059, %mul3A_1080 : vector<16xf32>
        %mul3A_1082 = arith.mulf %gather3A_1069, %gather3A_1069 : vector<16xf32>
        %add3A_1083 = arith.addf %add3A_1065, %mul3A_1082 : vector<16xf32>
        %mul3A_1084 = arith.mulf %gather3A_1073, %gather3A_1073 : vector<16xf32>
        %add3A_1085 = arith.addf %add3A_1083, %mul3A_1084 : vector<16xf32>
        %mul3A_1086 = arith.mulf %gather3A_1077, %gather3A_1077 : vector<16xf32>
        %add3A_1087 = arith.addf %add3A_1085, %mul3A_1086 : vector<16xf32>
        %add3A_1088 = arith.constant 3 : i32
        %add3A_1089 = vector.broadcast %add3A_1088 : i32 to vector<16xi32>
        %add3A_1090 = arith.addi %mul3A_996, %add3A_1089 : vector<16xi32>
        %gather3A_1091 = tpu.vector_load_idx %arg18[%add3A_985, %add3A_1090] : memref<128x128xf32, #tpu.memory_space<vmem>>[vector<16xi32>, vector<16xi32>], vector<16xf32>,
        %add3A_1092 = arith.constant 3 : i32
        %add3A_1093 = vector.broadcast %add3A_1092 : i32 to vector<16xi32>
        %add3A_1094 = arith.addi %mul3A_1007, %add3A_1093 : vector<16xi32>
        %gather3A_1095 = tpu.vector_load_idx %arg19[%add3A_985, %add3A_1094] : memref<128x128xf32, #tpu.memory_space<vmem>>[vector<16xi32>, vector<16xi32>], vector<16xf32>,
        %add3A_1096 = arith.constant 3 : i32
        %add3A_1097 = vector.broadcast %add3A_1096 : i32 to vector<16xi32>
        %add3A_1098 = arith.addi %mul3A_1018, %add3A_1097 : vector<16xi32>
        %gather3A_1099 = tpu.vector_load_idx %arg20[%add3A_985, %add3A_1098] : memref<128x128xf32, #tpu.memory_space<vmem>>[vector<16xi32>, vector<16xi32>], vector<16xf32>,
        %mul3A_1100 = arith.mulf %gather3A_1091, %gather3A_1095 : vector<16xf32>
        %add3A_1101 = arith.addf %add3A_1079, %mul3A_1100 : vector<16xf32>
        %mul3A_1102 = arith.mulf %gather3A_1091, %gather3A_1099 : vector<16xf32>
        %add3A_1103 = arith.addf %add3A_1081, %mul3A_1102 : vector<16xf32>
        %mul3A_1104 = arith.mulf %gather3A_1091, %gather3A_1091 : vector<16xf32>
        %add3A_1105 = arith.addf %add3A_1087, %mul3A_1104 : vector<16xf32>
        %mul3A_1106 = arith.mulf %gather3A_1095, %gather3A_1095 : vector<16xf32>
        %add3A_1107 = arith.addf %add3A_1105, %mul3A_1106 : vector<16xf32>
        %mul3A_1108 = arith.mulf %gather3A_1099, %gather3A_1099 : vector<16xf32>
        %add3A_1109 = arith.addf %add3A_1107, %mul3A_1108 : vector<16xf32>
        %add3A_1110 = arith.constant 4 : i32
        %add3A_1111 = vector.broadcast %add3A_1110 : i32 to vector<16xi32>
        %add3A_1112 = arith.addi %mul3A_996, %add3A_1111 : vector<16xi32>
        %gather3A_1113 = tpu.vector_load_idx %arg18[%add3A_985, %add3A_1112] : memref<128x128xf32, #tpu.memory_space<vmem>>[vector<16xi32>, vector<16xi32>], vector<16xf32>,
        %add3A_1114 = arith.constant 4 : i32
        %add3A_1115 = vector.broadcast %add3A_1114 : i32 to vector<16xi32>
        %add3A_1116 = arith.addi %mul3A_1007, %add3A_1115 : vector<16xi32>
        %gather3A_1117 = tpu.vector_load_idx %arg19[%add3A_985, %add3A_1116] : memref<128x128xf32, #tpu.memory_space<vmem>>[vector<16xi32>, vector<16xi32>], vector<16xf32>,
        %add3A_1118 = arith.constant 4 : i32
        %add3A_1119 = vector.broadcast %add3A_1118 : i32 to vector<16xi32>
        %add3A_1120 = arith.addi %mul3A_1018, %add3A_1119 : vector<16xi32>
        %gather3A_1121 = tpu.vector_load_idx %arg20[%add3A_985, %add3A_1120] : memref<128x128xf32, #tpu.memory_space<vmem>>[vector<16xi32>, vector<16xi32>], vector<16xf32>,
        %mul3A_1122 = arith.mulf %gather3A_1113, %gather3A_1117 : vector<16xf32>
        %add3A_1123 = arith.addf %add3A_1101, %mul3A_1122 : vector<16xf32>
        %mul3A_1124 = arith.mulf %gather3A_1113, %gather3A_1121 : vector<16xf32>
        %add3A_1125 = arith.addf %add3A_1103, %mul3A_1124 : vector<16xf32>
        %mul3A_1126 = arith.mulf %gather3A_1113, %gather3A_1113 : vector<16xf32>
        %add3A_1127 = arith.addf %add3A_1109, %mul3A_1126 : vector<16xf32>
        %mul3A_1128 = arith.mulf %gather3A_1117, %gather3A_1117 : vector<16xf32>
        %add3A_1129 = arith.addf %add3A_1127, %mul3A_1128 : vector<16xf32>
        %mul3A_1130 = arith.mulf %gather3A_1121, %gather3A_1121 : vector<16xf32>
        %add3A_1131 = arith.addf %add3A_1129, %mul3A_1130 : vector<16xf32>
        %add3A_1132 = arith.constant 5 : i32
        %add3A_1133 = vector.broadcast %add3A_1132 : i32 to vector<16xi32>
        %add3A_1134 = arith.addi %mul3A_996, %add3A_1133 : vector<16xi32>
        %gather3A_1135 = tpu.vector_load_idx %arg18[%add3A_985, %add3A_1134] : memref<128x128xf32, #tpu.memory_space<vmem>>[vector<16xi32>, vector<16xi32>], vector<16xf32>,
        %add3A_1136 = arith.constant 5 : i32
        %add3A_1137 = vector.broadcast %add3A_1136 : i32 to vector<16xi32>
        %add3A_1138 = arith.addi %mul3A_1007, %add3A_1137 : vector<16xi32>
        %gather3A_1139 = tpu.vector_load_idx %arg19[%add3A_985, %add3A_1138] : memref<128x128xf32, #tpu.memory_space<vmem>>[vector<16xi32>, vector<16xi32>], vector<16xf32>,
        %add3A_1140 = arith.constant 5 : i32
        %add3A_1141 = vector.broadcast %add3A_1140 : i32 to vector<16xi32>
        %add3A_1142 = arith.addi %mul3A_1018, %add3A_1141 : vector<16xi32>
        %gather3A_1143 = tpu.vector_load_idx %arg20[%add3A_985, %add3A_1142] : memref<128x128xf32, #tpu.memory_space<vmem>>[vector<16xi32>, vector<16xi32>], vector<16xf32>,
        %mul3A_1144 = arith.mulf %gather3A_1135, %gather3A_1139 : vector<16xf32>
        %add3A_1145 = arith.addf %add3A_1123, %mul3A_1144 : vector<16xf32>
        %mul3A_1146 = arith.mulf %gather3A_1135, %gather3A_1143 : vector<16xf32>
        %add3A_1147 = arith.addf %add3A_1125, %mul3A_1146 : vector<16xf32>
        %mul3A_1148 = arith.mulf %gather3A_1135, %gather3A_1135 : vector<16xf32>
        %add3A_1149 = arith.addf %add3A_1131, %mul3A_1148 : vector<16xf32>
        %mul3A_1150 = arith.mulf %gather3A_1139, %gather3A_1139 : vector<16xf32>
        %add3A_1151 = arith.addf %add3A_1149, %mul3A_1150 : vector<16xf32>
        %mul3A_1152 = arith.mulf %gather3A_1143, %gather3A_1143 : vector<16xf32>
        %add3A_1153 = arith.addf %add3A_1151, %mul3A_1152 : vector<16xf32>
        %add3A_1154 = arith.constant 6 : i32
        %add3A_1155 = vector.broadcast %add3A_1154 : i32 to vector<16xi32>
        %add3A_1156 = arith.addi %mul3A_996, %add3A_1155 : vector<16xi32>
        %gather3A_1157 = tpu.vector_load_idx %arg18[%add3A_985, %add3A_1156] : memref<128x128xf32, #tpu.memory_space<vmem>>[vector<16xi32>, vector<16xi32>], vector<16xf32>,
        %add3A_1158 = arith.constant 6 : i32
        %add3A_1159 = vector.broadcast %add3A_1158 : i32 to vector<16xi32>
        %add3A_1160 = arith.addi %mul3A_1007, %add3A_1159 : vector<16xi32>
        %gather3A_1161 = tpu.vector_load_idx %arg19[%add3A_985, %add3A_1160] : memref<128x128xf32, #tpu.memory_space<vmem>>[vector<16xi32>, vector<16xi32>], vector<16xf32>,
        %add3A_1162 = arith.constant 6 : i32
        %add3A_1163 = vector.broadcast %add3A_1162 : i32 to vector<16xi32>
        %add3A_1164 = arith.addi %mul3A_1018, %add3A_1163 : vector<16xi32>
        %gather3A_1165 = tpu.vector_load_idx %arg20[%add3A_985, %add3A_1164] : memref<128x128xf32, #tpu.memory_space<vmem>>[vector<16xi32>, vector<16xi32>], vector<16xf32>,
        %mul3A_1166 = arith.mulf %gather3A_1157, %gather3A_1161 : vector<16xf32>
        %add3A_1167 = arith.addf %add3A_1145, %mul3A_1166 : vector<16xf32>
        %mul3A_1168 = arith.mulf %gather3A_1157, %gather3A_1165 : vector<16xf32>
        %add3A_1169 = arith.addf %add3A_1147, %mul3A_1168 : vector<16xf32>
        %mul3A_1170 = arith.mulf %gather3A_1157, %gather3A_1157 : vector<16xf32>
        %add3A_1171 = arith.addf %add3A_1153, %mul3A_1170 : vector<16xf32>
        %mul3A_1172 = arith.mulf %gather3A_1161, %gather3A_1161 : vector<16xf32>
        %add3A_1173 = arith.addf %add3A_1171, %mul3A_1172 : vector<16xf32>
        %mul3A_1174 = arith.mulf %gather3A_1165, %gather3A_1165 : vector<16xf32>
        %add3A_1175 = arith.addf %add3A_1173, %mul3A_1174 : vector<16xf32>
        %add3A_1176 = arith.constant 7 : i32
        %add3A_1177 = vector.broadcast %add3A_1176 : i32 to vector<16xi32>
        %add3A_1178 = arith.addi %mul3A_996, %add3A_1177 : vector<16xi32>
        %gather3A_1179 = tpu.vector_load_idx %arg18[%add3A_985, %add3A_1178] : memref<128x128xf32, #tpu.memory_space<vmem>>[vector<16xi32>, vector<16xi32>], vector<16xf32>,
        %add3A_1180 = arith.constant 7 : i32
        %add3A_1181 = vector.broadcast %add3A_1180 : i32 to vector<16xi32>
        %add3A_1182 = arith.addi %mul3A_1007, %add3A_1181 : vector<16xi32>
        %gather3A_1183 = tpu.vector_load_idx %arg19[%add3A_985, %add3A_1182] : memref<128x128xf32, #tpu.memory_space<vmem>>[vector<16xi32>, vector<16xi32>], vector<16xf32>,
        %add3A_1184 = arith.constant 7 : i32
        %add3A_1185 = vector.broadcast %add3A_1184 : i32 to vector<16xi32>
        %add3A_1186 = arith.addi %mul3A_1018, %add3A_1185 : vector<16xi32>
        %gather3A_1187 = tpu.vector_load_idx %arg20[%add3A_985, %add3A_1186] : memref<128x128xf32, #tpu.memory_space<vmem>>[vector<16xi32>, vector<16xi32>], vector<16xf32>,
        %mul3A_1188 = arith.mulf %gather3A_1179, %gather3A_1183 : vector<16xf32>
        %add3A_1189 = arith.addf %add3A_1167, %mul3A_1188 : vector<16xf32>
        %mul3A_1190 = arith.mulf %gather3A_1179, %gather3A_1187 : vector<16xf32>
        %add3A_1191 = arith.addf %add3A_1169, %mul3A_1190 : vector<16xf32>
        %mul3A_1192 = arith.mulf %gather3A_1179, %gather3A_1179 : vector<16xf32>
        %add3A_1193 = arith.addf %add3A_1175, %mul3A_1192 : vector<16xf32>
        %mul3A_1194 = arith.mulf %gather3A_1183, %gather3A_1183 : vector<16xf32>
        %add3A_1195 = arith.addf %add3A_1193, %mul3A_1194 : vector<16xf32>
        %mul3A_1196 = arith.mulf %gather3A_1187, %gather3A_1187 : vector<16xf32>
        %add3A_1197 = arith.addf %add3A_1195, %mul3A_1196 : vector<16xf32>
        %add3A_1198 = arith.constant 8 : i32
        %add3A_1199 = vector.broadcast %add3A_1198 : i32 to vector<16xi32>
        %add3A_1200 = arith.addi %mul3A_996, %add3A_1199 : vector<16xi32>
        %gather3A_1201 = tpu.vector_load_idx %arg18[%add3A_985, %add3A_1200] : memref<128x128xf32, #tpu.memory_space<vmem>>[vector<16xi32>, vector<16xi32>], vector<16xf32>,
        %add3A_1202 = arith.constant 8 : i32
        %add3A_1203 = vector.broadcast %add3A_1202 : i32 to vector<16xi32>
        %add3A_1204 = arith.addi %mul3A_1007, %add3A_1203 : vector<16xi32>
        %gather3A_1205 = tpu.vector_load_idx %arg19[%add3A_985, %add3A_1204] : memref<128x128xf32, #tpu.memory_space<vmem>>[vector<16xi32>, vector<16xi32>], vector<16xf32>,
        %add3A_1206 = arith.constant 8 : i32
        %add3A_1207 = vector.broadcast %add3A_1206 : i32 to vector<16xi32>
        %add3A_1208 = arith.addi %mul3A_1018, %add3A_1207 : vector<16xi32>
        %gather3A_1209 = tpu.vector_load_idx %arg20[%add3A_985, %add3A_1208] : memref<128x128xf32, #tpu.memory_space<vmem>>[vector<16xi32>, vector<16xi32>], vector<16xf32>,
        %mul3A_1210 = arith.mulf %gather3A_1201, %gather3A_1205 : vector<16xf32>
        %add3A_1211 = arith.addf %add3A_1189, %mul3A_1210 : vector<16xf32>
        %mul3A_1212 = arith.mulf %gather3A_1201, %gather3A_1209 : vector<16xf32>
        %add3A_1213 = arith.addf %add3A_1191, %mul3A_1212 : vector<16xf32>
        %mul3A_1214 = arith.mulf %gather3A_1201, %gather3A_1201 : vector<16xf32>
        %add3A_1215 = arith.addf %add3A_1197, %mul3A_1214 : vector<16xf32>
        %mul3A_1216 = arith.mulf %gather3A_1205, %gather3A_1205 : vector<16xf32>
        %add3A_1217 = arith.addf %add3A_1215, %mul3A_1216 : vector<16xf32>
        %mul3A_1218 = arith.mulf %gather3A_1209, %gather3A_1209 : vector<16xf32>
        %add3A_1219 = arith.addf %add3A_1217, %mul3A_1218 : vector<16xf32>
        %add3A_1220 = arith.constant 9 : i32
        %add3A_1221 = vector.broadcast %add3A_1220 : i32 to vector<16xi32>
        %add3A_1222 = arith.addi %mul3A_996, %add3A_1221 : vector<16xi32>
        %gather3A_1223 = tpu.vector_load_idx %arg18[%add3A_985, %add3A_1222] : memref<128x128xf32, #tpu.memory_space<vmem>>[vector<16xi32>, vector<16xi32>], vector<16xf32>,
        %add3A_1224 = arith.constant 9 : i32
        %add3A_1225 = vector.broadcast %add3A_1224 : i32 to vector<16xi32>
        %add3A_1226 = arith.addi %mul3A_1007, %add3A_1225 : vector<16xi32>
        %gather3A_1227 = tpu.vector_load_idx %arg19[%add3A_985, %add3A_1226] : memref<128x128xf32, #tpu.memory_space<vmem>>[vector<16xi32>, vector<16xi32>], vector<16xf32>,
        %add3A_1228 = arith.constant 9 : i32
        %add3A_1229 = vector.broadcast %add3A_1228 : i32 to vector<16xi32>
        %add3A_1230 = arith.addi %mul3A_1018, %add3A_1229 : vector<16xi32>
        %gather3A_1231 = tpu.vector_load_idx %arg20[%add3A_985, %add3A_1230] : memref<128x128xf32, #tpu.memory_space<vmem>>[vector<16xi32>, vector<16xi32>], vector<16xf32>,
        %mul3A_1232 = arith.mulf %gather3A_1223, %gather3A_1227 : vector<16xf32>
        %add3A_1233 = arith.addf %add3A_1211, %mul3A_1232 : vector<16xf32>
        %mul3A_1234 = arith.mulf %gather3A_1223, %gather3A_1231 : vector<16xf32>
        %add3A_1235 = arith.addf %add3A_1213, %mul3A_1234 : vector<16xf32>
        %mul3A_1236 = arith.mulf %gather3A_1223, %gather3A_1223 : vector<16xf32>
        %add3A_1237 = arith.addf %add3A_1219, %mul3A_1236 : vector<16xf32>
        %mul3A_1238 = arith.mulf %gather3A_1227, %gather3A_1227 : vector<16xf32>
        %add3A_1239 = arith.addf %add3A_1237, %mul3A_1238 : vector<16xf32>
        %mul3A_1240 = arith.mulf %gather3A_1231, %gather3A_1231 : vector<16xf32>
        %add3A_1241 = arith.addf %add3A_1239, %mul3A_1240 : vector<16xf32>
        %add3A_1242 = arith.constant 10 : i32
        %add3A_1243 = vector.broadcast %add3A_1242 : i32 to vector<16xi32>
        %add3A_1244 = arith.addi %mul3A_996, %add3A_1243 : vector<16xi32>
        %gather3A_1245 = tpu.vector_load_idx %arg18[%add3A_985, %add3A_1244] : memref<128x128xf32, #tpu.memory_space<vmem>>[vector<16xi32>, vector<16xi32>], vector<16xf32>,
        %add3A_1246 = arith.constant 10 : i32
        %add3A_1247 = vector.broadcast %add3A_1246 : i32 to vector<16xi32>
        %add3A_1248 = arith.addi %mul3A_1007, %add3A_1247 : vector<16xi32>
        %gather3A_1249 = tpu.vector_load_idx %arg19[%add3A_985, %add3A_1248] : memref<128x128xf32, #tpu.memory_space<vmem>>[vector<16xi32>, vector<16xi32>], vector<16xf32>,
        %add3A_1250 = arith.constant 10 : i32
        %add3A_1251 = vector.broadcast %add3A_1250 : i32 to vector<16xi32>
        %add3A_1252 = arith.addi %mul3A_1018, %add3A_1251 : vector<16xi32>
        %gather3A_1253 = tpu.vector_load_idx %arg20[%add3A_985, %add3A_1252] : memref<128x128xf32, #tpu.memory_space<vmem>>[vector<16xi32>, vector<16xi32>], vector<16xf32>,
        %mul3A_1254 = arith.mulf %gather3A_1245, %gather3A_1249 : vector<16xf32>
        %add3A_1255 = arith.addf %add3A_1233, %mul3A_1254 : vector<16xf32>
        %mul3A_1256 = arith.mulf %gather3A_1245, %gather3A_1253 : vector<16xf32>
        %add3A_1257 = arith.addf %add3A_1235, %mul3A_1256 : vector<16xf32>
        %mul3A_1258 = arith.mulf %gather3A_1245, %gather3A_1245 : vector<16xf32>
        %add3A_1259 = arith.addf %add3A_1241, %mul3A_1258 : vector<16xf32>
        %mul3A_1260 = arith.mulf %gather3A_1249, %gather3A_1249 : vector<16xf32>
        %add3A_1261 = arith.addf %add3A_1259, %mul3A_1260 : vector<16xf32>
        %mul3A_1262 = arith.mulf %gather3A_1253, %gather3A_1253 : vector<16xf32>
        %add3A_1263 = arith.addf %add3A_1261, %mul3A_1262 : vector<16xf32>
        %add3A_1264 = arith.constant 11 : i32
        %add3A_1265 = vector.broadcast %add3A_1264 : i32 to vector<16xi32>
        %add3A_1266 = arith.addi %mul3A_996, %add3A_1265 : vector<16xi32>
        %gather3A_1267 = tpu.vector_load_idx %arg18[%add3A_985, %add3A_1266] : memref<128x128xf32, #tpu.memory_space<vmem>>[vector<16xi32>, vector<16xi32>], vector<16xf32>,
        %add3A_1268 = arith.constant 11 : i32
        %add3A_1269 = vector.broadcast %add3A_1268 : i32 to vector<16xi32>
        %add3A_1270 = arith.addi %mul3A_1007, %add3A_1269 : vector<16xi32>
        %gather3A_1271 = tpu.vector_load_idx %arg19[%add3A_985, %add3A_1270] : memref<128x128xf32, #tpu.memory_space<vmem>>[vector<16xi32>, vector<16xi32>], vector<16xf32>,
        %add3A_1272 = arith.constant 11 : i32
        %add3A_1273 = vector.broadcast %add3A_1272 : i32 to vector<16xi32>
        %add3A_1274 = arith.addi %mul3A_1018, %add3A_1273 : vector<16xi32>
        %gather3A_1275 = tpu.vector_load_idx %arg20[%add3A_985, %add3A_1274] : memref<128x128xf32, #tpu.memory_space<vmem>>[vector<16xi32>, vector<16xi32>], vector<16xf32>,
        %mul3A_1276 = arith.mulf %gather3A_1267, %gather3A_1271 : vector<16xf32>
        %add3A_1277 = arith.addf %add3A_1255, %mul3A_1276 : vector<16xf32>
        %mul3A_1278 = arith.mulf %gather3A_1267, %gather3A_1275 : vector<16xf32>
        %add3A_1279 = arith.addf %add3A_1257, %mul3A_1278 : vector<16xf32>
        %mul3A_1280 = arith.mulf %gather3A_1267, %gather3A_1267 : vector<16xf32>
        %add3A_1281 = arith.addf %add3A_1263, %mul3A_1280 : vector<16xf32>
        %mul3A_1282 = arith.mulf %gather3A_1271, %gather3A_1271 : vector<16xf32>
        %add3A_1283 = arith.addf %add3A_1281, %mul3A_1282 : vector<16xf32>
        %mul3A_1284 = arith.mulf %gather3A_1275, %gather3A_1275 : vector<16xf32>
        %add3A_1285 = arith.addf %add3A_1283, %mul3A_1284 : vector<16xf32>
        %add3A_1286 = arith.constant 12 : i32
        %add3A_1287 = vector.broadcast %add3A_1286 : i32 to vector<16xi32>
        %add3A_1288 = arith.addi %mul3A_996, %add3A_1287 : vector<16xi32>
        %gather3A_1289 = tpu.vector_load_idx %arg18[%add3A_985, %add3A_1288] : memref<128x128xf32, #tpu.memory_space<vmem>>[vector<16xi32>, vector<16xi32>], vector<16xf32>,
        %add3A_1290 = arith.constant 12 : i32
        %add3A_1291 = vector.broadcast %add3A_1290 : i32 to vector<16xi32>
        %add3A_1292 = arith.addi %mul3A_1007, %add3A_1291 : vector<16xi32>
        %gather3A_1293 = tpu.vector_load_idx %arg19[%add3A_985, %add3A_1292] : memref<128x128xf32, #tpu.memory_space<vmem>>[vector<16xi32>, vector<16xi32>], vector<16xf32>,
        %add3A_1294 = arith.constant 12 : i32
        %add3A_1295 = vector.broadcast %add3A_1294 : i32 to vector<16xi32>
        %add3A_1296 = arith.addi %mul3A_1018, %add3A_1295 : vector<16xi32>
        %gather3A_1297 = tpu.vector_load_idx %arg20[%add3A_985, %add3A_1296] : memref<128x128xf32, #tpu.memory_space<vmem>>[vector<16xi32>, vector<16xi32>], vector<16xf32>,
        %mul3A_1298 = arith.mulf %gather3A_1289, %gather3A_1293 : vector<16xf32>
        %add3A_1299 = arith.addf %add3A_1277, %mul3A_1298 : vector<16xf32>
        %mul3A_1300 = arith.mulf %gather3A_1289, %gather3A_1297 : vector<16xf32>
        %add3A_1301 = arith.addf %add3A_1279, %mul3A_1300 : vector<16xf32>
        %mul3A_1302 = arith.mulf %gather3A_1289, %gather3A_1289 : vector<16xf32>
        %add3A_1303 = arith.addf %add3A_1285, %mul3A_1302 : vector<16xf32>
        %mul3A_1304 = arith.mulf %gather3A_1293, %gather3A_1293 : vector<16xf32>
        %add3A_1305 = arith.addf %add3A_1303, %mul3A_1304 : vector<16xf32>
        %mul3A_1306 = arith.mulf %gather3A_1297, %gather3A_1297 : vector<16xf32>
        %add3A_1307 = arith.addf %add3A_1305, %mul3A_1306 : vector<16xf32>
        %add3A_1308 = arith.constant 13 : i32
        %add3A_1309 = vector.broadcast %add3A_1308 : i32 to vector<16xi32>
        %add3A_1310 = arith.addi %mul3A_996, %add3A_1309 : vector<16xi32>
        %gather3A_1311 = tpu.vector_load_idx %arg18[%add3A_985, %add3A_1310] : memref<128x128xf32, #tpu.memory_space<vmem>>[vector<16xi32>, vector<16xi32>], vector<16xf32>,
        %add3A_1312 = arith.constant 13 : i32
        %add3A_1313 = vector.broadcast %add3A_1312 : i32 to vector<16xi32>
        %add3A_1314 = arith.addi %mul3A_1007, %add3A_1313 : vector<16xi32>
        %gather3A_1315 = tpu.vector_load_idx %arg19[%add3A_985, %add3A_1314] : memref<128x128xf32, #tpu.memory_space<vmem>>[vector<16xi32>, vector<16xi32>], vector<16xf32>,
        %add3A_1316 = arith.constant 13 : i32
        %add3A_1317 = vector.broadcast %add3A_1316 : i32 to vector<16xi32>
        %add3A_1318 = arith.addi %mul3A_1018, %add3A_1317 : vector<16xi32>
        %gather3A_1319 = tpu.vector_load_idx %arg20[%add3A_985, %add3A_1318] : memref<128x128xf32, #tpu.memory_space<vmem>>[vector<16xi32>, vector<16xi32>], vector<16xf32>,
        %mul3A_1320 = arith.mulf %gather3A_1311, %gather3A_1315 : vector<16xf32>
        %add3A_1321 = arith.addf %add3A_1299, %mul3A_1320 : vector<16xf32>
        %mul3A_1322 = arith.mulf %gather3A_1311, %gather3A_1319 : vector<16xf32>
        %add3A_1323 = arith.addf %add3A_1301, %mul3A_1322 : vector<16xf32>
        %mul3A_1324 = arith.mulf %gather3A_1311, %gather3A_1311 : vector<16xf32>
        %add3A_1325 = arith.addf %add3A_1307, %mul3A_1324 : vector<16xf32>
        %mul3A_1326 = arith.mulf %gather3A_1315, %gather3A_1315 : vector<16xf32>
        %add3A_1327 = arith.addf %add3A_1325, %mul3A_1326 : vector<16xf32>
        %mul3A_1328 = arith.mulf %gather3A_1319, %gather3A_1319 : vector<16xf32>
        %add3A_1329 = arith.addf %add3A_1327, %mul3A_1328 : vector<16xf32>
        %add3A_1330 = arith.constant 14 : i32
        %add3A_1331 = vector.broadcast %add3A_1330 : i32 to vector<16xi32>
        %add3A_1332 = arith.addi %mul3A_996, %add3A_1331 : vector<16xi32>
        %gather3A_1333 = tpu.vector_load_idx %arg18[%add3A_985, %add3A_1332] : memref<128x128xf32, #tpu.memory_space<vmem>>[vector<16xi32>, vector<16xi32>], vector<16xf32>,
        %add3A_1334 = arith.constant 14 : i32
        %add3A_1335 = vector.broadcast %add3A_1334 : i32 to vector<16xi32>
        %add3A_1336 = arith.addi %mul3A_1007, %add3A_1335 : vector<16xi32>
        %gather3A_1337 = tpu.vector_load_idx %arg19[%add3A_985, %add3A_1336] : memref<128x128xf32, #tpu.memory_space<vmem>>[vector<16xi32>, vector<16xi32>], vector<16xf32>,
        %add3A_1338 = arith.constant 14 : i32
        %add3A_1339 = vector.broadcast %add3A_1338 : i32 to vector<16xi32>
        %add3A_1340 = arith.addi %mul3A_1018, %add3A_1339 : vector<16xi32>
        %gather3A_1341 = tpu.vector_load_idx %arg20[%add3A_985, %add3A_1340] : memref<128x128xf32, #tpu.memory_space<vmem>>[vector<16xi32>, vector<16xi32>], vector<16xf32>,
        %mul3A_1342 = arith.mulf %gather3A_1333, %gather3A_1337 : vector<16xf32>
        %add3A_1343 = arith.addf %add3A_1321, %mul3A_1342 : vector<16xf32>
        %mul3A_1344 = arith.mulf %gather3A_1333, %gather3A_1341 : vector<16xf32>
        %add3A_1345 = arith.addf %add3A_1323, %mul3A_1344 : vector<16xf32>
        %mul3A_1346 = arith.mulf %gather3A_1333, %gather3A_1333 : vector<16xf32>
        %add3A_1347 = arith.addf %add3A_1329, %mul3A_1346 : vector<16xf32>
        %mul3A_1348 = arith.mulf %gather3A_1337, %gather3A_1337 : vector<16xf32>
        %add3A_1349 = arith.addf %add3A_1347, %mul3A_1348 : vector<16xf32>
        %mul3A_1350 = arith.mulf %gather3A_1341, %gather3A_1341 : vector<16xf32>
        %add3A_1351 = arith.addf %add3A_1349, %mul3A_1350 : vector<16xf32>
        %add3A_1352 = arith.constant 15 : i32
        %add3A_1353 = vector.broadcast %add3A_1352 : i32 to vector<16xi32>
        %add3A_1354 = arith.addi %mul3A_996, %add3A_1353 : vector<16xi32>
        %gather3A_1355 = tpu.vector_load_idx %arg18[%add3A_985, %add3A_1354] : memref<128x128xf32, #tpu.memory_space<vmem>>[vector<16xi32>, vector<16xi32>], vector<16xf32>,
        %add3A_1356 = arith.constant 15 : i32
        %add3A_1357 = vector.broadcast %add3A_1356 : i32 to vector<16xi32>
        %add3A_1358 = arith.addi %mul3A_1007, %add3A_1357 : vector<16xi32>
        %gather3A_1359 = tpu.vector_load_idx %arg19[%add3A_985, %add3A_1358] : memref<128x128xf32, #tpu.memory_space<vmem>>[vector<16xi32>, vector<16xi32>], vector<16xf32>,
        %add3A_1360 = arith.constant 15 : i32
        %add3A_1361 = vector.broadcast %add3A_1360 : i32 to vector<16xi32>
        %add3A_1362 = arith.addi %mul3A_1018, %add3A_1361 : vector<16xi32>
        %gather3A_1363 = tpu.vector_load_idx %arg20[%add3A_985, %add3A_1362] : memref<128x128xf32, #tpu.memory_space<vmem>>[vector<16xi32>, vector<16xi32>], vector<16xf32>,
        %mul3A_1364 = arith.mulf %gather3A_1355, %gather3A_1359 : vector<16xf32>
        %add3A_1365 = arith.addf %add3A_1343, %mul3A_1364 : vector<16xf32>
        %mul3A_1366 = arith.mulf %gather3A_1355, %gather3A_1363 : vector<16xf32>
        %add3A_1367 = arith.addf %add3A_1345, %mul3A_1366 : vector<16xf32>
        %mul3A_1368 = arith.mulf %gather3A_1355, %gather3A_1355 : vector<16xf32>
        %add3A_1369 = arith.addf %add3A_1351, %mul3A_1368 : vector<16xf32>
        %mul3A_1370 = arith.mulf %gather3A_1359, %gather3A_1359 : vector<16xf32>
        %add3A_1371 = arith.addf %add3A_1369, %mul3A_1370 : vector<16xf32>
        %mul3A_1372 = arith.mulf %gather3A_1363, %gather3A_1363 : vector<16xf32>
        %add3A_1373 = arith.addf %add3A_1371, %mul3A_1372 : vector<16xf32>
        %add3A_1374 = arith.constant 16 : i32
        %add3A_1375 = vector.broadcast %add3A_1374 : i32 to vector<16xi32>
        %add3A_1376 = arith.addi %mul3A_996, %add3A_1375 : vector<16xi32>
        %gather3A_1377 = tpu.vector_load_idx %arg18[%add3A_985, %add3A_1376] : memref<128x128xf32, #tpu.memory_space<vmem>>[vector<16xi32>, vector<16xi32>], vector<16xf32>,
        %add3A_1378 = arith.constant 16 : i32
        %add3A_1379 = vector.broadcast %add3A_1378 : i32 to vector<16xi32>
        %add3A_1380 = arith.addi %mul3A_1007, %add3A_1379 : vector<16xi32>
        %gather3A_1381 = tpu.vector_load_idx %arg19[%add3A_985, %add3A_1380] : memref<128x128xf32, #tpu.memory_space<vmem>>[vector<16xi32>, vector<16xi32>], vector<16xf32>,
        %add3A_1382 = arith.constant 16 : i32
        %add3A_1383 = vector.broadcast %add3A_1382 : i32 to vector<16xi32>
        %add3A_1384 = arith.addi %mul3A_1018, %add3A_1383 : vector<16xi32>
        %gather3A_1385 = tpu.vector_load_idx %arg20[%add3A_985, %add3A_1384] : memref<128x128xf32, #tpu.memory_space<vmem>>[vector<16xi32>, vector<16xi32>], vector<16xf32>,
        %mul3A_1386 = arith.mulf %gather3A_1377, %gather3A_1381 : vector<16xf32>
        %add3A_1387 = arith.addf %add3A_1365, %mul3A_1386 : vector<16xf32>
        %mul3A_1388 = arith.mulf %gather3A_1377, %gather3A_1385 : vector<16xf32>
        %add3A_1389 = arith.addf %add3A_1367, %mul3A_1388 : vector<16xf32>
        %mul3A_1390 = arith.mulf %gather3A_1377, %gather3A_1377 : vector<16xf32>
        %add3A_1391 = arith.addf %add3A_1373, %mul3A_1390 : vector<16xf32>
        %mul3A_1392 = arith.mulf %gather3A_1381, %gather3A_1381 : vector<16xf32>
        %add3A_1393 = arith.addf %add3A_1391, %mul3A_1392 : vector<16xf32>
        %mul3A_1394 = arith.mulf %gather3A_1385, %gather3A_1385 : vector<16xf32>
        %add3A_1395 = arith.addf %add3A_1393, %mul3A_1394 : vector<16xf32>
        %add3A_1396 = arith.constant 17 : i32
        %add3A_1397 = vector.broadcast %add3A_1396 : i32 to vector<16xi32>
        %add3A_1398 = arith.addi %mul3A_996, %add3A_1397 : vector<16xi32>
        %gather3A_1399 = tpu.vector_load_idx %arg18[%add3A_985, %add3A_1398] : memref<128x128xf32, #tpu.memory_space<vmem>>[vector<16xi32>, vector<16xi32>], vector<16xf32>,
        %add3A_1400 = arith.constant 17 : i32
        %add3A_1401 = vector.broadcast %add3A_1400 : i32 to vector<16xi32>
        %add3A_1402 = arith.addi %mul3A_1007, %add3A_1401 : vector<16xi32>
        %gather3A_1403 = tpu.vector_load_idx %arg19[%add3A_985, %add3A_1402] : memref<128x128xf32, #tpu.memory_space<vmem>>[vector<16xi32>, vector<16xi32>], vector<16xf32>,
        %add3A_1404 = arith.constant 17 : i32
        %add3A_1405 = vector.broadcast %add3A_1404 : i32 to vector<16xi32>
        %add3A_1406 = arith.addi %mul3A_1018, %add3A_1405 : vector<16xi32>
        %gather3A_1407 = tpu.vector_load_idx %arg20[%add3A_985, %add3A_1406] : memref<128x128xf32, #tpu.memory_space<vmem>>[vector<16xi32>, vector<16xi32>], vector<16xf32>,
        %mul3A_1408 = arith.mulf %gather3A_1399, %gather3A_1403 : vector<16xf32>
        %add3A_1409 = arith.addf %add3A_1387, %mul3A_1408 : vector<16xf32>
        %mul3A_1410 = arith.mulf %gather3A_1399, %gather3A_1407 : vector<16xf32>
        %add3A_1411 = arith.addf %add3A_1389, %mul3A_1410 : vector<16xf32>
        %mul3A_1412 = arith.mulf %gather3A_1399, %gather3A_1399 : vector<16xf32>
        %add3A_1413 = arith.addf %add3A_1395, %mul3A_1412 : vector<16xf32>
        %mul3A_1414 = arith.mulf %gather3A_1403, %gather3A_1403 : vector<16xf32>
        %add3A_1415 = arith.addf %add3A_1413, %mul3A_1414 : vector<16xf32>
        %mul3A_1416 = arith.mulf %gather3A_1407, %gather3A_1407 : vector<16xf32>
        %add3A_1417 = arith.addf %add3A_1415, %mul3A_1416 : vector<16xf32>
        %add3A_1418 = arith.constant 18 : i32
        %add3A_1419 = vector.broadcast %add3A_1418 : i32 to vector<16xi32>
        %add3A_1420 = arith.addi %mul3A_996, %add3A_1419 : vector<16xi32>
        %gather3A_1421 = tpu.vector_load_idx %arg18[%add3A_985, %add3A_1420] : memref<128x128xf32, #tpu.memory_space<vmem>>[vector<16xi32>, vector<16xi32>], vector<16xf32>,
        %add3A_1422 = arith.constant 18 : i32
        %add3A_1423 = vector.broadcast %add3A_1422 : i32 to vector<16xi32>
        %add3A_1424 = arith.addi %mul3A_1007, %add3A_1423 : vector<16xi32>
        %gather3A_1425 = tpu.vector_load_idx %arg19[%add3A_985, %add3A_1424] : memref<128x128xf32, #tpu.memory_space<vmem>>[vector<16xi32>, vector<16xi32>], vector<16xf32>,
        %add3A_1426 = arith.constant 18 : i32
        %add3A_1427 = vector.broadcast %add3A_1426 : i32 to vector<16xi32>
        %add3A_1428 = arith.addi %mul3A_1018, %add3A_1427 : vector<16xi32>
        %gather3A_1429 = tpu.vector_load_idx %arg20[%add3A_985, %add3A_1428] : memref<128x128xf32, #tpu.memory_space<vmem>>[vector<16xi32>, vector<16xi32>], vector<16xf32>,
        %mul3A_1430 = arith.mulf %gather3A_1421, %gather3A_1425 : vector<16xf32>
        %add3A_1431 = arith.addf %add3A_1409, %mul3A_1430 : vector<16xf32>
        %mul3A_1432 = arith.mulf %gather3A_1421, %gather3A_1429 : vector<16xf32>
        %add3A_1433 = arith.addf %add3A_1411, %mul3A_1432 : vector<16xf32>
        %mul3A_1434 = arith.mulf %gather3A_1421, %gather3A_1421 : vector<16xf32>
        %add3A_1435 = arith.addf %add3A_1417, %mul3A_1434 : vector<16xf32>
        %mul3A_1436 = arith.mulf %gather3A_1425, %gather3A_1425 : vector<16xf32>
        %add3A_1437 = arith.addf %add3A_1435, %mul3A_1436 : vector<16xf32>
        %mul3A_1438 = arith.mulf %gather3A_1429, %gather3A_1429 : vector<16xf32>
        %add3A_1439 = arith.addf %add3A_1437, %mul3A_1438 : vector<16xf32>
        %add3A_1440 = arith.constant 19 : i32
        %add3A_1441 = vector.broadcast %add3A_1440 : i32 to vector<16xi32>
        %add3A_1442 = arith.addi %mul3A_996, %add3A_1441 : vector<16xi32>
        %gather3A_1443 = tpu.vector_load_idx %arg18[%add3A_985, %add3A_1442] : memref<128x128xf32, #tpu.memory_space<vmem>>[vector<16xi32>, vector<16xi32>], vector<16xf32>,
        %add3A_1444 = arith.constant 19 : i32
        %add3A_1445 = vector.broadcast %add3A_1444 : i32 to vector<16xi32>
        %add3A_1446 = arith.addi %mul3A_1007, %add3A_1445 : vector<16xi32>
        %gather3A_1447 = tpu.vector_load_idx %arg19[%add3A_985, %add3A_1446] : memref<128x128xf32, #tpu.memory_space<vmem>>[vector<16xi32>, vector<16xi32>], vector<16xf32>,
        %add3A_1448 = arith.constant 19 : i32
        %add3A_1449 = vector.broadcast %add3A_1448 : i32 to vector<16xi32>
        %add3A_1450 = arith.addi %mul3A_1018, %add3A_1449 : vector<16xi32>
        %gather3A_1451 = tpu.vector_load_idx %arg20[%add3A_985, %add3A_1450] : memref<128x128xf32, #tpu.memory_space<vmem>>[vector<16xi32>, vector<16xi32>], vector<16xf32>,
        %mul3A_1452 = arith.mulf %gather3A_1443, %gather3A_1447 : vector<16xf32>
        %add3A_1453 = arith.addf %add3A_1431, %mul3A_1452 : vector<16xf32>
        %mul3A_1454 = arith.mulf %gather3A_1443, %gather3A_1451 : vector<16xf32>
        %add3A_1455 = arith.addf %add3A_1433, %mul3A_1454 : vector<16xf32>
        %mul3A_1456 = arith.mulf %gather3A_1443, %gather3A_1443 : vector<16xf32>
        %add3A_1457 = arith.addf %add3A_1439, %mul3A_1456 : vector<16xf32>
        %mul3A_1458 = arith.mulf %gather3A_1447, %gather3A_1447 : vector<16xf32>
        %add3A_1459 = arith.addf %add3A_1457, %mul3A_1458 : vector<16xf32>
        %mul3A_1460 = arith.mulf %gather3A_1451, %gather3A_1451 : vector<16xf32>
        %add3A_1461 = arith.addf %add3A_1459, %mul3A_1460 : vector<16xf32>
        %add3A_1462 = arith.constant 20 : i32
        %add3A_1463 = vector.broadcast %add3A_1462 : i32 to vector<16xi32>
        %add3A_1464 = arith.addi %mul3A_996, %add3A_1463 : vector<16xi32>
        %gather3A_1465 = tpu.vector_load_idx %arg18[%add3A_985, %add3A_1464] : memref<128x128xf32, #tpu.memory_space<vmem>>[vector<16xi32>, vector<16xi32>], vector<16xf32>,
        %add3A_1466 = arith.constant 20 : i32
        %add3A_1467 = vector.broadcast %add3A_1466 : i32 to vector<16xi32>
        %add3A_1468 = arith.addi %mul3A_1007, %add3A_1467 : vector<16xi32>
        %gather3A_1469 = tpu.vector_load_idx %arg19[%add3A_985, %add3A_1468] : memref<128x128xf32, #tpu.memory_space<vmem>>[vector<16xi32>, vector<16xi32>], vector<16xf32>,
        %add3A_1470 = arith.constant 20 : i32
        %add3A_1471 = vector.broadcast %add3A_1470 : i32 to vector<16xi32>
        %add3A_1472 = arith.addi %mul3A_1018, %add3A_1471 : vector<16xi32>
        %gather3A_1473 = tpu.vector_load_idx %arg20[%add3A_985, %add3A_1472] : memref<128x128xf32, #tpu.memory_space<vmem>>[vector<16xi32>, vector<16xi32>], vector<16xf32>,
        %mul3A_1474 = arith.mulf %gather3A_1465, %gather3A_1469 : vector<16xf32>
        %add3A_1475 = arith.addf %add3A_1453, %mul3A_1474 : vector<16xf32>
        %mul3A_1476 = arith.mulf %gather3A_1465, %gather3A_1473 : vector<16xf32>
        %add3A_1477 = arith.addf %add3A_1455, %mul3A_1476 : vector<16xf32>
        %mul3A_1478 = arith.mulf %gather3A_1465, %gather3A_1465 : vector<16xf32>
        %add3A_1479 = arith.addf %add3A_1461, %mul3A_1478 : vector<16xf32>
        %mul3A_1480 = arith.mulf %gather3A_1469, %gather3A_1469 : vector<16xf32>
        %add3A_1481 = arith.addf %add3A_1479, %mul3A_1480 : vector<16xf32>
        %mul3A_1482 = arith.mulf %gather3A_1473, %gather3A_1473 : vector<16xf32>
        %add3A_1483 = arith.addf %add3A_1481, %mul3A_1482 : vector<16xf32>
        %add3A_1484 = arith.constant 21 : i32
        %add3A_1485 = vector.broadcast %add3A_1484 : i32 to vector<16xi32>
        %add3A_1486 = arith.addi %mul3A_996, %add3A_1485 : vector<16xi32>
        %gather3A_1487 = tpu.vector_load_idx %arg18[%add3A_985, %add3A_1486] : memref<128x128xf32, #tpu.memory_space<vmem>>[vector<16xi32>, vector<16xi32>], vector<16xf32>,
        %add3A_1488 = arith.constant 21 : i32
        %add3A_1489 = vector.broadcast %add3A_1488 : i32 to vector<16xi32>
        %add3A_1490 = arith.addi %mul3A_1007, %add3A_1489 : vector<16xi32>
        %gather3A_1491 = tpu.vector_load_idx %arg19[%add3A_985, %add3A_1490] : memref<128x128xf32, #tpu.memory_space<vmem>>[vector<16xi32>, vector<16xi32>], vector<16xf32>,
        %add3A_1492 = arith.constant 21 : i32
        %add3A_1493 = vector.broadcast %add3A_1492 : i32 to vector<16xi32>
        %add3A_1494 = arith.addi %mul3A_1018, %add3A_1493 : vector<16xi32>
        %gather3A_1495 = tpu.vector_load_idx %arg20[%add3A_985, %add3A_1494] : memref<128x128xf32, #tpu.memory_space<vmem>>[vector<16xi32>, vector<16xi32>], vector<16xf32>,
        %mul3A_1496 = arith.mulf %gather3A_1487, %gather3A_1491 : vector<16xf32>
        %add3A_1497 = arith.addf %add3A_1475, %mul3A_1496 : vector<16xf32>
        %mul3A_1498 = arith.mulf %gather3A_1487, %gather3A_1495 : vector<16xf32>
        %add3A_1499 = arith.addf %add3A_1477, %mul3A_1498 : vector<16xf32>
        %mul3A_1500 = arith.mulf %gather3A_1487, %gather3A_1487 : vector<16xf32>
        %add3A_1501 = arith.addf %add3A_1483, %mul3A_1500 : vector<16xf32>
        %mul3A_1502 = arith.mulf %gather3A_1491, %gather3A_1491 : vector<16xf32>
        %add3A_1503 = arith.addf %add3A_1501, %mul3A_1502 : vector<16xf32>
        %mul3A_1504 = arith.mulf %gather3A_1495, %gather3A_1495 : vector<16xf32>
        %add3A_1505 = arith.addf %add3A_1503, %mul3A_1504 : vector<16xf32>
        %add3A_1506 = arith.constant 22 : i32
        %add3A_1507 = vector.broadcast %add3A_1506 : i32 to vector<16xi32>
        %add3A_1508 = arith.addi %mul3A_996, %add3A_1507 : vector<16xi32>
        %gather3A_1509 = tpu.vector_load_idx %arg18[%add3A_985, %add3A_1508] : memref<128x128xf32, #tpu.memory_space<vmem>>[vector<16xi32>, vector<16xi32>], vector<16xf32>,
        %add3A_1510 = arith.constant 22 : i32
        %add3A_1511 = vector.broadcast %add3A_1510 : i32 to vector<16xi32>
        %add3A_1512 = arith.addi %mul3A_1007, %add3A_1511 : vector<16xi32>
        %gather3A_1513 = tpu.vector_load_idx %arg19[%add3A_985, %add3A_1512] : memref<128x128xf32, #tpu.memory_space<vmem>>[vector<16xi32>, vector<16xi32>], vector<16xf32>,
        %add3A_1514 = arith.constant 22 : i32
        %add3A_1515 = vector.broadcast %add3A_1514 : i32 to vector<16xi32>
        %add3A_1516 = arith.addi %mul3A_1018, %add3A_1515 : vector<16xi32>
        %gather3A_1517 = tpu.vector_load_idx %arg20[%add3A_985, %add3A_1516] : memref<128x128xf32, #tpu.memory_space<vmem>>[vector<16xi32>, vector<16xi32>], vector<16xf32>,
        %mul3A_1518 = arith.mulf %gather3A_1509, %gather3A_1513 : vector<16xf32>
        %add3A_1519 = arith.addf %add3A_1497, %mul3A_1518 : vector<16xf32>
        %mul3A_1520 = arith.mulf %gather3A_1509, %gather3A_1517 : vector<16xf32>
        %add3A_1521 = arith.addf %add3A_1499, %mul3A_1520 : vector<16xf32>
        %mul3A_1522 = arith.mulf %gather3A_1509, %gather3A_1509 : vector<16xf32>
        %add3A_1523 = arith.addf %add3A_1505, %mul3A_1522 : vector<16xf32>
        %mul3A_1524 = arith.mulf %gather3A_1513, %gather3A_1513 : vector<16xf32>
        %add3A_1525 = arith.addf %add3A_1523, %mul3A_1524 : vector<16xf32>
        %mul3A_1526 = arith.mulf %gather3A_1517, %gather3A_1517 : vector<16xf32>
        %add3A_1527 = arith.addf %add3A_1525, %mul3A_1526 : vector<16xf32>
        %add3A_1528 = arith.constant 23 : i32
        %add3A_1529 = vector.broadcast %add3A_1528 : i32 to vector<16xi32>
        %add3A_1530 = arith.addi %mul3A_996, %add3A_1529 : vector<16xi32>
        %gather3A_1531 = tpu.vector_load_idx %arg18[%add3A_985, %add3A_1530] : memref<128x128xf32, #tpu.memory_space<vmem>>[vector<16xi32>, vector<16xi32>], vector<16xf32>,
        %add3A_1532 = arith.constant 23 : i32
        %add3A_1533 = vector.broadcast %add3A_1532 : i32 to vector<16xi32>
        %add3A_1534 = arith.addi %mul3A_1007, %add3A_1533 : vector<16xi32>
        %gather3A_1535 = tpu.vector_load_idx %arg19[%add3A_985, %add3A_1534] : memref<128x128xf32, #tpu.memory_space<vmem>>[vector<16xi32>, vector<16xi32>], vector<16xf32>,
        %add3A_1536 = arith.constant 23 : i32
        %add3A_1537 = vector.broadcast %add3A_1536 : i32 to vector<16xi32>
        %add3A_1538 = arith.addi %mul3A_1018, %add3A_1537 : vector<16xi32>
        %gather3A_1539 = tpu.vector_load_idx %arg20[%add3A_985, %add3A_1538] : memref<128x128xf32, #tpu.memory_space<vmem>>[vector<16xi32>, vector<16xi32>], vector<16xf32>,
        %mul3A_1540 = arith.mulf %gather3A_1531, %gather3A_1535 : vector<16xf32>
        %add3A_1541 = arith.addf %add3A_1519, %mul3A_1540 : vector<16xf32>
        %mul3A_1542 = arith.mulf %gather3A_1531, %gather3A_1539 : vector<16xf32>
        %add3A_1543 = arith.addf %add3A_1521, %mul3A_1542 : vector<16xf32>
        %mul3A_1544 = arith.mulf %gather3A_1531, %gather3A_1531 : vector<16xf32>
        %add3A_1545 = arith.addf %add3A_1527, %mul3A_1544 : vector<16xf32>
        %mul3A_1546 = arith.mulf %gather3A_1535, %gather3A_1535 : vector<16xf32>
        %add3A_1547 = arith.addf %add3A_1545, %mul3A_1546 : vector<16xf32>
        %mul3A_1548 = arith.mulf %gather3A_1539, %gather3A_1539 : vector<16xf32>
        %add3A_1549 = arith.addf %add3A_1547, %mul3A_1548 : vector<16xf32>
        %add3A_1550 = arith.constant 24 : i32
        %add3A_1551 = vector.broadcast %add3A_1550 : i32 to vector<16xi32>
        %add3A_1552 = arith.addi %mul3A_996, %add3A_1551 : vector<16xi32>
        %gather3A_1553 = tpu.vector_load_idx %arg18[%add3A_985, %add3A_1552] : memref<128x128xf32, #tpu.memory_space<vmem>>[vector<16xi32>, vector<16xi32>], vector<16xf32>,
        %add3A_1554 = arith.constant 24 : i32
        %add3A_1555 = vector.broadcast %add3A_1554 : i32 to vector<16xi32>
        %add3A_1556 = arith.addi %mul3A_1007, %add3A_1555 : vector<16xi32>
        %gather3A_1557 = tpu.vector_load_idx %arg19[%add3A_985, %add3A_1556] : memref<128x128xf32, #tpu.memory_space<vmem>>[vector<16xi32>, vector<16xi32>], vector<16xf32>,
        %add3A_1558 = arith.constant 24 : i32
        %add3A_1559 = vector.broadcast %add3A_1558 : i32 to vector<16xi32>
        %add3A_1560 = arith.addi %mul3A_1018, %add3A_1559 : vector<16xi32>
        %gather3A_1561 = tpu.vector_load_idx %arg20[%add3A_985, %add3A_1560] : memref<128x128xf32, #tpu.memory_space<vmem>>[vector<16xi32>, vector<16xi32>], vector<16xf32>,
        %mul3A_1562 = arith.mulf %gather3A_1553, %gather3A_1557 : vector<16xf32>
        %add3A_1563 = arith.addf %add3A_1541, %mul3A_1562 : vector<16xf32>
        %mul3A_1564 = arith.mulf %gather3A_1553, %gather3A_1561 : vector<16xf32>
        %add3A_1565 = arith.addf %add3A_1543, %mul3A_1564 : vector<16xf32>
        %mul3A_1566 = arith.mulf %gather3A_1553, %gather3A_1553 : vector<16xf32>
        %add3A_1567 = arith.addf %add3A_1549, %mul3A_1566 : vector<16xf32>
        %mul3A_1568 = arith.mulf %gather3A_1557, %gather3A_1557 : vector<16xf32>
        %add3A_1569 = arith.addf %add3A_1567, %mul3A_1568 : vector<16xf32>
        %mul3A_1570 = arith.mulf %gather3A_1561, %gather3A_1561 : vector<16xf32>
        %add3A_1571 = arith.addf %add3A_1569, %mul3A_1570 : vector<16xf32>
        %add3A_1572 = arith.constant 25 : i32
        %add3A_1573 = vector.broadcast %add3A_1572 : i32 to vector<16xi32>
        %add3A_1574 = arith.addi %mul3A_996, %add3A_1573 : vector<16xi32>
        %gather3A_1575 = tpu.vector_load_idx %arg18[%add3A_985, %add3A_1574] : memref<128x128xf32, #tpu.memory_space<vmem>>[vector<16xi32>, vector<16xi32>], vector<16xf32>,
        %add3A_1576 = arith.constant 25 : i32
        %add3A_1577 = vector.broadcast %add3A_1576 : i32 to vector<16xi32>
        %add3A_1578 = arith.addi %mul3A_1007, %add3A_1577 : vector<16xi32>
        %gather3A_1579 = tpu.vector_load_idx %arg19[%add3A_985, %add3A_1578] : memref<128x128xf32, #tpu.memory_space<vmem>>[vector<16xi32>, vector<16xi32>], vector<16xf32>,
        %add3A_1580 = arith.constant 25 : i32
        %add3A_1581 = vector.broadcast %add3A_1580 : i32 to vector<16xi32>
        %add3A_1582 = arith.addi %mul3A_1018, %add3A_1581 : vector<16xi32>
        %gather3A_1583 = tpu.vector_load_idx %arg20[%add3A_985, %add3A_1582] : memref<128x128xf32, #tpu.memory_space<vmem>>[vector<16xi32>, vector<16xi32>], vector<16xf32>,
        %mul3A_1584 = arith.mulf %gather3A_1575, %gather3A_1579 : vector<16xf32>
        %add3A_1585 = arith.addf %add3A_1563, %mul3A_1584 : vector<16xf32>
        %mul3A_1586 = arith.mulf %gather3A_1575, %gather3A_1583 : vector<16xf32>
        %add3A_1587 = arith.addf %add3A_1565, %mul3A_1586 : vector<16xf32>
        %mul3A_1588 = arith.mulf %gather3A_1575, %gather3A_1575 : vector<16xf32>
        %add3A_1589 = arith.addf %add3A_1571, %mul3A_1588 : vector<16xf32>
        %mul3A_1590 = arith.mulf %gather3A_1579, %gather3A_1579 : vector<16xf32>
        %add3A_1591 = arith.addf %add3A_1589, %mul3A_1590 : vector<16xf32>
        %mul3A_1592 = arith.mulf %gather3A_1583, %gather3A_1583 : vector<16xf32>
        %add3A_1593 = arith.addf %add3A_1591, %mul3A_1592 : vector<16xf32>
        %add3A_1594 = arith.constant 26 : i32
        %add3A_1595 = vector.broadcast %add3A_1594 : i32 to vector<16xi32>
        %add3A_1596 = arith.addi %mul3A_996, %add3A_1595 : vector<16xi32>
        %gather3A_1597 = tpu.vector_load_idx %arg18[%add3A_985, %add3A_1596] : memref<128x128xf32, #tpu.memory_space<vmem>>[vector<16xi32>, vector<16xi32>], vector<16xf32>,
        %add3A_1598 = arith.constant 26 : i32
        %add3A_1599 = vector.broadcast %add3A_1598 : i32 to vector<16xi32>
        %add3A_1600 = arith.addi %mul3A_1007, %add3A_1599 : vector<16xi32>
        %gather3A_1601 = tpu.vector_load_idx %arg19[%add3A_985, %add3A_1600] : memref<128x128xf32, #tpu.memory_space<vmem>>[vector<16xi32>, vector<16xi32>], vector<16xf32>,
        %add3A_1602 = arith.constant 26 : i32
        %add3A_1603 = vector.broadcast %add3A_1602 : i32 to vector<16xi32>
        %add3A_1604 = arith.addi %mul3A_1018, %add3A_1603 : vector<16xi32>
        %gather3A_1605 = tpu.vector_load_idx %arg20[%add3A_985, %add3A_1604] : memref<128x128xf32, #tpu.memory_space<vmem>>[vector<16xi32>, vector<16xi32>], vector<16xf32>,
        %mul3A_1606 = arith.mulf %gather3A_1597, %gather3A_1601 : vector<16xf32>
        %add3A_1607 = arith.addf %add3A_1585, %mul3A_1606 : vector<16xf32>
        %mul3A_1608 = arith.mulf %gather3A_1597, %gather3A_1605 : vector<16xf32>
        %add3A_1609 = arith.addf %add3A_1587, %mul3A_1608 : vector<16xf32>
        %mul3A_1610 = arith.mulf %gather3A_1597, %gather3A_1597 : vector<16xf32>
        %add3A_1611 = arith.addf %add3A_1593, %mul3A_1610 : vector<16xf32>
        %mul3A_1612 = arith.mulf %gather3A_1601, %gather3A_1601 : vector<16xf32>
        %add3A_1613 = arith.addf %add3A_1611, %mul3A_1612 : vector<16xf32>
        %mul3A_1614 = arith.mulf %gather3A_1605, %gather3A_1605 : vector<16xf32>
        %add3A_1615 = arith.addf %add3A_1613, %mul3A_1614 : vector<16xf32>
        %add3A_1616 = arith.constant 27 : i32
        %add3A_1617 = vector.broadcast %add3A_1616 : i32 to vector<16xi32>
        %add3A_1618 = arith.addi %mul3A_996, %add3A_1617 : vector<16xi32>
        %gather3A_1619 = tpu.vector_load_idx %arg18[%add3A_985, %add3A_1618] : memref<128x128xf32, #tpu.memory_space<vmem>>[vector<16xi32>, vector<16xi32>], vector<16xf32>,
        %add3A_1620 = arith.constant 27 : i32
        %add3A_1621 = vector.broadcast %add3A_1620 : i32 to vector<16xi32>
        %add3A_1622 = arith.addi %mul3A_1007, %add3A_1621 : vector<16xi32>
        %gather3A_1623 = tpu.vector_load_idx %arg19[%add3A_985, %add3A_1622] : memref<128x128xf32, #tpu.memory_space<vmem>>[vector<16xi32>, vector<16xi32>], vector<16xf32>,
        %add3A_1624 = arith.constant 27 : i32
        %add3A_1625 = vector.broadcast %add3A_1624 : i32 to vector<16xi32>
        %add3A_1626 = arith.addi %mul3A_1018, %add3A_1625 : vector<16xi32>
        %gather3A_1627 = tpu.vector_load_idx %arg20[%add3A_985, %add3A_1626] : memref<128x128xf32, #tpu.memory_space<vmem>>[vector<16xi32>, vector<16xi32>], vector<16xf32>,
        %mul3A_1628 = arith.mulf %gather3A_1619, %gather3A_1623 : vector<16xf32>
        %add3A_1629 = arith.addf %add3A_1607, %mul3A_1628 : vector<16xf32>
        %mul3A_1630 = arith.mulf %gather3A_1619, %gather3A_1627 : vector<16xf32>
        %add3A_1631 = arith.addf %add3A_1609, %mul3A_1630 : vector<16xf32>
        %mul3A_1632 = arith.mulf %gather3A_1619, %gather3A_1619 : vector<16xf32>
        %add3A_1633 = arith.addf %add3A_1615, %mul3A_1632 : vector<16xf32>
        %mul3A_1634 = arith.mulf %gather3A_1623, %gather3A_1623 : vector<16xf32>
        %add3A_1635 = arith.addf %add3A_1633, %mul3A_1634 : vector<16xf32>
        %mul3A_1636 = arith.mulf %gather3A_1627, %gather3A_1627 : vector<16xf32>
        %add3A_1637 = arith.addf %add3A_1635, %mul3A_1636 : vector<16xf32>
        %add3A_1638 = arith.constant 28 : i32
        %add3A_1639 = vector.broadcast %add3A_1638 : i32 to vector<16xi32>
        %add3A_1640 = arith.addi %mul3A_996, %add3A_1639 : vector<16xi32>
        %gather3A_1641 = tpu.vector_load_idx %arg18[%add3A_985, %add3A_1640] : memref<128x128xf32, #tpu.memory_space<vmem>>[vector<16xi32>, vector<16xi32>], vector<16xf32>,
        %add3A_1642 = arith.constant 28 : i32
        %add3A_1643 = vector.broadcast %add3A_1642 : i32 to vector<16xi32>
        %add3A_1644 = arith.addi %mul3A_1007, %add3A_1643 : vector<16xi32>
        %gather3A_1645 = tpu.vector_load_idx %arg19[%add3A_985, %add3A_1644] : memref<128x128xf32, #tpu.memory_space<vmem>>[vector<16xi32>, vector<16xi32>], vector<16xf32>,
        %add3A_1646 = arith.constant 28 : i32
        %add3A_1647 = vector.broadcast %add3A_1646 : i32 to vector<16xi32>
        %add3A_1648 = arith.addi %mul3A_1018, %add3A_1647 : vector<16xi32>
        %gather3A_1649 = tpu.vector_load_idx %arg20[%add3A_985, %add3A_1648] : memref<128x128xf32, #tpu.memory_space<vmem>>[vector<16xi32>, vector<16xi32>], vector<16xf32>,
        %mul3A_1650 = arith.mulf %gather3A_1641, %gather3A_1645 : vector<16xf32>
        %add3A_1651 = arith.addf %add3A_1629, %mul3A_1650 : vector<16xf32>
        %mul3A_1652 = arith.mulf %gather3A_1641, %gather3A_1649 : vector<16xf32>
        %add3A_1653 = arith.addf %add3A_1631, %mul3A_1652 : vector<16xf32>
        %mul3A_1654 = arith.mulf %gather3A_1641, %gather3A_1641 : vector<16xf32>
        %add3A_1655 = arith.addf %add3A_1637, %mul3A_1654 : vector<16xf32>
        %mul3A_1656 = arith.mulf %gather3A_1645, %gather3A_1645 : vector<16xf32>
        %add3A_1657 = arith.addf %add3A_1655, %mul3A_1656 : vector<16xf32>
        %mul3A_1658 = arith.mulf %gather3A_1649, %gather3A_1649 : vector<16xf32>
        %add3A_1659 = arith.addf %add3A_1657, %mul3A_1658 : vector<16xf32>
        %add3A_1660 = arith.constant 29 : i32
        %add3A_1661 = vector.broadcast %add3A_1660 : i32 to vector<16xi32>
        %add3A_1662 = arith.addi %mul3A_996, %add3A_1661 : vector<16xi32>
        %gather3A_1663 = tpu.vector_load_idx %arg18[%add3A_985, %add3A_1662] : memref<128x128xf32, #tpu.memory_space<vmem>>[vector<16xi32>, vector<16xi32>], vector<16xf32>,
        %add3A_1664 = arith.constant 29 : i32
        %add3A_1665 = vector.broadcast %add3A_1664 : i32 to vector<16xi32>
        %add3A_1666 = arith.addi %mul3A_1007, %add3A_1665 : vector<16xi32>
        %gather3A_1667 = tpu.vector_load_idx %arg19[%add3A_985, %add3A_1666] : memref<128x128xf32, #tpu.memory_space<vmem>>[vector<16xi32>, vector<16xi32>], vector<16xf32>,
        %add3A_1668 = arith.constant 29 : i32
        %add3A_1669 = vector.broadcast %add3A_1668 : i32 to vector<16xi32>
        %add3A_1670 = arith.addi %mul3A_1018, %add3A_1669 : vector<16xi32>
        %gather3A_1671 = tpu.vector_load_idx %arg20[%add3A_985, %add3A_1670] : memref<128x128xf32, #tpu.memory_space<vmem>>[vector<16xi32>, vector<16xi32>], vector<16xf32>,
        %mul3A_1672 = arith.mulf %gather3A_1663, %gather3A_1667 : vector<16xf32>
        %add3A_1673 = arith.addf %add3A_1651, %mul3A_1672 : vector<16xf32>
        %mul3A_1674 = arith.mulf %gather3A_1663, %gather3A_1671 : vector<16xf32>
        %add3A_1675 = arith.addf %add3A_1653, %mul3A_1674 : vector<16xf32>
        %mul3A_1676 = arith.mulf %gather3A_1663, %gather3A_1663 : vector<16xf32>
        %add3A_1677 = arith.addf %add3A_1659, %mul3A_1676 : vector<16xf32>
        %mul3A_1678 = arith.mulf %gather3A_1667, %gather3A_1667 : vector<16xf32>
        %add3A_1679 = arith.addf %add3A_1677, %mul3A_1678 : vector<16xf32>
        %mul3A_1680 = arith.mulf %gather3A_1671, %gather3A_1671 : vector<16xf32>
        %add3A_1681 = arith.addf %add3A_1679, %mul3A_1680 : vector<16xf32>
        %add3A_1682 = arith.constant 30 : i32
        %add3A_1683 = vector.broadcast %add3A_1682 : i32 to vector<16xi32>
        %add3A_1684 = arith.addi %mul3A_996, %add3A_1683 : vector<16xi32>
        %gather3A_1685 = tpu.vector_load_idx %arg18[%add3A_985, %add3A_1684] : memref<128x128xf32, #tpu.memory_space<vmem>>[vector<16xi32>, vector<16xi32>], vector<16xf32>,
        %add3A_1686 = arith.constant 30 : i32
        %add3A_1687 = vector.broadcast %add3A_1686 : i32 to vector<16xi32>
        %add3A_1688 = arith.addi %mul3A_1007, %add3A_1687 : vector<16xi32>
        %gather3A_1689 = tpu.vector_load_idx %arg19[%add3A_985, %add3A_1688] : memref<128x128xf32, #tpu.memory_space<vmem>>[vector<16xi32>, vector<16xi32>], vector<16xf32>,
        %add3A_1690 = arith.constant 30 : i32
        %add3A_1691 = vector.broadcast %add3A_1690 : i32 to vector<16xi32>
        %add3A_1692 = arith.addi %mul3A_1018, %add3A_1691 : vector<16xi32>
        %gather3A_1693 = tpu.vector_load_idx %arg20[%add3A_985, %add3A_1692] : memref<128x128xf32, #tpu.memory_space<vmem>>[vector<16xi32>, vector<16xi32>], vector<16xf32>,
        %mul3A_1694 = arith.mulf %gather3A_1685, %gather3A_1689 : vector<16xf32>
        %add3A_1695 = arith.addf %add3A_1673, %mul3A_1694 : vector<16xf32>
        %mul3A_1696 = arith.mulf %gather3A_1685, %gather3A_1693 : vector<16xf32>
        %add3A_1697 = arith.addf %add3A_1675, %mul3A_1696 : vector<16xf32>
        %mul3A_1698 = arith.mulf %gather3A_1685, %gather3A_1685 : vector<16xf32>
        %add3A_1699 = arith.addf %add3A_1681, %mul3A_1698 : vector<16xf32>
        %mul3A_1700 = arith.mulf %gather3A_1689, %gather3A_1689 : vector<16xf32>
        %add3A_1701 = arith.addf %add3A_1699, %mul3A_1700 : vector<16xf32>
        %mul3A_1702 = arith.mulf %gather3A_1693, %gather3A_1693 : vector<16xf32>
        %add3A_1703 = arith.addf %add3A_1701, %mul3A_1702 : vector<16xf32>
        %add3A_1704 = arith.constant 31 : i32
        %add3A_1705 = vector.broadcast %add3A_1704 : i32 to vector<16xi32>
        %add3A_1706 = arith.addi %mul3A_996, %add3A_1705 : vector<16xi32>
        %gather3A_1707 = tpu.vector_load_idx %arg18[%add3A_985, %add3A_1706] : memref<128x128xf32, #tpu.memory_space<vmem>>[vector<16xi32>, vector<16xi32>], vector<16xf32>,
        %add3A_1708 = arith.constant 31 : i32
        %add3A_1709 = vector.broadcast %add3A_1708 : i32 to vector<16xi32>
        %add3A_1710 = arith.addi %mul3A_1007, %add3A_1709 : vector<16xi32>
        %gather3A_1711 = tpu.vector_load_idx %arg19[%add3A_985, %add3A_1710] : memref<128x128xf32, #tpu.memory_space<vmem>>[vector<16xi32>, vector<16xi32>], vector<16xf32>,
        %add3A_1712 = arith.constant 31 : i32
        %add3A_1713 = vector.broadcast %add3A_1712 : i32 to vector<16xi32>
        %add3A_1714 = arith.addi %mul3A_1018, %add3A_1713 : vector<16xi32>
        %gather3A_1715 = tpu.vector_load_idx %arg20[%add3A_985, %add3A_1714] : memref<128x128xf32, #tpu.memory_space<vmem>>[vector<16xi32>, vector<16xi32>], vector<16xf32>,
        %mul3A_1716 = arith.mulf %gather3A_1707, %gather3A_1711 : vector<16xf32>
        %add3A_1717 = arith.addf %add3A_1695, %mul3A_1716 : vector<16xf32>
        %mul3A_1718 = arith.mulf %gather3A_1707, %gather3A_1715 : vector<16xf32>
        %add3A_1719 = arith.addf %add3A_1697, %mul3A_1718 : vector<16xf32>
        %mul3A_1720 = arith.mulf %gather3A_1707, %gather3A_1707 : vector<16xf32>
        %add3A_1721 = arith.addf %add3A_1703, %mul3A_1720 : vector<16xf32>
        %mul3A_1722 = arith.mulf %gather3A_1711, %gather3A_1711 : vector<16xf32>
        %add3A_1723 = arith.addf %add3A_1721, %mul3A_1722 : vector<16xf32>
        %mul3A_1724 = arith.mulf %gather3A_1715, %gather3A_1715 : vector<16xf32>
        %add3A_1725 = arith.addf %add3A_1723, %mul3A_1724 : vector<16xf32>
        %add3A_1726 = arith.constant 32 : i32
        %add3A_1727 = vector.broadcast %add3A_1726 : i32 to vector<16xi32>
        %add3A_1728 = arith.addi %mul3A_996, %add3A_1727 : vector<16xi32>
        %gather3A_1729 = tpu.vector_load_idx %arg18[%add3A_985, %add3A_1728] : memref<128x128xf32, #tpu.memory_space<vmem>>[vector<16xi32>, vector<16xi32>], vector<16xf32>,
        %add3A_1730 = arith.constant 32 : i32
        %add3A_1731 = vector.broadcast %add3A_1730 : i32 to vector<16xi32>
        %add3A_1732 = arith.addi %mul3A_1007, %add3A_1731 : vector<16xi32>
        %gather3A_1733 = tpu.vector_load_idx %arg19[%add3A_985, %add3A_1732] : memref<128x128xf32, #tpu.memory_space<vmem>>[vector<16xi32>, vector<16xi32>], vector<16xf32>,
        %add3A_1734 = arith.constant 32 : i32
        %add3A_1735 = vector.broadcast %add3A_1734 : i32 to vector<16xi32>
        %add3A_1736 = arith.addi %mul3A_1018, %add3A_1735 : vector<16xi32>
        %gather3A_1737 = tpu.vector_load_idx %arg20[%add3A_985, %add3A_1736] : memref<128x128xf32, #tpu.memory_space<vmem>>[vector<16xi32>, vector<16xi32>], vector<16xf32>,
        %mul3A_1738 = arith.mulf %gather3A_1729, %gather3A_1733 : vector<16xf32>
        %add3A_1739 = arith.addf %add3A_1717, %mul3A_1738 : vector<16xf32>
        %mul3A_1740 = arith.mulf %gather3A_1729, %gather3A_1737 : vector<16xf32>
        %add3A_1741 = arith.addf %add3A_1719, %mul3A_1740 : vector<16xf32>
        %mul3A_1742 = arith.mulf %gather3A_1729, %gather3A_1729 : vector<16xf32>
        %add3A_1743 = arith.addf %add3A_1725, %mul3A_1742 : vector<16xf32>
        %mul3A_1744 = arith.mulf %gather3A_1733, %gather3A_1733 : vector<16xf32>
        %add3A_1745 = arith.addf %add3A_1743, %mul3A_1744 : vector<16xf32>
        %mul3A_1746 = arith.mulf %gather3A_1737, %gather3A_1737 : vector<16xf32>
        %add3A_1747 = arith.addf %add3A_1745, %mul3A_1746 : vector<16xf32>
        %add3A_1748 = arith.constant 33 : i32
        %add3A_1749 = vector.broadcast %add3A_1748 : i32 to vector<16xi32>
        %add3A_1750 = arith.addi %mul3A_996, %add3A_1749 : vector<16xi32>
        %gather3A_1751 = tpu.vector_load_idx %arg18[%add3A_985, %add3A_1750] : memref<128x128xf32, #tpu.memory_space<vmem>>[vector<16xi32>, vector<16xi32>], vector<16xf32>,
        %add3A_1752 = arith.constant 33 : i32
        %add3A_1753 = vector.broadcast %add3A_1752 : i32 to vector<16xi32>
        %add3A_1754 = arith.addi %mul3A_1007, %add3A_1753 : vector<16xi32>
        %gather3A_1755 = tpu.vector_load_idx %arg19[%add3A_985, %add3A_1754] : memref<128x128xf32, #tpu.memory_space<vmem>>[vector<16xi32>, vector<16xi32>], vector<16xf32>,
        %add3A_1756 = arith.constant 33 : i32
        %add3A_1757 = vector.broadcast %add3A_1756 : i32 to vector<16xi32>
        %add3A_1758 = arith.addi %mul3A_1018, %add3A_1757 : vector<16xi32>
        %gather3A_1759 = tpu.vector_load_idx %arg20[%add3A_985, %add3A_1758] : memref<128x128xf32, #tpu.memory_space<vmem>>[vector<16xi32>, vector<16xi32>], vector<16xf32>,
        %mul3A_1760 = arith.mulf %gather3A_1751, %gather3A_1755 : vector<16xf32>
        %add3A_1761 = arith.addf %add3A_1739, %mul3A_1760 : vector<16xf32>
        %mul3A_1762 = arith.mulf %gather3A_1751, %gather3A_1759 : vector<16xf32>
        %add3A_1763 = arith.addf %add3A_1741, %mul3A_1762 : vector<16xf32>
        %mul3A_1764 = arith.mulf %gather3A_1751, %gather3A_1751 : vector<16xf32>
        %add3A_1765 = arith.addf %add3A_1747, %mul3A_1764 : vector<16xf32>
        %mul3A_1766 = arith.mulf %gather3A_1755, %gather3A_1755 : vector<16xf32>
        %add3A_1767 = arith.addf %add3A_1765, %mul3A_1766 : vector<16xf32>
        %mul3A_1768 = arith.mulf %gather3A_1759, %gather3A_1759 : vector<16xf32>
        %add3A_1769 = arith.addf %add3A_1767, %mul3A_1768 : vector<16xf32>
        %add3A_1770 = arith.constant 34 : i32
        %add3A_1771 = vector.broadcast %add3A_1770 : i32 to vector<16xi32>
        %add3A_1772 = arith.addi %mul3A_996, %add3A_1771 : vector<16xi32>
        %gather3A_1773 = tpu.vector_load_idx %arg18[%add3A_985, %add3A_1772] : memref<128x128xf32, #tpu.memory_space<vmem>>[vector<16xi32>, vector<16xi32>], vector<16xf32>,
        %add3A_1774 = arith.constant 34 : i32
        %add3A_1775 = vector.broadcast %add3A_1774 : i32 to vector<16xi32>
        %add3A_1776 = arith.addi %mul3A_1007, %add3A_1775 : vector<16xi32>
        %gather3A_1777 = tpu.vector_load_idx %arg19[%add3A_985, %add3A_1776] : memref<128x128xf32, #tpu.memory_space<vmem>>[vector<16xi32>, vector<16xi32>], vector<16xf32>,
        %add3A_1778 = arith.constant 34 : i32
        %add3A_1779 = vector.broadcast %add3A_1778 : i32 to vector<16xi32>
        %add3A_1780 = arith.addi %mul3A_1018, %add3A_1779 : vector<16xi32>
        %gather3A_1781 = tpu.vector_load_idx %arg20[%add3A_985, %add3A_1780] : memref<128x128xf32, #tpu.memory_space<vmem>>[vector<16xi32>, vector<16xi32>], vector<16xf32>,
        %mul3A_1782 = arith.mulf %gather3A_1773, %gather3A_1777 : vector<16xf32>
        %add3A_1783 = arith.addf %add3A_1761, %mul3A_1782 : vector<16xf32>
        %mul3A_1784 = arith.mulf %gather3A_1773, %gather3A_1781 : vector<16xf32>
        %add3A_1785 = arith.addf %add3A_1763, %mul3A_1784 : vector<16xf32>
        %mul3A_1786 = arith.mulf %gather3A_1773, %gather3A_1773 : vector<16xf32>
        %add3A_1787 = arith.addf %add3A_1769, %mul3A_1786 : vector<16xf32>
        %mul3A_1788 = arith.mulf %gather3A_1777, %gather3A_1777 : vector<16xf32>
        %add3A_1789 = arith.addf %add3A_1787, %mul3A_1788 : vector<16xf32>
        %mul3A_1790 = arith.mulf %gather3A_1781, %gather3A_1781 : vector<16xf32>
        %add3A_1791 = arith.addf %add3A_1789, %mul3A_1790 : vector<16xf32>
        %add3A_1792 = arith.constant 35 : i32
        %add3A_1793 = vector.broadcast %add3A_1792 : i32 to vector<16xi32>
        %add3A_1794 = arith.addi %mul3A_996, %add3A_1793 : vector<16xi32>
        %gather3A_1795 = tpu.vector_load_idx %arg18[%add3A_985, %add3A_1794] : memref<128x128xf32, #tpu.memory_space<vmem>>[vector<16xi32>, vector<16xi32>], vector<16xf32>,
        %add3A_1796 = arith.constant 35 : i32
        %add3A_1797 = vector.broadcast %add3A_1796 : i32 to vector<16xi32>
        %add3A_1798 = arith.addi %mul3A_1007, %add3A_1797 : vector<16xi32>
        %gather3A_1799 = tpu.vector_load_idx %arg19[%add3A_985, %add3A_1798] : memref<128x128xf32, #tpu.memory_space<vmem>>[vector<16xi32>, vector<16xi32>], vector<16xf32>,
        %add3A_1800 = arith.constant 35 : i32
        %add3A_1801 = vector.broadcast %add3A_1800 : i32 to vector<16xi32>
        %add3A_1802 = arith.addi %mul3A_1018, %add3A_1801 : vector<16xi32>
        %gather3A_1803 = tpu.vector_load_idx %arg20[%add3A_985, %add3A_1802] : memref<128x128xf32, #tpu.memory_space<vmem>>[vector<16xi32>, vector<16xi32>], vector<16xf32>,
        %mul3A_1804 = arith.mulf %gather3A_1795, %gather3A_1799 : vector<16xf32>
        %add3A_1805 = arith.addf %add3A_1783, %mul3A_1804 : vector<16xf32>
        %mul3A_1806 = arith.mulf %gather3A_1795, %gather3A_1803 : vector<16xf32>
        %add3A_1807 = arith.addf %add3A_1785, %mul3A_1806 : vector<16xf32>
        %mul3A_1808 = arith.mulf %gather3A_1795, %gather3A_1795 : vector<16xf32>
        %add3A_1809 = arith.addf %add3A_1791, %mul3A_1808 : vector<16xf32>
        %mul3A_1810 = arith.mulf %gather3A_1799, %gather3A_1799 : vector<16xf32>
        %add3A_1811 = arith.addf %add3A_1809, %mul3A_1810 : vector<16xf32>
        %mul3A_1812 = arith.mulf %gather3A_1803, %gather3A_1803 : vector<16xf32>
        %add3A_1813 = arith.addf %add3A_1811, %mul3A_1812 : vector<16xf32>
        %add3A_1814 = arith.constant 36 : i32
        %add3A_1815 = vector.broadcast %add3A_1814 : i32 to vector<16xi32>
        %add3A_1816 = arith.addi %mul3A_996, %add3A_1815 : vector<16xi32>
        %gather3A_1817 = tpu.vector_load_idx %arg18[%add3A_985, %add3A_1816] : memref<128x128xf32, #tpu.memory_space<vmem>>[vector<16xi32>, vector<16xi32>], vector<16xf32>,
        %add3A_1818 = arith.constant 36 : i32
        %add3A_1819 = vector.broadcast %add3A_1818 : i32 to vector<16xi32>
        %add3A_1820 = arith.addi %mul3A_1007, %add3A_1819 : vector<16xi32>
        %gather3A_1821 = tpu.vector_load_idx %arg19[%add3A_985, %add3A_1820] : memref<128x128xf32, #tpu.memory_space<vmem>>[vector<16xi32>, vector<16xi32>], vector<16xf32>,
        %add3A_1822 = arith.constant 36 : i32
        %add3A_1823 = vector.broadcast %add3A_1822 : i32 to vector<16xi32>
        %add3A_1824 = arith.addi %mul3A_1018, %add3A_1823 : vector<16xi32>
        %gather3A_1825 = tpu.vector_load_idx %arg20[%add3A_985, %add3A_1824] : memref<128x128xf32, #tpu.memory_space<vmem>>[vector<16xi32>, vector<16xi32>], vector<16xf32>,
        %mul3A_1826 = arith.mulf %gather3A_1817, %gather3A_1821 : vector<16xf32>
        %add3A_1827 = arith.addf %add3A_1805, %mul3A_1826 : vector<16xf32>
        %mul3A_1828 = arith.mulf %gather3A_1817, %gather3A_1825 : vector<16xf32>
        %add3A_1829 = arith.addf %add3A_1807, %mul3A_1828 : vector<16xf32>
        %mul3A_1830 = arith.mulf %gather3A_1817, %gather3A_1817 : vector<16xf32>
        %add3A_1831 = arith.addf %add3A_1813, %mul3A_1830 : vector<16xf32>
        %mul3A_1832 = arith.mulf %gather3A_1821, %gather3A_1821 : vector<16xf32>
        %add3A_1833 = arith.addf %add3A_1831, %mul3A_1832 : vector<16xf32>
        %mul3A_1834 = arith.mulf %gather3A_1825, %gather3A_1825 : vector<16xf32>
        %add3A_1835 = arith.addf %add3A_1833, %mul3A_1834 : vector<16xf32>
        %add3A_1836 = arith.constant 37 : i32
        %add3A_1837 = vector.broadcast %add3A_1836 : i32 to vector<16xi32>
        %add3A_1838 = arith.addi %mul3A_996, %add3A_1837 : vector<16xi32>
        %gather3A_1839 = tpu.vector_load_idx %arg18[%add3A_985, %add3A_1838] : memref<128x128xf32, #tpu.memory_space<vmem>>[vector<16xi32>, vector<16xi32>], vector<16xf32>,
        %add3A_1840 = arith.constant 37 : i32
        %add3A_1841 = vector.broadcast %add3A_1840 : i32 to vector<16xi32>
        %add3A_1842 = arith.addi %mul3A_1007, %add3A_1841 : vector<16xi32>
        %gather3A_1843 = tpu.vector_load_idx %arg19[%add3A_985, %add3A_1842] : memref<128x128xf32, #tpu.memory_space<vmem>>[vector<16xi32>, vector<16xi32>], vector<16xf32>,
        %add3A_1844 = arith.constant 37 : i32
        %add3A_1845 = vector.broadcast %add3A_1844 : i32 to vector<16xi32>
        %add3A_1846 = arith.addi %mul3A_1018, %add3A_1845 : vector<16xi32>
        %gather3A_1847 = tpu.vector_load_idx %arg20[%add3A_985, %add3A_1846] : memref<128x128xf32, #tpu.memory_space<vmem>>[vector<16xi32>, vector<16xi32>], vector<16xf32>,
        %mul3A_1848 = arith.mulf %gather3A_1839, %gather3A_1843 : vector<16xf32>
        %add3A_1849 = arith.addf %add3A_1827, %mul3A_1848 : vector<16xf32>
        %mul3A_1850 = arith.mulf %gather3A_1839, %gather3A_1847 : vector<16xf32>
        %add3A_1851 = arith.addf %add3A_1829, %mul3A_1850 : vector<16xf32>
        %mul3A_1852 = arith.mulf %gather3A_1839, %gather3A_1839 : vector<16xf32>
        %add3A_1853 = arith.addf %add3A_1835, %mul3A_1852 : vector<16xf32>
        %mul3A_1854 = arith.mulf %gather3A_1843, %gather3A_1843 : vector<16xf32>
        %add3A_1855 = arith.addf %add3A_1853, %mul3A_1854 : vector<16xf32>
        %mul3A_1856 = arith.mulf %gather3A_1847, %gather3A_1847 : vector<16xf32>
        %add3A_1857 = arith.addf %add3A_1855, %mul3A_1856 : vector<16xf32>
        %add3A_1858 = arith.constant 38 : i32
        %add3A_1859 = vector.broadcast %add3A_1858 : i32 to vector<16xi32>
        %add3A_1860 = arith.addi %mul3A_996, %add3A_1859 : vector<16xi32>
        %gather3A_1861 = tpu.vector_load_idx %arg18[%add3A_985, %add3A_1860] : memref<128x128xf32, #tpu.memory_space<vmem>>[vector<16xi32>, vector<16xi32>], vector<16xf32>,
        %add3A_1862 = arith.constant 38 : i32
        %add3A_1863 = vector.broadcast %add3A_1862 : i32 to vector<16xi32>
        %add3A_1864 = arith.addi %mul3A_1007, %add3A_1863 : vector<16xi32>
        %gather3A_1865 = tpu.vector_load_idx %arg19[%add3A_985, %add3A_1864] : memref<128x128xf32, #tpu.memory_space<vmem>>[vector<16xi32>, vector<16xi32>], vector<16xf32>,
        %add3A_1866 = arith.constant 38 : i32
        %add3A_1867 = vector.broadcast %add3A_1866 : i32 to vector<16xi32>
        %add3A_1868 = arith.addi %mul3A_1018, %add3A_1867 : vector<16xi32>
        %gather3A_1869 = tpu.vector_load_idx %arg20[%add3A_985, %add3A_1868] : memref<128x128xf32, #tpu.memory_space<vmem>>[vector<16xi32>, vector<16xi32>], vector<16xf32>,
        %mul3A_1870 = arith.mulf %gather3A_1861, %gather3A_1865 : vector<16xf32>
        %add3A_1871 = arith.addf %add3A_1849, %mul3A_1870 : vector<16xf32>
        %mul3A_1872 = arith.mulf %gather3A_1861, %gather3A_1869 : vector<16xf32>
        %add3A_1873 = arith.addf %add3A_1851, %mul3A_1872 : vector<16xf32>
        %mul3A_1874 = arith.mulf %gather3A_1861, %gather3A_1861 : vector<16xf32>
        %add3A_1875 = arith.addf %add3A_1857, %mul3A_1874 : vector<16xf32>
        %mul3A_1876 = arith.mulf %gather3A_1865, %gather3A_1865 : vector<16xf32>
        %add3A_1877 = arith.addf %add3A_1875, %mul3A_1876 : vector<16xf32>
        %mul3A_1878 = arith.mulf %gather3A_1869, %gather3A_1869 : vector<16xf32>
        %add3A_1879 = arith.addf %add3A_1877, %mul3A_1878 : vector<16xf32>
        %add3A_1880 = arith.constant 39 : i32
        %add3A_1881 = vector.broadcast %add3A_1880 : i32 to vector<16xi32>
        %add3A_1882 = arith.addi %mul3A_996, %add3A_1881 : vector<16xi32>
        %gather3A_1883 = tpu.vector_load_idx %arg18[%add3A_985, %add3A_1882] : memref<128x128xf32, #tpu.memory_space<vmem>>[vector<16xi32>, vector<16xi32>], vector<16xf32>,
        %add3A_1884 = arith.constant 39 : i32
        %add3A_1885 = vector.broadcast %add3A_1884 : i32 to vector<16xi32>
        %add3A_1886 = arith.addi %mul3A_1007, %add3A_1885 : vector<16xi32>
        %gather3A_1887 = tpu.vector_load_idx %arg19[%add3A_985, %add3A_1886] : memref<128x128xf32, #tpu.memory_space<vmem>>[vector<16xi32>, vector<16xi32>], vector<16xf32>,
        %add3A_1888 = arith.constant 39 : i32
        %add3A_1889 = vector.broadcast %add3A_1888 : i32 to vector<16xi32>
        %add3A_1890 = arith.addi %mul3A_1018, %add3A_1889 : vector<16xi32>
        %gather3A_1891 = tpu.vector_load_idx %arg20[%add3A_985, %add3A_1890] : memref<128x128xf32, #tpu.memory_space<vmem>>[vector<16xi32>, vector<16xi32>], vector<16xf32>,
        %mul3A_1892 = arith.mulf %gather3A_1883, %gather3A_1887 : vector<16xf32>
        %add3A_1893 = arith.addf %add3A_1871, %mul3A_1892 : vector<16xf32>
        %mul3A_1894 = arith.mulf %gather3A_1883, %gather3A_1891 : vector<16xf32>
        %add3A_1895 = arith.addf %add3A_1873, %mul3A_1894 : vector<16xf32>
        %mul3A_1896 = arith.mulf %gather3A_1883, %gather3A_1883 : vector<16xf32>
        %add3A_1897 = arith.addf %add3A_1879, %mul3A_1896 : vector<16xf32>
        %mul3A_1898 = arith.mulf %gather3A_1887, %gather3A_1887 : vector<16xf32>
        %add3A_1899 = arith.addf %add3A_1897, %mul3A_1898 : vector<16xf32>
        %mul3A_1900 = arith.mulf %gather3A_1891, %gather3A_1891 : vector<16xf32>
        %add3A_1901 = arith.addf %add3A_1899, %mul3A_1900 : vector<16xf32>
        %add3A_1902 = arith.constant 40 : i32
        %add3A_1903 = vector.broadcast %add3A_1902 : i32 to vector<16xi32>
        %add3A_1904 = arith.addi %mul3A_996, %add3A_1903 : vector<16xi32>
        %gather3A_1905 = tpu.vector_load_idx %arg18[%add3A_985, %add3A_1904] : memref<128x128xf32, #tpu.memory_space<vmem>>[vector<16xi32>, vector<16xi32>], vector<16xf32>,
        %add3A_1906 = arith.constant 40 : i32
        %add3A_1907 = vector.broadcast %add3A_1906 : i32 to vector<16xi32>
        %add3A_1908 = arith.addi %mul3A_1007, %add3A_1907 : vector<16xi32>
        %gather3A_1909 = tpu.vector_load_idx %arg19[%add3A_985, %add3A_1908] : memref<128x128xf32, #tpu.memory_space<vmem>>[vector<16xi32>, vector<16xi32>], vector<16xf32>,
        %add3A_1910 = arith.constant 40 : i32
        %add3A_1911 = vector.broadcast %add3A_1910 : i32 to vector<16xi32>
        %add3A_1912 = arith.addi %mul3A_1018, %add3A_1911 : vector<16xi32>
        %gather3A_1913 = tpu.vector_load_idx %arg20[%add3A_985, %add3A_1912] : memref<128x128xf32, #tpu.memory_space<vmem>>[vector<16xi32>, vector<16xi32>], vector<16xf32>,
        %mul3A_1914 = arith.mulf %gather3A_1905, %gather3A_1909 : vector<16xf32>
        %add3A_1915 = arith.addf %add3A_1893, %mul3A_1914 : vector<16xf32>
        %mul3A_1916 = arith.mulf %gather3A_1905, %gather3A_1913 : vector<16xf32>
        %add3A_1917 = arith.addf %add3A_1895, %mul3A_1916 : vector<16xf32>
        %mul3A_1918 = arith.mulf %gather3A_1905, %gather3A_1905 : vector<16xf32>
        %add3A_1919 = arith.addf %add3A_1901, %mul3A_1918 : vector<16xf32>
        %mul3A_1920 = arith.mulf %gather3A_1909, %gather3A_1909 : vector<16xf32>
        %add3A_1921 = arith.addf %add3A_1919, %mul3A_1920 : vector<16xf32>
        %mul3A_1922 = arith.mulf %gather3A_1913, %gather3A_1913 : vector<16xf32>
        %add3A_1923 = arith.addf %add3A_1921, %mul3A_1922 : vector<16xf32>
        %add3A_1924 = arith.constant 41 : i32
        %add3A_1925 = vector.broadcast %add3A_1924 : i32 to vector<16xi32>
        %add3A_1926 = arith.addi %mul3A_996, %add3A_1925 : vector<16xi32>
        %gather3A_1927 = tpu.vector_load_idx %arg18[%add3A_985, %add3A_1926] : memref<128x128xf32, #tpu.memory_space<vmem>>[vector<16xi32>, vector<16xi32>], vector<16xf32>,
        %add3A_1928 = arith.constant 41 : i32
        %add3A_1929 = vector.broadcast %add3A_1928 : i32 to vector<16xi32>
        %add3A_1930 = arith.addi %mul3A_1007, %add3A_1929 : vector<16xi32>
        %gather3A_1931 = tpu.vector_load_idx %arg19[%add3A_985, %add3A_1930] : memref<128x128xf32, #tpu.memory_space<vmem>>[vector<16xi32>, vector<16xi32>], vector<16xf32>,
        %add3A_1932 = arith.constant 41 : i32
        %add3A_1933 = vector.broadcast %add3A_1932 : i32 to vector<16xi32>
        %add3A_1934 = arith.addi %mul3A_1018, %add3A_1933 : vector<16xi32>
        %gather3A_1935 = tpu.vector_load_idx %arg20[%add3A_985, %add3A_1934] : memref<128x128xf32, #tpu.memory_space<vmem>>[vector<16xi32>, vector<16xi32>], vector<16xf32>,
        %mul3A_1936 = arith.mulf %gather3A_1927, %gather3A_1931 : vector<16xf32>
        %add3A_1937 = arith.addf %add3A_1915, %mul3A_1936 : vector<16xf32>
        %mul3A_1938 = arith.mulf %gather3A_1927, %gather3A_1935 : vector<16xf32>
        %add3A_1939 = arith.addf %add3A_1917, %mul3A_1938 : vector<16xf32>
        %mul3A_1940 = arith.mulf %gather3A_1927, %gather3A_1927 : vector<16xf32>
        %add3A_1941 = arith.addf %add3A_1923, %mul3A_1940 : vector<16xf32>
        %mul3A_1942 = arith.mulf %gather3A_1931, %gather3A_1931 : vector<16xf32>
        %add3A_1943 = arith.addf %add3A_1941, %mul3A_1942 : vector<16xf32>
        %mul3A_1944 = arith.mulf %gather3A_1935, %gather3A_1935 : vector<16xf32>
        %add3A_1945 = arith.addf %add3A_1943, %mul3A_1944 : vector<16xf32>
        %add3A_1946 = arith.constant 42 : i32
        %add3A_1947 = vector.broadcast %add3A_1946 : i32 to vector<16xi32>
        %add3A_1948 = arith.addi %mul3A_996, %add3A_1947 : vector<16xi32>
        %gather3A_1949 = tpu.vector_load_idx %arg18[%add3A_985, %add3A_1948] : memref<128x128xf32, #tpu.memory_space<vmem>>[vector<16xi32>, vector<16xi32>], vector<16xf32>,
        %add3A_1950 = arith.constant 42 : i32
        %add3A_1951 = vector.broadcast %add3A_1950 : i32 to vector<16xi32>
        %add3A_1952 = arith.addi %mul3A_1007, %add3A_1951 : vector<16xi32>
        %gather3A_1953 = tpu.vector_load_idx %arg19[%add3A_985, %add3A_1952] : memref<128x128xf32, #tpu.memory_space<vmem>>[vector<16xi32>, vector<16xi32>], vector<16xf32>,
        %add3A_1954 = arith.constant 42 : i32
        %add3A_1955 = vector.broadcast %add3A_1954 : i32 to vector<16xi32>
        %add3A_1956 = arith.addi %mul3A_1018, %add3A_1955 : vector<16xi32>
        %gather3A_1957 = tpu.vector_load_idx %arg20[%add3A_985, %add3A_1956] : memref<128x128xf32, #tpu.memory_space<vmem>>[vector<16xi32>, vector<16xi32>], vector<16xf32>,
        %mul3A_1958 = arith.mulf %gather3A_1949, %gather3A_1953 : vector<16xf32>
        %add3A_1959 = arith.addf %add3A_1937, %mul3A_1958 : vector<16xf32>
        %mul3A_1960 = arith.mulf %gather3A_1949, %gather3A_1957 : vector<16xf32>
        %add3A_1961 = arith.addf %add3A_1939, %mul3A_1960 : vector<16xf32>
        %mul3A_1962 = arith.mulf %gather3A_1949, %gather3A_1949 : vector<16xf32>
        %add3A_1963 = arith.addf %add3A_1945, %mul3A_1962 : vector<16xf32>
        %mul3A_1964 = arith.mulf %gather3A_1953, %gather3A_1953 : vector<16xf32>
        %add3A_1965 = arith.addf %add3A_1963, %mul3A_1964 : vector<16xf32>
        %mul3A_1966 = arith.mulf %gather3A_1957, %gather3A_1957 : vector<16xf32>
        %add3A_1967 = arith.addf %add3A_1965, %mul3A_1966 : vector<16xf32>
        %add3A_1968 = arith.constant 43 : i32
        %add3A_1969 = vector.broadcast %add3A_1968 : i32 to vector<16xi32>
        %add3A_1970 = arith.addi %mul3A_996, %add3A_1969 : vector<16xi32>
        %gather3A_1971 = tpu.vector_load_idx %arg18[%add3A_985, %add3A_1970] : memref<128x128xf32, #tpu.memory_space<vmem>>[vector<16xi32>, vector<16xi32>], vector<16xf32>,
        %add3A_1972 = arith.constant 43 : i32
        %add3A_1973 = vector.broadcast %add3A_1972 : i32 to vector<16xi32>
        %add3A_1974 = arith.addi %mul3A_1007, %add3A_1973 : vector<16xi32>
        %gather3A_1975 = tpu.vector_load_idx %arg19[%add3A_985, %add3A_1974] : memref<128x128xf32, #tpu.memory_space<vmem>>[vector<16xi32>, vector<16xi32>], vector<16xf32>,
        %add3A_1976 = arith.constant 43 : i32
        %add3A_1977 = vector.broadcast %add3A_1976 : i32 to vector<16xi32>
        %add3A_1978 = arith.addi %mul3A_1018, %add3A_1977 : vector<16xi32>
        %gather3A_1979 = tpu.vector_load_idx %arg20[%add3A_985, %add3A_1978] : memref<128x128xf32, #tpu.memory_space<vmem>>[vector<16xi32>, vector<16xi32>], vector<16xf32>,
        %mul3A_1980 = arith.mulf %gather3A_1971, %gather3A_1975 : vector<16xf32>
        %add3A_1981 = arith.addf %add3A_1959, %mul3A_1980 : vector<16xf32>
        %mul3A_1982 = arith.mulf %gather3A_1971, %gather3A_1979 : vector<16xf32>
        %add3A_1983 = arith.addf %add3A_1961, %mul3A_1982 : vector<16xf32>
        %mul3A_1984 = arith.mulf %gather3A_1971, %gather3A_1971 : vector<16xf32>
        %add3A_1985 = arith.addf %add3A_1967, %mul3A_1984 : vector<16xf32>
        %mul3A_1986 = arith.mulf %gather3A_1975, %gather3A_1975 : vector<16xf32>
        %add3A_1987 = arith.addf %add3A_1985, %mul3A_1986 : vector<16xf32>
        %mul3A_1988 = arith.mulf %gather3A_1979, %gather3A_1979 : vector<16xf32>
        %add3A_1989 = arith.addf %add3A_1987, %mul3A_1988 : vector<16xf32>
        %add3A_1990 = arith.constant 44 : i32
        %add3A_1991 = vector.broadcast %add3A_1990 : i32 to vector<16xi32>
        %add3A_1992 = arith.addi %mul3A_996, %add3A_1991 : vector<16xi32>
        %gather3A_1993 = tpu.vector_load_idx %arg18[%add3A_985, %add3A_1992] : memref<128x128xf32, #tpu.memory_space<vmem>>[vector<16xi32>, vector<16xi32>], vector<16xf32>,
        %add3A_1994 = arith.constant 44 : i32
        %add3A_1995 = vector.broadcast %add3A_1994 : i32 to vector<16xi32>
        %add3A_1996 = arith.addi %mul3A_1007, %add3A_1995 : vector<16xi32>
        %gather3A_1997 = tpu.vector_load_idx %arg19[%add3A_985, %add3A_1996] : memref<128x128xf32, #tpu.memory_space<vmem>>[vector<16xi32>, vector<16xi32>], vector<16xf32>,
        %add3A_1998 = arith.constant 44 : i32
        %add3A_1999 = vector.broadcast %add3A_1998 : i32 to vector<16xi32>
        %add3A_2000 = arith.addi %mul3A_1018, %add3A_1999 : vector<16xi32>
        %gather3A_2001 = tpu.vector_load_idx %arg20[%add3A_985, %add3A_2000] : memref<128x128xf32, #tpu.memory_space<vmem>>[vector<16xi32>, vector<16xi32>], vector<16xf32>,
        %mul3A_2002 = arith.mulf %gather3A_1993, %gather3A_1997 : vector<16xf32>
        %add3A_2003 = arith.addf %add3A_1981, %mul3A_2002 : vector<16xf32>
        %mul3A_2004 = arith.mulf %gather3A_1993, %gather3A_2001 : vector<16xf32>
        %add3A_2005 = arith.addf %add3A_1983, %mul3A_2004 : vector<16xf32>
        %mul3A_2006 = arith.mulf %gather3A_1993, %gather3A_1993 : vector<16xf32>
        %add3A_2007 = arith.addf %add3A_1989, %mul3A_2006 : vector<16xf32>
        %mul3A_2008 = arith.mulf %gather3A_1997, %gather3A_1997 : vector<16xf32>
        %add3A_2009 = arith.addf %add3A_2007, %mul3A_2008 : vector<16xf32>
        %mul3A_2010 = arith.mulf %gather3A_2001, %gather3A_2001 : vector<16xf32>
        %add3A_2011 = arith.addf %add3A_2009, %mul3A_2010 : vector<16xf32>
        %add3A_2012 = arith.constant 45 : i32
        %add3A_2013 = vector.broadcast %add3A_2012 : i32 to vector<16xi32>
        %add3A_2014 = arith.addi %mul3A_996, %add3A_2013 : vector<16xi32>
        %gather3A_2015 = tpu.vector_load_idx %arg18[%add3A_985, %add3A_2014] : memref<128x128xf32, #tpu.memory_space<vmem>>[vector<16xi32>, vector<16xi32>], vector<16xf32>,
        %add3A_2016 = arith.constant 45 : i32
        %add3A_2017 = vector.broadcast %add3A_2016 : i32 to vector<16xi32>
        %add3A_2018 = arith.addi %mul3A_1007, %add3A_2017 : vector<16xi32>
        %gather3A_2019 = tpu.vector_load_idx %arg19[%add3A_985, %add3A_2018] : memref<128x128xf32, #tpu.memory_space<vmem>>[vector<16xi32>, vector<16xi32>], vector<16xf32>,
        %add3A_2020 = arith.constant 45 : i32
        %add3A_2021 = vector.broadcast %add3A_2020 : i32 to vector<16xi32>
        %add3A_2022 = arith.addi %mul3A_1018, %add3A_2021 : vector<16xi32>
        %gather3A_2023 = tpu.vector_load_idx %arg20[%add3A_985, %add3A_2022] : memref<128x128xf32, #tpu.memory_space<vmem>>[vector<16xi32>, vector<16xi32>], vector<16xf32>,
        %mul3A_2024 = arith.mulf %gather3A_2015, %gather3A_2019 : vector<16xf32>
        %add3A_2025 = arith.addf %add3A_2003, %mul3A_2024 : vector<16xf32>
        %mul3A_2026 = arith.mulf %gather3A_2015, %gather3A_2023 : vector<16xf32>
        %add3A_2027 = arith.addf %add3A_2005, %mul3A_2026 : vector<16xf32>
        %mul3A_2028 = arith.mulf %gather3A_2015, %gather3A_2015 : vector<16xf32>
        %add3A_2029 = arith.addf %add3A_2011, %mul3A_2028 : vector<16xf32>
        %mul3A_2030 = arith.mulf %gather3A_2019, %gather3A_2019 : vector<16xf32>
        %add3A_2031 = arith.addf %add3A_2029, %mul3A_2030 : vector<16xf32>
        %mul3A_2032 = arith.mulf %gather3A_2023, %gather3A_2023 : vector<16xf32>
        %add3A_2033 = arith.addf %add3A_2031, %mul3A_2032 : vector<16xf32>
        %add3A_2034 = arith.constant 46 : i32
        %add3A_2035 = vector.broadcast %add3A_2034 : i32 to vector<16xi32>
        %add3A_2036 = arith.addi %mul3A_996, %add3A_2035 : vector<16xi32>
        %gather3A_2037 = tpu.vector_load_idx %arg18[%add3A_985, %add3A_2036] : memref<128x128xf32, #tpu.memory_space<vmem>>[vector<16xi32>, vector<16xi32>], vector<16xf32>,
        %add3A_2038 = arith.constant 46 : i32
        %add3A_2039 = vector.broadcast %add3A_2038 : i32 to vector<16xi32>
        %add3A_2040 = arith.addi %mul3A_1007, %add3A_2039 : vector<16xi32>
        %gather3A_2041 = tpu.vector_load_idx %arg19[%add3A_985, %add3A_2040] : memref<128x128xf32, #tpu.memory_space<vmem>>[vector<16xi32>, vector<16xi32>], vector<16xf32>,
        %add3A_2042 = arith.constant 46 : i32
        %add3A_2043 = vector.broadcast %add3A_2042 : i32 to vector<16xi32>
        %add3A_2044 = arith.addi %mul3A_1018, %add3A_2043 : vector<16xi32>
        %gather3A_2045 = tpu.vector_load_idx %arg20[%add3A_985, %add3A_2044] : memref<128x128xf32, #tpu.memory_space<vmem>>[vector<16xi32>, vector<16xi32>], vector<16xf32>,
        %mul3A_2046 = arith.mulf %gather3A_2037, %gather3A_2041 : vector<16xf32>
        %add3A_2047 = arith.addf %add3A_2025, %mul3A_2046 : vector<16xf32>
        %mul3A_2048 = arith.mulf %gather3A_2037, %gather3A_2045 : vector<16xf32>
        %add3A_2049 = arith.addf %add3A_2027, %mul3A_2048 : vector<16xf32>
        %mul3A_2050 = arith.mulf %gather3A_2037, %gather3A_2037 : vector<16xf32>
        %add3A_2051 = arith.addf %add3A_2033, %mul3A_2050 : vector<16xf32>
        %mul3A_2052 = arith.mulf %gather3A_2041, %gather3A_2041 : vector<16xf32>
        %add3A_2053 = arith.addf %add3A_2051, %mul3A_2052 : vector<16xf32>
        %mul3A_2054 = arith.mulf %gather3A_2045, %gather3A_2045 : vector<16xf32>
        %add3A_2055 = arith.addf %add3A_2053, %mul3A_2054 : vector<16xf32>
        %add3A_2056 = arith.constant 47 : i32
        %add3A_2057 = vector.broadcast %add3A_2056 : i32 to vector<16xi32>
        %add3A_2058 = arith.addi %mul3A_996, %add3A_2057 : vector<16xi32>
        %gather3A_2059 = tpu.vector_load_idx %arg18[%add3A_985, %add3A_2058] : memref<128x128xf32, #tpu.memory_space<vmem>>[vector<16xi32>, vector<16xi32>], vector<16xf32>,
        %add3A_2060 = arith.constant 47 : i32
        %add3A_2061 = vector.broadcast %add3A_2060 : i32 to vector<16xi32>
        %add3A_2062 = arith.addi %mul3A_1007, %add3A_2061 : vector<16xi32>
        %gather3A_2063 = tpu.vector_load_idx %arg19[%add3A_985, %add3A_2062] : memref<128x128xf32, #tpu.memory_space<vmem>>[vector<16xi32>, vector<16xi32>], vector<16xf32>,
        %add3A_2064 = arith.constant 47 : i32
        %add3A_2065 = vector.broadcast %add3A_2064 : i32 to vector<16xi32>
        %add3A_2066 = arith.addi %mul3A_1018, %add3A_2065 : vector<16xi32>
        %gather3A_2067 = tpu.vector_load_idx %arg20[%add3A_985, %add3A_2066] : memref<128x128xf32, #tpu.memory_space<vmem>>[vector<16xi32>, vector<16xi32>], vector<16xf32>,
        %mul3A_2068 = arith.mulf %gather3A_2059, %gather3A_2063 : vector<16xf32>
        %add3A_2069 = arith.addf %add3A_2047, %mul3A_2068 : vector<16xf32>
        %mul3A_2070 = arith.mulf %gather3A_2059, %gather3A_2067 : vector<16xf32>
        %add3A_2071 = arith.addf %add3A_2049, %mul3A_2070 : vector<16xf32>
        %mul3A_2072 = arith.mulf %gather3A_2059, %gather3A_2059 : vector<16xf32>
        %add3A_2073 = arith.addf %add3A_2055, %mul3A_2072 : vector<16xf32>
        %mul3A_2074 = arith.mulf %gather3A_2063, %gather3A_2063 : vector<16xf32>
        %add3A_2075 = arith.addf %add3A_2073, %mul3A_2074 : vector<16xf32>
        %mul3A_2076 = arith.mulf %gather3A_2067, %gather3A_2067 : vector<16xf32>
        %add3A_2077 = arith.addf %add3A_2075, %mul3A_2076 : vector<16xf32>
        %add3A_2078 = arith.constant 48 : i32
        %add3A_2079 = vector.broadcast %add3A_2078 : i32 to vector<16xi32>
        %add3A_2080 = arith.addi %mul3A_996, %add3A_2079 : vector<16xi32>
        %gather3A_2081 = tpu.vector_load_idx %arg18[%add3A_985, %add3A_2080] : memref<128x128xf32, #tpu.memory_space<vmem>>[vector<16xi32>, vector<16xi32>], vector<16xf32>,
        %add3A_2082 = arith.constant 48 : i32
        %add3A_2083 = vector.broadcast %add3A_2082 : i32 to vector<16xi32>
        %add3A_2084 = arith.addi %mul3A_1007, %add3A_2083 : vector<16xi32>
        %gather3A_2085 = tpu.vector_load_idx %arg19[%add3A_985, %add3A_2084] : memref<128x128xf32, #tpu.memory_space<vmem>>[vector<16xi32>, vector<16xi32>], vector<16xf32>,
        %add3A_2086 = arith.constant 48 : i32
        %add3A_2087 = vector.broadcast %add3A_2086 : i32 to vector<16xi32>
        %add3A_2088 = arith.addi %mul3A_1018, %add3A_2087 : vector<16xi32>
        %gather3A_2089 = tpu.vector_load_idx %arg20[%add3A_985, %add3A_2088] : memref<128x128xf32, #tpu.memory_space<vmem>>[vector<16xi32>, vector<16xi32>], vector<16xf32>,
        %mul3A_2090 = arith.mulf %gather3A_2081, %gather3A_2085 : vector<16xf32>
        %add3A_2091 = arith.addf %add3A_2069, %mul3A_2090 : vector<16xf32>
        %mul3A_2092 = arith.mulf %gather3A_2081, %gather3A_2089 : vector<16xf32>
        %add3A_2093 = arith.addf %add3A_2071, %mul3A_2092 : vector<16xf32>
        %mul3A_2094 = arith.mulf %gather3A_2081, %gather3A_2081 : vector<16xf32>
        %add3A_2095 = arith.addf %add3A_2077, %mul3A_2094 : vector<16xf32>
        %mul3A_2096 = arith.mulf %gather3A_2085, %gather3A_2085 : vector<16xf32>
        %add3A_2097 = arith.addf %add3A_2095, %mul3A_2096 : vector<16xf32>
        %mul3A_2098 = arith.mulf %gather3A_2089, %gather3A_2089 : vector<16xf32>
        %add3A_2099 = arith.addf %add3A_2097, %mul3A_2098 : vector<16xf32>
        %add3A_2100 = arith.constant 49 : i32
        %add3A_2101 = vector.broadcast %add3A_2100 : i32 to vector<16xi32>
        %add3A_2102 = arith.addi %mul3A_996, %add3A_2101 : vector<16xi32>
        %gather3A_2103 = tpu.vector_load_idx %arg18[%add3A_985, %add3A_2102] : memref<128x128xf32, #tpu.memory_space<vmem>>[vector<16xi32>, vector<16xi32>], vector<16xf32>,
        %add3A_2104 = arith.constant 49 : i32
        %add3A_2105 = vector.broadcast %add3A_2104 : i32 to vector<16xi32>
        %add3A_2106 = arith.addi %mul3A_1007, %add3A_2105 : vector<16xi32>
        %gather3A_2107 = tpu.vector_load_idx %arg19[%add3A_985, %add3A_2106] : memref<128x128xf32, #tpu.memory_space<vmem>>[vector<16xi32>, vector<16xi32>], vector<16xf32>,
        %add3A_2108 = arith.constant 49 : i32
        %add3A_2109 = vector.broadcast %add3A_2108 : i32 to vector<16xi32>
        %add3A_2110 = arith.addi %mul3A_1018, %add3A_2109 : vector<16xi32>
        %gather3A_2111 = tpu.vector_load_idx %arg20[%add3A_985, %add3A_2110] : memref<128x128xf32, #tpu.memory_space<vmem>>[vector<16xi32>, vector<16xi32>], vector<16xf32>,
        %mul3A_2112 = arith.mulf %gather3A_2103, %gather3A_2107 : vector<16xf32>
        %add3A_2113 = arith.addf %add3A_2091, %mul3A_2112 : vector<16xf32>
        %mul3A_2114 = arith.mulf %gather3A_2103, %gather3A_2111 : vector<16xf32>
        %add3A_2115 = arith.addf %add3A_2093, %mul3A_2114 : vector<16xf32>
        %mul3A_2116 = arith.mulf %gather3A_2103, %gather3A_2103 : vector<16xf32>
        %add3A_2117 = arith.addf %add3A_2099, %mul3A_2116 : vector<16xf32>
        %mul3A_2118 = arith.mulf %gather3A_2107, %gather3A_2107 : vector<16xf32>
        %add3A_2119 = arith.addf %add3A_2117, %mul3A_2118 : vector<16xf32>
        %mul3A_2120 = arith.mulf %gather3A_2111, %gather3A_2111 : vector<16xf32>
        %add3A_2121 = arith.addf %add3A_2119, %mul3A_2120 : vector<16xf32>
        %add3A_2122 = arith.constant 50 : i32
        %add3A_2123 = vector.broadcast %add3A_2122 : i32 to vector<16xi32>
        %add3A_2124 = arith.addi %mul3A_996, %add3A_2123 : vector<16xi32>
        %gather3A_2125 = tpu.vector_load_idx %arg18[%add3A_985, %add3A_2124] : memref<128x128xf32, #tpu.memory_space<vmem>>[vector<16xi32>, vector<16xi32>], vector<16xf32>,
        %add3A_2126 = arith.constant 50 : i32
        %add3A_2127 = vector.broadcast %add3A_2126 : i32 to vector<16xi32>
        %add3A_2128 = arith.addi %mul3A_1007, %add3A_2127 : vector<16xi32>
        %gather3A_2129 = tpu.vector_load_idx %arg19[%add3A_985, %add3A_2128] : memref<128x128xf32, #tpu.memory_space<vmem>>[vector<16xi32>, vector<16xi32>], vector<16xf32>,
        %add3A_2130 = arith.constant 50 : i32
        %add3A_2131 = vector.broadcast %add3A_2130 : i32 to vector<16xi32>
        %add3A_2132 = arith.addi %mul3A_1018, %add3A_2131 : vector<16xi32>
        %gather3A_2133 = tpu.vector_load_idx %arg20[%add3A_985, %add3A_2132] : memref<128x128xf32, #tpu.memory_space<vmem>>[vector<16xi32>, vector<16xi32>], vector<16xf32>,
        %mul3A_2134 = arith.mulf %gather3A_2125, %gather3A_2129 : vector<16xf32>
        %add3A_2135 = arith.addf %add3A_2113, %mul3A_2134 : vector<16xf32>
        %mul3A_2136 = arith.mulf %gather3A_2125, %gather3A_2133 : vector<16xf32>
        %add3A_2137 = arith.addf %add3A_2115, %mul3A_2136 : vector<16xf32>
        %mul3A_2138 = arith.mulf %gather3A_2125, %gather3A_2125 : vector<16xf32>
        %add3A_2139 = arith.addf %add3A_2121, %mul3A_2138 : vector<16xf32>
        %mul3A_2140 = arith.mulf %gather3A_2129, %gather3A_2129 : vector<16xf32>
        %add3A_2141 = arith.addf %add3A_2139, %mul3A_2140 : vector<16xf32>
        %mul3A_2142 = arith.mulf %gather3A_2133, %gather3A_2133 : vector<16xf32>
        %add3A_2143 = arith.addf %add3A_2141, %mul3A_2142 : vector<16xf32>
        %add3A_2144 = arith.constant 51 : i32
        %add3A_2145 = vector.broadcast %add3A_2144 : i32 to vector<16xi32>
        %add3A_2146 = arith.addi %mul3A_996, %add3A_2145 : vector<16xi32>
        %gather3A_2147 = tpu.vector_load_idx %arg18[%add3A_985, %add3A_2146] : memref<128x128xf32, #tpu.memory_space<vmem>>[vector<16xi32>, vector<16xi32>], vector<16xf32>,
        %add3A_2148 = arith.constant 51 : i32
        %add3A_2149 = vector.broadcast %add3A_2148 : i32 to vector<16xi32>
        %add3A_2150 = arith.addi %mul3A_1007, %add3A_2149 : vector<16xi32>
        %gather3A_2151 = tpu.vector_load_idx %arg19[%add3A_985, %add3A_2150] : memref<128x128xf32, #tpu.memory_space<vmem>>[vector<16xi32>, vector<16xi32>], vector<16xf32>,
        %add3A_2152 = arith.constant 51 : i32
        %add3A_2153 = vector.broadcast %add3A_2152 : i32 to vector<16xi32>
        %add3A_2154 = arith.addi %mul3A_1018, %add3A_2153 : vector<16xi32>
        %gather3A_2155 = tpu.vector_load_idx %arg20[%add3A_985, %add3A_2154] : memref<128x128xf32, #tpu.memory_space<vmem>>[vector<16xi32>, vector<16xi32>], vector<16xf32>,
        %mul3A_2156 = arith.mulf %gather3A_2147, %gather3A_2151 : vector<16xf32>
        %add3A_2157 = arith.addf %add3A_2135, %mul3A_2156 : vector<16xf32>
        %mul3A_2158 = arith.mulf %gather3A_2147, %gather3A_2155 : vector<16xf32>
        %add3A_2159 = arith.addf %add3A_2137, %mul3A_2158 : vector<16xf32>
        %mul3A_2160 = arith.mulf %gather3A_2147, %gather3A_2147 : vector<16xf32>
        %add3A_2161 = arith.addf %add3A_2143, %mul3A_2160 : vector<16xf32>
        %mul3A_2162 = arith.mulf %gather3A_2151, %gather3A_2151 : vector<16xf32>
        %add3A_2163 = arith.addf %add3A_2161, %mul3A_2162 : vector<16xf32>
        %mul3A_2164 = arith.mulf %gather3A_2155, %gather3A_2155 : vector<16xf32>
        %add3A_2165 = arith.addf %add3A_2163, %mul3A_2164 : vector<16xf32>
        %add3A_2166 = arith.constant 52 : i32
        %add3A_2167 = vector.broadcast %add3A_2166 : i32 to vector<16xi32>
        %add3A_2168 = arith.addi %mul3A_996, %add3A_2167 : vector<16xi32>
        %gather3A_2169 = tpu.vector_load_idx %arg18[%add3A_985, %add3A_2168] : memref<128x128xf32, #tpu.memory_space<vmem>>[vector<16xi32>, vector<16xi32>], vector<16xf32>,
        %add3A_2170 = arith.constant 52 : i32
        %add3A_2171 = vector.broadcast %add3A_2170 : i32 to vector<16xi32>
        %add3A_2172 = arith.addi %mul3A_1007, %add3A_2171 : vector<16xi32>
        %gather3A_2173 = tpu.vector_load_idx %arg19[%add3A_985, %add3A_2172] : memref<128x128xf32, #tpu.memory_space<vmem>>[vector<16xi32>, vector<16xi32>], vector<16xf32>,
        %add3A_2174 = arith.constant 52 : i32
        %add3A_2175 = vector.broadcast %add3A_2174 : i32 to vector<16xi32>
        %add3A_2176 = arith.addi %mul3A_1018, %add3A_2175 : vector<16xi32>
        %gather3A_2177 = tpu.vector_load_idx %arg20[%add3A_985, %add3A_2176] : memref<128x128xf32, #tpu.memory_space<vmem>>[vector<16xi32>, vector<16xi32>], vector<16xf32>,
        %mul3A_2178 = arith.mulf %gather3A_2169, %gather3A_2173 : vector<16xf32>
        %add3A_2179 = arith.addf %add3A_2157, %mul3A_2178 : vector<16xf32>
        %mul3A_2180 = arith.mulf %gather3A_2169, %gather3A_2177 : vector<16xf32>
        %add3A_2181 = arith.addf %add3A_2159, %mul3A_2180 : vector<16xf32>
        %mul3A_2182 = arith.mulf %gather3A_2169, %gather3A_2169 : vector<16xf32>
        %add3A_2183 = arith.addf %add3A_2165, %mul3A_2182 : vector<16xf32>
        %mul3A_2184 = arith.mulf %gather3A_2173, %gather3A_2173 : vector<16xf32>
        %add3A_2185 = arith.addf %add3A_2183, %mul3A_2184 : vector<16xf32>
        %mul3A_2186 = arith.mulf %gather3A_2177, %gather3A_2177 : vector<16xf32>
        %add3A_2187 = arith.addf %add3A_2185, %mul3A_2186 : vector<16xf32>
        %add3A_2188 = arith.constant 53 : i32
        %add3A_2189 = vector.broadcast %add3A_2188 : i32 to vector<16xi32>
        %add3A_2190 = arith.addi %mul3A_996, %add3A_2189 : vector<16xi32>
        %gather3A_2191 = tpu.vector_load_idx %arg18[%add3A_985, %add3A_2190] : memref<128x128xf32, #tpu.memory_space<vmem>>[vector<16xi32>, vector<16xi32>], vector<16xf32>,
        %add3A_2192 = arith.constant 53 : i32
        %add3A_2193 = vector.broadcast %add3A_2192 : i32 to vector<16xi32>
        %add3A_2194 = arith.addi %mul3A_1007, %add3A_2193 : vector<16xi32>
        %gather3A_2195 = tpu.vector_load_idx %arg19[%add3A_985, %add3A_2194] : memref<128x128xf32, #tpu.memory_space<vmem>>[vector<16xi32>, vector<16xi32>], vector<16xf32>,
        %add3A_2196 = arith.constant 53 : i32
        %add3A_2197 = vector.broadcast %add3A_2196 : i32 to vector<16xi32>
        %add3A_2198 = arith.addi %mul3A_1018, %add3A_2197 : vector<16xi32>
        %gather3A_2199 = tpu.vector_load_idx %arg20[%add3A_985, %add3A_2198] : memref<128x128xf32, #tpu.memory_space<vmem>>[vector<16xi32>, vector<16xi32>], vector<16xf32>,
        %mul3A_2200 = arith.mulf %gather3A_2191, %gather3A_2195 : vector<16xf32>
        %add3A_2201 = arith.addf %add3A_2179, %mul3A_2200 : vector<16xf32>
        %mul3A_2202 = arith.mulf %gather3A_2191, %gather3A_2199 : vector<16xf32>
        %add3A_2203 = arith.addf %add3A_2181, %mul3A_2202 : vector<16xf32>
        %mul3A_2204 = arith.mulf %gather3A_2191, %gather3A_2191 : vector<16xf32>
        %add3A_2205 = arith.addf %add3A_2187, %mul3A_2204 : vector<16xf32>
        %mul3A_2206 = arith.mulf %gather3A_2195, %gather3A_2195 : vector<16xf32>
        %add3A_2207 = arith.addf %add3A_2205, %mul3A_2206 : vector<16xf32>
        %mul3A_2208 = arith.mulf %gather3A_2199, %gather3A_2199 : vector<16xf32>
        %add3A_2209 = arith.addf %add3A_2207, %mul3A_2208 : vector<16xf32>
        %add3A_2210 = arith.constant 54 : i32
        %add3A_2211 = vector.broadcast %add3A_2210 : i32 to vector<16xi32>
        %add3A_2212 = arith.addi %mul3A_996, %add3A_2211 : vector<16xi32>
        %gather3A_2213 = tpu.vector_load_idx %arg18[%add3A_985, %add3A_2212] : memref<128x128xf32, #tpu.memory_space<vmem>>[vector<16xi32>, vector<16xi32>], vector<16xf32>,
        %add3A_2214 = arith.constant 54 : i32
        %add3A_2215 = vector.broadcast %add3A_2214 : i32 to vector<16xi32>
        %add3A_2216 = arith.addi %mul3A_1007, %add3A_2215 : vector<16xi32>
        %gather3A_2217 = tpu.vector_load_idx %arg19[%add3A_985, %add3A_2216] : memref<128x128xf32, #tpu.memory_space<vmem>>[vector<16xi32>, vector<16xi32>], vector<16xf32>,
        %add3A_2218 = arith.constant 54 : i32
        %add3A_2219 = vector.broadcast %add3A_2218 : i32 to vector<16xi32>
        %add3A_2220 = arith.addi %mul3A_1018, %add3A_2219 : vector<16xi32>
        %gather3A_2221 = tpu.vector_load_idx %arg20[%add3A_985, %add3A_2220] : memref<128x128xf32, #tpu.memory_space<vmem>>[vector<16xi32>, vector<16xi32>], vector<16xf32>,
        %mul3A_2222 = arith.mulf %gather3A_2213, %gather3A_2217 : vector<16xf32>
        %add3A_2223 = arith.addf %add3A_2201, %mul3A_2222 : vector<16xf32>
        %mul3A_2224 = arith.mulf %gather3A_2213, %gather3A_2221 : vector<16xf32>
        %add3A_2225 = arith.addf %add3A_2203, %mul3A_2224 : vector<16xf32>
        %mul3A_2226 = arith.mulf %gather3A_2213, %gather3A_2213 : vector<16xf32>
        %add3A_2227 = arith.addf %add3A_2209, %mul3A_2226 : vector<16xf32>
        %mul3A_2228 = arith.mulf %gather3A_2217, %gather3A_2217 : vector<16xf32>
        %add3A_2229 = arith.addf %add3A_2227, %mul3A_2228 : vector<16xf32>
        %mul3A_2230 = arith.mulf %gather3A_2221, %gather3A_2221 : vector<16xf32>
        %add3A_2231 = arith.addf %add3A_2229, %mul3A_2230 : vector<16xf32>
        %add3A_2232 = arith.constant 55 : i32
        %add3A_2233 = vector.broadcast %add3A_2232 : i32 to vector<16xi32>
        %add3A_2234 = arith.addi %mul3A_996, %add3A_2233 : vector<16xi32>
        %gather3A_2235 = tpu.vector_load_idx %arg18[%add3A_985, %add3A_2234] : memref<128x128xf32, #tpu.memory_space<vmem>>[vector<16xi32>, vector<16xi32>], vector<16xf32>,
        %add3A_2236 = arith.constant 55 : i32
        %add3A_2237 = vector.broadcast %add3A_2236 : i32 to vector<16xi32>
        %add3A_2238 = arith.addi %mul3A_1007, %add3A_2237 : vector<16xi32>
        %gather3A_2239 = tpu.vector_load_idx %arg19[%add3A_985, %add3A_2238] : memref<128x128xf32, #tpu.memory_space<vmem>>[vector<16xi32>, vector<16xi32>], vector<16xf32>,
        %add3A_2240 = arith.constant 55 : i32
        %add3A_2241 = vector.broadcast %add3A_2240 : i32 to vector<16xi32>
        %add3A_2242 = arith.addi %mul3A_1018, %add3A_2241 : vector<16xi32>
        %gather3A_2243 = tpu.vector_load_idx %arg20[%add3A_985, %add3A_2242] : memref<128x128xf32, #tpu.memory_space<vmem>>[vector<16xi32>, vector<16xi32>], vector<16xf32>,
        %mul3A_2244 = arith.mulf %gather3A_2235, %gather3A_2239 : vector<16xf32>
        %add3A_2245 = arith.addf %add3A_2223, %mul3A_2244 : vector<16xf32>
        %mul3A_2246 = arith.mulf %gather3A_2235, %gather3A_2243 : vector<16xf32>
        %add3A_2247 = arith.addf %add3A_2225, %mul3A_2246 : vector<16xf32>
        %mul3A_2248 = arith.mulf %gather3A_2235, %gather3A_2235 : vector<16xf32>
        %add3A_2249 = arith.addf %add3A_2231, %mul3A_2248 : vector<16xf32>
        %mul3A_2250 = arith.mulf %gather3A_2239, %gather3A_2239 : vector<16xf32>
        %add3A_2251 = arith.addf %add3A_2249, %mul3A_2250 : vector<16xf32>
        %mul3A_2252 = arith.mulf %gather3A_2243, %gather3A_2243 : vector<16xf32>
        %add3A_2253 = arith.addf %add3A_2251, %mul3A_2252 : vector<16xf32>
        %add3A_2254 = arith.constant 56 : i32
        %add3A_2255 = vector.broadcast %add3A_2254 : i32 to vector<16xi32>
        %add3A_2256 = arith.addi %mul3A_996, %add3A_2255 : vector<16xi32>
        %gather3A_2257 = tpu.vector_load_idx %arg18[%add3A_985, %add3A_2256] : memref<128x128xf32, #tpu.memory_space<vmem>>[vector<16xi32>, vector<16xi32>], vector<16xf32>,
        %add3A_2258 = arith.constant 56 : i32
        %add3A_2259 = vector.broadcast %add3A_2258 : i32 to vector<16xi32>
        %add3A_2260 = arith.addi %mul3A_1007, %add3A_2259 : vector<16xi32>
        %gather3A_2261 = tpu.vector_load_idx %arg19[%add3A_985, %add3A_2260] : memref<128x128xf32, #tpu.memory_space<vmem>>[vector<16xi32>, vector<16xi32>], vector<16xf32>,
        %add3A_2262 = arith.constant 56 : i32
        %add3A_2263 = vector.broadcast %add3A_2262 : i32 to vector<16xi32>
        %add3A_2264 = arith.addi %mul3A_1018, %add3A_2263 : vector<16xi32>
        %gather3A_2265 = tpu.vector_load_idx %arg20[%add3A_985, %add3A_2264] : memref<128x128xf32, #tpu.memory_space<vmem>>[vector<16xi32>, vector<16xi32>], vector<16xf32>,
        %mul3A_2266 = arith.mulf %gather3A_2257, %gather3A_2261 : vector<16xf32>
        %add3A_2267 = arith.addf %add3A_2245, %mul3A_2266 : vector<16xf32>
        %mul3A_2268 = arith.mulf %gather3A_2257, %gather3A_2265 : vector<16xf32>
        %add3A_2269 = arith.addf %add3A_2247, %mul3A_2268 : vector<16xf32>
        %mul3A_2270 = arith.mulf %gather3A_2257, %gather3A_2257 : vector<16xf32>
        %add3A_2271 = arith.addf %add3A_2253, %mul3A_2270 : vector<16xf32>
        %mul3A_2272 = arith.mulf %gather3A_2261, %gather3A_2261 : vector<16xf32>
        %add3A_2273 = arith.addf %add3A_2271, %mul3A_2272 : vector<16xf32>
        %mul3A_2274 = arith.mulf %gather3A_2265, %gather3A_2265 : vector<16xf32>
        %add3A_2275 = arith.addf %add3A_2273, %mul3A_2274 : vector<16xf32>
        %add3A_2276 = arith.constant 57 : i32
        %add3A_2277 = vector.broadcast %add3A_2276 : i32 to vector<16xi32>
        %add3A_2278 = arith.addi %mul3A_996, %add3A_2277 : vector<16xi32>
        %gather3A_2279 = tpu.vector_load_idx %arg18[%add3A_985, %add3A_2278] : memref<128x128xf32, #tpu.memory_space<vmem>>[vector<16xi32>, vector<16xi32>], vector<16xf32>,
        %add3A_2280 = arith.constant 57 : i32
        %add3A_2281 = vector.broadcast %add3A_2280 : i32 to vector<16xi32>
        %add3A_2282 = arith.addi %mul3A_1007, %add3A_2281 : vector<16xi32>
        %gather3A_2283 = tpu.vector_load_idx %arg19[%add3A_985, %add3A_2282] : memref<128x128xf32, #tpu.memory_space<vmem>>[vector<16xi32>, vector<16xi32>], vector<16xf32>,
        %add3A_2284 = arith.constant 57 : i32
        %add3A_2285 = vector.broadcast %add3A_2284 : i32 to vector<16xi32>
        %add3A_2286 = arith.addi %mul3A_1018, %add3A_2285 : vector<16xi32>
        %gather3A_2287 = tpu.vector_load_idx %arg20[%add3A_985, %add3A_2286] : memref<128x128xf32, #tpu.memory_space<vmem>>[vector<16xi32>, vector<16xi32>], vector<16xf32>,
        %mul3A_2288 = arith.mulf %gather3A_2279, %gather3A_2283 : vector<16xf32>
        %add3A_2289 = arith.addf %add3A_2267, %mul3A_2288 : vector<16xf32>
        %mul3A_2290 = arith.mulf %gather3A_2279, %gather3A_2287 : vector<16xf32>
        %add3A_2291 = arith.addf %add3A_2269, %mul3A_2290 : vector<16xf32>
        %mul3A_2292 = arith.mulf %gather3A_2279, %gather3A_2279 : vector<16xf32>
        %add3A_2293 = arith.addf %add3A_2275, %mul3A_2292 : vector<16xf32>
        %mul3A_2294 = arith.mulf %gather3A_2283, %gather3A_2283 : vector<16xf32>
        %add3A_2295 = arith.addf %add3A_2293, %mul3A_2294 : vector<16xf32>
        %mul3A_2296 = arith.mulf %gather3A_2287, %gather3A_2287 : vector<16xf32>
        %add3A_2297 = arith.addf %add3A_2295, %mul3A_2296 : vector<16xf32>
        %add3A_2298 = arith.constant 58 : i32
        %add3A_2299 = vector.broadcast %add3A_2298 : i32 to vector<16xi32>
        %add3A_2300 = arith.addi %mul3A_996, %add3A_2299 : vector<16xi32>
        %gather3A_2301 = tpu.vector_load_idx %arg18[%add3A_985, %add3A_2300] : memref<128x128xf32, #tpu.memory_space<vmem>>[vector<16xi32>, vector<16xi32>], vector<16xf32>,
        %add3A_2302 = arith.constant 58 : i32
        %add3A_2303 = vector.broadcast %add3A_2302 : i32 to vector<16xi32>
        %add3A_2304 = arith.addi %mul3A_1007, %add3A_2303 : vector<16xi32>
        %gather3A_2305 = tpu.vector_load_idx %arg19[%add3A_985, %add3A_2304] : memref<128x128xf32, #tpu.memory_space<vmem>>[vector<16xi32>, vector<16xi32>], vector<16xf32>,
        %add3A_2306 = arith.constant 58 : i32
        %add3A_2307 = vector.broadcast %add3A_2306 : i32 to vector<16xi32>
        %add3A_2308 = arith.addi %mul3A_1018, %add3A_2307 : vector<16xi32>
        %gather3A_2309 = tpu.vector_load_idx %arg20[%add3A_985, %add3A_2308] : memref<128x128xf32, #tpu.memory_space<vmem>>[vector<16xi32>, vector<16xi32>], vector<16xf32>,
        %mul3A_2310 = arith.mulf %gather3A_2301, %gather3A_2305 : vector<16xf32>
        %add3A_2311 = arith.addf %add3A_2289, %mul3A_2310 : vector<16xf32>
        %mul3A_2312 = arith.mulf %gather3A_2301, %gather3A_2309 : vector<16xf32>
        %add3A_2313 = arith.addf %add3A_2291, %mul3A_2312 : vector<16xf32>
        %mul3A_2314 = arith.mulf %gather3A_2301, %gather3A_2301 : vector<16xf32>
        %add3A_2315 = arith.addf %add3A_2297, %mul3A_2314 : vector<16xf32>
        %mul3A_2316 = arith.mulf %gather3A_2305, %gather3A_2305 : vector<16xf32>
        %add3A_2317 = arith.addf %add3A_2315, %mul3A_2316 : vector<16xf32>
        %mul3A_2318 = arith.mulf %gather3A_2309, %gather3A_2309 : vector<16xf32>
        %add3A_2319 = arith.addf %add3A_2317, %mul3A_2318 : vector<16xf32>
        %add3A_2320 = arith.constant 59 : i32
        %add3A_2321 = vector.broadcast %add3A_2320 : i32 to vector<16xi32>
        %add3A_2322 = arith.addi %mul3A_996, %add3A_2321 : vector<16xi32>
        %gather3A_2323 = tpu.vector_load_idx %arg18[%add3A_985, %add3A_2322] : memref<128x128xf32, #tpu.memory_space<vmem>>[vector<16xi32>, vector<16xi32>], vector<16xf32>,
        %add3A_2324 = arith.constant 59 : i32
        %add3A_2325 = vector.broadcast %add3A_2324 : i32 to vector<16xi32>
        %add3A_2326 = arith.addi %mul3A_1007, %add3A_2325 : vector<16xi32>
        %gather3A_2327 = tpu.vector_load_idx %arg19[%add3A_985, %add3A_2326] : memref<128x128xf32, #tpu.memory_space<vmem>>[vector<16xi32>, vector<16xi32>], vector<16xf32>,
        %add3A_2328 = arith.constant 59 : i32
        %add3A_2329 = vector.broadcast %add3A_2328 : i32 to vector<16xi32>
        %add3A_2330 = arith.addi %mul3A_1018, %add3A_2329 : vector<16xi32>
        %gather3A_2331 = tpu.vector_load_idx %arg20[%add3A_985, %add3A_2330] : memref<128x128xf32, #tpu.memory_space<vmem>>[vector<16xi32>, vector<16xi32>], vector<16xf32>,
        %mul3A_2332 = arith.mulf %gather3A_2323, %gather3A_2327 : vector<16xf32>
        %add3A_2333 = arith.addf %add3A_2311, %mul3A_2332 : vector<16xf32>
        %mul3A_2334 = arith.mulf %gather3A_2323, %gather3A_2331 : vector<16xf32>
        %add3A_2335 = arith.addf %add3A_2313, %mul3A_2334 : vector<16xf32>
        %mul3A_2336 = arith.mulf %gather3A_2323, %gather3A_2323 : vector<16xf32>
        %add3A_2337 = arith.addf %add3A_2319, %mul3A_2336 : vector<16xf32>
        %mul3A_2338 = arith.mulf %gather3A_2327, %gather3A_2327 : vector<16xf32>
        %add3A_2339 = arith.addf %add3A_2337, %mul3A_2338 : vector<16xf32>
        %mul3A_2340 = arith.mulf %gather3A_2331, %gather3A_2331 : vector<16xf32>
        %add3A_2341 = arith.addf %add3A_2339, %mul3A_2340 : vector<16xf32>
        %add3A_2342 = arith.constant 60 : i32
        %add3A_2343 = vector.broadcast %add3A_2342 : i32 to vector<16xi32>
        %add3A_2344 = arith.addi %mul3A_996, %add3A_2343 : vector<16xi32>
        %gather3A_2345 = tpu.vector_load_idx %arg18[%add3A_985, %add3A_2344] : memref<128x128xf32, #tpu.memory_space<vmem>>[vector<16xi32>, vector<16xi32>], vector<16xf32>,
        %add3A_2346 = arith.constant 60 : i32
        %add3A_2347 = vector.broadcast %add3A_2346 : i32 to vector<16xi32>
        %add3A_2348 = arith.addi %mul3A_1007, %add3A_2347 : vector<16xi32>
        %gather3A_2349 = tpu.vector_load_idx %arg19[%add3A_985, %add3A_2348] : memref<128x128xf32, #tpu.memory_space<vmem>>[vector<16xi32>, vector<16xi32>], vector<16xf32>,
        %add3A_2350 = arith.constant 60 : i32
        %add3A_2351 = vector.broadcast %add3A_2350 : i32 to vector<16xi32>
        %add3A_2352 = arith.addi %mul3A_1018, %add3A_2351 : vector<16xi32>
        %gather3A_2353 = tpu.vector_load_idx %arg20[%add3A_985, %add3A_2352] : memref<128x128xf32, #tpu.memory_space<vmem>>[vector<16xi32>, vector<16xi32>], vector<16xf32>,
        %mul3A_2354 = arith.mulf %gather3A_2345, %gather3A_2349 : vector<16xf32>
        %add3A_2355 = arith.addf %add3A_2333, %mul3A_2354 : vector<16xf32>
        %mul3A_2356 = arith.mulf %gather3A_2345, %gather3A_2353 : vector<16xf32>
        %add3A_2357 = arith.addf %add3A_2335, %mul3A_2356 : vector<16xf32>
        %mul3A_2358 = arith.mulf %gather3A_2345, %gather3A_2345 : vector<16xf32>
        %add3A_2359 = arith.addf %add3A_2341, %mul3A_2358 : vector<16xf32>
        %mul3A_2360 = arith.mulf %gather3A_2349, %gather3A_2349 : vector<16xf32>
        %add3A_2361 = arith.addf %add3A_2359, %mul3A_2360 : vector<16xf32>
        %mul3A_2362 = arith.mulf %gather3A_2353, %gather3A_2353 : vector<16xf32>
        %add3A_2363 = arith.addf %add3A_2361, %mul3A_2362 : vector<16xf32>
        %add3A_2364 = arith.constant 61 : i32
        %add3A_2365 = vector.broadcast %add3A_2364 : i32 to vector<16xi32>
        %add3A_2366 = arith.addi %mul3A_996, %add3A_2365 : vector<16xi32>
        %gather3A_2367 = tpu.vector_load_idx %arg18[%add3A_985, %add3A_2366] : memref<128x128xf32, #tpu.memory_space<vmem>>[vector<16xi32>, vector<16xi32>], vector<16xf32>,
        %add3A_2368 = arith.constant 61 : i32
        %add3A_2369 = vector.broadcast %add3A_2368 : i32 to vector<16xi32>
        %add3A_2370 = arith.addi %mul3A_1007, %add3A_2369 : vector<16xi32>
        %gather3A_2371 = tpu.vector_load_idx %arg19[%add3A_985, %add3A_2370] : memref<128x128xf32, #tpu.memory_space<vmem>>[vector<16xi32>, vector<16xi32>], vector<16xf32>,
        %add3A_2372 = arith.constant 61 : i32
        %add3A_2373 = vector.broadcast %add3A_2372 : i32 to vector<16xi32>
        %add3A_2374 = arith.addi %mul3A_1018, %add3A_2373 : vector<16xi32>
        %gather3A_2375 = tpu.vector_load_idx %arg20[%add3A_985, %add3A_2374] : memref<128x128xf32, #tpu.memory_space<vmem>>[vector<16xi32>, vector<16xi32>], vector<16xf32>,
        %mul3A_2376 = arith.mulf %gather3A_2367, %gather3A_2371 : vector<16xf32>
        %add3A_2377 = arith.addf %add3A_2355, %mul3A_2376 : vector<16xf32>
        %mul3A_2378 = arith.mulf %gather3A_2367, %gather3A_2375 : vector<16xf32>
        %add3A_2379 = arith.addf %add3A_2357, %mul3A_2378 : vector<16xf32>
        %mul3A_2380 = arith.mulf %gather3A_2367, %gather3A_2367 : vector<16xf32>
        %add3A_2381 = arith.addf %add3A_2363, %mul3A_2380 : vector<16xf32>
        %mul3A_2382 = arith.mulf %gather3A_2371, %gather3A_2371 : vector<16xf32>
        %add3A_2383 = arith.addf %add3A_2381, %mul3A_2382 : vector<16xf32>
        %mul3A_2384 = arith.mulf %gather3A_2375, %gather3A_2375 : vector<16xf32>
        %add3A_2385 = arith.addf %add3A_2383, %mul3A_2384 : vector<16xf32>
        %add3A_2386 = arith.constant 62 : i32
        %add3A_2387 = vector.broadcast %add3A_2386 : i32 to vector<16xi32>
        %add3A_2388 = arith.addi %mul3A_996, %add3A_2387 : vector<16xi32>
        %gather3A_2389 = tpu.vector_load_idx %arg18[%add3A_985, %add3A_2388] : memref<128x128xf32, #tpu.memory_space<vmem>>[vector<16xi32>, vector<16xi32>], vector<16xf32>,
        %add3A_2390 = arith.constant 62 : i32
        %add3A_2391 = vector.broadcast %add3A_2390 : i32 to vector<16xi32>
        %add3A_2392 = arith.addi %mul3A_1007, %add3A_2391 : vector<16xi32>
        %gather3A_2393 = tpu.vector_load_idx %arg19[%add3A_985, %add3A_2392] : memref<128x128xf32, #tpu.memory_space<vmem>>[vector<16xi32>, vector<16xi32>], vector<16xf32>,
        %add3A_2394 = arith.constant 62 : i32
        %add3A_2395 = vector.broadcast %add3A_2394 : i32 to vector<16xi32>
        %add3A_2396 = arith.addi %mul3A_1018, %add3A_2395 : vector<16xi32>
        %gather3A_2397 = tpu.vector_load_idx %arg20[%add3A_985, %add3A_2396] : memref<128x128xf32, #tpu.memory_space<vmem>>[vector<16xi32>, vector<16xi32>], vector<16xf32>,
        %mul3A_2398 = arith.mulf %gather3A_2389, %gather3A_2393 : vector<16xf32>
        %add3A_2399 = arith.addf %add3A_2377, %mul3A_2398 : vector<16xf32>
        %mul3A_2400 = arith.mulf %gather3A_2389, %gather3A_2397 : vector<16xf32>
        %add3A_2401 = arith.addf %add3A_2379, %mul3A_2400 : vector<16xf32>
        %mul3A_2402 = arith.mulf %gather3A_2389, %gather3A_2389 : vector<16xf32>
        %add3A_2403 = arith.addf %add3A_2385, %mul3A_2402 : vector<16xf32>
        %mul3A_2404 = arith.mulf %gather3A_2393, %gather3A_2393 : vector<16xf32>
        %add3A_2405 = arith.addf %add3A_2403, %mul3A_2404 : vector<16xf32>
        %mul3A_2406 = arith.mulf %gather3A_2397, %gather3A_2397 : vector<16xf32>
        %add3A_2407 = arith.addf %add3A_2405, %mul3A_2406 : vector<16xf32>
        %add3A_2408 = arith.constant 63 : i32
        %add3A_2409 = vector.broadcast %add3A_2408 : i32 to vector<16xi32>
        %add3A_2410 = arith.addi %mul3A_996, %add3A_2409 : vector<16xi32>
        %gather3A_2411 = tpu.vector_load_idx %arg18[%add3A_985, %add3A_2410] : memref<128x128xf32, #tpu.memory_space<vmem>>[vector<16xi32>, vector<16xi32>], vector<16xf32>,
        %add3A_2412 = arith.constant 63 : i32
        %add3A_2413 = vector.broadcast %add3A_2412 : i32 to vector<16xi32>
        %add3A_2414 = arith.addi %mul3A_1007, %add3A_2413 : vector<16xi32>
        %gather3A_2415 = tpu.vector_load_idx %arg19[%add3A_985, %add3A_2414] : memref<128x128xf32, #tpu.memory_space<vmem>>[vector<16xi32>, vector<16xi32>], vector<16xf32>,
        %add3A_2416 = arith.constant 63 : i32
        %add3A_2417 = vector.broadcast %add3A_2416 : i32 to vector<16xi32>
        %add3A_2418 = arith.addi %mul3A_1018, %add3A_2417 : vector<16xi32>
        %gather3A_2419 = tpu.vector_load_idx %arg20[%add3A_985, %add3A_2418] : memref<128x128xf32, #tpu.memory_space<vmem>>[vector<16xi32>, vector<16xi32>], vector<16xf32>,
        %mul3A_2420 = arith.mulf %gather3A_2411, %gather3A_2415 : vector<16xf32>
        %add3A_2421 = arith.addf %add3A_2399, %mul3A_2420 : vector<16xf32>
        %mul3A_2422 = arith.mulf %gather3A_2411, %gather3A_2419 : vector<16xf32>
        %add3A_2423 = arith.addf %add3A_2401, %mul3A_2422 : vector<16xf32>
        %mul3A_2424 = arith.mulf %gather3A_2411, %gather3A_2411 : vector<16xf32>
        %add3A_2425 = arith.addf %add3A_2407, %mul3A_2424 : vector<16xf32>
        %mul3A_2426 = arith.mulf %gather3A_2415, %gather3A_2415 : vector<16xf32>
        %add3A_2427 = arith.addf %add3A_2425, %mul3A_2426 : vector<16xf32>
        %mul3A_2428 = arith.mulf %gather3A_2419, %gather3A_2419 : vector<16xf32>
        %add3A_2429 = arith.addf %add3A_2427, %mul3A_2428 : vector<16xf32>
        %swap3A_2430 = arith.index_cast %add3A_981 : i32 to index
        %swap3A_2431 = tpu.vector_load %arg21[%swap3A_2430] {strides = array<i32>} : memref<512xf32, #tpu.memory_space<vmem>>, vector<16xf32>,
        tpu.vector_store %arg21[%swap3A_2430], %add3A_2421 {strides = array<i32>} : memref<512xf32, #tpu.memory_space<vmem>>, vector<16xf32>,
        %swap3A_2432 = arith.index_cast %add3A_981 : i32 to index
        %swap3A_2433 = tpu.vector_load %arg22[%swap3A_2432] {strides = array<i32>} : memref<512xf32, #tpu.memory_space<vmem>>, vector<16xf32>,
        tpu.vector_store %arg22[%swap3A_2432], %add3A_2423 {strides = array<i32>} : memref<512xf32, #tpu.memory_space<vmem>>, vector<16xf32>,
        scf.yield %add3A_2429 : vector<16xf32>
      }
      %scan3A_974 = arith.constant 8 : i32
      scf.yield %scan3A_973 : vector<16xf32>
    }
    %scan3A_408 = arith.constant 2 : i32
    %swap3A_409 = arith.constant 0 : index
    %swap3A_410 = tpu.vector_load %arg23[%swap3A_409] {strides = array<i32>} : memref<16xf32, #tpu.memory_space<vmem>>, vector<16xf32>,
    tpu.vector_store %arg23[%swap3A_409], %scan3A_407 {strides = array<i32>} : memref<16xf32, #tpu.memory_space<vmem>>, vector<16xf32>,
    "tpu.region"() ({
      %run_scoped3A = tpu.sem_alloc : memref<!tpu.dma_semaphore, #tpu.memory_space<semaphore_mem>>
      %dma_start3A_411 = tpu.memref_slice %arg7[%mul3A_2] : memref<16384xf32, #tpu.memory_space<hbm>> -> memref<512xf32, #tpu.memory_space<hbm>>
      %dma_start3A_412 = tpu.memref_slice %arg7[%mul3A_2] : memref<16384xf32, #tpu.memory_space<hbm>> -> memref<512xf32, #tpu.memory_space<hbm>>
      tpu.enqueue_dma source(%arg21 : memref<512xf32, #tpu.memory_space<vmem>>) target(%dma_start3A_412 : memref<512xf32, #tpu.memory_space<hbm>>) target_semaphore(%run_scoped3A : memref<!tpu.dma_semaphore, #tpu.memory_space<semaphore_mem>>)
      %dma_wait3A = tpu.memref_slice %arg7[%mul3A_2] : memref<16384xf32, #tpu.memory_space<hbm>> -> memref<512xf32, #tpu.memory_space<hbm>>
      %dma_wait3A_413 = tpu.memref_slice %arg7[%mul3A_2] : memref<16384xf32, #tpu.memory_space<hbm>> -> memref<512xf32, #tpu.memory_space<hbm>>
      tpu.wait_dma2 semaphore(%run_scoped3A : memref<!tpu.dma_semaphore, #tpu.memory_space<semaphore_mem>>) src(%arg21 : memref<512xf32, #tpu.memory_space<vmem>>) dst(%dma_wait3A_413 : memref<512xf32, #tpu.memory_space<hbm>>)
      tpu.yield
    }) : () -> ()
    "tpu.region"() ({
      %run_scoped3A = tpu.sem_alloc : memref<!tpu.dma_semaphore, #tpu.memory_space<semaphore_mem>>
      %dma_start3A_411 = tpu.memref_slice %arg8[%mul3A_2] : memref<16384xf32, #tpu.memory_space<hbm>> -> memref<512xf32, #tpu.memory_space<hbm>>
      %dma_start3A_412 = tpu.memref_slice %arg8[%mul3A_2] : memref<16384xf32, #tpu.memory_space<hbm>> -> memref<512xf32, #tpu.memory_space<hbm>>
      tpu.enqueue_dma source(%arg22 : memref<512xf32, #tpu.memory_space<vmem>>) target(%dma_start3A_412 : memref<512xf32, #tpu.memory_space<hbm>>) target_semaphore(%run_scoped3A : memref<!tpu.dma_semaphore, #tpu.memory_space<semaphore_mem>>)
      %dma_wait3A = tpu.memref_slice %arg8[%mul3A_2] : memref<16384xf32, #tpu.memory_space<hbm>> -> memref<512xf32, #tpu.memory_space<hbm>>
      %dma_wait3A_413 = tpu.memref_slice %arg8[%mul3A_2] : memref<16384xf32, #tpu.memory_space<hbm>> -> memref<512xf32, #tpu.memory_space<hbm>>
      tpu.wait_dma2 semaphore(%run_scoped3A : memref<!tpu.dma_semaphore, #tpu.memory_space<semaphore_mem>>) src(%arg22 : memref<512xf32, #tpu.memory_space<vmem>>) dst(%dma_wait3A_413 : memref<512xf32, #tpu.memory_space<hbm>>)
      tpu.yield
    }) : () -> ()
    "tpu.region"() ({
      %run_scoped3A = tpu.sem_alloc : memref<!tpu.dma_semaphore, #tpu.memory_space<semaphore_mem>>
      %dma_start3A_411 = arith.constant 0 : i32
      %dma_start3A_412 = tpu.memref_slice %arg9[%add3A, %dma_start3A_411] : memref<32x16xf32, #tpu.memory_space<hbm>> -> memref<1x16xf32, #tpu.memory_space<hbm>>
      %dma_start3A_413 = tpu.memref_squeeze %dma_start3A_412 : memref<1x16xf32, #tpu.memory_space<hbm>> -> memref<16xf32, #tpu.memory_space<hbm>>
      %dma_start3A_414 = arith.constant 0 : i32
      %dma_start3A_415 = tpu.memref_slice %arg9[%add3A, %dma_start3A_414] : memref<32x16xf32, #tpu.memory_space<hbm>> -> memref<1x16xf32, #tpu.memory_space<hbm>>
      %dma_start3A_416 = tpu.memref_squeeze %dma_start3A_415 : memref<1x16xf32, #tpu.memory_space<hbm>> -> memref<16xf32, #tpu.memory_space<hbm>>
      tpu.enqueue_dma source(%arg23 : memref<16xf32, #tpu.memory_space<vmem>>) target(%dma_start3A_416 : memref<16xf32, #tpu.memory_space<hbm>>) target_semaphore(%run_scoped3A : memref<!tpu.dma_semaphore, #tpu.memory_space<semaphore_mem>>)
      %dma_wait3A = arith.constant 0 : i32
      %dma_wait3A_417 = tpu.memref_slice %arg9[%add3A, %dma_wait3A] : memref<32x16xf32, #tpu.memory_space<hbm>> -> memref<1x16xf32, #tpu.memory_space<hbm>>
      %dma_wait3A_418 = tpu.memref_squeeze %dma_wait3A_417 : memref<1x16xf32, #tpu.memory_space<hbm>> -> memref<16xf32, #tpu.memory_space<hbm>>
      %dma_wait3A_419 = arith.constant 0 : i32
      %dma_wait3A_420 = tpu.memref_slice %arg9[%add3A, %dma_wait3A_419] : memref<32x16xf32, #tpu.memory_space<hbm>> -> memref<1x16xf32, #tpu.memory_space<hbm>>
      %dma_wait3A_421 = tpu.memref_squeeze %dma_wait3A_420 : memref<1x16xf32, #tpu.memory_space<hbm>> -> memref<16xf32, #tpu.memory_space<hbm>>
      tpu.wait_dma2 semaphore(%run_scoped3A : memref<!tpu.dma_semaphore, #tpu.memory_space<semaphore_mem>>) src(%arg23 : memref<16xf32, #tpu.memory_space<vmem>>) dst(%dma_wait3A_421 : memref<16xf32, #tpu.memory_space<hbm>>)
      tpu.yield
    }) : () -> ()
    return
  }
}

</mosaic_0001>

<sc_bundles>
// kernel: _sc_gather_scores.3.cloned.1.call-start
scs
__scs_entry_jumppad:
0x0: {  	(pc) =	sbr.rel $0x88, $3  }
0x1: {  	(tag) =	ssettag $0x0;
	lr =	simm.s32 $0x1  }
0x2: {  	[smem:$0x3F9C] =	sst lr;
	_ =	strace $0xD0000000  }
0x3: {  	_ = 	snop  }
0x4: {  	_ = 	snop  }
0x5: {  	_ = 	snop  }
0x6: {  	_ = 	snop  }
0x7: {  	_ = 	snop  }
__scs_overlays_trampoline_lowered:
0x8: {  	[smem:$0x3FAB] =	sst s0  }
0x9: {  	[smem:$0x3FAC] =	sst s1  }
0xa: {  	[smem:$0x3FAD] =	sst s2  }
0xb: {  	[smem:$0x3FAE] =	sst s3  }
0xc: {  	[smem:$0x3FAF] =	sst s4  }
0xd: {  	[smem:$0x3FB0] =	sst s5  }
0xe: {  	[smem:$0x3FB1] =	sst s6  }
0xf: {  	[smem:$0x3FB2] =	sst s7  }
0x10: {  	[smem:$0x3FB3] =	sst s8  }
0x11: {  	[smem:$0x3FB4] =	sst s9;
	s0 =	simm.s32 @!p0 $0x0  }
0x12: {  	s1 =	sld [smem:$0x3F9A];
	s0 =	simm.s32 @p0 $0x1  }
0x13: {  	[smem:$0x3FB5] =	sst s0;
	s0 =	simm.s32 @!p1 $0x0  }
0x14: {  	s2 =	sld [smem:$0x3F99];
	s0 =	simm.s32 @p1 $0x1  }
0x15: {  	[smem:$0x3FB6] =	sst s0;
	s0 =	simm.s32 @!p2 $0x0  }
0x16: {  	s3 =	sld [smem:$0x3FDB];
	s0 =	simm.s32 @p2 $0x1  }
0x17: {  	s4 =	simm.s32 $0x1BF5;
	[smem:$0x3FB8] =	sst s0  }
0x18: {  	s0 =	sld [smem:$0x3F9B];
	_ =	swait.ge [sflag:s4], $0x0  }
0x19: {  	s7 =	sld [smem:$0x3F9C]  }
0x1a: {  	s8 =	sadd.s32 $0xFFFFE003, lr  }
0x1b: {  	s9 =	sadd.s32 $0xFFFFFEF7, lr;
	s5 =	simm.s32 $0xFFFFFFFF;
	p2 =	slt.u32 s8, $0xFFFFF086  }
0x1c: {  	p1 =	slt.u32 s9, $0xF7A;
	s5 =	simm.s32 @!p2 $0x0  }
0x1d: {  	s5 =	simm.s32 @p1 $0x1;
	p0 =	seq.s32 s7, s2  }
0x1e: {  	s7 =	smul.u32 @!p0 $0xF7A, s2;
	p2 =	seq.s32 @!p0 s5, $0x0  }
0x1f: {  	s9 =	smul.u32 $0xF7A, s1;
	s8 =	simm.s32 @!p0 $0x1BF5;
	p2 =	por !p2, p0  }
0x20: {  	[sflag:s8] =	ssyncset.s32 @!p0 $0xFFFFF086;
	s6 =	sadd.s32 @!p0 s3, s7;
	s7 =	simm.s32 @!p0 $0x108  }
0x21: {  	s3 =	sadd.s32 s3, s9;
	s6 =	sadd.s32 @!p0 $0x88, s6;
	s7 =	simm.s32 @p2 $0x1082  }
0x22: {  	[simem:s7], [sflag:s8] =	dma.local @!p0 [hbm:s6], $0xF7A  }
0x23: {  	s9 =	sor.u32 $0xD0000000, s2;
	s6 =	simm.s32 $0x108;
	_ =	swait.ge @!p0 [sflag:s8], $0x0  }
0x24: {  	s3 =	sadd.s32 $0x88, s3;
	s6 =	simm.s32 @!p1 $0x1082;
	[sflag:s4] =	ssyncset.s32 $0xFFFFF086  }
0x25: {  	[simem:s6], [sflag:s4] =	dma.local [hbm:s3], $0xF7A  }
0x26: {  	[smem:$0x3F9C] =	sst s1;
	(tag) =	ssettag s2;
	_ =	strace s9  }
0x27: {  	s1 =	sld [smem:$0x3FAC]  }
0x28: {  	s2 =	sld [smem:$0x3FAD]  }
0x29: {  	s4 =	sld [smem:$0x3FAF]  }
0x2a: {  	p0 =	seq.s32 s5, $0x0;
	s5 =	sld [smem:$0x3FB0]  }
0x2b: {  	s6 =	sld [smem:$0x3FB1]  }
0x2c: {  	s7 =	sld [smem:$0x3FB2]  }
0x2d: {  	s3 =	simm.s32 $0x108;
	s8 =	sld [smem:$0x3FB3]  }
0x2e: {  	s3 =	simm.s32 @!p0 $0x1082;
	s9 =	sld [smem:$0x3FB4]  }
0x2f: {  	lr =	sadd.s32 s0, s3;
	s0 =	sld [smem:$0x3FAB]  }
0x30: {  	s3 =	sld [smem:$0x3FAE]  }
0x31: {  	[smem:$0x3FB7] =	sst s10  }
0x32: {  	s10 =	sld [smem:$0x3FB5];
	_ =	sdelay $0x3  }
0x33: {  	p0 =	seq.s32 s10, $0x1;
	s10 =	sld [smem:$0x3FB7];
	_ =	sdelay $0x3  }
0x34: {  	[smem:$0x3FB7] =	sst s10  }
0x35: {  	s10 =	sld [smem:$0x3FB6];
	_ =	sdelay $0x3  }
0x36: {  	p1 =	seq.s32 s10, $0x1;
	s10 =	sld [smem:$0x3FB7];
	_ =	sdelay $0x3  }
0x37: {  	[smem:$0x3FB7] =	sst s10  }
0x38: {  	s10 =	sld [smem:$0x3FB8]  }
0x39: {  	_ = 	snop;
	(pc) =	sbr.ind lr, $3  }
0x3a: {  	_ = 	snop  }
0x3b: {  	_ = 	snop  }
0x3c: {  	p2 =	seq.s32 s10, $0x1;
	s10 =	sld [smem:$0x3FB7]  }
0x3d: {  	_ =	shalt  }
0x3e: {  	_ =	shalt  }
0x3f: {  	_ =	shalt  }
0x40: {  	_ =	shalt  }
0x41: {  	_ =	shalt  }
0x42: {  	_ =	shalt  }
0x43: {  	_ =	shalt  }
0x44: {  	_ =	shalt  }
0x45: {  	_ =	shalt  }
0x46: {  	_ =	shalt  }
0x47: {  	_ =	shalt  }
0x48: {  	_ =	shalt  }
0x49: {  	_ =	shalt  }
0x4a: {  	_ =	shalt  }
0x4b: {  	_ =	shalt  }
0x4c: {  	_ =	shalt  }
0x4d: {  	_ =	shalt  }
0x4e: {  	_ =	shalt  }
0x4f: {  	_ =	shalt  }
0x50: {  	_ =	shalt  }
0x51: {  	_ =	shalt  }
0x52: {  	_ =	shalt  }
0x53: {  	_ =	shalt  }
0x54: {  	_ =	shalt  }
0x55: {  	_ =	shalt  }
0x56: {  	_ =	shalt  }
0x57: {  	_ =	shalt  }
0x58: {  	_ =	shalt  }
0x59: {  	_ =	shalt  }
0x5a: {  	_ =	shalt  }
0x5b: {  	_ =	shalt  }
0x5c: {  	_ =	shalt  }
0x5d: {  	_ =	shalt  }
0x5e: {  	_ =	shalt  }
0x5f: {  	_ =	shalt  }
0x60: {  	_ =	shalt  }
0x61: {  	_ =	shalt  }
0x62: {  	_ =	shalt  }
0x63: {  	_ =	shalt  }
0x64: {  	_ =	shalt  }
0x65: {  	_ =	shalt  }
0x66: {  	_ =	shalt  }
0x67: {  	_ =	shalt  }
0x68: {  	_ =	shalt  }
0x69: {  	_ =	shalt  }
0x6a: {  	_ =	shalt  }
0x6b: {  	_ =	shalt  }
0x6c: {  	_ =	shalt  }
0x6d: {  	_ =	shalt  }
0x6e: {  	_ =	shalt  }
0x6f: {  	_ =	shalt  }
0x70: {  	_ =	shalt  }
0x71: {  	_ =	shalt  }
0x72: {  	_ =	shalt  }
0x73: {  	_ =	shalt  }
0x74: {  	_ =	shalt  }
0x75: {  	_ =	shalt  }
0x76: {  	_ =	shalt  }
0x77: {  	_ =	shalt  }
0x78: {  	_ =	shalt  }
0x79: {  	_ =	shalt  }
0x7a: {  	_ =	shalt  }
0x7b: {  	_ =	shalt  }
0x7c: {  	_ =	shalt  }
0x7d: {  	_ =	shalt  }
0x7e: {  	_ =	shalt  }
0x7f: {  	_ =	shalt  }
0x80: {  	_ =	shalt  }
0x81: {  	_ =	shalt  }
0x82: {  	_ =	shalt  }
0x83: {  	_ =	shalt  }
0x84: {  	_ =	shalt  }
0x85: {  	_ =	shalt  }
0x86: {  	_ =	shalt  }
0x87: {  	_ =	shalt  }
.Lfunc_end0:
.L_simem_size_0:
called_computation_lowered:
.L_overlay_start_0:
0x88: {  	s2 =	sld [smem:$0x3FD9]  }
0x89: {  	s3 =	sld [smem:$0x3FFE];
	_ =	sdelay $0x1  }
0x8a: {  	s1 =	srdreg.scid  }
0x8b: {  	s0 =	sand.u32 $0x1, s1  }
0x8c: {  	s14 =	sshll.u32 s0, $0xA;
	s2 =	sadd.s32 s3, s2  }
0x8d: {  	s2 =	sadd.s32 s2, s14  }
0x8e: {  	[smem:$0x3FC3] =	sst s2  }
0x8f: {  	_ = 	snop  }
0x90: {  	s2 =	sld [smem:$0x3FC9]  }
0x91: {  	s15 =	sld [smem:$0x3FC8]  }
0x92: {  	s4 =	sld [smem:$0x3FD0]  }
0x93: {  	s5 =	sld [smem:$0x3FC7]  }
0x94: {  	s6 =	sld [smem:$0x3FC6]  }
0x95: {  	s8 =	simm.s32 $0xA;
	s9 =	simm.s32 $0x10;
	s7 =	sld [smem:$0x3FC5]  }
0x96: {  	[smem:s9], [sflag:s8] =	dma.local [hbm:s4], $0x1  }
0x97: {  	_ =	swait.eq [sflag:s8], $0x1  }
0x98: {  	[sflag:s8] =	ssyncset.done $0x0  }
0x99: {  	s16 =	sld [smem:$0x10];
	[sflag:s8] =	ssyncadd.s32 $0xFFFFFFFF  }
0x9a: {  	s17 =	sld [smem:$0x11];
	(tm) =	ssettm $0x1  }
0x9b: {  	s18 =	sld [smem:$0x3FFB];
	_ =	sdelay $0x3  }
0x9c: {  	_ =	strace s18  }
0x9d: {  	s9 =	sld [smem:$0x3FFC];
	_ =	sdelay $0x3  }
0x9e: {  	_ =	strace s9  }
0x9f: {  	s9 =	sld [smem:$0x3FFD];
	_ =	sdelay $0x3  }
0xa0: {  	_ =	strace s9  }
0xa1: {  	_ =	strace $0x8FFFFFFF  }
0xa2: {  	s19 =	sld [smem:$0x3FDB];
	_ =	sdelay $0x1  }
0xa3: {  	s10 =	simm.s32 $_scs_section_size  }
0xa4: {  	s11 =	simm.s32 $_size__tile_overlayer_lowered;
	s12 =	simm.s32 $_tile_overlayer_lowered  }
0xa5: {  	s22 =	simm.s32 $0x1BFF;
	s21 =	sshll.u32 s12, $0x1;
	s9 =	sadd.s32 s10, s19  }
0xa6: {  	s13 =	simm.s32 $0x0;
	s20 =	sshll.u32 s11, $0x1;
	s11 =	sadd.s32 s21, s9  }
0xa7: {  	[timem:s13], [sflag:s22] =	dma.local [hbm:s11], s20  }
0xa8: {  	_ =	swait.ge [sflag:s22], s20  }
0xa9: {  	s10 =	ssub.s32 $0x0, s20;
	[sflag:s22] =	ssyncset.done $0x0  }
0xaa: {  	[sflag:s22] =	ssyncadd.s32 s10;
	_ =	sdelay $0x1  }
0xab: {  	s23 =	simm.s32 $0x1B8B  }
0xac: {  	_ =	swait.ge [sflag:s23], $0x1  }
0xad: {  	[sflag:s23] =	ssyncset.done $0x0  }
0xae: {  	s25 =	simm.s32 $0x1B8E;
	s24 =	sld [smem:$0x3FFE];
	[sflag:s23] =	ssyncadd.s32 $0xFFFFFFFF  }
0xaf: {  	s26 =	simm.s32 $execute0_lowered;
	[smem:$0x3FD2] =	sst s25  }
0xb0: {  	s11 =	sshll.u32 s26, $0x1;
	_ =	strace $0x80000046;
	[dreg:$0x1] =	wrdreg $0xFFFFFFFF  }
0xb1: {  	s28 =	simm.s32 $_size_execute0_lowered;
	s9 =	sadd.s32 s9, s11;
	[dreg:$0x0] =	wrdreg $0x0  }
0xb2: {  	s11 =	sshll.u32 s28, $0x1;
	[dreg:$0x2] =	wrdreg s9  }
0xb3: {  	[dreg:$0x3] =	wrdreg s11  }
0xb4: {  	[dreg:$0x4] =	wrdreg $0xC0  }
0xb5: {  	_ =	task [dreg:s13], $0x5FFFF  }
0xb6: {  	[dreg:$0x1] =	wrdreg $0xFFFFFFFF  }
0xb7: {  	[dreg:$0x0] =	wrdreg $0x60  }
0xb8: {  	[dreg:$0x2] =	wrdreg s2  }
0xb9: {  	[dreg:$0x3] =	wrdreg s15  }
0xba: {  	[dreg:$0x4] =	wrdreg s5  }
0xbb: {  	[dreg:$0x5] =	wrdreg s6  }
0xbc: {  	[dreg:$0x6] =	wrdreg s7  }
0xbd: {  	[dreg:$0x7] =	wrdreg s16  }
0xbe: {  	[dreg:$0x8] =	wrdreg s17  }
0xbf: {  	[dreg:$0x9] =	wrdreg s24  }
0xc0: {  	[dreg:$0xa] =	wrdreg $0x9  }
0xc1: {  	_ =	task.clear_ibuf [dreg:s13], $0xBFFFF;
	_ =	strace $0x90000046  }
0xc2: {  	s29 =	simm.s32 $0x9;
	_ =	strace $0x80000048  }
0xc3: {  	_ =	swait.ge [sflag:s29], $0x1  }
0xc4: {  	[sflag:s29] =	ssyncadd.s32 $0xFFFFFFFF  }
0xc5: {  	_ =	strace $0x90000048  }
0xc6: {  	_ =	sfence  }
0xc7: {  	s30 =	sld [smem:$0x0];
	_ =	sdelay $0x2  }
0xc8: {  	s31 =	sshll.u32 s1, $0xD;
	s1 =	sshrl.u32 s1, $0x2  }
0xc9: {  	s3 =	sand.u32 $0x4000, s31;
	s1 =	sadd.s32 s1, s30  }
0xca: {  	s0 =	sor.u32 s3, s0;
	s1 =	sshll.u32 s1, $0x11  }
0xcb: {  	s0 =	sor.u32 s1, s0  }
0xcc: {  	s0 =	sadd.s32 $0x8F2B, s0  }
0xcd: {  	[sflag:s0] =	ssyncadd.remote.s32 $0x1  }
0xce: {  	_ =	sfence.sel $0xFFFF  }
0xcf: {  	[dreg:$0x0] =	wrdreg $0xFFFFFFFF;
	(pc) =	sbr.abs _section_cstart, $3  }
0xd0: {  	[dreg:$0x1] =	wrdreg $0xFFFFFFFF  }
0xd1: {  	_ =	task.clear_ibuf [dreg:s13], $0x2FFFF;
	_ =	strace $0x9FFFFFFF  }
0xd2: {  	(tm) =	ssettm $0x7FFFFFFF  }
0xd3: {  	_ =	shalt  }
tec
execute0_lowered:
.L_overlay_start_1:
0x0: {  	(tag) =	ssettag $0x1  }
0x1: {  	s0 =	rddreg [dreg:$0x0]  }
0x2: {  	s3 =	rddreg [dreg:$0x1]  }
0x3: {  	s5 =	rddreg [dreg:$0x2]  }
0x4: {  	s1 =	rddreg [dreg:$0x3]  }
0x5: {  	s2 =	rddreg [dreg:$0x4]  }
0x6: {  	s6 =	rddreg [dreg:$0x5]  }
0x7: {  	s7 =	rddreg [dreg:$0x6]  }
0x8: {  	s8 =	rddreg [dreg:$0x7]  }
0x9: {  	s9 =	srdreg.scid;
	s10 =	stileid.u32;
	s4 =	simm.s32 $0x0  }
0xa: {  	s12 =	simm.s32 $0x3;
	s15 =	simm.s32 $0x80;
	s16 =	simm.s32 $0x600  }
0xb: {  	s17 =	simm.s32 $0xA00;
	s18 =	simm.s32 $0x680;
	s19 =	simm.s32 $0x4A00  }
0xc: {  	s20 =	simm.s32 $0x700;
	s21 =	simm.s32 $0x8A00;
	s22 =	simm.s32 $0x800  }
0xd: {  	s23 =	simm.s32 $0xCA00;
	s28 =	simm.s32 $0x14A00;
	s29 =	simm.s32 $0x1  }
0xe: {  	s30 =	simm.s32 $0x2;
	s9 =	sand.u32 $0x1, s9;
	s10 =	sshll.u32 s10, $0x1  }
0xf: {  	s13 =	simm.s32 $0x0;
	[smem:$0x7FF] =	sst s4;
	s10 =	sor.u32 s9, s10  }
0x10: {  	s9 =	ssub.s32 $0x2, s9;
	s11 =	sshll.u32 s10, $0x4;
	s10 =	sshll.u32 s10, $0x6  }
0x11: {  	_ =	strace $0x80000047;
	s24 =	sshrl.u32 s9, $0x1;
	s0 =	sadd.s32 s0, s10  }
0x12: {  	s8 =	sadd.s32 s11, s8;
	s25 =	sadd.s32 s3, s10;
	[dreg:$0x9] =	wrdreg s0  }
0x13: {  	v0 =	vlaneseq.u32;
	s11 =	ssub.s32 s9, s24;
	s26 =	sadd.s32 s5, s10;
	[dreg:$0xa] =	wrdreg s25  }
0x14: {  	v14 =	vmul.u32 $0x80, v0;
	s31 =	sadd.s32 s6, s10;
	s9 =	sadd.s32 s7, s10;
	[dreg:$0xb] =	wrdreg s26  }
0x15: {  	s24 =	simm.s32 $0x880;
	[dreg:$0xc] =	wrdreg s31;
	s10 =	sadd.s32 $0x800, s8  }
0x16: {  	[tilespmem:$0x1FFF0] =	vst v14;
	s11 =	smax.u32 s11, $0x1;
	s25 =	simm.s32 $0x10A00;
	s26 =	simm.s32 $0x900  }
.LBB2_1:
0x17: {  	s0 =	rddreg [dreg:$0x9]  }
0x18: {  	[tilespmem:s4], [sflag:$0x3] =	stream.linear.gather [hbm4b:s0+s4], $0x200, $0x38;
	[tilespmem:$0x18E80] =	vst v63  }
0x19: {  	_ =	swait.ge [sflag:s12], $0x200  }
0x1a: {  	[sflag:s12] =	ssyncset.done $0x0  }
0x1b: {  	s3 =	simm.s32 $0x200;
	s8 =	rddreg [dreg:$0xa];
	[sflag:s12] =	ssyncadd.s32 $0xFFFFFE00  }
0x1c: {  	[tilespmem:s3], [sflag:$0x3] =	stream.linear.gather [hbm4b:s8+s4], $0x200, $0x38;
	[tilespmem:$0x18E80] =	vst v63  }
0x1d: {  	_ =	swait.ge [sflag:s12], $0x200  }
0x1e: {  	[sflag:s12] =	ssyncset.done $0x0  }
0x1f: {  	s31 =	simm.s32 $0x400;
	s14 =	rddreg [dreg:$0xb];
	[sflag:s12] =	ssyncadd.s32 $0xFFFFFE00  }
0x20: {  	[tilespmem:s31], [sflag:$0x3] =	stream.linear.gather [hbm4b:s14+s4], $0x200, $0x38;
	[tilespmem:$0x18E80] =	vst v63  }
0x21: {  	_ =	swait.ge [sflag:s12], $0x200  }
0x22: {  	[sflag:s12] =	ssyncset.done $0x0  }
0x23: {  	[sflag:s12] =	ssyncadd.s32 $0xFFFFFE00  }
0x24: {  	v0 =	vld [tilespmem:$0x0]  }
0x25: {  	v1 =	vld [tilespmem:$0x10]  }
0x26: {  	v2 =	vld [tilespmem:$0x20]  }
0x27: {  	v3 =	vld [tilespmem:$0x30]  }
0x28: {  	v5 =	vld [tilespmem:$0x40]  }
0x29: {  	v6 =	vld [tilespmem:$0x50]  }
0x2a: {  	v56 =	vld [tilespmem:$0x200]  }
0x2b: {  	v12 =	vld [tilespmem:$0x220]  }
0x2c: {  	v13 =	vld [tilespmem:$0x240]  }
0x2d: {  	v17 =	vld [tilespmem:$0x260]  }
0x2e: {  	v25 =	vld [tilespmem:$0x410];
	v4 =	vshrl.u32 v0, $0x1;
	v0 =	vand.u32 $0x3FFF, v0  }
0x2f: {  	v35 =	vld [tilespmem:$0x440];
	v52 =	vshrl.u32 v1, $0x1;
	v1 =	vand.u32 $0x3FFF, v1;
	v7 =	vshrl.u32 v2, $0x1  }
0x30: {  	v54 =	vshrl.u32 v3, $0x1;
	v2 =	vand.u32 $0x3FFF, v2;
	v3 =	vand.u32 $0x3FFF, v3  }
0x31: {  	v8 =	vld [tilespmem:$0x60];
	v55 =	vshrl.u32 v5, $0x1;
	v5 =	vand.u32 $0x3FFF, v5;
	v10 =	vshrl.u32 v6, $0x1  }
0x32: {  	v6 =	vand.u32 $0x3FFF, v6;
	v61 =	vand.u32 $0x3FFF, v56;
	v16 =	vshrl.u32 v12, $0x1  }
0x33: {  	v18 =	vand.u32 $0x3FFF, v12;
	v20 =	vshrl.u32 v13, $0x1;
	v30 =	vand.u32 $0x3FFF, v17  }
0x34: {  	v37 =	vshrl.u32 v25, $0x1;
	v41 =	vand.u32 $0x3FFF, v25;
	v49 =	vshrl.u32 v35, $0x1  }
0x35: {  	v9 =	vld [tilespmem:$0x70];
	v4 =	vand.u32 $0x7FFFC000, v4;
	v53 =	vand.u32 $0x7FFFC000, v7;
	v7 =	vand.u32 $0x7FFFC000, v54  }
0x36: {  	v57 =	vand.u32 $0x7FFFC000, v10;
	v10 =	vshrl.u32 v8, $0x1;
	v8 =	vand.u32 $0x3FFF, v8  }
0x37: {  	v39 =	vand.u32 $0x7FFFC000, v37;
	v51 =	vand.u32 $0x7FFFC000, v49;
	v0 =	vor.u32 v0, v4  }
0x38: {  	v43 =	vld [tilespmem:$0x460];
	v4 =	vand.u32 $0x7FFFC000, v52;
	v2 =	vor.u32 v2, v53;
	v3 =	vor.u32 v3, v7;
	[tilespmem:$0x600] =	vst v0  }
0x39: {  	v11 =	vld [tilespmem:$0x210];
	v10 =	vand.u32 $0x7FFFC000, v10;
	v53 =	vand.u32 $0x3FFF, v35;
	v1 =	vor.u32 v1, v4;
	[tilespmem:$0x620] =	vst v2  }
0x3a: {  	v4 =	vand.u32 $0x7FFFC000, v55;
	v58 =	vor.u32 v8, v10;
	v8 =	vshrl.u32 v9, $0x1;
	[tilespmem:$0x630] =	vst v3  }
0x3b: {  	v3 =	vand.u32 $0x7FFFC000, v16;
	v55 =	vor.u32 v53, v51;
	v4 =	vor.u32 v5, v4;
	[tilespmem:$0x610] =	vst v1  }
0x3c: {  	v46 =	vld [tilespmem:$0x470];
	v5 =	vor.u32 v6, v57;
	v59 =	vand.u32 $0x7FFFC000, v8;
	v8 =	vand.u32 $0x3FFF, v9;
	[tilespmem:$0x660] =	vst v58  }
0x3d: {  	v10 =	vld [tilespmem:$0x230];
	v9 =	vshrl.u32 v56, $0x1;
	v3 =	vor.u32 v18, v3;
	v57 =	vshrl.u32 v43, $0x1;
	[tilespmem:$0x740] =	vst v55  }
0x3e: {  	v0 =	vor.u32 v8, v59;
	v60 =	vand.u32 $0x7FFFC000, v9;
	v8 =	vshrl.u32 v11, $0x1;
	[tilespmem:$0x640] =	vst v4  }
0x3f: {  	[tilespmem:$0x650] =	vst v5;
	v5 =	vand.u32 $0x7FFFC000, v20;
	v58 =	vand.u32 $0x7FFFC000, v57;
	v59 =	vand.u32 $0x3FFF, v43  }
0x40: {  	v9 =	vld [tilespmem:$0x250];
	[tilespmem:$0x6A0] =	vst v3;
	v62 =	vand.u32 $0x7FFFC000, v8;
	v8 =	vand.u32 $0x3FFF, v11;
	v1 =	vor.u32 v61, v60  }
0x41: {  	v11 =	vld [tilespmem:$0x270];
	[tilespmem:$0x670] =	vst v0;
	v0 =	vor.u32 v41, v39;
	v60 =	vshrl.u32 v46, $0x1;
	v63 =	vor.u32 v8, v62  }
0x42: {  	[tilespmem:$0x680] =	vst v1;
	v61 =	vand.u32 $0x7FFFC000, v60;
	v8 =	vshrl.u32 v10, $0x1;
	v21 =	vand.u32 $0x3FFF, v10;
	v10 =	vld [tilespmem:$0x400]  }
0x43: {  	[tilespmem:$0x710] =	vst v0;
	v62 =	vand.u32 $0x3FFF, v46;
	v19 =	vand.u32 $0x7FFFC000, v8;
	v8 =	vand.u32 $0x3FFF, v13  }
0x44: {  	v0 =	vor.u32 v59, v58;
	[tilespmem:$0x690] =	vst v63;
	v63 =	vor.u32 v62, v61;
	v23 =	vor.u32 v8, v5  }
0x45: {  	[tilespmem:$0x760] =	vst v0;
	v24 =	vshrl.u32 v9, $0x1;
	v27 =	vand.u32 $0x3FFF, v9;
	v8 =	vshrl.u32 v17, $0x1;
	v9 =	vld [tilespmem:$0x420]  }
0x46: {  	[tilespmem:$0x770] =	vst v63;
	v22 =	vor.u32 v21, v19;
	v26 =	vand.u32 $0x7FFFC000, v24;
	v28 =	vand.u32 $0x7FFFC000, v8;
	v8 =	vld [tilespmem:$0x430]  }
0x47: {  	v29 =	vshrl.u32 v11, $0x1;
	[tilespmem:$0x6B0] =	vst v22;
	v34 =	vshrl.u32 v10, $0x1;
	v36 =	vand.u32 $0x3FFF, v10;
	v10 =	vld [tilespmem:$0x450]  }
0x48: {  	v31 =	vand.u32 $0x3FFF, v11;
	[tilespmem:$0x6C0] =	vst v23;
	v1 =	vor.u32 v27, v26;
	v5 =	vand.u32 $0x7FFFC000, v29  }
0x49: {  	v32 =	vor.u32 v30, v28;
	v33 =	vor.u32 v31, v5;
	[tilespmem:$0x6D0] =	vst v1;
	v3 =	vand.u32 $0x7FFFC000, v34  }
0x4a: {  	[tilespmem:$0x6E0] =	vst v32;
	v38 =	vor.u32 v36, v3;
	v40 =	vshrl.u32 v9, $0x1;
	v42 =	vand.u32 $0x3FFF, v9  }
0x4b: {  	[tilespmem:$0x6F0] =	vst v33;
	v4 =	vand.u32 $0x7FFFC000, v40;
	v45 =	vshrl.u32 v8, $0x1;
	v48 =	vand.u32 $0x3FFF, v8  }
0x4c: {  	[tilespmem:$0x700] =	vst v38;
	v44 =	vor.u32 v42, v4;
	v47 =	vand.u32 $0x7FFFC000, v45;
	v52 =	vshrl.u32 v10, $0x1  }
0x4d: {  	v50 =	vor.u32 v48, v47;
	[tilespmem:$0x720] =	vst v44;
	v54 =	vand.u32 $0x3FFF, v10;
	v3 =	vand.u32 $0x7FFFC000, v52  }
0x4e: {  	[tilespmem:$0x730] =	vst v50;
	v56 =	vor.u32 v54, v3  }
0x4f: {  	[tilespmem:$0x750] =	vst v56  }
0x50: {  	[tilespmem:s17], [sflag:$0x1] =	stream.indirect.gather [hbm4b:s1+s15], $0x80, s16, s15, $0xb8;
	[tilespmem:$0x18E80] =	vst v63  }
0x51: {  	_ = 	snop  }
0x52: {  	[tilespmem:s19], [sflag:$0x1] =	stream.indirect.gather [hbm4b:s2+s15], $0x80, s18, s15, $0xb8;
	[tilespmem:$0x18E80] =	vst v63  }
0x53: {  	p2 =	por $0x1, $0x1;
	p1 =	por $0x0, $0x0;
	s14 =	simm.s32 $0x0  }
0x54: {  	v11 =	vimm.f32 $0.0e+00;
	[tilespmem:s21], [sflag:$0x1] =	stream.indirect.gather [hbm4b:s2+s15], $0x80, s20, s15, $0xb8;
	[tilespmem:$0x18E80] =	vst v63  }
.LBB2_2:
0x55: {  	s0 =	sor.u32 $0x80, s14  }
0x56: {  	v0 =	vld [tilespmem:s0+$0x0];
	_ =	sdelay $0x4  }
0x57: {  	v1 =	vshrl.u32 v0, $0x1  }
0x58: {  	v0 =	vand.u32 $0x3FFF, v0;
	v1 =	vand.u32 $0x7FFFC000, v1  }
0x59: {  	v0 =	vor.u32 v0, v1  }
0x5a: {  	s7 =	sor.u32 $0x90, s14;
	[tilespmem:$0x800] =	vst v0  }
0x5b: {  	v0 =	vld [tilespmem:s7+$0x0];
	_ =	sdelay $0x4  }
0x5c: {  	v41 =	vshrl.u32 v0, $0x1  }
0x5d: {  	v0 =	vand.u32 $0x3FFF, v0;
	v1 =	vand.u32 $0x7FFFC000, v41  }
0x5e: {  	v0 =	vor.u32 v0, v1  }
0x5f: {  	s8 =	sor.u32 $0xA0, s14;
	[tilespmem:$0x810] =	vst v0  }
0x60: {  	v0 =	vld [tilespmem:s8+$0x0];
	_ =	sdelay $0x4  }
0x61: {  	v42 =	vshrl.u32 v0, $0x1  }
0x62: {  	v0 =	vand.u32 $0x3FFF, v0;
	v1 =	vand.u32 $0x7FFFC000, v42  }
0x63: {  	v0 =	vor.u32 v0, v1  }
0x64: {  	s3 =	sor.u32 $0xB0, s14;
	[tilespmem:$0x820] =	vst v0  }
0x65: {  	v0 =	vld [tilespmem:s3+$0x0];
	_ =	sdelay $0x4  }
0x66: {  	v43 =	vshrl.u32 v0, $0x1  }
0x67: {  	v0 =	vand.u32 $0x3FFF, v0;
	v1 =	vand.u32 $0x7FFFC000, v43  }
0x68: {  	v0 =	vor.u32 v0, v1  }
0x69: {  	s5 =	sor.u32 $0xC0, s14;
	[tilespmem:$0x830] =	vst v0  }
0x6a: {  	v0 =	vld [tilespmem:s5+$0x0];
	_ =	sdelay $0x4  }
0x6b: {  	v44 =	vshrl.u32 v0, $0x1  }
0x6c: {  	v0 =	vand.u32 $0x3FFF, v0;
	v1 =	vand.u32 $0x7FFFC000, v44  }
0x6d: {  	v0 =	vor.u32 v0, v1  }
0x6e: {  	s6 =	sor.u32 $0xD0, s14;
	[tilespmem:$0x840] =	vst v0  }
0x6f: {  	v0 =	vld [tilespmem:s6+$0x0];
	_ =	sdelay $0x4  }
0x70: {  	v45 =	vshrl.u32 v0, $0x1  }
0x71: {  	v0 =	vand.u32 $0x3FFF, v0;
	v1 =	vand.u32 $0x7FFFC000, v45  }
0x72: {  	v0 =	vor.u32 v0, v1  }
0x73: {  	s7 =	sor.u32 $0xE0, s14;
	[tilespmem:$0x850] =	vst v0  }
0x74: {  	v0 =	vld [tilespmem:s7+$0x0];
	_ =	sdelay $0x4  }
0x75: {  	v46 =	vshrl.u32 v0, $0x1  }
0x76: {  	v0 =	vand.u32 $0x3FFF, v0;
	v1 =	vand.u32 $0x7FFFC000, v46  }
0x77: {  	v0 =	vor.u32 v0, v1  }
0x78: {  	s8 =	sor.u32 $0xF0, s14;
	[tilespmem:$0x860] =	vst v0  }
0x79: {  	v0 =	vld [tilespmem:s8+$0x0];
	_ =	sdelay $0x4  }
0x7a: {  	v47 =	vshrl.u32 v0, $0x1  }
0x7b: {  	v0 =	vand.u32 $0x3FFF, v0;
	v1 =	vand.u32 $0x7FFFC000, v47  }
0x7c: {  	v0 =	vor.u32 v0, v1  }
0x7d: {  	[tilespmem:$0x870] =	vst v0  }
0x7e: {  	v0 =	vld [tilespmem:s14+$0x280];
	_ =	sdelay $0x4  }
0x7f: {  	v48 =	vshrl.u32 v0, $0x1  }
0x80: {  	v0 =	vand.u32 $0x3FFF, v0;
	v1 =	vand.u32 $0x7FFFC000, v48  }
0x81: {  	v0 =	vor.u32 v0, v1  }
0x82: {  	[tilespmem:$0x880] =	vst v0  }
0x83: {  	v0 =	vld [tilespmem:s14+$0x290];
	_ =	sdelay $0x4  }
0x84: {  	v49 =	vshrl.u32 v0, $0x1  }
0x85: {  	v0 =	vand.u32 $0x3FFF, v0;
	v1 =	vand.u32 $0x7FFFC000, v49  }
0x86: {  	v0 =	vor.u32 v0, v1  }
0x87: {  	[tilespmem:$0x890] =	vst v0  }
0x88: {  	v0 =	vld [tilespmem:s14+$0x2A0];
	_ =	sdelay $0x4  }
0x89: {  	v50 =	vshrl.u32 v0, $0x1  }
0x8a: {  	v0 =	vand.u32 $0x3FFF, v0;
	v1 =	vand.u32 $0x7FFFC000, v50  }
0x8b: {  	v0 =	vor.u32 v0, v1  }
0x8c: {  	[tilespmem:$0x8A0] =	vst v0  }
0x8d: {  	v0 =	vld [tilespmem:s14+$0x2B0];
	_ =	sdelay $0x4  }
0x8e: {  	v51 =	vshrl.u32 v0, $0x1  }
0x8f: {  	v0 =	vand.u32 $0x3FFF, v0;
	v1 =	vand.u32 $0x7FFFC000, v51  }
0x90: {  	v0 =	vor.u32 v0, v1  }
0x91: {  	[tilespmem:$0x8B0] =	vst v0  }
0x92: {  	v0 =	vld [tilespmem:s14+$0x2C0];
	_ =	sdelay $0x4  }
0x93: {  	v52 =	vshrl.u32 v0, $0x1  }
0x94: {  	v0 =	vand.u32 $0x3FFF, v0;
	v1 =	vand.u32 $0x7FFFC000, v52  }
0x95: {  	v0 =	vor.u32 v0, v1  }
0x96: {  	[tilespmem:$0x8C0] =	vst v0  }
0x97: {  	v0 =	vld [tilespmem:s14+$0x2D0];
	_ =	sdelay $0x4  }
0x98: {  	v53 =	vshrl.u32 v0, $0x1  }
0x99: {  	v0 =	vand.u32 $0x3FFF, v0;
	v1 =	vand.u32 $0x7FFFC000, v53  }
0x9a: {  	v0 =	vor.u32 v0, v1  }
0x9b: {  	[tilespmem:$0x8D0] =	vst v0  }
0x9c: {  	v0 =	vld [tilespmem:s14+$0x2E0];
	_ =	sdelay $0x4  }
0x9d: {  	v54 =	vshrl.u32 v0, $0x1  }
0x9e: {  	v0 =	vand.u32 $0x3FFF, v0;
	v1 =	vand.u32 $0x7FFFC000, v54  }
0x9f: {  	v0 =	vor.u32 v0, v1  }
0xa0: {  	[tilespmem:$0x8E0] =	vst v0  }
0xa1: {  	v0 =	vld [tilespmem:s14+$0x2F0];
	_ =	sdelay $0x4  }
0xa2: {  	v55 =	vshrl.u32 v0, $0x1  }
0xa3: {  	v0 =	vand.u32 $0x3FFF, v0;
	v1 =	vand.u32 $0x7FFFC000, v55  }
0xa4: {  	v0 =	vor.u32 v0, v1  }
0xa5: {  	[tilespmem:$0x8F0] =	vst v0  }
0xa6: {  	v0 =	vld [tilespmem:s14+$0x480];
	_ =	sdelay $0x4  }
0xa7: {  	v56 =	vshrl.u32 v0, $0x1  }
0xa8: {  	v0 =	vand.u32 $0x3FFF, v0;
	v1 =	vand.u32 $0x7FFFC000, v56  }
0xa9: {  	v0 =	vor.u32 v0, v1  }
0xaa: {  	[tilespmem:$0x900] =	vst v0  }
0xab: {  	v0 =	vld [tilespmem:s14+$0x490];
	_ =	sdelay $0x4  }
0xac: {  	v57 =	vshrl.u32 v0, $0x1  }
0xad: {  	v0 =	vand.u32 $0x3FFF, v0;
	v1 =	vand.u32 $0x7FFFC000, v57  }
0xae: {  	v0 =	vor.u32 v0, v1  }
0xaf: {  	[tilespmem:$0x910] =	vst v0  }
0xb0: {  	v0 =	vld [tilespmem:s14+$0x4A0];
	_ =	sdelay $0x4  }
0xb1: {  	v58 =	vshrl.u32 v0, $0x1  }
0xb2: {  	v0 =	vand.u32 $0x3FFF, v0;
	v1 =	vand.u32 $0x7FFFC000, v58  }
0xb3: {  	v0 =	vor.u32 v0, v1  }
0xb4: {  	[tilespmem:$0x920] =	vst v0  }
0xb5: {  	v0 =	vld [tilespmem:s14+$0x4B0];
	_ =	sdelay $0x4  }
0xb6: {  	v59 =	vshrl.u32 v0, $0x1  }
0xb7: {  	v0 =	vand.u32 $0x3FFF, v0;
	v1 =	vand.u32 $0x7FFFC000, v59  }
0xb8: {  	v0 =	vor.u32 v0, v1  }
0xb9: {  	[tilespmem:$0x930] =	vst v0  }
0xba: {  	v0 =	vld [tilespmem:s14+$0x4C0];
	_ =	sdelay $0x4  }
0xbb: {  	v60 =	vshrl.u32 v0, $0x1  }
0xbc: {  	v0 =	vand.u32 $0x3FFF, v0;
	v1 =	vand.u32 $0x7FFFC000, v60  }
0xbd: {  	v0 =	vor.u32 v0, v1  }
0xbe: {  	[tilespmem:$0x940] =	vst v0  }
0xbf: {  	v0 =	vld [tilespmem:s14+$0x4D0];
	_ =	sdelay $0x4  }
0xc0: {  	v61 =	vshrl.u32 v0, $0x1  }
0xc1: {  	v0 =	vand.u32 $0x3FFF, v0;
	v1 =	vand.u32 $0x7FFFC000, v61  }
0xc2: {  	v0 =	vor.u32 v0, v1  }
0xc3: {  	[tilespmem:$0x950] =	vst v0  }
0xc4: {  	v0 =	vld [tilespmem:s14+$0x4E0];
	_ =	sdelay $0x4  }
0xc5: {  	v62 =	vshrl.u32 v0, $0x1  }
0xc6: {  	v0 =	vand.u32 $0x3FFF, v0;
	v1 =	vand.u32 $0x7FFFC000, v62  }
0xc7: {  	v0 =	vor.u32 v0, v1  }
0xc8: {  	[tilespmem:$0x960] =	vst v0  }
0xc9: {  	v0 =	vld [tilespmem:s14+$0x4F0];
	_ =	sdelay $0x4  }
0xca: {  	v63 =	vshrl.u32 v0, $0x1  }
0xcb: {  	v0 =	vand.u32 $0x3FFF, v0;
	v1 =	vand.u32 $0x7FFFC000, v63  }
0xcc: {  	v0 =	vor.u32 v0, v1  }
0xcd: {  	[tilespmem:$0x970] =	vst v0  }
0xce: {  	[tilespmem:s23], [sflag:$0x2] =	stream.indirect.gather [hbm4b:s1+s15], $0x80, s22, s15, $0xb8;
	[tilespmem:$0x18E80] =	vst v63  }
0xcf: {  	_ = 	snop  }
0xd0: {  	[tilespmem:s25], [sflag:$0x2] =	stream.indirect.gather [hbm4b:s2+s15], $0x80, s24, s15, $0xb8;
	[tilespmem:$0x18E80] =	vst v63  }
0xd1: {  	_ = 	snop  }
0xd2: {  	[tilespmem:s28], [sflag:$0x2] =	stream.indirect.gather [hbm4b:s2+s15], $0x80, s26, s15, $0xb8;
	[tilespmem:$0x18E80] =	vst v63  }
0xd3: {  	_ =	swait.ge [sflag:s29], $0x4000  }
0xd4: {  	[sflag:s29] =	ssyncset.done $0x0  }
0xd5: {  	[sflag:s29] =	ssyncadd.s32 $0xFFFFC000  }
0xd6: {  	_ =	swait.ge [sflag:s29], $0x4000  }
0xd7: {  	s31 =	sshll.u32 s14, $0x2;
	[sflag:s29] =	ssyncset.done $0x0  }
0xd8: {  	s0 =	sshra.s32 s31, $0x2;
	[sflag:s29] =	ssyncadd.s32 $0xFFFFC000  }
0xd9: {  	p0 =	por p2, p2;
	s3 =	sadd.s32 $0x200, s0;
	_ =	swait.ge [sflag:s29], $0x4000  }
0xda: {  	s5 =	sadd.s32 $0x400, s0;
	s6 =	sadd.s32 $0x18A00, s0;
	[sflag:s29] =	ssyncset.done $0x0  }
0xdb: {  	s7 =	sadd.s32 $0x18C00, s0;
	s8 =	simm.s32 $0x0;
	[sflag:s29] =	ssyncadd.s32 $0xFFFFC000  }
.LBB2_3:
0xdc: {  	v0 =	vld [tilespmem:s0+$0x0];
	_ =	sdelay $0x1  }
0xdd: {  	v1 =	vld [tilespmem:s3+$0x0];
	_ =	sdelay $0x1  }
0xde: {  	v2 =	vmov s8;
	v3 =	vld [tilespmem:s5+$0x0]  }
0xdf: {  	v2 =	vshll.u32 v2, $0x7;
	v0 =	vshrl.u32 v0, $0x8  }
0xe0: {  	v4 =	vor.u32 v14, v2;
	v0 =	vand.u32 $0x40, v0  }
0xe1: {  	v1 =	vshrl.u32 v1, $0x8;
	v2 =	vor.u32 v4, v0  }
0xe2: {  	v28 =	vand.u32 $0x40, v1  }
0xe3: {  	v29 =	vshrl.u32 v3, $0x8;
	v3 =	vor.u32 v4, v28  }
0xe4: {  	v30 =	vand.u32 $0x40, v29  }
0xe5: {  	v1 =	vor.u32 v4, v30  }
0xe6: {  	v24 =	vld.idx.msk [tilespmem:v2+s17+$0x0], $0xffff  }
0xe7: {  	v31 =	vor.u32 $0x1, v2  }
0xe8: {  	v6 =	vld.idx.msk [tilespmem:v3+s19+$0x0], $0xffff  }
0xe9: {  	v32 =	vor.u32 $0x1, v3  }
0xea: {  	v36 =	vld.idx.msk [tilespmem:v1+s21+$0x0], $0xffff  }
0xeb: {  	v7 =	vor.u32 $0x1, v1;
	v5 =	vmul.f32 v24, v24  }
0xec: {  	v38 =	vld.idx.msk [tilespmem:v31+s17+$0x0], $0xffff  }
0xed: {  	v8 =	vor.u32 $0x2, v2;
	v34 =	vmul.f32 v6, v6;
	v33 =	vadd.f32 v5, v11  }
0xee: {  	v52 =	vld.idx.msk [tilespmem:v32+s19+$0x0], $0xffff  }
0xef: {  	v37 =	vor.u32 $0x2, v3;
	v35 =	vmul.f32 v36, v36;
	v0 =	vadd.f32 v34, v33  }
0xf0: {  	v54 =	vld.idx.msk [tilespmem:v7+s21+$0x0], $0xffff  }
0xf1: {  	v40 =	vor.u32 $0x2, v1;
	v39 =	vmul.f32 v38, v38;
	v0 =	vadd.f32 v35, v0  }
0xf2: {  	v25 =	vld.idx.msk [tilespmem:v8+s17+$0x0], $0xffff  }
0xf3: {  	v8 =	vor.u32 $0x3, v2;
	v41 =	vmul.f32 v52, v52;
	v0 =	vadd.f32 v39, v0  }
0xf4: {  	v10 =	vld.idx.msk [tilespmem:v37+s19+$0x0], $0xffff  }
0xf5: {  	v43 =	vor.u32 $0x3, v3;
	v42 =	vmul.f32 v54, v54;
	v0 =	vadd.f32 v41, v0  }
0xf6: {  	v49 =	vld.idx.msk [tilespmem:v40+s21+$0x0], $0xffff  }
0xf7: {  	v9 =	vor.u32 $0x3, v1;
	v44 =	vmul.f32 v25, v25;
	v4 =	vadd.f32 v42, v0  }
0xf8: {  	v37 =	vld.idx.msk [tilespmem:v8+s17+$0x0], $0xffff  }
0xf9: {  	v45 =	vmul.f32 v10, v10;
	v8 =	vor.u32 $0x4, v2;
	v4 =	vadd.f32 v44, v4  }
0xfa: {  	v0 =	vld.idx.msk [tilespmem:v43+s19+$0x0], $0xffff  }
0xfb: {  	v47 =	vor.u32 $0x4, v3;
	v46 =	vmul.f32 v49, v49;
	v4 =	vadd.f32 v45, v4  }
0xfc: {  	[tilespmem:$0x1FC40] =	vst v10;
	v10 =	vld.idx.msk [tilespmem:v9+s21+$0x0], $0xffff  }
0xfd: {  	v9 =	vor.u32 $0x4, v1;
	v48 =	vmul.f32 v37, v37;
	v4 =	vadd.f32 v46, v4  }
0xfe: {  	v18 =	vld.idx.msk [tilespmem:v8+s17+$0x0], $0xffff  }
0xff: {  	v8 =	vor.u32 $0x5, v2;
	v50 =	vmul.f32 v0, v0;
	v4 =	vadd.f32 v48, v4  }
0x100: {  	v11 =	vld.idx.msk [tilespmem:v47+s19+$0x0], $0xffff  }
0x101: {  	v53 =	vor.u32 $0x5, v3;
	v51 =	vmul.f32 v10, v10;
	v4 =	vadd.f32 v50, v4  }
0x102: {  	v12 =	vld.idx.msk [tilespmem:v9+s21+$0x0], $0xffff  }
0x103: {  	[tilespmem:$0x1FC50] =	vst v10;
	v10 =	vor.u32 $0x5, v1;
	v9 =	vmul.f32 v18, v18;
	v5 =	vadd.f32 v51, v4  }
0x104: {  	v4 =	vld.idx.msk [tilespmem:v8+s17+$0x0], $0xffff  }
0x105: {  	v8 =	vmul.f32 v11, v11;
	v5 =	vadd.f32 v9, v5;
	v9 =	vor.u32 $0x6, v2  }
0x106: {  	v13 =	vld.idx.msk [tilespmem:v53+s19+$0x0], $0xffff  }
0x107: {  	v55 =	vmul.f32 v12, v12;
	v5 =	vadd.f32 v8, v5;
	v8 =	vor.u32 $0x6, v3  }
0x108: {  	[tilespmem:$0x1FC60] =	vst v11;
	v11 =	vld.idx.msk [tilespmem:v10+s21+$0x0], $0xffff  }
0x109: {  	v10 =	vor.u32 $0x6, v1;
	v56 =	vmul.f32 v4, v4;
	v5 =	vadd.f32 v55, v5  }
0x10a: {  	v19 =	vld.idx.msk [tilespmem:v9+s17+$0x0], $0xffff  }
0x10b: {  	v57 =	vmul.f32 v13, v13;
	v9 =	vor.u32 $0x7, v2;
	v5 =	vadd.f32 v56, v5  }
0x10c: {  	[tilespmem:$0x1FC70] =	vst v12;
	v12 =	vld.idx.msk [tilespmem:v8+s19+$0x0], $0xffff  }
0x10d: {  	v58 =	vmul.f32 v11, v11;
	v8 =	vor.u32 $0x7, v3;
	v5 =	vadd.f32 v57, v5  }
0x10e: {  	[tilespmem:$0x1FC90] =	vst v11;
	v11 =	vld.idx.msk [tilespmem:v10+s21+$0x0], $0xffff  }
0x10f: {  	v10 =	vor.u32 $0x7, v1;
	v5 =	vadd.f32 v58, v5;
	v59 =	vmul.f32 v19, v19  }
0x110: {  	v15 =	vld.idx.msk [tilespmem:v9+s17+$0x0], $0xffff  }
0x111: {  	v9 =	vor.u32 $0x8, v2;
	v5 =	vadd.f32 v59, v5;
	v60 =	vmul.f32 v12, v12  }
0x112: {  	[tilespmem:$0x1FCA0] =	vst v12;
	v12 =	vld.idx.msk [tilespmem:v8+s19+$0x0], $0xffff  }
0x113: {  	v61 =	vmul.f32 v11, v11;
	v8 =	vor.u32 $0x8, v3;
	v5 =	vadd.f32 v60, v5  }
0x114: {  	[tilespmem:$0x1FC80] =	vst v13;
	v13 =	vld.idx.msk [tilespmem:v10+s21+$0x0], $0xffff  }
0x115: {  	[tilespmem:$0x1FCB0] =	vst v11;
	v11 =	vor.u32 $0x8, v1;
	v10 =	vmul.f32 v15, v15;
	v7 =	vadd.f32 v61, v5  }
0x116: {  	v40 =	vld.idx.msk [tilespmem:v9+s17+$0x0], $0xffff  }
0x117: {  	v9 =	vmul.f32 v12, v12;
	v7 =	vadd.f32 v10, v7;
	v10 =	vor.u32 $0x9, v2  }
0x118: {  	[tilespmem:$0x1FCC0] =	vst v12;
	v12 =	vld.idx.msk [tilespmem:v8+s19+$0x0], $0xffff  }
0x119: {  	v8 =	vmul.f32 v13, v13;
	v7 =	vadd.f32 v9, v7;
	v9 =	vor.u32 $0x9, v3  }
0x11a: {  	v62 =	vld.idx.msk [tilespmem:v11+s21+$0x0], $0xffff  }
0x11b: {  	v11 =	vor.u32 $0x9, v1;
	v7 =	vadd.f32 v8, v7;
	v8 =	vmul.f32 v40, v40  }
0x11c: {  	v26 =	vld.idx.msk [tilespmem:v10+s17+$0x0], $0xffff  }
0x11d: {  	v10 =	vor.u32 $0xA, v2;
	v7 =	vadd.f32 v8, v7;
	v8 =	vmul.f32 v12, v12  }
0x11e: {  	[tilespmem:$0x1FCE0] =	vst v12;
	v12 =	vld.idx.msk [tilespmem:v9+s19+$0x0], $0xffff  }
0x11f: {  	v9 =	vor.u32 $0xA, v3;
	v7 =	vadd.f32 v8, v7;
	v8 =	vmul.f32 v62, v62  }
0x120: {  	v63 =	vld.idx.msk [tilespmem:v11+s21+$0x0], $0xffff  }
0x121: {  	v11 =	vor.u32 $0xA, v1;
	v7 =	vadd.f32 v8, v7;
	v8 =	vmul.f32 v26, v26  }
0x122: {  	v30 =	vld.idx.msk [tilespmem:v10+s17+$0x0], $0xffff  }
0x123: {  	v10 =	vor.u32 $0xB, v2;
	v7 =	vadd.f32 v8, v7;
	v8 =	vmul.f32 v12, v12  }
0x124: {  	[tilespmem:$0x1FD00] =	vst v12;
	v12 =	vld.idx.msk [tilespmem:v9+s19+$0x0], $0xffff  }
0x125: {  	v9 =	vor.u32 $0xB, v3;
	v7 =	vadd.f32 v8, v7;
	v8 =	vmul.f32 v63, v63  }
0x126: {  	v16 =	vld.idx.msk [tilespmem:v11+s21+$0x0], $0xffff  }
0x127: {  	v11 =	vor.u32 $0xB, v1;
	v7 =	vadd.f32 v8, v7;
	v8 =	vmul.f32 v30, v30  }
0x128: {  	v43 =	vld.idx.msk [tilespmem:v10+s17+$0x0], $0xffff  }
0x129: {  	v10 =	vor.u32 $0xC, v2;
	v7 =	vadd.f32 v8, v7;
	v8 =	vmul.f32 v12, v12  }
0x12a: {  	[tilespmem:$0x1FD20] =	vst v12;
	v12 =	vld.idx.msk [tilespmem:v9+s19+$0x0], $0xffff  }
0x12b: {  	v9 =	vor.u32 $0xC, v3;
	v7 =	vadd.f32 v8, v7;
	v8 =	vmul.f32 v16, v16  }
0x12c: {  	v17 =	vld.idx.msk [tilespmem:v11+s21+$0x0], $0xffff  }
0x12d: {  	v11 =	vor.u32 $0xC, v1;
	v7 =	vadd.f32 v8, v7;
	v8 =	vmul.f32 v43, v43  }
0x12e: {  	v47 =	vld.idx.msk [tilespmem:v10+s17+$0x0], $0xffff  }
0x12f: {  	v10 =	vor.u32 $0xD, v2;
	v7 =	vadd.f32 v8, v7;
	v8 =	vmul.f32 v12, v12  }
0x130: {  	[tilespmem:$0x1FD40] =	vst v12;
	v12 =	vld.idx.msk [tilespmem:v9+s19+$0x0], $0xffff  }
0x131: {  	v9 =	vor.u32 $0xD, v3;
	v7 =	vadd.f32 v8, v7;
	v8 =	vmul.f32 v17, v17  }
0x132: {  	v20 =	vld.idx.msk [tilespmem:v11+s21+$0x0], $0xffff  }
0x133: {  	v11 =	vor.u32 $0xD, v1;
	v7 =	vadd.f32 v8, v7;
	v8 =	vmul.f32 v47, v47  }
0x134: {  	v41 =	vld.idx.msk [tilespmem:v10+s17+$0x0], $0xffff  }
0x135: {  	v10 =	vor.u32 $0xE, v2;
	v7 =	vadd.f32 v8, v7;
	v8 =	vmul.f32 v12, v12  }
0x136: {  	[tilespmem:$0x1FD60] =	vst v12;
	v12 =	vld.idx.msk [tilespmem:v9+s19+$0x0], $0xffff  }
0x137: {  	v9 =	vor.u32 $0xE, v3;
	v7 =	vadd.f32 v8, v7;
	v8 =	vmul.f32 v20, v20  }
0x138: {  	v21 =	vld.idx.msk [tilespmem:v11+s21+$0x0], $0xffff  }
0x139: {  	v11 =	vor.u32 $0xE, v1;
	v7 =	vadd.f32 v8, v7;
	v8 =	vmul.f32 v41, v41  }
0x13a: {  	v39 =	vld.idx.msk [tilespmem:v10+s17+$0x0], $0xffff  }
0x13b: {  	v10 =	vor.u32 $0xF, v2;
	v7 =	vadd.f32 v8, v7;
	v8 =	vmul.f32 v12, v12  }
0x13c: {  	[tilespmem:$0x1FD80] =	vst v12;
	v12 =	vld.idx.msk [tilespmem:v9+s19+$0x0], $0xffff  }
0x13d: {  	v9 =	vor.u32 $0xF, v3;
	v7 =	vadd.f32 v8, v7;
	v8 =	vmul.f32 v21, v21  }
0x13e: {  	v22 =	vld.idx.msk [tilespmem:v11+s21+$0x0], $0xffff  }
0x13f: {  	v11 =	vor.u32 $0xF, v1;
	v7 =	vadd.f32 v8, v7;
	v8 =	vmul.f32 v39, v39  }
0x140: {  	v44 =	vld.idx.msk [tilespmem:v10+s17+$0x0], $0xffff  }
0x141: {  	v10 =	vor.u32 $0x10, v2;
	v7 =	vadd.f32 v8, v7;
	v8 =	vmul.f32 v12, v12  }
0x142: {  	[tilespmem:$0x1FDA0] =	vst v12;
	v12 =	vld.idx.msk [tilespmem:v9+s19+$0x0], $0xffff  }
0x143: {  	v9 =	vor.u32 $0x10, v3;
	v7 =	vadd.f32 v8, v7;
	v8 =	vmul.f32 v22, v22  }
0x144: {  	v23 =	vld.idx.msk [tilespmem:v11+s21+$0x0], $0xffff  }
0x145: {  	v11 =	vor.u32 $0x10, v1;
	v7 =	vadd.f32 v8, v7;
	v8 =	vmul.f32 v44, v44  }
0x146: {  	v50 =	vld.idx.msk [tilespmem:v10+s17+$0x0], $0xffff  }
0x147: {  	v10 =	vor.u32 $0x11, v2;
	v7 =	vadd.f32 v8, v7;
	v8 =	vmul.f32 v12, v12  }
0x148: {  	[tilespmem:$0x1FDC0] =	vst v12;
	v12 =	vld.idx.msk [tilespmem:v9+s19+$0x0], $0xffff  }
0x149: {  	v9 =	vor.u32 $0x11, v3;
	v7 =	vadd.f32 v8, v7;
	v8 =	vmul.f32 v23, v23  }
0x14a: {  	v27 =	vld.idx.msk [tilespmem:v11+s21+$0x0], $0xffff  }
0x14b: {  	v11 =	vor.u32 $0x11, v1;
	v7 =	vadd.f32 v8, v7;
	v8 =	vmul.f32 v50, v50  }
0x14c: {  	v48 =	vld.idx.msk [tilespmem:v10+s17+$0x0], $0xffff  }
0x14d: {  	v10 =	vor.u32 $0x12, v2;
	v7 =	vadd.f32 v8, v7;
	v8 =	vmul.f32 v12, v12  }
0x14e: {  	[tilespmem:$0x1FDE0] =	vst v12;
	v12 =	vld.idx.msk [tilespmem:v9+s19+$0x0], $0xffff  }
0x14f: {  	v9 =	vor.u32 $0x12, v3;
	v7 =	vadd.f32 v8, v7;
	v8 =	vmul.f32 v27, v27  }
0x150: {  	v28 =	vld.idx.msk [tilespmem:v11+s21+$0x0], $0xffff  }
0x151: {  	v11 =	vor.u32 $0x12, v1;
	v7 =	vadd.f32 v8, v7;
	v8 =	vmul.f32 v48, v48  }
0x152: {  	v53 =	vld.idx.msk [tilespmem:v10+s17+$0x0], $0xffff  }
0x153: {  	v10 =	vor.u32 $0x13, v2;
	v7 =	vadd.f32 v8, v7;
	v8 =	vmul.f32 v12, v12  }
0x154: {  	[tilespmem:$0x1FE00] =	vst v12;
	v12 =	vld.idx.msk [tilespmem:v9+s19+$0x0], $0xffff  }
0x155: {  	v9 =	vor.u32 $0x13, v3;
	v7 =	vadd.f32 v8, v7;
	v8 =	vmul.f32 v28, v28  }
0x156: {  	v29 =	vld.idx.msk [tilespmem:v11+s21+$0x0], $0xffff  }
0x157: {  	v11 =	vor.u32 $0x13, v1;
	v7 =	vadd.f32 v8, v7;
	v8 =	vmul.f32 v53, v53  }
0x158: {  	v58 =	vld.idx.msk [tilespmem:v10+s17+$0x0], $0xffff  }
0x159: {  	v10 =	vor.u32 $0x14, v2;
	v7 =	vadd.f32 v8, v7;
	v8 =	vmul.f32 v12, v12  }
0x15a: {  	[tilespmem:$0x1FE20] =	vst v12;
	v12 =	vld.idx.msk [tilespmem:v9+s19+$0x0], $0xffff  }
0x15b: {  	v9 =	vor.u32 $0x14, v3;
	v7 =	vadd.f32 v8, v7;
	v8 =	vmul.f32 v29, v29  }
0x15c: {  	v31 =	vld.idx.msk [tilespmem:v11+s21+$0x0], $0xffff  }
0x15d: {  	v11 =	vor.u32 $0x14, v1;
	v7 =	vadd.f32 v8, v7;
	v8 =	vmul.f32 v58, v58  }
0x15e: {  	v57 =	vld.idx.msk [tilespmem:v10+s17+$0x0], $0xffff  }
0x15f: {  	v10 =	vor.u32 $0x15, v2;
	v7 =	vadd.f32 v8, v7;
	v8 =	vmul.f32 v12, v12  }
0x160: {  	[tilespmem:$0x1FE40] =	vst v12;
	v12 =	vld.idx.msk [tilespmem:v9+s19+$0x0], $0xffff  }
0x161: {  	v9 =	vor.u32 $0x15, v3;
	v7 =	vadd.f32 v8, v7;
	v8 =	vmul.f32 v31, v31  }
0x162: {  	v32 =	vld.idx.msk [tilespmem:v11+s21+$0x0], $0xffff  }
0x163: {  	v11 =	vor.u32 $0x15, v1;
	v7 =	vadd.f32 v8, v7;
	v8 =	vmul.f32 v57, v57  }
0x164: {  	v61 =	vld.idx.msk [tilespmem:v10+s17+$0x0], $0xffff  }
0x165: {  	v10 =	vor.u32 $0x16, v2;
	v7 =	vadd.f32 v8, v7;
	v8 =	vmul.f32 v12, v12  }
0x166: {  	[tilespmem:$0x1FE60] =	vst v12;
	v12 =	vld.idx.msk [tilespmem:v9+s19+$0x0], $0xffff  }
0x167: {  	v9 =	vor.u32 $0x16, v3;
	v7 =	vadd.f32 v8, v7;
	v8 =	vmul.f32 v32, v32  }
0x168: {  	v33 =	vld.idx.msk [tilespmem:v11+s21+$0x0], $0xffff  }
0x169: {  	v11 =	vor.u32 $0x16, v1;
	v7 =	vadd.f32 v8, v7;
	v8 =	vmul.f32 v61, v61  }
0x16a: {  	[tilespmem:$0x1FD90] =	vst v21;
	v21 =	vld.idx.msk [tilespmem:v10+s17+$0x0], $0xffff  }
0x16b: {  	v10 =	vor.u32 $0x17, v2;
	v7 =	vadd.f32 v8, v7;
	v8 =	vmul.f32 v12, v12  }
0x16c: {  	[tilespmem:$0x1FE80] =	vst v12;
	v12 =	vld.idx.msk [tilespmem:v9+s19+$0x0], $0xffff  }
0x16d: {  	v9 =	vor.u32 $0x17, v3;
	v7 =	vadd.f32 v8, v7;
	v8 =	vmul.f32 v33, v33  }
0x16e: {  	v34 =	vld.idx.msk [tilespmem:v11+s21+$0x0], $0xffff  }
0x16f: {  	v11 =	vor.u32 $0x17, v1;
	v7 =	vadd.f32 v8, v7;
	v8 =	vmul.f32 v21, v21  }
0x170: {  	[tilespmem:$0x1FDD0] =	vst v23;
	v23 =	vld.idx.msk [tilespmem:v10+s17+$0x0], $0xffff  }
0x171: {  	v10 =	vor.u32 $0x18, v2;
	v7 =	vadd.f32 v8, v7;
	v8 =	vmul.f32 v12, v12  }
0x172: {  	[tilespmem:$0x1FEA0] =	vst v12;
	v12 =	vld.idx.msk [tilespmem:v9+s19+$0x0], $0xffff  }
0x173: {  	v9 =	vor.u32 $0x18, v3;
	v7 =	vadd.f32 v8, v7;
	v8 =	vmul.f32 v34, v34  }
0x174: {  	v35 =	vld.idx.msk [tilespmem:v11+s21+$0x0], $0xffff  }
0x175: {  	v11 =	vor.u32 $0x18, v1;
	v7 =	vadd.f32 v8, v7;
	v8 =	vmul.f32 v23, v23  }
0x176: {  	[tilespmem:$0x1FD70] =	vst v20;
	v20 =	vld.idx.msk [tilespmem:v10+s17+$0x0], $0xffff  }
0x177: {  	v10 =	vor.u32 $0x19, v2;
	v7 =	vadd.f32 v8, v7;
	v8 =	vmul.f32 v12, v12  }
0x178: {  	[tilespmem:$0x1FEC0] =	vst v12;
	v12 =	vld.idx.msk [tilespmem:v9+s19+$0x0], $0xffff  }
0x179: {  	v9 =	vor.u32 $0x19, v3;
	v7 =	vadd.f32 v8, v7;
	v8 =	vmul.f32 v35, v35  }
0x17a: {  	v42 =	vld.idx.msk [tilespmem:v11+s21+$0x0], $0xffff  }
0x17b: {  	v11 =	vor.u32 $0x19, v1;
	v7 =	vadd.f32 v8, v7;
	v8 =	vmul.f32 v20, v20  }
0x17c: {  	[tilespmem:$0x1FD30] =	vst v16;
	v16 =	vld.idx.msk [tilespmem:v10+s17+$0x0], $0xffff  }
0x17d: {  	v10 =	vor.u32 $0x1A, v2;
	v7 =	vadd.f32 v8, v7;
	v8 =	vmul.f32 v12, v12  }
0x17e: {  	[tilespmem:$0x1FEE0] =	vst v12;
	v12 =	vld.idx.msk [tilespmem:v9+s19+$0x0], $0xffff  }
0x17f: {  	v9 =	vor.u32 $0x1A, v3;
	v7 =	vadd.f32 v8, v7;
	v8 =	vmul.f32 v42, v42  }
0x180: {  	v45 =	vld.idx.msk [tilespmem:v11+s21+$0x0], $0xffff  }
0x181: {  	v11 =	vor.u32 $0x1A, v1;
	v7 =	vadd.f32 v8, v7;
	v8 =	vmul.f32 v16, v16  }
0x182: {  	[tilespmem:$0x1FDB0] =	vst v22;
	v22 =	vld.idx.msk [tilespmem:v10+s17+$0x0], $0xffff  }
0x183: {  	v10 =	vor.u32 $0x1B, v2;
	v7 =	vadd.f32 v8, v7;
	v8 =	vmul.f32 v12, v12  }
0x184: {  	[tilespmem:$0x1FF00] =	vst v12;
	v12 =	vld.idx.msk [tilespmem:v9+s19+$0x0], $0xffff  }
0x185: {  	v9 =	vor.u32 $0x1B, v3;
	v7 =	vadd.f32 v8, v7;
	v8 =	vmul.f32 v45, v45  }
0x186: {  	v46 =	vld.idx.msk [tilespmem:v11+s21+$0x0], $0xffff  }
0x187: {  	v11 =	vor.u32 $0x1B, v1;
	v7 =	vadd.f32 v8, v7;
	v8 =	vmul.f32 v22, v22  }
0x188: {  	[tilespmem:$0x1FD50] =	vst v17;
	v17 =	vld.idx.msk [tilespmem:v10+s17+$0x0], $0xffff  }
0x189: {  	v10 =	vor.u32 $0x1C, v2;
	v7 =	vadd.f32 v8, v7;
	v8 =	vmul.f32 v12, v12  }
0x18a: {  	[tilespmem:$0x1FF20] =	vst v12;
	v12 =	vld.idx.msk [tilespmem:v9+s19+$0x0], $0xffff  }
0x18b: {  	v9 =	vor.u32 $0x1C, v3;
	v7 =	vadd.f32 v8, v7;
	v8 =	vmul.f32 v46, v46  }
0x18c: {  	v51 =	vld.idx.msk [tilespmem:v11+s21+$0x0], $0xffff  }
0x18d: {  	v11 =	vor.u32 $0x1C, v1;
	v7 =	vadd.f32 v8, v7;
	v8 =	vmul.f32 v17, v17  }
0x18e: {  	[tilespmem:$0x1FCD0] =	vst v13;
	v13 =	vld.idx.msk [tilespmem:v10+s17+$0x0], $0xffff  }
0x18f: {  	v10 =	vor.u32 $0x1D, v2;
	v7 =	vadd.f32 v8, v7;
	v8 =	vmul.f32 v12, v12  }
0x190: {  	[tilespmem:$0x1FF40] =	vst v12;
	v12 =	vld.idx.msk [tilespmem:v9+s19+$0x0], $0xffff  }
0x191: {  	v9 =	vor.u32 $0x1D, v3;
	v7 =	vadd.f32 v8, v7;
	v8 =	vmul.f32 v51, v51  }
0x192: {  	v55 =	vld.idx.msk [tilespmem:v11+s21+$0x0], $0xffff  }
0x193: {  	v11 =	vor.u32 $0x1D, v1;
	v7 =	vadd.f32 v8, v7;
	v8 =	vmul.f32 v13, v13  }
0x194: {  	v14 =	vld.idx.msk [tilespmem:v10+s17+$0x0], $0xffff  }
0x195: {  	v10 =	vor.u32 $0x1E, v2;
	v7 =	vadd.f32 v8, v7;
	v8 =	vmul.f32 v12, v12  }
0x196: {  	v59 =	vld.idx.msk [tilespmem:v9+s19+$0x0], $0xffff  }
0x197: {  	v9 =	vor.u32 $0x1E, v3;
	v7 =	vadd.f32 v8, v7;
	v8 =	vmul.f32 v55, v55  }
0x198: {  	v60 =	vld.idx.msk [tilespmem:v11+s21+$0x0], $0xffff  }
0x199: {  	v11 =	vor.u32 $0x1E, v1;
	v7 =	vadd.f32 v8, v7;
	v8 =	vmul.f32 v14, v14  }
0x19a: {  	[tilespmem:$0x1FF60] =	vst v12;
	v12 =	vld.idx.msk [tilespmem:v10+s17+$0x0], $0xffff  }
0x19b: {  	v10 =	vor.u32 $0x1F, v2;
	v7 =	vadd.f32 v8, v7;
	v8 =	vmul.f32 v59, v59  }
0x19c: {  	[tilespmem:$0x1FDF0] =	vst v27;
	v27 =	vld.idx.msk [tilespmem:v9+s19+$0x0], $0xffff  }
0x19d: {  	v9 =	vor.u32 $0x1F, v3;
	v7 =	vadd.f32 v8, v7;
	v8 =	vmul.f32 v60, v60  }
0x19e: {  	[tilespmem:$0x1FCF0] =	vst v62;
	v62 =	vld.idx.msk [tilespmem:v11+s21+$0x0], $0xffff  }
0x19f: {  	v11 =	vor.u32 $0x1F, v1;
	v7 =	vadd.f32 v8, v7;
	v8 =	vmul.f32 v12, v12  }
0x1a0: {  	[tilespmem:$0x1FF10] =	vst v45;
	v45 =	vld.idx.msk [tilespmem:v10+s17+$0x0], $0xffff  }
0x1a1: {  	[tilespmem:$0x1FD10] =	vst v63;
	v63 =	vor.u32 $0x20, v2;
	v7 =	vadd.f32 v8, v7;
	v8 =	vmul.f32 v27, v27  }
0x1a2: {  	v10 =	vld.idx.msk [tilespmem:v9+s19+$0x0], $0xffff  }
0x1a3: {  	v9 =	vor.u32 $0x20, v3;
	v7 =	vadd.f32 v8, v7;
	v8 =	vmul.f32 v62, v62  }
0x1a4: {  	[tilespmem:$0x1FF50] =	vst v51;
	v51 =	vld.idx.msk [tilespmem:v11+s21+$0x0], $0xffff  }
0x1a5: {  	[tilespmem:$0x1FE10] =	vst v28;
	v28 =	vor.u32 $0x20, v1;
	v7 =	vadd.f32 v8, v7;
	v8 =	vmul.f32 v45, v45  }
0x1a6: {  	[tilespmem:$0x1FF30] =	vst v46;
	v46 =	vld.idx.msk [tilespmem:v63+s17+$0x0], $0xffff  }
0x1a7: {  	[tilespmem:$0x1FE70] =	vst v32;
	v32 =	vor.u32 $0x21, v2;
	v7 =	vadd.f32 v8, v7;
	v8 =	vmul.f32 v10, v10  }
0x1a8: {  	v9 =	vld.idx.msk [tilespmem:v9+s19+$0x0], $0xffff  }
0x1a9: {  	[tilespmem:$0x1FE30] =	vst v29;
	v29 =	vor.u32 $0x21, v3;
	v7 =	vadd.f32 v8, v7;
	v8 =	vmul.f32 v51, v51  }
0x1aa: {  	[tilespmem:$0x1FE90] =	vst v33;
	v33 =	vld.idx.msk [tilespmem:v28+s21+$0x0], $0xffff  }
0x1ab: {  	[tilespmem:$0x1FEB0] =	vst v34;
	v34 =	vor.u32 $0x21, v1;
	v7 =	vadd.f32 v8, v7;
	v8 =	vmul.f32 v46, v46  }
0x1ac: {  	[tilespmem:$0x1FEF0] =	vst v42;
	v42 =	vld.idx.msk [tilespmem:v32+s17+$0x0], $0xffff  }
0x1ad: {  	[tilespmem:$0x1FED0] =	vst v35;
	v35 =	vor.u32 $0x22, v2;
	v7 =	vadd.f32 v8, v7;
	v8 =	vmul.f32 v9, v9  }
0x1ae: {  	[tilespmem:$0x1FFA0] =	vst v62;
	v62 =	vld.idx.msk [tilespmem:v29+s19+$0x0], $0xffff  }
0x1af: {  	[tilespmem:$0x1FF70] =	vst v55;
	v55 =	vor.u32 $0x22, v3;
	v7 =	vadd.f32 v8, v7;
	v8 =	vmul.f32 v33, v33  }
0x1b0: {  	v56 =	vld.idx.msk [tilespmem:v34+s21+$0x0], $0xffff  }
0x1b1: {  	[tilespmem:$0x1FE50] =	vst v31;
	v31 =	vor.u32 $0x22, v1;
	v8 =	vadd.f32 v8, v7;
	v7 =	vmul.f32 v42, v42  }
0x1b2: {  	v32 =	vld.idx.msk [tilespmem:v35+s17+$0x0], $0xffff  }
0x1b3: {  	[tilespmem:$0x1FFD0] =	vst v33;
	v34 =	vor.u32 $0x23, v2;
	v33 =	vmul.f32 v62, v62;
	v8 =	vadd.f32 v7, v8  }
0x1b4: {  	v63 =	vld.idx.msk [tilespmem:v55+s19+$0x0], $0xffff  }
0x1b5: {  	v35 =	vmul.f32 v56, v56;
	v55 =	vor.u32 $0x23, v3;
	v8 =	vadd.f32 v33, v8  }
0x1b6: {  	[tilespmem:$0x1FF80] =	vst v60;
	v60 =	vld.idx.msk [tilespmem:v31+s21+$0x0], $0xffff  }
0x1b7: {  	v5 =	vmul.f32 v32, v32;
	[tilespmem:$0x1FF90] =	vst v27;
	v7 =	vor.u32 $0x23, v1;
	v27 =	vadd.f32 v35, v8  }
0x1b8: {  	v35 =	vld.idx.msk [tilespmem:v34+s17+$0x0], $0xffff  }
0x1b9: {  	[tilespmem:$0x1FFE0] =	vst v56;
	v56 =	vmul.f32 v63, v63;
	v33 =	vor.u32 $0x24, v2;
	v27 =	vadd.f32 v5, v27  }
0x1ba: {  	v55 =	vld.idx.msk [tilespmem:v55+s19+$0x0], $0xffff  }
0x1bb: {  	v31 =	vor.u32 $0x24, v3;
	v5 =	vmul.f32 v60, v60;
	v27 =	vadd.f32 v56, v27  }
0x1bc: {  	v56 =	vld.idx.msk [tilespmem:v7+s21+$0x0], $0xffff  }
0x1bd: {  	v7 =	vmul.f32 v35, v35;
	v27 =	vadd.f32 v5, v27  }
0x1be: {  	v36 =	vmul.f32 v36, v24;
	v34 =	vmul.f32 v6, v24;
	v24 =	vld.idx.msk [tilespmem:v33+s17+$0x0], $0xffff  }
0x1bf: {  	v28 =	vmul.f32 v52, v38;
	v52 =	vld [tilespmem:$0x1FC40];
	v33 =	vmul.f32 v55, v55;
	v27 =	vadd.f32 v7, v27  }
0x1c0: {  	v38 =	vmul.f32 v54, v38;
	v54 =	vld.idx.msk [tilespmem:v31+s19+$0x0], $0xffff;
	v6 =	vor.u32 $0x25, v2  }
0x1c1: {  	v31 =	vmul.f32 v56, v56;
	v27 =	vadd.f32 v33, v27  }
0x1c2: {  	v36 =	vadd.f32 $0.0e+00, v36;
	v34 =	vadd.f32 $0.0e+00, v34  }
0x1c3: {  	v7 =	vmul.f32 v24, v24;
	v27 =	vadd.f32 v31, v27  }
0x1c4: {  	v49 =	vmul.f32 v49, v25;
	v28 =	vadd.f32 v28, v34;
	v34 =	vadd.f32 v38, v36;
	v36 =	vld [tilespmem:$0x1FC50]  }
0x1c5: {  	v38 =	vmul.f32 v54, v54;
	v5 =	vmul.f32 v52, v25;
	v25 =	vld.idx.msk [tilespmem:v6+s17+$0x0], $0xffff;
	v6 =	vadd.f32 v7, v27;
	_ =	sdelay $0x1  }
0x1c6: {  	v6 =	vadd.f32 v38, v6;
	v38 =	vld [tilespmem:$0x1FC60];
	_ =	sdelay $0x1  }
0x1c7: {  	v0 =	vmul.f32 v0, v37  }
0x1c8: {  	v34 =	vadd.f32 v49, v34;
	v28 =	vadd.f32 v5, v28;
	v37 =	vmul.f32 v36, v37;
	_ =	sdelay $0x1  }
0x1c9: {  	v0 =	vadd.f32 v0, v28;
	v28 =	vadd.f32 v37, v34;
	v34 =	vmul.f32 v38, v18;
	v38 =	vld [tilespmem:$0x1FC70];
	_ =	sdelay $0x4  }
0x1ca: {  	v18 =	vmul.f32 v38, v18  }
0x1cb: {  	v29 =	vor.u32 $0x24, v1;
	v36 =	vld [tilespmem:$0x1FC90]  }
0x1cc: {  	v28 =	vadd.f32 v18, v28;
	v18 =	vld [tilespmem:$0x1FC80]  }
0x1cd: {  	v31 =	vor.u32 $0x25, v1;
	_ =	sdelay $0x2  }
0x1ce: {  	v52 =	vld.idx.msk [tilespmem:v29+s21+$0x0], $0xffff;
	v33 =	vor.u32 $0x25, v3  }
0x1cf: {  	v37 =	vld [tilespmem:$0x1FCA0];
	v0 =	vadd.f32 v34, v0;
	v34 =	vmul.f32 v18, v4;
	v4 =	vmul.f32 v36, v4  }
0x1d0: {  	v38 =	vld.idx.msk [tilespmem:v31+s21+$0x0], $0xffff  }
0x1d1: {  	v31 =	vor.u32 $0x26, v1;
	v4 =	vadd.f32 v4, v28;
	v28 =	vld [tilespmem:$0x1FCB0];
	_ =	sdelay $0x1  }
0x1d2: {  	v49 =	vld.idx.msk [tilespmem:v33+s19+$0x0], $0xffff  }
0x1d3: {  	v27 =	vmul.f32 v52, v52  }
0x1d4: {  	v37 =	vmul.f32 v37, v19  }
0x1d5: {  	v6 =	vadd.f32 v27, v6;
	v27 =	vmul.f32 v25, v25;
	v36 =	vld.idx.msk [tilespmem:v31+s21+$0x0], $0xffff;
	v19 =	vmul.f32 v28, v19  }
0x1d6: {  	v31 =	vld [tilespmem:$0x1FCC0]  }
0x1d7: {  	v6 =	vadd.f32 v27, v6;
	v27 =	vmul.f32 v49, v49;
	v4 =	vadd.f32 v19, v4;
	v19 =	vld [tilespmem:$0x1FCD0];
	_ =	sdelay $0x1  }
0x1d8: {  	v6 =	vadd.f32 v27, v6;
	v0 =	vadd.f32 v34, v0;
	v34 =	vmul.f32 v38, v38;
	v28 =	vld [tilespmem:$0x1FCE0];
	_ =	sdelay $0x1  }
0x1d9: {  	v6 =	vadd.f32 v34, v6;
	v34 =	vmul.f32 v31, v15;
	v31 =	vld [tilespmem:$0x1FCF0]  }
0x1da: {  	v0 =	vadd.f32 v37, v0;
	v15 =	vmul.f32 v19, v15  }
0x1db: {  	v8 =	vld [tilespmem:$0x1FD10]  }
0x1dc: {  	v0 =	vadd.f32 v34, v0;
	v4 =	vadd.f32 v15, v4;
	v15 =	vmul.f32 v28, v40  }
0x1dd: {  	v29 =	vor.u32 $0x26, v2  }
0x1de: {  	v0 =	vadd.f32 v15, v0;
	v15 =	vmul.f32 v31, v40;
	v40 =	vld [tilespmem:$0x1FD00]  }
0x1df: {  	v33 =	vor.u32 $0x26, v3  }
0x1e0: {  	v4 =	vadd.f32 v15, v4;
	v15 =	vmul.f32 v8, v26;
	v8 =	vld [tilespmem:$0x1FD20]  }
0x1e1: {  	[tilespmem:$0x1FFC0] =	vst v9;
	v9 =	vld [tilespmem:$0x1FD40]  }
0x1e2: {  	v18 =	vld.idx.msk [tilespmem:v29+s17+$0x0], $0xffff  }
0x1e3: {  	v28 =	vmul.f32 v40, v26  }
0x1e4: {  	v33 =	vld.idx.msk [tilespmem:v33+s19+$0x0], $0xffff;
	v29 =	vor.u32 $0x27, v2  }
0x1e5: {  	v4 =	vadd.f32 v15, v4;
	v0 =	vadd.f32 v28, v0;
	v15 =	vmul.f32 v8, v30  }
0x1e6: {  	v5 =	vor.u32 $0x27, v3  }
0x1e7: {  	v27 =	vmul.f32 v18, v18;
	v0 =	vadd.f32 v15, v0;
	v15 =	vmul.f32 v9, v43;
	v9 =	vld [tilespmem:$0x1FD50];
	_ =	sdelay $0x1  }
0x1e8: {  	v6 =	vadd.f32 v27, v6;
	v27 =	vmul.f32 v33, v33;
	v19 =	vld.idx.msk [tilespmem:v29+s17+$0x0], $0xffff;
	_ =	sdelay $0x1  }
0x1e9: {  	v34 =	vld.idx.msk [tilespmem:v5+s19+$0x0], $0xffff;
	v5 =	vadd.f32 v27, v6;
	v27 =	vor.u32 $0x28, v3  }
0x1ea: {  	v6 =	vmul.f32 v36, v36;
	v0 =	vadd.f32 v15, v0;
	v15 =	vmul.f32 v9, v43;
	v9 =	vld [tilespmem:$0x1FD60]  }
0x1eb: {  	v8 =	vld [tilespmem:$0x1FD30]  }
0x1ec: {  	v5 =	vadd.f32 v6, v5;
	v31 =	vmul.f32 v19, v19;
	_ =	sdelay $0x1  }
0x1ed: {  	v5 =	vadd.f32 v31, v5;
	v31 =	vld.idx.msk [tilespmem:v27+s19+$0x0], $0xffff  }
0x1ee: {  	v27 =	vmul.f32 v9, v47;
	v9 =	vld [tilespmem:$0x1FD70]  }
0x1ef: {  	v30 =	vmul.f32 v8, v30  }
0x1f0: {  	v37 =	vor.u32 $0x27, v1  }
0x1f1: {  	v4 =	vadd.f32 v30, v4  }
0x1f2: {  	v29 =	vor.u32 $0x28, v2  }
0x1f3: {  	v4 =	vadd.f32 v15, v4;
	v15 =	vmul.f32 v9, v47;
	v9 =	vld [tilespmem:$0x1FD80];
	_ =	sdelay $0x1  }
0x1f4: {  	v37 =	vld.idx.msk [tilespmem:v37+s21+$0x0], $0xffff  }
0x1f5: {  	v7 =	vor.u32 $0x28, v1  }
0x1f6: {  	v26 =	vld.idx.msk [tilespmem:v29+s17+$0x0], $0xffff  }
0x1f7: {  	v6 =	vmul.f32 v34, v34;
	v0 =	vadd.f32 v27, v0;
	v43 =	vmul.f32 v9, v41  }
0x1f8: {  	v9 =	vld [tilespmem:$0x1FD90]  }
0x1f9: {  	v5 =	vadd.f32 v6, v5;
	v6 =	vmul.f32 v37, v37;
	v0 =	vadd.f32 v43, v0;
	v43 =	vld [tilespmem:$0x1FDA0]  }
0x1fa: {  	v29 =	vld.idx.msk [tilespmem:v7+s21+$0x0], $0xffff;
	v7 =	vor.u32 $0x29, v1  }
0x1fb: {  	v5 =	vadd.f32 v6, v5;
	v6 =	vmul.f32 v26, v26;
	_ =	sdelay $0x1  }
0x1fc: {  	v28 =	vmul.f32 v31, v31;
	v5 =	vadd.f32 v6, v5  }
0x1fd: {  	v4 =	vadd.f32 v15, v4;
	v41 =	vmul.f32 v9, v41;
	v27 =	vmul.f32 v43, v39  }
0x1fe: {  	v5 =	vadd.f32 v28, v5;
	v28 =	vld.idx.msk [tilespmem:v7+s21+$0x0], $0xffff  }
0x1ff: {  	v7 =	vadd.f32 v41, v4;
	v4 =	vadd.f32 v27, v0;
	v27 =	vld [tilespmem:$0x1FDB0];
	_ =	sdelay $0x3  }
0x200: {  	v40 =	vor.u32 $0x29, v2  }
0x201: {  	v43 =	vmul.f32 v27, v39;
	v39 =	vld [tilespmem:$0x1FDC0]  }
0x202: {  	v8 =	vor.u32 $0x29, v3  }
0x203: {  	v7 =	vadd.f32 v43, v7;
	v43 =	vld [tilespmem:$0x1FDD0];
	_ =	sdelay $0x1  }
0x204: {  	v30 =	vld.idx.msk [tilespmem:v40+s17+$0x0], $0xffff  }
0x205: {  	[tilespmem:$0x1FFB0] =	vst v10;
	v10 =	vld [tilespmem:$0x1FDF0];
	v0 =	vmul.f32 v39, v44  }
0x206: {  	v40 =	vor.u32 $0x2A, v2;
	v47 =	vld.idx.msk [tilespmem:v8+s19+$0x0], $0xffff  }
0x207: {  	v6 =	vmul.f32 v29, v29;
	v0 =	vadd.f32 v0, v4;
	v4 =	vmul.f32 v43, v44;
	v43 =	vld [tilespmem:$0x1FDE0]  }
0x208: {  	v8 =	vor.u32 $0x2A, v3  }
0x209: {  	v5 =	vadd.f32 v6, v5;
	v6 =	vmul.f32 v30, v30;
	_ =	sdelay $0x1  }
0x20a: {  	v5 =	vadd.f32 v6, v5;
	v6 =	vmul.f32 v47, v47;
	v41 =	vld.idx.msk [tilespmem:v40+s17+$0x0], $0xffff  }
0x20b: {  	v4 =	vadd.f32 v4, v7;
	v7 =	vmul.f32 v43, v50;
	v43 =	vmul.f32 v10, v50  }
0x20c: {  	v5 =	vadd.f32 v6, v5;
	v39 =	vld.idx.msk [tilespmem:v8+s19+$0x0], $0xffff  }
0x20d: {  	v27 =	vmul.f32 v28, v28;
	v8 =	vor.u32 $0x2B, v3;
	v4 =	vadd.f32 v43, v4;
	v43 =	vld [tilespmem:$0x1FE00];
	_ =	sdelay $0x1  }
0x20e: {  	v5 =	vadd.f32 v27, v5;
	v27 =	vmul.f32 v41, v41;
	_ =	sdelay $0x1  }
0x20f: {  	v5 =	vadd.f32 v27, v5;
	v27 =	vmul.f32 v39, v39;
	v10 =	vld [tilespmem:$0x1FE20]  }
0x210: {  	v0 =	vadd.f32 v7, v0;
	v7 =	vmul.f32 v43, v48;
	v43 =	vld.idx.msk [tilespmem:v8+s19+$0x0], $0xffff  }
0x211: {  	v8 =	vadd.f32 v27, v5;
	v27 =	vld [tilespmem:$0x1FE10]  }
0x212: {  	v9 =	vor.u32 $0x2A, v1;
	_ =	sdelay $0x2  }
0x213: {  	v40 =	vor.u32 $0x2B, v2  }
0x214: {  	v0 =	vadd.f32 v7, v0;
	v7 =	vmul.f32 v27, v48;
	v48 =	vmul.f32 v10, v53  }
0x215: {  	v44 =	vld.idx.msk [tilespmem:v9+s21+$0x0], $0xffff  }
0x216: {  	v0 =	vadd.f32 v48, v0;
	v48 =	vld [tilespmem:$0x1FE30];
	_ =	sdelay $0x1  }
0x217: {  	v9 =	vor.u32 $0x2B, v1;
	v50 =	vld.idx.msk [tilespmem:v40+s17+$0x0], $0xffff;
	_ =	sdelay $0x1  }
0x218: {  	v6 =	vor.u32 $0x2C, v2;
	v10 =	vld [tilespmem:$0x1FE50]  }
0x219: {  	v40 =	vmul.f32 v44, v44;
	v4 =	vadd.f32 v7, v4;
	v7 =	vmul.f32 v48, v53;
	v53 =	vld [tilespmem:$0x1FE40]  }
0x21a: {  	v5 =	vor.u32 $0x2C, v3  }
0x21b: {  	v8 =	vadd.f32 v40, v8;
	v27 =	vld.idx.msk [tilespmem:v9+s21+$0x0], $0xffff;
	v9 =	vmul.f32 v50, v50;
	_ =	sdelay $0x1  }
0x21c: {  	v48 =	vld.idx.msk [tilespmem:v6+s17+$0x0], $0xffff;
	v6 =	vadd.f32 v9, v8;
	v8 =	vmul.f32 v43, v43  }
0x21d: {  	v4 =	vadd.f32 v7, v4;
	v7 =	vmul.f32 v53, v58;
	v58 =	vmul.f32 v10, v58  }
0x21e: {  	v53 =	vld.idx.msk [tilespmem:v5+s19+$0x0], $0xffff  }
0x21f: {  	v5 =	vadd.f32 v8, v6;
	v8 =	vadd.f32 v58, v4;
	v58 =	vld [tilespmem:$0x1FE60];
	_ =	sdelay $0x4  }
0x220: {  	v0 =	vadd.f32 v7, v0;
	v7 =	vmul.f32 v58, v57;
	_ =	sdelay $0x1  }
0x221: {  	v4 =	vadd.f32 v7, v0;
	v7 =	vld [tilespmem:$0x1FE70];
	_ =	sdelay $0x4  }
0x222: {  	v7 =	vmul.f32 v7, v57;
	v57 =	vld [tilespmem:$0x1FE80];
	_ =	sdelay $0x4  }
0x223: {  	v0 =	vmul.f32 v57, v61;
	_ =	sdelay $0x1  }
0x224: {  	v0 =	vadd.f32 v0, v4;
	v4 =	vld [tilespmem:$0x1FE90];
	_ =	sdelay $0x4  }
0x225: {  	v7 =	vadd.f32 v7, v8;
	v4 =	vmul.f32 v4, v61  }
0x226: {  	v10 =	vor.u32 $0x2D, v3  }
0x227: {  	v4 =	vadd.f32 v4, v7;
	v7 =	vld [tilespmem:$0x1FEA0];
	_ =	sdelay $0x3  }
0x228: {  	v61 =	vld.idx.msk [tilespmem:v10+s19+$0x0], $0xffff  }
0x229: {  	v10 =	vld [tilespmem:$0x1FEB0];
	v7 =	vmul.f32 v7, v21;
	_ =	sdelay $0x1  }
0x22a: {  	v7 =	vadd.f32 v7, v0;
	v0 =	vld [tilespmem:$0x1FEC0];
	_ =	sdelay $0x2  }
0x22b: {  	v10 =	vmul.f32 v10, v21;
	_ =	sdelay $0x1  }
0x22c: {  	v4 =	vadd.f32 v10, v4;
	v10 =	vmul.f32 v0, v23;
	v0 =	vld [tilespmem:$0x1FED0]  }
0x22d: {  	v40 =	vor.u32 $0x2C, v1;
	_ =	sdelay $0x3  }
0x22e: {  	v7 =	vadd.f32 v10, v7;
	v10 =	vmul.f32 v0, v23;
	v23 =	vld [tilespmem:$0x1FEE0]  }
0x22f: {  	v58 =	vld.idx.msk [tilespmem:v40+s21+$0x0], $0xffff;
	v40 =	vor.u32 $0x2D, v1;
	_ =	sdelay $0x3  }
0x230: {  	v0 =	vmul.f32 v23, v20  }
0x231: {  	v21 =	vld.idx.msk [tilespmem:v40+s21+$0x0], $0xffff  }
0x232: {  	v40 =	vor.u32 $0x2E, v1;
	v0 =	vadd.f32 v0, v7;
	v7 =	vld [tilespmem:$0x1FEF0];
	_ =	sdelay $0x3  }
0x233: {  	v15 =	vld [tilespmem:$0x1FF10]  }
0x234: {  	v7 =	vmul.f32 v7, v20;
	v20 =	vld.idx.msk [tilespmem:v40+s21+$0x0], $0xffff  }
0x235: {  	v40 =	vld [tilespmem:$0x1FF00];
	_ =	sdelay $0x2  }
0x236: {  	v4 =	vadd.f32 v10, v4;
	_ =	sdelay $0x1  }
0x237: {  	v4 =	vadd.f32 v7, v4;
	v7 =	vmul.f32 v40, v16;
	v40 =	vmul.f32 v15, v16;
	_ =	sdelay $0x1  }
0x238: {  	v0 =	vadd.f32 v7, v0;
	v7 =	vadd.f32 v40, v4;
	v40 =	vld [tilespmem:$0x1FF20];
	_ =	sdelay $0x4  }
0x239: {  	v40 =	vmul.f32 v40, v22;
	_ =	sdelay $0x1  }
0x23a: {  	v4 =	vadd.f32 v40, v0;
	v40 =	vld [tilespmem:$0x1FF30];
	_ =	sdelay $0x4  }
0x23b: {  	v40 =	vmul.f32 v40, v22;
	v22 =	vld [tilespmem:$0x1FF40];
	_ =	sdelay $0x1  }
0x23c: {  	v7 =	vadd.f32 v40, v7;
	v40 =	vld [tilespmem:$0x1FF50];
	_ =	sdelay $0x2  }
0x23d: {  	v0 =	vmul.f32 v22, v17;
	_ =	sdelay $0x1  }
0x23e: {  	v0 =	vadd.f32 v0, v4;
	v4 =	vmul.f32 v40, v17;
	v40 =	vld [tilespmem:$0x1FF60];
	_ =	sdelay $0x4  }
0x23f: {  	v4 =	vadd.f32 v4, v7;
	v7 =	vmul.f32 v40, v13;
	v40 =	vld [tilespmem:$0x1FF70];
	_ =	sdelay $0x4  }
0x240: {  	v40 =	vmul.f32 v40, v13  }
0x241: {  	v9 =	vor.u32 $0x2D, v2  }
0x242: {  	v0 =	vadd.f32 v7, v0;
	v4 =	vadd.f32 v40, v4;
	v40 =	vmul.f32 v59, v14;
	_ =	sdelay $0x1  }
0x243: {  	v6 =	vmul.f32 v27, v27;
	v0 =	vadd.f32 v40, v0;
	v40 =	vld [tilespmem:$0x1FF80];
	_ =	sdelay $0x1  }
0x244: {  	v5 =	vadd.f32 v6, v5;
	v6 =	vmul.f32 v48, v48  }
0x245: {  	v57 =	vld.idx.msk [tilespmem:v9+s17+$0x0], $0xffff  }
0x246: {  	v5 =	vadd.f32 v6, v5;
	v6 =	vmul.f32 v53, v53;
	v9 =	vor.u32 $0x2E, v2  }
0x247: {  	v7 =	vmul.f32 v40, v14;
	v14 =	vld [tilespmem:$0x1FF90]  }
0x248: {  	v5 =	vadd.f32 v6, v5;
	v6 =	vmul.f32 v58, v58;
	v8 =	vor.u32 $0x2E, v3;
	_ =	sdelay $0x1  }
0x249: {  	v5 =	vadd.f32 v6, v5;
	v6 =	vmul.f32 v57, v57  }
0x24a: {  	v11 =	vld.idx.msk [tilespmem:v9+s17+$0x0], $0xffff  }
0x24b: {  	v5 =	vadd.f32 v6, v5;
	v6 =	vmul.f32 v61, v61;
	v40 =	vmul.f32 v14, v12  }
0x24c: {  	v9 =	vor.u32 $0x2F, v2;
	v23 =	vld.idx.msk [tilespmem:v8+s19+$0x0], $0xffff  }
0x24d: {  	v5 =	vadd.f32 v6, v5;
	v6 =	vmul.f32 v21, v21;
	v0 =	vadd.f32 v40, v0;
	v40 =	vld [tilespmem:$0x1FFA0];
	_ =	sdelay $0x1  }
0x24e: {  	v5 =	vadd.f32 v6, v5;
	v6 =	vmul.f32 v11, v11;
	v8 =	vor.u32 $0x2F, v3;
	_ =	sdelay $0x1  }
0x24f: {  	v5 =	vadd.f32 v6, v5;
	v10 =	vor.u32 $0x2F, v1;
	v16 =	vld.idx.msk [tilespmem:v9+s17+$0x0], $0xffff  }
0x250: {  	v6 =	vmul.f32 v23, v23;
	v4 =	vadd.f32 v7, v4;
	v7 =	vmul.f32 v40, v12;
	v40 =	vld [tilespmem:$0x1FFB0]  }
0x251: {  	v9 =	vor.u32 $0x30, v2  }
0x252: {  	v5 =	vadd.f32 v6, v5;
	v15 =	vld.idx.msk [tilespmem:v8+s19+$0x0], $0xffff;
	v6 =	vmul.f32 v20, v20;
	_ =	sdelay $0x1  }
0x253: {  	v8 =	vor.u32 $0x30, v3;
	v5 =	vadd.f32 v6, v5;
	v6 =	vmul.f32 v16, v16;
	v22 =	vld.idx.msk [tilespmem:v10+s21+$0x0], $0xffff  }
0x254: {  	v4 =	vadd.f32 v7, v4;
	v7 =	vmul.f32 v40, v45;
	v40 =	vmul.f32 v51, v45  }
0x255: {  	v10 =	vor.u32 $0x30, v1;
	v17 =	vld.idx.msk [tilespmem:v9+s17+$0x0], $0xffff  }
0x256: {  	v5 =	vadd.f32 v6, v5;
	v6 =	vmul.f32 v15, v15;
	v4 =	vadd.f32 v40, v4;
	v40 =	vld [tilespmem:$0x1FFC0]  }
0x257: {  	v9 =	vor.u32 $0x31, v2  }
0x258: {  	v5 =	vadd.f32 v6, v5;
	v6 =	vmul.f32 v22, v22;
	v13 =	vld.idx.msk [tilespmem:v8+s19+$0x0], $0xffff;
	_ =	sdelay $0x1  }
0x259: {  	v5 =	vadd.f32 v6, v5;
	v6 =	vmul.f32 v17, v17;
	v8 =	vor.u32 $0x31, v3;
	v59 =	vld.idx.msk [tilespmem:v10+s21+$0x0], $0xffff  }
0x25a: {  	v10 =	vor.u32 $0x31, v1;
	v0 =	vadd.f32 v7, v0;
	v7 =	vmul.f32 v40, v46  }
0x25b: {  	v14 =	vld.idx.msk [tilespmem:v9+s17+$0x0], $0xffff;
	v9 =	vor.u32 $0x32, v2  }
0x25c: {  	v5 =	vadd.f32 v6, v5;
	v6 =	vmul.f32 v13, v13;
	v7 =	vadd.f32 v7, v0;
	v0 =	vld [tilespmem:$0x1FFD0];
	_ =	sdelay $0x1  }
0x25d: {  	v5 =	vadd.f32 v6, v5;
	v6 =	vmul.f32 v59, v59;
	v12 =	vld.idx.msk [tilespmem:v8+s19+$0x0], $0xffff  }
0x25e: {  	v62 =	vmul.f32 v62, v42;
	v8 =	vor.u32 $0x32, v3;
	v51 =	vld.idx.msk [tilespmem:v10+s21+$0x0], $0xffff  }
0x25f: {  	v5 =	vadd.f32 v6, v5;
	v6 =	vmul.f32 v14, v14;
	v10 =	vld.idx.msk [tilespmem:v9+s17+$0x0], $0xffff  }
0x260: {  	v45 =	vor.u32 $0x32, v1;
	v9 =	vmul.f32 v0, v46;
	v46 =	vadd.f32 v62, v7;
	v62 =	vld [tilespmem:$0x1FFE0];
	_ =	sdelay $0x1  }
0x261: {  	v5 =	vadd.f32 v6, v5;
	v6 =	vmul.f32 v12, v12;
	v40 =	vor.u32 $0x33, v2  }
0x262: {  	v38 =	vmul.f32 v38, v25;
	v34 =	vmul.f32 v34, v19;
	v0 =	vld.idx.msk [tilespmem:v8+s19+$0x0], $0xffff  }
0x263: {  	v5 =	vadd.f32 v6, v5;
	v6 =	vmul.f32 v51, v51;
	v8 =	vor.u32 $0x33, v3  }
0x264: {  	v19 =	vmul.f32 v37, v19;
	v4 =	vadd.f32 v9, v4;
	v9 =	vld.idx.msk [tilespmem:v45+s21+$0x0], $0xffff;
	v7 =	vmul.f32 v62, v42  }
0x265: {  	v5 =	vadd.f32 v6, v5;
	v62 =	vmul.f32 v10, v10;
	v42 =	vor.u32 $0x33, v1  }
0x266: {  	v45 =	vmul.f32 v63, v32;
	v32 =	vmul.f32 v60, v32;
	v4 =	vadd.f32 v7, v4;
	v7 =	vld.idx.msk [tilespmem:v40+s17+$0x0], $0xffff  }
0x267: {  	v60 =	vor.u32 $0x34, v2;
	v6 =	vmul.f32 v0, v0;
	v5 =	vadd.f32 v62, v5  }
0x268: {  	v37 =	vmul.f32 v28, v30;
	v45 =	vadd.f32 v45, v46;
	v46 =	vor.u32 $0x34, v3;
	v40 =	vld.idx.msk [tilespmem:v8+s19+$0x0], $0xffff  }
0x269: {  	v62 =	vmul.f32 v55, v35;
	v63 =	vmul.f32 v9, v9;
	v5 =	vadd.f32 v6, v5  }
0x26a: {  	v35 =	vmul.f32 v56, v35;
	v55 =	vmul.f32 v54, v24;
	v8 =	vld.idx.msk [tilespmem:v42+s21+$0x0], $0xffff  }
0x26b: {  	v42 =	vor.u32 $0x34, v1;
	v5 =	vadd.f32 v63, v5;
	v56 =	vmul.f32 v7, v7  }
0x26c: {  	v4 =	vadd.f32 v32, v4;
	v32 =	vadd.f32 v62, v45;
	v62 =	vmul.f32 v52, v24;
	v24 =	vld.idx.msk [tilespmem:v60+s17+$0x0], $0xffff  }
0x26d: {  	v45 =	vor.u32 $0x35, v2;
	v63 =	vmul.f32 v40, v40;
	v5 =	vadd.f32 v56, v5  }
0x26e: {  	v52 =	vmul.f32 v49, v25;
	v25 =	vld.idx.msk [tilespmem:v46+s19+$0x0], $0xffff;
	v4 =	vadd.f32 v35, v4;
	v32 =	vadd.f32 v55, v32  }
0x26f: {  	v55 =	vor.u32 $0x35, v3;
	v54 =	vmul.f32 v8, v8;
	v5 =	vadd.f32 v63, v5  }
0x270: {  	v4 =	vadd.f32 v62, v4;
	v32 =	vadd.f32 v52, v32;
	v56 =	vmul.f32 v33, v18;
	v33 =	vld.idx.msk [tilespmem:v42+s21+$0x0], $0xffff  }
0x271: {  	v62 =	vor.u32 $0x35, v1;
	v60 =	vmul.f32 v24, v24;
	v5 =	vadd.f32 v54, v5  }
0x272: {  	v27 =	vmul.f32 v27, v50;
	v32 =	vadd.f32 v56, v32;
	v63 =	vmul.f32 v36, v18;
	v18 =	vld.idx.msk [tilespmem:v45+s17+$0x0], $0xffff  }
0x273: {  	v42 =	vmul.f32 v25, v25;
	v45 =	vor.u32 $0x36, v2;
	v5 =	vadd.f32 v60, v5  }
0x274: {  	v61 =	vmul.f32 v61, v57;
	v4 =	vadd.f32 v38, v4;
	v32 =	vadd.f32 v34, v32;
	v34 =	vld.idx.msk [tilespmem:v55+s19+$0x0], $0xffff  }
0x275: {  	v52 =	vor.u32 $0x36, v3;
	v49 =	vmul.f32 v33, v33;
	v5 =	vadd.f32 v42, v5  }
0x276: {  	v4 =	vadd.f32 v63, v4;
	v54 =	vmul.f32 v31, v26;
	v26 =	vmul.f32 v29, v26;
	v29 =	vld.idx.msk [tilespmem:v62+s21+$0x0], $0xffff  }
0x277: {  	v56 =	vor.u32 $0x36, v1;
	v55 =	vmul.f32 v18, v18;
	v5 =	vadd.f32 v49, v5  }
0x278: {  	v21 =	vmul.f32 v21, v57;
	v4 =	vadd.f32 v19, v4;
	v19 =	vadd.f32 v54, v32;
	v32 =	vld.idx.msk [tilespmem:v45+s17+$0x0], $0xffff  }
0x279: {  	v63 =	vor.u32 $0x37, v2;
	v62 =	vmul.f32 v34, v34;
	v5 =	vadd.f32 v55, v5  }
0x27a: {  	v38 =	vmul.f32 v39, v41;
	v60 =	vmul.f32 v47, v30;
	v30 =	vld.idx.msk [tilespmem:v52+s19+$0x0], $0xffff;
	v4 =	vadd.f32 v26, v4  }
0x27b: {  	v42 =	vor.u32 $0x37, v3;
	v39 =	vmul.f32 v29, v29;
	v5 =	vadd.f32 v62, v5  }
0x27c: {  	v13 =	vmul.f32 v13, v17;
	v45 =	vmul.f32 v44, v41;
	v28 =	vld.idx.msk [tilespmem:v56+s21+$0x0], $0xffff;
	v4 =	vadd.f32 v37, v4  }
0x27d: {  	v47 =	vor.u32 $0x37, v1;
	v46 =	vmul.f32 v32, v32;
	v5 =	vadd.f32 v39, v5  }
0x27e: {  	v52 =	vor.u32 $0x38, v2;
	v19 =	vadd.f32 v60, v19;
	v36 =	vld.idx.msk [tilespmem:v63+s17+$0x0], $0xffff;
	v4 =	vadd.f32 v45, v4  }
0x27f: {  	v49 =	vmul.f32 v43, v50;
	v50 =	vmul.f32 v30, v30;
	v5 =	vadd.f32 v46, v5  }
0x280: {  	v12 =	vmul.f32 v12, v14;
	v19 =	vadd.f32 v38, v19;
	v4 =	vadd.f32 v27, v4;
	v27 =	vld.idx.msk [tilespmem:v42+s19+$0x0], $0xffff  }
0x281: {  	v56 =	vor.u32 $0x38, v3;
	v55 =	vmul.f32 v28, v28;
	v5 =	vadd.f32 v50, v5  }
0x282: {  	v54 =	vmul.f32 v53, v48;
	v60 =	vmul.f32 v58, v48;
	v31 =	vld.idx.msk [tilespmem:v47+s21+$0x0], $0xffff;
	v19 =	vadd.f32 v49, v19  }
0x283: {  	v63 =	vor.u32 $0x38, v1;
	v62 =	vmul.f32 v36, v36;
	v5 =	vadd.f32 v55, v5  }
0x284: {  	v44 =	vmul.f32 v23, v11;
	v26 =	vld.idx.msk [tilespmem:v52+s17+$0x0], $0xffff;
	v19 =	vadd.f32 v54, v19;
	v4 =	vadd.f32 v60, v4  }
0x285: {  	v43 =	vor.u32 $0x39, v2;
	v42 =	vmul.f32 v27, v27;
	v5 =	vadd.f32 v62, v5  }
0x286: {  	v11 =	vmul.f32 v20, v11;
	v20 =	vld.idx.msk [tilespmem:v56+s19+$0x0], $0xffff;
	v19 =	vadd.f32 v61, v19;
	v4 =	vadd.f32 v21, v4  }
0x287: {  	v45 =	vmul.f32 v31, v31;
	v46 =	vor.u32 $0x39, v3;
	v5 =	vadd.f32 v42, v5  }
0x288: {  	v19 =	vadd.f32 v44, v19;
	v4 =	vadd.f32 v11, v4;
	v11 =	vmul.f32 v15, v16;
	v15 =	vld.idx.msk [tilespmem:v63+s21+$0x0], $0xffff  }
0x289: {  	v48 =	vor.u32 $0x39, v1;
	v47 =	vmul.f32 v26, v26;
	v5 =	vadd.f32 v45, v5  }
0x28a: {  	v0 =	vmul.f32 v0, v10;
	v16 =	vmul.f32 v22, v16;
	v11 =	vadd.f32 v11, v19;
	v19 =	vld.idx.msk [tilespmem:v43+s17+$0x0], $0xffff  }
0x28b: {  	v49 =	vmul.f32 v20, v20;
	v50 =	vor.u32 $0x3A, v2;
	v5 =	vadd.f32 v47, v5  }
0x28c: {  	v4 =	vadd.f32 v16, v4;
	v52 =	vld.idx.msk [tilespmem:v46+s19+$0x0], $0xffff;
	v11 =	vadd.f32 v13, v11;
	v13 =	vmul.f32 v59, v17  }
0x28d: {  	v54 =	vor.u32 $0x3A, v3;
	v53 =	vmul.f32 v15, v15;
	v5 =	vadd.f32 v49, v5  }
0x28e: {  	v9 =	vmul.f32 v9, v10;
	v4 =	vadd.f32 v13, v4;
	v13 =	vmul.f32 v51, v14;
	v14 =	vld.idx.msk [tilespmem:v48+s21+$0x0], $0xffff  }
0x28f: {  	v56 =	vor.u32 $0x3A, v1;
	v55 =	vmul.f32 v19, v19;
	v5 =	vadd.f32 v53, v5  }
0x290: {  	v10 =	vmul.f32 v40, v7;
	v11 =	vadd.f32 v12, v11;
	v12 =	vld.idx.msk [tilespmem:v50+s17+$0x0], $0xffff;
	v4 =	vadd.f32 v13, v4  }
0x291: {  	v57 =	vmul.f32 v52, v52;
	v13 =	vor.u32 $0x3B, v2;
	v5 =	vadd.f32 v55, v5  }
0x292: {  	v7 =	vmul.f32 v8, v7;
	v61 =	vmul.f32 v25, v24;
	v0 =	vadd.f32 v0, v11;
	v11 =	vld.idx.msk [tilespmem:v54+s19+$0x0], $0xffff  }
0x293: {  	v59 =	vor.u32 $0x3B, v3;
	v58 =	vmul.f32 v14, v14;
	v5 =	vadd.f32 v57, v5  }
0x294: {  	v25 =	vor.u32 $0x3C, v3;
	v8 =	vld.idx.msk [tilespmem:v56+s21+$0x0], $0xffff;
	v63 =	vor.u32 $0x3C, v2;
	v4 =	vadd.f32 v9, v4  }
0x295: {  	v9 =	vor.u32 $0x3B, v1;
	v60 =	vmul.f32 v12, v12;
	v5 =	vadd.f32 v58, v5  }
0x296: {  	v0 =	vadd.f32 v10, v0;
	v10 =	vmul.f32 v33, v24;
	v4 =	vadd.f32 v7, v4;
	v13 =	vld.idx.msk [tilespmem:v13+s17+$0x0], $0xffff  }
0x297: {  	v62 =	vmul.f32 v11, v11;
	v5 =	vadd.f32 v60, v5  }
0x298: {  	v35 =	vor.u32 $0x3C, v1;
	v4 =	vadd.f32 v10, v4;
	v10 =	vld.idx.msk [tilespmem:v59+s19+$0x0], $0xffff  }
0x299: {  	v23 =	vmul.f32 v34, v18;
	v17 =	vld.idx.msk [tilespmem:v25+s19+$0x0], $0xffff;
	v24 =	vmul.f32 v8, v8;
	v5 =	vadd.f32 v62, v5  }
0x29a: {  	v40 =	vor.u32 $0x3D, v2;
	v29 =	vmul.f32 v29, v18;
	v37 =	vmul.f32 v28, v32;
	v9 =	vld.idx.msk [tilespmem:v9+s21+$0x0], $0xffff  }
0x29b: {  	v38 =	vld.idx.msk [tilespmem:v63+s17+$0x0], $0xffff;
	v0 =	vadd.f32 v61, v0;
	v34 =	vmul.f32 v13, v13;
	v5 =	vadd.f32 v24, v5  }
0x29c: {  	v44 =	vor.u32 $0x3D, v3;
	v41 =	vmul.f32 v27, v36;
	v33 =	vmul.f32 v30, v32  }
0x29d: {  	v0 =	vadd.f32 v23, v0;
	v39 =	vmul.f32 v10, v10;
	v5 =	vadd.f32 v34, v5  }
0x29e: {  	v42 =	vmul.f32 v31, v36;
	v48 =	vor.u32 $0x3D, v1;
	v45 =	vmul.f32 v20, v26  }
0x29f: {  	v46 =	vld.idx.msk [tilespmem:v35+s21+$0x0], $0xffff;
	v0 =	vadd.f32 v33, v0;
	v43 =	vmul.f32 v9, v9;
	v5 =	vadd.f32 v39, v5  }
0x2a0: {  	v51 =	vmul.f32 v17, v17;
	v47 =	vmul.f32 v38, v38;
	v4 =	vadd.f32 v29, v4  }
0x2a1: {  	v49 =	vmul.f32 v15, v26;
	v0 =	vadd.f32 v41, v0;
	v5 =	vadd.f32 v43, v5  }
0x2a2: {  	v50 =	vld.idx.msk [tilespmem:v40+s17+$0x0], $0xffff;
	v15 =	vmul.f32 v52, v19;
	v52 =	vor.u32 $0x3E, v2;
	v4 =	vadd.f32 v37, v4  }
0x2a3: {  	v53 =	vmul.f32 v14, v19;
	v14 =	vld.idx.msk [tilespmem:v44+s19+$0x0], $0xffff;
	v0 =	vadd.f32 v45, v0;
	v5 =	vadd.f32 v47, v5  }
0x2a4: {  	v54 =	vmul.f32 v46, v46;
	v4 =	vadd.f32 v42, v4  }
0x2a5: {  	v0 =	vadd.f32 v15, v0;
	v15 =	vor.u32 $0x3E, v3;
	v5 =	vadd.f32 v51, v5  }
0x2a6: {  	v8 =	vmul.f32 v8, v12;
	v55 =	vmul.f32 v11, v12;
	v11 =	vld.idx.msk [tilespmem:v48+s21+$0x0], $0xffff;
	v4 =	vadd.f32 v49, v4  }
0x2a7: {  	v56 =	vmul.f32 v50, v50;
	v12 =	vor.u32 $0x3E, v1;
	v5 =	vadd.f32 v54, v5  }
0x2a8: {  	v2 =	vor.u32 $0x3F, v2;
	v57 =	vld.idx.msk [tilespmem:v52+s17+$0x0], $0xffff;
	v58 =	vmul.f32 v14, v14;
	v4 =	vadd.f32 v53, v4  }
0x2a9: {  	v9 =	vmul.f32 v9, v13;
	v3 =	vor.u32 $0x3F, v3;
	v5 =	vadd.f32 v56, v5  }
0x2aa: {  	v0 =	vadd.f32 v55, v0;
	v4 =	vadd.f32 v8, v4;
	v8 =	vmul.f32 v10, v13;
	v10 =	vld.idx.msk [tilespmem:v15+s19+$0x0], $0xffff  }
0x2ab: {  	v1 =	vor.u32 $0x3F, v1;
	v59 =	vmul.f32 v11, v11;
	v5 =	vadd.f32 v58, v5  }
0x2ac: {  	v0 =	vadd.f32 v8, v0;
	v4 =	vadd.f32 v9, v4;
	v8 =	vmul.f32 v17, v38;
	v9 =	vld.idx.msk [tilespmem:v12+s21+$0x0], $0xffff  }
0x2ad: {  	v60 =	vmul.f32 v57, v57;
	v5 =	vadd.f32 v59, v5  }
0x2ae: {  	v2 =	vld.idx.msk [tilespmem:v2+s17+$0x0], $0xffff;
	v12 =	vmul.f32 v46, v38;
	v0 =	vadd.f32 v8, v0;
	v8 =	vmul.f32 v14, v50  }
0x2af: {  	v3 =	vld.idx.msk [tilespmem:v3+s19+$0x0], $0xffff;
	v61 =	vmul.f32 v10, v10;
	v5 =	vadd.f32 v60, v5  }
0x2b0: {  	v1 =	vld.idx.msk [tilespmem:v1+s21+$0x0], $0xffff;
	v4 =	vadd.f32 v12, v4;
	v0 =	vadd.f32 v8, v0  }
0x2b1: {  	v8 =	vmul.f32 v11, v50;
	v62 =	vmul.f32 v9, v9;
	v5 =	vadd.f32 v61, v5  }
0x2b2: {  	v10 =	vmul.f32 v10, v57;
	v7 =	vmul.f32 v9, v57  }
0x2b3: {  	v4 =	vadd.f32 v8, v4;
	v8 =	vmul.f32 v2, v2;
	v5 =	vadd.f32 v62, v5  }
0x2b4: {  	p2 =	sne.s32 s8, $0x70;
	v63 =	vmul.f32 v3, v2;
	v3 =	vmul.f32 v3, v3;
	v0 =	vadd.f32 v10, v0  }
.Ltmp0:
0x2b5: {  	v2 =	vmul.f32 v1, v2;
	v4 =	vadd.f32 v7, v4;
	v5 =	vadd.f32 v8, v5;
	(pc) =	sbr.rel @p2 .LBB2_3-.Ltmp0, $4  }
0x2b6: {  	v0 =	vadd.f32 v63, v0  }
0x2b7: {  	v1 =	vmul.f32 v1, v1;
	v2 =	vadd.f32 v2, v4;
	v3 =	vadd.f32 v3, v5  }
0x2b8: {  	s0 =	sadd.s32 $0x10, s0;
	s3 =	sadd.s32 $0x10, s3;
	s5 =	sadd.s32 $0x10, s5;
	[tilespmem:s6+$0x0] =	vst v0  }
0x2b9: {  	s8 =	sadd.s32 $0x10, s8;
	v14 =	vld [tilespmem:$0x1FFF0];
	s6 =	sadd.s32 $0x10, s6;
	[tilespmem:s7+$0x0] =	vst v2;
	s7 =	sadd.s32 $0x10, s7;
	v11 =	vadd.f32 v1, v3  }
.Ltmp1:
0x2ba: {  	(pc) =	sbr.rel @p1 .LBB2_6-.Ltmp1, $1  }
0x2bb: {  	_ =	sdelay $0x3  }
0x2bc: {  	v0 =	vld [tilespmem:s14+$0x100];
	_ =	sdelay $0x4  }
0x2bd: {  	v1 =	vshrl.u32 v0, $0x1  }
0x2be: {  	v0 =	vand.u32 $0x3FFF, v0;
	v1 =	vand.u32 $0x7FFFC000, v1  }
0x2bf: {  	v0 =	vor.u32 v0, v1  }
0x2c0: {  	[tilespmem:$0x600] =	vst v0  }
0x2c1: {  	v0 =	vld [tilespmem:s14+$0x110];
	_ =	sdelay $0x4  }
0x2c2: {  	v41 =	vshrl.u32 v0, $0x1  }
0x2c3: {  	v0 =	vand.u32 $0x3FFF, v0;
	v1 =	vand.u32 $0x7FFFC000, v41  }
0x2c4: {  	v0 =	vor.u32 v0, v1  }
0x2c5: {  	[tilespmem:$0x610] =	vst v0  }
0x2c6: {  	v0 =	vld [tilespmem:s14+$0x120];
	_ =	sdelay $0x4  }
0x2c7: {  	v42 =	vshrl.u32 v0, $0x1  }
0x2c8: {  	v0 =	vand.u32 $0x3FFF, v0;
	v1 =	vand.u32 $0x7FFFC000, v42  }
0x2c9: {  	v0 =	vor.u32 v0, v1  }
0x2ca: {  	[tilespmem:$0x620] =	vst v0  }
0x2cb: {  	v0 =	vld [tilespmem:s14+$0x130];
	_ =	sdelay $0x4  }
0x2cc: {  	v43 =	vshrl.u32 v0, $0x1  }
0x2cd: {  	v0 =	vand.u32 $0x3FFF, v0;
	v1 =	vand.u32 $0x7FFFC000, v43  }
0x2ce: {  	v0 =	vor.u32 v0, v1  }
0x2cf: {  	[tilespmem:$0x630] =	vst v0  }
0x2d0: {  	v0 =	vld [tilespmem:s14+$0x140];
	_ =	sdelay $0x4  }
0x2d1: {  	v44 =	vshrl.u32 v0, $0x1  }
0x2d2: {  	v0 =	vand.u32 $0x3FFF, v0;
	v1 =	vand.u32 $0x7FFFC000, v44  }
0x2d3: {  	v0 =	vor.u32 v0, v1  }
0x2d4: {  	[tilespmem:$0x640] =	vst v0  }
0x2d5: {  	v0 =	vld [tilespmem:s14+$0x150];
	_ =	sdelay $0x4  }
0x2d6: {  	v45 =	vshrl.u32 v0, $0x1  }
0x2d7: {  	v0 =	vand.u32 $0x3FFF, v0;
	v1 =	vand.u32 $0x7FFFC000, v45  }
0x2d8: {  	v0 =	vor.u32 v0, v1  }
0x2d9: {  	[tilespmem:$0x650] =	vst v0  }
0x2da: {  	v0 =	vld [tilespmem:s14+$0x160];
	_ =	sdelay $0x4  }
0x2db: {  	v46 =	vshrl.u32 v0, $0x1  }
0x2dc: {  	v0 =	vand.u32 $0x3FFF, v0;
	v1 =	vand.u32 $0x7FFFC000, v46  }
0x2dd: {  	v0 =	vor.u32 v0, v1  }
0x2de: {  	[tilespmem:$0x660] =	vst v0  }
0x2df: {  	v0 =	vld [tilespmem:s14+$0x170];
	_ =	sdelay $0x4  }
0x2e0: {  	v47 =	vshrl.u32 v0, $0x1  }
0x2e1: {  	v0 =	vand.u32 $0x3FFF, v0;
	v1 =	vand.u32 $0x7FFFC000, v47  }
0x2e2: {  	v0 =	vor.u32 v0, v1  }
0x2e3: {  	[tilespmem:$0x670] =	vst v0  }
0x2e4: {  	v0 =	vld [tilespmem:s14+$0x300];
	_ =	sdelay $0x4  }
0x2e5: {  	v48 =	vshrl.u32 v0, $0x1  }
0x2e6: {  	v0 =	vand.u32 $0x3FFF, v0;
	v1 =	vand.u32 $0x7FFFC000, v48  }
0x2e7: {  	v0 =	vor.u32 v0, v1  }
0x2e8: {  	[tilespmem:$0x680] =	vst v0  }
0x2e9: {  	v0 =	vld [tilespmem:s14+$0x310];
	_ =	sdelay $0x4  }
0x2ea: {  	v49 =	vshrl.u32 v0, $0x1  }
0x2eb: {  	v0 =	vand.u32 $0x3FFF, v0;
	v1 =	vand.u32 $0x7FFFC000, v49  }
0x2ec: {  	v0 =	vor.u32 v0, v1  }
0x2ed: {  	[tilespmem:$0x690] =	vst v0  }
0x2ee: {  	v0 =	vld [tilespmem:s14+$0x320];
	_ =	sdelay $0x4  }
0x2ef: {  	v50 =	vshrl.u32 v0, $0x1  }
0x2f0: {  	v0 =	vand.u32 $0x3FFF, v0;
	v1 =	vand.u32 $0x7FFFC000, v50  }
0x2f1: {  	v0 =	vor.u32 v0, v1  }
0x2f2: {  	[tilespmem:$0x6A0] =	vst v0  }
0x2f3: {  	v0 =	vld [tilespmem:s14+$0x330];
	_ =	sdelay $0x4  }
0x2f4: {  	v51 =	vshrl.u32 v0, $0x1  }
0x2f5: {  	v0 =	vand.u32 $0x3FFF, v0;
	v1 =	vand.u32 $0x7FFFC000, v51  }
0x2f6: {  	v0 =	vor.u32 v0, v1  }
0x2f7: {  	[tilespmem:$0x6B0] =	vst v0  }
0x2f8: {  	v0 =	vld [tilespmem:s14+$0x340];
	_ =	sdelay $0x4  }
0x2f9: {  	v52 =	vshrl.u32 v0, $0x1  }
0x2fa: {  	v0 =	vand.u32 $0x3FFF, v0;
	v1 =	vand.u32 $0x7FFFC000, v52  }
0x2fb: {  	v0 =	vor.u32 v0, v1  }
0x2fc: {  	[tilespmem:$0x6C0] =	vst v0  }
0x2fd: {  	v0 =	vld [tilespmem:s14+$0x350];
	_ =	sdelay $0x4  }
0x2fe: {  	v53 =	vshrl.u32 v0, $0x1  }
0x2ff: {  	v0 =	vand.u32 $0x3FFF, v0;
	v1 =	vand.u32 $0x7FFFC000, v53  }
0x300: {  	v0 =	vor.u32 v0, v1  }
0x301: {  	[tilespmem:$0x6D0] =	vst v0  }
0x302: {  	v0 =	vld [tilespmem:s14+$0x360];
	_ =	sdelay $0x4  }
0x303: {  	v54 =	vshrl.u32 v0, $0x1  }
0x304: {  	v0 =	vand.u32 $0x3FFF, v0;
	v1 =	vand.u32 $0x7FFFC000, v54  }
0x305: {  	v0 =	vor.u32 v0, v1  }
0x306: {  	[tilespmem:$0x6E0] =	vst v0  }
0x307: {  	v0 =	vld [tilespmem:s14+$0x370];
	_ =	sdelay $0x4  }
0x308: {  	v55 =	vshrl.u32 v0, $0x1  }
0x309: {  	v0 =	vand.u32 $0x3FFF, v0;
	v1 =	vand.u32 $0x7FFFC000, v55  }
0x30a: {  	v0 =	vor.u32 v0, v1  }
0x30b: {  	[tilespmem:$0x6F0] =	vst v0  }
0x30c: {  	v0 =	vld [tilespmem:s14+$0x500];
	_ =	sdelay $0x4  }
0x30d: {  	v56 =	vshrl.u32 v0, $0x1  }
0x30e: {  	v0 =	vand.u32 $0x3FFF, v0;
	v1 =	vand.u32 $0x7FFFC000, v56  }
0x30f: {  	v0 =	vor.u32 v0, v1  }
0x310: {  	[tilespmem:$0x700] =	vst v0  }
0x311: {  	v0 =	vld [tilespmem:s14+$0x510];
	_ =	sdelay $0x4  }
0x312: {  	v57 =	vshrl.u32 v0, $0x1  }
0x313: {  	v0 =	vand.u32 $0x3FFF, v0;
	v1 =	vand.u32 $0x7FFFC000, v57  }
0x314: {  	v0 =	vor.u32 v0, v1  }
0x315: {  	[tilespmem:$0x710] =	vst v0  }
0x316: {  	v0 =	vld [tilespmem:s14+$0x520];
	_ =	sdelay $0x4  }
0x317: {  	v58 =	vshrl.u32 v0, $0x1  }
0x318: {  	v0 =	vand.u32 $0x3FFF, v0;
	v1 =	vand.u32 $0x7FFFC000, v58  }
0x319: {  	v0 =	vor.u32 v0, v1  }
0x31a: {  	[tilespmem:$0x720] =	vst v0  }
0x31b: {  	v0 =	vld [tilespmem:s14+$0x530];
	_ =	sdelay $0x4  }
0x31c: {  	v59 =	vshrl.u32 v0, $0x1  }
0x31d: {  	v0 =	vand.u32 $0x3FFF, v0;
	v1 =	vand.u32 $0x7FFFC000, v59  }
0x31e: {  	v0 =	vor.u32 v0, v1  }
0x31f: {  	[tilespmem:$0x730] =	vst v0  }
0x320: {  	v0 =	vld [tilespmem:s14+$0x540];
	_ =	sdelay $0x4  }
0x321: {  	v60 =	vshrl.u32 v0, $0x1  }
0x322: {  	v0 =	vand.u32 $0x3FFF, v0;
	v1 =	vand.u32 $0x7FFFC000, v60  }
0x323: {  	v0 =	vor.u32 v0, v1  }
0x324: {  	[tilespmem:$0x740] =	vst v0  }
0x325: {  	v0 =	vld [tilespmem:s14+$0x550];
	_ =	sdelay $0x4  }
0x326: {  	v61 =	vshrl.u32 v0, $0x1  }
0x327: {  	v0 =	vand.u32 $0x3FFF, v0;
	v1 =	vand.u32 $0x7FFFC000, v61  }
0x328: {  	v0 =	vor.u32 v0, v1  }
0x329: {  	[tilespmem:$0x750] =	vst v0  }
0x32a: {  	v0 =	vld [tilespmem:s14+$0x560];
	_ =	sdelay $0x4  }
0x32b: {  	v62 =	vshrl.u32 v0, $0x1  }
0x32c: {  	v0 =	vand.u32 $0x3FFF, v0;
	v1 =	vand.u32 $0x7FFFC000, v62  }
0x32d: {  	v0 =	vor.u32 v0, v1  }
0x32e: {  	[tilespmem:$0x760] =	vst v0  }
0x32f: {  	v0 =	vld [tilespmem:s14+$0x570];
	_ =	sdelay $0x4  }
0x330: {  	v63 =	vshrl.u32 v0, $0x1  }
0x331: {  	v0 =	vand.u32 $0x3FFF, v0;
	v1 =	vand.u32 $0x7FFFC000, v63  }
0x332: {  	v0 =	vor.u32 v0, v1  }
0x333: {  	[tilespmem:$0x770] =	vst v0  }
0x334: {  	[tilespmem:s17], [sflag:$0x1] =	stream.indirect.gather [hbm4b:s1+s15], $0x80, s16, s15, $0xb8;
	[tilespmem:$0x18E80] =	vst v63  }
0x335: {  	_ = 	snop  }
0x336: {  	[tilespmem:s19], [sflag:$0x1] =	stream.indirect.gather [hbm4b:s2+s15], $0x80, s18, s15, $0xb8;
	[tilespmem:$0x18E80] =	vst v63  }
0x337: {  	_ = 	snop  }
0x338: {  	[tilespmem:s21], [sflag:$0x1] =	stream.indirect.gather [hbm4b:s2+s15], $0x80, s20, s15, $0xb8;
	[tilespmem:$0x18E80] =	vst v63  }
.LBB2_6:
0x339: {  	_ =	swait.ge [sflag:s30], $0x4000  }
0x33a: {  	[sflag:s30] =	ssyncset.done $0x0  }
0x33b: {  	[sflag:s30] =	ssyncadd.s32 $0xFFFFC000  }
0x33c: {  	_ =	swait.ge [sflag:s30], $0x4000  }
0x33d: {  	s0 =	sshra.s32 s31, $0x2;
	[sflag:s30] =	ssyncset.done $0x0  }
0x33e: {  	s3 =	sadd.s32 $0x80, s0;
	[sflag:s30] =	ssyncadd.s32 $0xFFFFC000  }
0x33f: {  	s5 =	sadd.s32 $0x280, s0;
	v0 =	vmov s3;
	_ =	swait.ge [sflag:s30], $0x4000  }
0x340: {  	s6 =	sadd.s32 $0x480, s0;
	v60 =	vmov s5;
	[tilespmem:$0x1FBF0] =	vst v0  }
0x341: {  	s7 =	sadd.s32 $0x18A80, s0;
	v61 =	vmov s6;
	[tilespmem:$0x1FC00] =	vst v60  }
0x342: {  	s8 =	sadd.s32 $0x18C80, s0;
	v62 =	vmov s7;
	[tilespmem:$0x1FC10] =	vst v61  }
0x343: {  	v63 =	vmov s8;
	[sflag:s30] =	ssyncset.done $0x0;
	[tilespmem:$0x1FC20] =	vst v62  }
0x344: {  	s0 =	simm.s32 $0x0;
	s3 =	simm.s32 $0x0;
	[tilespmem:$0x1FC30] =	vst v63;
	[sflag:s30] =	ssyncadd.s32 $0xFFFFC000  }
.LBB2_7:
0x345: {  	v0 =	vld [tilespmem:$0x1FBF0];
	_ =	sdelay $0x1  }
0x346: {  	v1 =	vld [tilespmem:$0x1FC00];
	_ =	sdelay $0x1  }
0x347: {  	v3 =	vld [tilespmem:$0x1FC10];
	_ =	sdelay $0x2  }
0x348: {  	s5 =	sshra.s32 s3, $0x2  }
0x349: {  	v0 =	vld.idx.msk [tilespmem:v0+s5+$0x0 ss:$0x1], $0xffff;
	_ =	sdelay $0x1  }
0x34a: {  	v1 =	vld.idx.msk [tilespmem:v1+s5+$0x0 ss:$0x1], $0xffff;
	_ =	sdelay $0x1  }
0x34b: {  	v2 =	vmov s0;
	v3 =	vld.idx.msk [tilespmem:v3+s5+$0x0 ss:$0x1], $0xffff  }
0x34c: {  	v2 =	vshll.u32 v2, $0x7;
	v0 =	vshrl.u32 v0, $0x8  }
0x34d: {  	v2 =	vor.u32 v14, v2;
	v0 =	vand.u32 $0x40, v0  }
0x34e: {  	v1 =	vshrl.u32 v1, $0x8;
	v8 =	vor.u32 v2, v0  }
0x34f: {  	v51 =	vand.u32 $0x40, v1  }
0x350: {  	v52 =	vshrl.u32 v3, $0x8;
	v7 =	vor.u32 v2, v51  }
0x351: {  	v53 =	vand.u32 $0x40, v52  }
0x352: {  	v6 =	vor.u32 v2, v53  }
0x353: {  	v1 =	vld.idx.msk [tilespmem:v8+s23+$0x0], $0xffff  }
0x354: {  	v54 =	vor.u32 $0x1, v8  }
0x355: {  	v36 =	vld.idx.msk [tilespmem:v7+s25+$0x0], $0xffff  }
0x356: {  	v55 =	vor.u32 $0x1, v7  }
0x357: {  	v37 =	vld.idx.msk [tilespmem:v6+s28+$0x0], $0xffff  }
0x358: {  	v4 =	vor.u32 $0x1, v6;
	v56 =	vmul.f32 v1, v1  }
0x359: {  	v15 =	vld.idx.msk [tilespmem:v54+s23+$0x0], $0xffff  }
0x35a: {  	v5 =	vor.u32 $0x2, v8;
	v58 =	vmul.f32 v36, v36;
	v57 =	vadd.f32 v56, v11  }
0x35b: {  	v51 =	vld.idx.msk [tilespmem:v55+s25+$0x0], $0xffff  }
0x35c: {  	v60 =	vor.u32 $0x2, v7;
	v59 =	vmul.f32 v37, v37;
	v0 =	vadd.f32 v58, v57  }
0x35d: {  	v46 =	vld.idx.msk [tilespmem:v4+s28+$0x0], $0xffff  }
0x35e: {  	v62 =	vor.u32 $0x2, v6;
	v61 =	vmul.f32 v15, v15;
	v0 =	vadd.f32 v59, v0  }
0x35f: {  	v23 =	vld.idx.msk [tilespmem:v5+s23+$0x0], $0xffff  }
0x360: {  	v16 =	vor.u32 $0x3, v8;
	v63 =	vmul.f32 v51, v51;
	v0 =	vadd.f32 v61, v0  }
0x361: {  	v50 =	vld.idx.msk [tilespmem:v60+s25+$0x0], $0xffff  }
0x362: {  	v9 =	vor.u32 $0x3, v7;
	v17 =	vmul.f32 v46, v46;
	v0 =	vadd.f32 v63, v0  }
0x363: {  	v10 =	vld.idx.msk [tilespmem:v62+s28+$0x0], $0xffff  }
0x364: {  	v19 =	vor.u32 $0x3, v6;
	v18 =	vmul.f32 v23, v23;
	v0 =	vadd.f32 v17, v0  }
0x365: {  	v3 =	vld.idx.msk [tilespmem:v16+s23+$0x0], $0xffff  }
0x366: {  	v21 =	vor.u32 $0x4, v8;
	v20 =	vmul.f32 v50, v50;
	v0 =	vadd.f32 v18, v0  }
0x367: {  	v11 =	vld.idx.msk [tilespmem:v9+s25+$0x0], $0xffff  }
0x368: {  	v22 =	vmul.f32 v10, v10;
	v9 =	vor.u32 $0x4, v7;
	v0 =	vadd.f32 v20, v0  }
0x369: {  	v53 =	vld.idx.msk [tilespmem:v19+s28+$0x0], $0xffff  }
0x36a: {  	v25 =	vor.u32 $0x4, v6;
	v24 =	vmul.f32 v3, v3;
	v0 =	vadd.f32 v22, v0  }
0x36b: {  	v21 =	vld.idx.msk [tilespmem:v21+s23+$0x0], $0xffff  }
0x36c: {  	v27 =	vor.u32 $0x5, v8;
	v26 =	vmul.f32 v11, v11;
	v0 =	vadd.f32 v24, v0  }
0x36d: {  	v12 =	vld.idx.msk [tilespmem:v9+s25+$0x0], $0xffff  }
0x36e: {  	v28 =	vmul.f32 v53, v53;
	v9 =	vor.u32 $0x5, v7;
	v0 =	vadd.f32 v26, v0  }
0x36f: {  	[tilespmem:$0x1F840] =	vst v11;
	v11 =	vld.idx.msk [tilespmem:v25+s28+$0x0], $0xffff  }
0x370: {  	[tilespmem:$0x1F830] =	vst v10;
	v29 =	vmul.f32 v21, v21;
	v10 =	vor.u32 $0x5, v6;
	v2 =	vadd.f32 v28, v0  }
0x371: {  	v20 =	vld.idx.msk [tilespmem:v27+s23+$0x0], $0xffff  }
0x372: {  	v31 =	vor.u32 $0x6, v8;
	v30 =	vmul.f32 v12, v12;
	v2 =	vadd.f32 v29, v2  }
0x373: {  	v32 =	vld.idx.msk [tilespmem:v9+s25+$0x0], $0xffff  }
0x374: {  	v33 =	vmul.f32 v11, v11;
	v9 =	vor.u32 $0x6, v7;
	v2 =	vadd.f32 v30, v2  }
0x375: {  	[tilespmem:$0x1F860] =	vst v11;
	v11 =	vld.idx.msk [tilespmem:v10+s28+$0x0], $0xffff  }
0x376: {  	v10 =	vor.u32 $0x6, v6;
	v34 =	vmul.f32 v20, v20;
	v2 =	vadd.f32 v33, v2  }
0x377: {  	v41 =	vld.idx.msk [tilespmem:v31+s23+$0x0], $0xffff  }
0x378: {  	v38 =	vor.u32 $0x7, v8;
	v35 =	vmul.f32 v32, v32;
	v2 =	vadd.f32 v34, v2  }
0x379: {  	[tilespmem:$0x1F850] =	vst v12;
	v12 =	vld.idx.msk [tilespmem:v9+s25+$0x0], $0xffff  }
0x37a: {  	v39 =	vmul.f32 v11, v11;
	v9 =	vor.u32 $0x7, v7;
	v2 =	vadd.f32 v35, v2  }
0x37b: {  	v40 =	vld.idx.msk [tilespmem:v10+s28+$0x0], $0xffff  }
0x37c: {  	[tilespmem:$0x1F880] =	vst v11;
	v10 =	vmul.f32 v41, v41;
	v11 =	vor.u32 $0x7, v6;
	v4 =	vadd.f32 v39, v2  }
0x37d: {  	v44 =	vld.idx.msk [tilespmem:v38+s23+$0x0], $0xffff  }
0x37e: {  	v43 =	vmul.f32 v12, v12;
	v4 =	vadd.f32 v10, v4;
	v10 =	vor.u32 $0x8, v8  }
0x37f: {  	v45 =	vld.idx.msk [tilespmem:v9+s25+$0x0], $0xffff  }
0x380: {  	v47 =	vmul.f32 v40, v40;
	v9 =	vor.u32 $0x8, v7;
	v4 =	vadd.f32 v43, v4  }
0x381: {  	v48 =	vld.idx.msk [tilespmem:v11+s28+$0x0], $0xffff  }
0x382: {  	v49 =	vmul.f32 v44, v44;
	v11 =	vor.u32 $0x8, v6;
	v4 =	vadd.f32 v47, v4  }
0x383: {  	v31 =	vld.idx.msk [tilespmem:v10+s23+$0x0], $0xffff  }
0x384: {  	v52 =	vmul.f32 v45, v45;
	v10 =	vor.u32 $0x9, v8;
	v4 =	vadd.f32 v49, v4  }
0x385: {  	v54 =	vld.idx.msk [tilespmem:v9+s25+$0x0], $0xffff  }
0x386: {  	v55 =	vmul.f32 v48, v48;
	v9 =	vor.u32 $0x9, v7;
	v4 =	vadd.f32 v52, v4  }
0x387: {  	v56 =	vld.idx.msk [tilespmem:v11+s28+$0x0], $0xffff  }
0x388: {  	v11 =	vor.u32 $0x9, v6;
	v4 =	vadd.f32 v55, v4;
	v57 =	vmul.f32 v31, v31  }
0x389: {  	v29 =	vld.idx.msk [tilespmem:v10+s23+$0x0], $0xffff  }
0x38a: {  	v58 =	vmul.f32 v54, v54;
	v10 =	vor.u32 $0xA, v8;
	v4 =	vadd.f32 v57, v4  }
0x38b: {  	v59 =	vld.idx.msk [tilespmem:v9+s25+$0x0], $0xffff  }
0x38c: {  	v60 =	vmul.f32 v56, v56;
	v9 =	vor.u32 $0xA, v7;
	v4 =	vadd.f32 v58, v4  }
0x38d: {  	v61 =	vld.idx.msk [tilespmem:v11+s28+$0x0], $0xffff  }
0x38e: {  	v11 =	vor.u32 $0xA, v6;
	v62 =	vmul.f32 v29, v29;
	v4 =	vadd.f32 v60, v4  }
0x38f: {  	v42 =	vld.idx.msk [tilespmem:v10+s23+$0x0], $0xffff  }
0x390: {  	v63 =	vmul.f32 v59, v59;
	v10 =	vor.u32 $0xB, v8;
	v4 =	vadd.f32 v62, v4  }
0x391: {  	v16 =	vld.idx.msk [tilespmem:v9+s25+$0x0], $0xffff  }
0x392: {  	v17 =	vmul.f32 v61, v61;
	v9 =	vor.u32 $0xB, v7;
	v4 =	vadd.f32 v63, v4  }
0x393: {  	v18 =	vld.idx.msk [tilespmem:v11+s28+$0x0], $0xffff  }
0x394: {  	v11 =	vor.u32 $0xB, v6;
	v19 =	vmul.f32 v42, v42;
	v4 =	vadd.f32 v17, v4  }
0x395: {  	[tilespmem:$0x1F8A0] =	vst v40;
	v40 =	vld.idx.msk [tilespmem:v10+s23+$0x0], $0xffff  }
0x396: {  	v22 =	vmul.f32 v16, v16;
	v10 =	vor.u32 $0xC, v8;
	v4 =	vadd.f32 v19, v4  }
0x397: {  	v24 =	vld.idx.msk [tilespmem:v9+s25+$0x0], $0xffff  }
0x398: {  	v25 =	vmul.f32 v18, v18;
	v9 =	vor.u32 $0xC, v7;
	v4 =	vadd.f32 v22, v4  }
0x399: {  	v26 =	vld.idx.msk [tilespmem:v11+s28+$0x0], $0xffff  }
0x39a: {  	v11 =	vor.u32 $0xC, v6;
	v27 =	vmul.f32 v40, v40;
	v4 =	vadd.f32 v25, v4  }
0x39b: {  	v38 =	vld.idx.msk [tilespmem:v10+s23+$0x0], $0xffff  }
0x39c: {  	v28 =	vmul.f32 v24, v24;
	v10 =	vor.u32 $0xD, v8;
	v4 =	vadd.f32 v27, v4  }
0x39d: {  	v30 =	vld.idx.msk [tilespmem:v9+s25+$0x0], $0xffff  }
0x39e: {  	[tilespmem:$0x1F870] =	vst v32;
	v32 =	vmul.f32 v26, v26;
	v9 =	vor.u32 $0xD, v7;
	v4 =	vadd.f32 v28, v4  }
0x39f: {  	v33 =	vld.idx.msk [tilespmem:v11+s28+$0x0], $0xffff  }
0x3a0: {  	v11 =	vor.u32 $0xD, v6;
	v34 =	vmul.f32 v38, v38;
	v4 =	vadd.f32 v32, v4  }
0x3a1: {  	[tilespmem:$0x1F8B0] =	vst v45;
	v45 =	vld.idx.msk [tilespmem:v10+s23+$0x0], $0xffff  }
0x3a2: {  	v35 =	vmul.f32 v30, v30;
	v10 =	vor.u32 $0xE, v8;
	v4 =	vadd.f32 v34, v4  }
0x3a3: {  	v39 =	vld.idx.msk [tilespmem:v9+s25+$0x0], $0xffff  }
0x3a4: {  	v43 =	vmul.f32 v33, v33;
	v9 =	vor.u32 $0xE, v7;
	v4 =	vadd.f32 v35, v4  }
0x3a5: {  	v47 =	vld.idx.msk [tilespmem:v11+s28+$0x0], $0xffff  }
0x3a6: {  	v11 =	vor.u32 $0xE, v6;
	v52 =	vmul.f32 v45, v45;
	v4 =	vadd.f32 v43, v4  }
0x3a7: {  	v49 =	vld.idx.msk [tilespmem:v10+s23+$0x0], $0xffff  }
0x3a8: {  	[tilespmem:$0x1F8D0] =	vst v54;
	v54 =	vmul.f32 v39, v39;
	v10 =	vor.u32 $0xF, v8;
	v4 =	vadd.f32 v52, v4  }
0x3a9: {  	v55 =	vld.idx.msk [tilespmem:v9+s25+$0x0], $0xffff  }
0x3aa: {  	[tilespmem:$0x1F8E0] =	vst v56;
	v56 =	vmul.f32 v47, v47;
	v9 =	vor.u32 $0xF, v7;
	v4 =	vadd.f32 v54, v4  }
0x3ab: {  	v57 =	vld.idx.msk [tilespmem:v11+s28+$0x0], $0xffff  }
0x3ac: {  	v11 =	vor.u32 $0xF, v6;
	v58 =	vmul.f32 v49, v49;
	v4 =	vadd.f32 v56, v4  }
0x3ad: {  	[tilespmem:$0x1F980] =	vst v47;
	v47 =	vld.idx.msk [tilespmem:v10+s23+$0x0], $0xffff  }
0x3ae: {  	[tilespmem:$0x1F8F0] =	vst v59;
	v59 =	vmul.f32 v55, v55;
	v10 =	vor.u32 $0x10, v8;
	v4 =	vadd.f32 v58, v4  }
0x3af: {  	v60 =	vld.idx.msk [tilespmem:v9+s25+$0x0], $0xffff  }
0x3b0: {  	[tilespmem:$0x1F900] =	vst v61;
	v61 =	vmul.f32 v57, v57;
	v9 =	vor.u32 $0x10, v7;
	v4 =	vadd.f32 v59, v4  }
0x3b1: {  	v62 =	vld.idx.msk [tilespmem:v11+s28+$0x0], $0xffff  }
0x3b2: {  	v11 =	vor.u32 $0x10, v6;
	v63 =	vmul.f32 v47, v47;
	v4 =	vadd.f32 v61, v4  }
0x3b3: {  	v52 =	vld.idx.msk [tilespmem:v10+s23+$0x0], $0xffff  }
0x3b4: {  	[tilespmem:$0x1F910] =	vst v16;
	v16 =	vmul.f32 v60, v60;
	v10 =	vor.u32 $0x11, v8;
	v4 =	vadd.f32 v63, v4  }
0x3b5: {  	v17 =	vld.idx.msk [tilespmem:v9+s25+$0x0], $0xffff  }
0x3b6: {  	[tilespmem:$0x1F920] =	vst v18;
	v18 =	vmul.f32 v62, v62;
	v9 =	vor.u32 $0x11, v7;
	v4 =	vadd.f32 v16, v4  }
0x3b7: {  	v19 =	vld.idx.msk [tilespmem:v11+s28+$0x0], $0xffff  }
0x3b8: {  	v11 =	vor.u32 $0x11, v6;
	v22 =	vmul.f32 v52, v52;
	v4 =	vadd.f32 v18, v4  }
0x3b9: {  	v58 =	vld.idx.msk [tilespmem:v10+s23+$0x0], $0xffff  }
0x3ba: {  	[tilespmem:$0x1F930] =	vst v24;
	v24 =	vmul.f32 v17, v17;
	v10 =	vor.u32 $0x12, v8;
	v4 =	vadd.f32 v22, v4  }
0x3bb: {  	v25 =	vld.idx.msk [tilespmem:v9+s25+$0x0], $0xffff  }
0x3bc: {  	[tilespmem:$0x1F940] =	vst v26;
	v26 =	vmul.f32 v19, v19;
	v9 =	vor.u32 $0x12, v7;
	v4 =	vadd.f32 v24, v4  }
0x3bd: {  	v27 =	vld.idx.msk [tilespmem:v11+s28+$0x0], $0xffff  }
0x3be: {  	v11 =	vor.u32 $0x12, v6;
	v28 =	vmul.f32 v58, v58;
	v4 =	vadd.f32 v26, v4  }
0x3bf: {  	v56 =	vld.idx.msk [tilespmem:v10+s23+$0x0], $0xffff  }
0x3c0: {  	[tilespmem:$0x1F950] =	vst v30;
	v30 =	vmul.f32 v25, v25;
	v10 =	vor.u32 $0x13, v8;
	v4 =	vadd.f32 v28, v4  }
0x3c1: {  	v32 =	vld.idx.msk [tilespmem:v9+s25+$0x0], $0xffff  }
0x3c2: {  	[tilespmem:$0x1F960] =	vst v33;
	v33 =	vmul.f32 v27, v27;
	v9 =	vor.u32 $0x13, v7;
	v4 =	vadd.f32 v30, v4  }
0x3c3: {  	v34 =	vld.idx.msk [tilespmem:v11+s28+$0x0], $0xffff  }
0x3c4: {  	v11 =	vor.u32 $0x13, v6;
	v35 =	vmul.f32 v56, v56;
	v4 =	vadd.f32 v33, v4  }
0x3c5: {  	v61 =	vld.idx.msk [tilespmem:v10+s23+$0x0], $0xffff  }
0x3c6: {  	[tilespmem:$0x1F970] =	vst v39;
	v39 =	vmul.f32 v32, v32;
	v10 =	vor.u32 $0x14, v8;
	v4 =	vadd.f32 v35, v4  }
0x3c7: {  	v43 =	vld.idx.msk [tilespmem:v9+s25+$0x0], $0xffff  }
0x3c8: {  	[tilespmem:$0x1F8C0] =	vst v48;
	v48 =	vmul.f32 v34, v34;
	v9 =	vor.u32 $0x14, v7;
	v4 =	vadd.f32 v39, v4  }
0x3c9: {  	v54 =	vld.idx.msk [tilespmem:v11+s28+$0x0], $0xffff  }
0x3ca: {  	[tilespmem:$0x1F990] =	vst v55;
	v11 =	vor.u32 $0x14, v6;
	v55 =	vmul.f32 v61, v61;
	v4 =	vadd.f32 v48, v4  }
0x3cb: {  	v24 =	vld.idx.msk [tilespmem:v10+s23+$0x0], $0xffff  }
0x3cc: {  	[tilespmem:$0x1F9A0] =	vst v57;
	v57 =	vmul.f32 v43, v43;
	v10 =	vor.u32 $0x15, v8;
	v4 =	vadd.f32 v55, v4  }
0x3cd: {  	v59 =	vld.idx.msk [tilespmem:v9+s25+$0x0], $0xffff  }
0x3ce: {  	[tilespmem:$0x1F9B0] =	vst v60;
	v60 =	vmul.f32 v54, v54;
	v9 =	vor.u32 $0x15, v7;
	v4 =	vadd.f32 v57, v4  }
0x3cf: {  	[tilespmem:$0x1F9C0] =	vst v62;
	v62 =	vld.idx.msk [tilespmem:v11+s28+$0x0], $0xffff  }
0x3d0: {  	v11 =	vor.u32 $0x15, v6;
	v63 =	vmul.f32 v24, v24;
	v4 =	vadd.f32 v60, v4  }
0x3d1: {  	v26 =	vld.idx.msk [tilespmem:v10+s23+$0x0], $0xffff  }
0x3d2: {  	v16 =	vmul.f32 v59, v59;
	v10 =	vor.u32 $0x16, v8;
	v4 =	vadd.f32 v63, v4  }
0x3d3: {  	[tilespmem:$0x1F9D0] =	vst v17;
	v17 =	vld.idx.msk [tilespmem:v9+s25+$0x0], $0xffff  }
0x3d4: {  	v9 =	vor.u32 $0x16, v7;
	v18 =	vmul.f32 v62, v62;
	v4 =	vadd.f32 v16, v4  }
0x3d5: {  	[tilespmem:$0x1F9E0] =	vst v19;
	v19 =	vld.idx.msk [tilespmem:v11+s28+$0x0], $0xffff  }
0x3d6: {  	v11 =	vor.u32 $0x16, v6;
	v22 =	vmul.f32 v26, v26;
	v4 =	vadd.f32 v18, v4  }
0x3d7: {  	[tilespmem:$0x1F9F0] =	vst v25;
	v25 =	vld.idx.msk [tilespmem:v10+s23+$0x0], $0xffff  }
0x3d8: {  	[tilespmem:$0x1FA00] =	vst v27;
	v27 =	vmul.f32 v17, v17;
	v10 =	vor.u32 $0x17, v8;
	v4 =	vadd.f32 v22, v4  }
0x3d9: {  	v28 =	vld.idx.msk [tilespmem:v9+s25+$0x0], $0xffff  }
0x3da: {  	v9 =	vor.u32 $0x17, v7;
	v30 =	vmul.f32 v19, v19;
	v4 =	vadd.f32 v27, v4  }
0x3db: {  	[tilespmem:$0x1FA10] =	vst v32;
	v32 =	vld.idx.msk [tilespmem:v11+s28+$0x0], $0xffff  }
0x3dc: {  	v11 =	vor.u32 $0x17, v6;
	v33 =	vmul.f32 v25, v25;
	v4 =	vadd.f32 v30, v4  }
0x3dd: {  	[tilespmem:$0x1FA80] =	vst v19;
	v19 =	vld.idx.msk [tilespmem:v10+s23+$0x0], $0xffff  }
0x3de: {  	[tilespmem:$0x1FA20] =	vst v34;
	v34 =	vmul.f32 v28, v28;
	v10 =	vor.u32 $0x18, v8;
	v4 =	vadd.f32 v33, v4  }
0x3df: {  	v35 =	vld.idx.msk [tilespmem:v9+s25+$0x0], $0xffff  }
0x3e0: {  	v9 =	vor.u32 $0x18, v7;
	v39 =	vmul.f32 v32, v32;
	v4 =	vadd.f32 v34, v4  }
0x3e1: {  	[tilespmem:$0x1FA30] =	vst v43;
	v43 =	vld.idx.msk [tilespmem:v11+s28+$0x0], $0xffff  }
0x3e2: {  	v11 =	vor.u32 $0x18, v6;
	v48 =	vmul.f32 v19, v19;
	v4 =	vadd.f32 v39, v4  }
0x3e3: {  	v27 =	vld.idx.msk [tilespmem:v10+s23+$0x0], $0xffff  }
0x3e4: {  	[tilespmem:$0x1FA40] =	vst v54;
	v54 =	vmul.f32 v35, v35;
	v10 =	vor.u32 $0x19, v8;
	v4 =	vadd.f32 v48, v4  }
0x3e5: {  	v55 =	vld.idx.msk [tilespmem:v9+s25+$0x0], $0xffff  }
0x3e6: {  	v9 =	vor.u32 $0x19, v7;
	v57 =	vmul.f32 v43, v43;
	v4 =	vadd.f32 v54, v4  }
0x3e7: {  	[tilespmem:$0x1FA50] =	vst v59;
	v59 =	vld.idx.msk [tilespmem:v11+s28+$0x0], $0xffff  }
0x3e8: {  	v11 =	vor.u32 $0x19, v6;
	v60 =	vmul.f32 v27, v27;
	v4 =	vadd.f32 v57, v4  }
0x3e9: {  	v22 =	vld.idx.msk [tilespmem:v10+s23+$0x0], $0xffff  }
0x3ea: {  	[tilespmem:$0x1FA60] =	vst v62;
	v62 =	vmul.f32 v55, v55;
	v10 =	vor.u32 $0x1A, v8;
	v4 =	vadd.f32 v60, v4  }
0x3eb: {  	v63 =	vld.idx.msk [tilespmem:v9+s25+$0x0], $0xffff  }
0x3ec: {  	[tilespmem:$0x1FA90] =	vst v28;
	v28 =	vmul.f32 v59, v59;
	v9 =	vor.u32 $0x1A, v7;
	v4 =	vadd.f32 v62, v4  }
0x3ed: {  	v30 =	vld.idx.msk [tilespmem:v11+s28+$0x0], $0xffff  }
0x3ee: {  	[tilespmem:$0x1FAA0] =	vst v32;
	v11 =	vor.u32 $0x1A, v6;
	v32 =	vmul.f32 v22, v22;
	v4 =	vadd.f32 v28, v4  }
0x3ef: {  	v16 =	vld.idx.msk [tilespmem:v10+s23+$0x0], $0xffff  }
0x3f0: {  	v33 =	vmul.f32 v63, v63;
	v10 =	vor.u32 $0x1B, v8;
	v4 =	vadd.f32 v32, v4  }
0x3f1: {  	v34 =	vld.idx.msk [tilespmem:v9+s25+$0x0], $0xffff  }
0x3f2: {  	[tilespmem:$0x1FAB0] =	vst v35;
	v9 =	vor.u32 $0x1B, v7;
	v35 =	vmul.f32 v30, v30;
	v4 =	vadd.f32 v33, v4  }
0x3f3: {  	v39 =	vld.idx.msk [tilespmem:v11+s28+$0x0], $0xffff  }
0x3f4: {  	[tilespmem:$0x1FAC0] =	vst v43;
	v11 =	vor.u32 $0x1B, v6;
	v43 =	vmul.f32 v16, v16;
	v4 =	vadd.f32 v35, v4  }
0x3f5: {  	v18 =	vld.idx.msk [tilespmem:v10+s23+$0x0], $0xffff  }
0x3f6: {  	v48 =	vmul.f32 v34, v34;
	v10 =	vor.u32 $0x1C, v8;
	v4 =	vadd.f32 v43, v4  }
0x3f7: {  	v54 =	vld.idx.msk [tilespmem:v9+s25+$0x0], $0xffff  }
0x3f8: {  	[tilespmem:$0x1FAD0] =	vst v55;
	v9 =	vor.u32 $0x1C, v7;
	v55 =	vmul.f32 v39, v39;
	v4 =	vadd.f32 v48, v4  }
0x3f9: {  	v57 =	vld.idx.msk [tilespmem:v11+s28+$0x0], $0xffff  }
0x3fa: {  	[tilespmem:$0x1FAE0] =	vst v59;
	v11 =	vor.u32 $0x1C, v6;
	v59 =	vmul.f32 v18, v18;
	v4 =	vadd.f32 v55, v4  }
0x3fb: {  	[tilespmem:$0x1FA70] =	vst v17;
	v17 =	vld.idx.msk [tilespmem:v10+s23+$0x0], $0xffff  }
0x3fc: {  	v60 =	vmul.f32 v54, v54;
	v10 =	vor.u32 $0x1D, v8;
	v4 =	vadd.f32 v59, v4  }
0x3fd: {  	v62 =	vld.idx.msk [tilespmem:v9+s25+$0x0], $0xffff  }
0x3fe: {  	[tilespmem:$0x1FAF0] =	vst v63;
	v9 =	vor.u32 $0x1D, v7;
	v63 =	vmul.f32 v57, v57;
	v4 =	vadd.f32 v60, v4  }
0x3ff: {  	v28 =	vld.idx.msk [tilespmem:v11+s28+$0x0], $0xffff  }
0x400: {  	[tilespmem:$0x1FB00] =	vst v30;
	v11 =	vor.u32 $0x1D, v6;
	v30 =	vmul.f32 v17, v17;
	v4 =	vadd.f32 v63, v4  }
0x401: {  	v13 =	vld.idx.msk [tilespmem:v10+s23+$0x0], $0xffff  }
0x402: {  	v32 =	vmul.f32 v62, v62;
	v10 =	vor.u32 $0x1E, v8;
	v4 =	vadd.f32 v30, v4  }
0x403: {  	v33 =	vld.idx.msk [tilespmem:v9+s25+$0x0], $0xffff  }
0x404: {  	[tilespmem:$0x1FB10] =	vst v34;
	v9 =	vor.u32 $0x1E, v7;
	v34 =	vmul.f32 v28, v28;
	v4 =	vadd.f32 v32, v4  }
0x405: {  	v35 =	vld.idx.msk [tilespmem:v11+s28+$0x0], $0xffff  }
0x406: {  	[tilespmem:$0x1FB20] =	vst v39;
	v11 =	vor.u32 $0x1E, v6;
	v39 =	vmul.f32 v13, v13;
	v4 =	vadd.f32 v34, v4  }
0x407: {  	v14 =	vld.idx.msk [tilespmem:v10+s23+$0x0], $0xffff  }
0x408: {  	v43 =	vmul.f32 v33, v33;
	v10 =	vor.u32 $0x1F, v8;
	v4 =	vadd.f32 v39, v4  }
0x409: {  	[tilespmem:$0x1FB40] =	vst v57;
	v57 =	vld.idx.msk [tilespmem:v9+s25+$0x0], $0xffff  }
0x40a: {  	v9 =	vor.u32 $0x1F, v7;
	v48 =	vmul.f32 v35, v35;
	v4 =	vadd.f32 v43, v4  }
0x40b: {  	[tilespmem:$0x1FB30] =	vst v54;
	v54 =	vld.idx.msk [tilespmem:v11+s28+$0x0], $0xffff  }
0x40c: {  	v11 =	vor.u32 $0x1F, v6;
	v55 =	vmul.f32 v14, v14;
	v4 =	vadd.f32 v48, v4  }
0x40d: {  	[tilespmem:$0x1F890] =	vst v12;
	v12 =	vld.idx.msk [tilespmem:v10+s23+$0x0], $0xffff  }
0x40e: {  	v59 =	vmul.f32 v57, v57;
	v10 =	vor.u32 $0x20, v8;
	v4 =	vadd.f32 v55, v4  }
0x40f: {  	v60 =	vld.idx.msk [tilespmem:v9+s25+$0x0], $0xffff  }
0x410: {  	[tilespmem:$0x1FB50] =	vst v62;
	v62 =	vmul.f32 v54, v54;
	v9 =	vor.u32 $0x20, v7;
	v4 =	vadd.f32 v59, v4  }
0x411: {  	v63 =	vld.idx.msk [tilespmem:v11+s28+$0x0], $0xffff  }
0x412: {  	v11 =	vor.u32 $0x20, v6;
	v30 =	vmul.f32 v12, v12;
	v4 =	vadd.f32 v62, v4  }
0x413: {  	v10 =	vld.idx.msk [tilespmem:v10+s23+$0x0], $0xffff  }
0x414: {  	[tilespmem:$0x1FB60] =	vst v28;
	v28 =	vor.u32 $0x21, v8;
	v32 =	vmul.f32 v60, v60;
	v4 =	vadd.f32 v30, v4  }
0x415: {  	[tilespmem:$0x1FB70] =	vst v33;
	v33 =	vld.idx.msk [tilespmem:v9+s25+$0x0], $0xffff  }
0x416: {  	v9 =	vor.u32 $0x21, v7;
	v34 =	vmul.f32 v63, v63;
	v4 =	vadd.f32 v32, v4  }
0x417: {  	[tilespmem:$0x1FB80] =	vst v35;
	v35 =	vld.idx.msk [tilespmem:v11+s28+$0x0], $0xffff  }
0x418: {  	v39 =	vmul.f32 v10, v10;
	v30 =	vor.u32 $0x21, v6;
	v4 =	vadd.f32 v34, v4  }
0x419: {  	v11 =	vld.idx.msk [tilespmem:v28+s23+$0x0], $0xffff  }
0x41a: {  	[tilespmem:$0x1FB90] =	vst v54;
	v54 =	vor.u32 $0x22, v8;
	v43 =	vmul.f32 v33, v33;
	v4 =	vadd.f32 v39, v4  }
0x41b: {  	v48 =	vld.idx.msk [tilespmem:v9+s25+$0x0], $0xffff  }
0x41c: {  	v55 =	vmul.f32 v35, v35;
	v32 =	vor.u32 $0x22, v7;
	v4 =	vadd.f32 v43, v4  }
0x41d: {  	v59 =	vld.idx.msk [tilespmem:v30+s28+$0x0], $0xffff  }
0x41e: {  	v2 =	vor.u32 $0x22, v6;
	[tilespmem:$0x1FBB0] =	vst v63;
	v63 =	vmul.f32 v11, v11;
	v4 =	vadd.f32 v55, v4  }
0x41f: {  	v43 =	vld.idx.msk [tilespmem:v54+s23+$0x0], $0xffff  }
0x420: {  	v39 =	vmul.f32 v48, v48;
	v54 =	vor.u32 $0x23, v8;
	v4 =	vadd.f32 v63, v4  }
0x421: {  	[tilespmem:$0x1FBA0] =	vst v60;
	v60 =	vld.idx.msk [tilespmem:v32+s25+$0x0], $0xffff  }
0x422: {  	[tilespmem:$0x1FBE0] =	vst v59;
	v55 =	vmul.f32 v59, v59;
	v59 =	vor.u32 $0x23, v7;
	v4 =	vadd.f32 v39, v4  }
0x423: {  	v63 =	vld.idx.msk [tilespmem:v2+s28+$0x0], $0xffff  }
0x424: {  	[tilespmem:$0x1FBC0] =	vst v33;
	v33 =	vor.u32 $0x23, v6;
	v62 =	vmul.f32 v43, v43;
	v5 =	vadd.f32 v55, v4  }
0x425: {  	v34 =	vld.idx.msk [tilespmem:v54+s23+$0x0], $0xffff  }
0x426: {  	v0 =	vmul.f32 v60, v60;
	v2 =	vor.u32 $0x24, v8;
	v5 =	vadd.f32 v62, v5  }
0x427: {  	v62 =	vld.idx.msk [tilespmem:v59+s25+$0x0], $0xffff  }
0x428: {  	v55 =	vor.u32 $0x24, v7;
	v54 =	vmul.f32 v63, v63;
	v5 =	vadd.f32 v0, v5  }
0x429: {  	[tilespmem:$0x1FBD0] =	vst v35;
	v35 =	vor.u32 $0x24, v6;
	v59 =	vld.idx.msk [tilespmem:v33+s28+$0x0], $0xffff  }
0x42a: {  	v4 =	vmul.f32 v34, v34;
	v28 =	vadd.f32 v54, v5  }
0x42b: {  	v36 =	vmul.f32 v36, v1;
	v39 =	vld.idx.msk [tilespmem:v2+s23+$0x0], $0xffff  }
0x42c: {  	v1 =	vmul.f32 v37, v1;
	v5 =	vmul.f32 v62, v62;
	v28 =	vadd.f32 v4, v28  }
0x42d: {  	v36 =	vadd.f32 $0.0e+00, v36;
	v55 =	vld.idx.msk [tilespmem:v55+s25+$0x0], $0xffff  }
0x42e: {  	v1 =	vadd.f32 $0.0e+00, v1;
	v54 =	vld.idx.msk [tilespmem:v35+s28+$0x0], $0xffff;
	v28 =	vadd.f32 v5, v28;
	v5 =	vmul.f32 v59, v59  }
0x42f: {  	v33 =	vor.u32 $0x25, v8;
	v4 =	vmul.f32 v51, v15;
	v15 =	vmul.f32 v46, v15;
	v51 =	vld [tilespmem:$0x1F830]  }
0x430: {  	v37 =	vld [tilespmem:$0x1F840];
	v35 =	vor.u32 $0x25, v6;
	v46 =	vmul.f32 v39, v39;
	v28 =	vadd.f32 v5, v28  }
0x431: {  	v36 =	vadd.f32 v4, v36;
	v1 =	vadd.f32 v15, v1;
	v15 =	vmul.f32 v50, v23  }
0x432: {  	v5 =	vmul.f32 v55, v55;
	v28 =	vadd.f32 v46, v28  }
0x433: {  	v15 =	vadd.f32 v15, v36;
	v36 =	vld [tilespmem:$0x1F850]  }
0x434: {  	v50 =	vmul.f32 v54, v54;
	v4 =	vmul.f32 v51, v23;
	v23 =	vld.idx.msk [tilespmem:v33+s23+$0x0], $0xffff;
	v28 =	vadd.f32 v5, v28  }
0x435: {  	v32 =	vor.u32 $0x25, v7;
	v46 =	vmul.f32 v37, v3;
	v3 =	vmul.f32 v53, v3;
	v53 =	vld.idx.msk [tilespmem:v35+s28+$0x0], $0xffff  }
0x436: {  	v28 =	vadd.f32 v50, v28;
	v50 =	vld [tilespmem:$0x1F860]  }
0x437: {  	v35 =	vld [tilespmem:$0x1F870]  }
0x438: {  	v0 =	vmul.f32 v36, v21;
	v36 =	vld [tilespmem:$0x1F880]  }
0x439: {  	v1 =	vadd.f32 v4, v1  }
0x43a: {  	v33 =	vor.u32 $0x26, v8;
	v51 =	vld.idx.msk [tilespmem:v32+s25+$0x0], $0xffff  }
0x43b: {  	v1 =	vadd.f32 v3, v1;
	v3 =	vmul.f32 v50, v21  }
0x43c: {  	v15 =	vadd.f32 v46, v15;
	v37 =	vmul.f32 v23, v23  }
0x43d: {  	v1 =	vadd.f32 v3, v1;
	v3 =	vmul.f32 v35, v20;
	v20 =	vmul.f32 v36, v20;
	v36 =	vld [tilespmem:$0x1F890];
	_ =	sdelay $0x1  }
0x43e: {  	v0 =	vadd.f32 v0, v15;
	v15 =	vadd.f32 v37, v28;
	v21 =	vld.idx.msk [tilespmem:v33+s23+$0x0], $0xffff;
	v33 =	vmul.f32 v51, v51  }
0x43f: {  	v1 =	vadd.f32 v20, v1;
	v20 =	vld [tilespmem:$0x1F8A0]  }
0x440: {  	v15 =	vadd.f32 v33, v15;
	v33 =	vld [tilespmem:$0x1F8B0]  }
0x441: {  	v37 =	vmul.f32 v53, v53;
	v0 =	vadd.f32 v3, v0;
	v3 =	vmul.f32 v36, v41;
	v36 =	vld [tilespmem:$0x1F8C0];
	_ =	sdelay $0x1  }
0x442: {  	v37 =	vadd.f32 v37, v15;
	v15 =	vmul.f32 v21, v21  }
0x443: {  	v0 =	vadd.f32 v3, v0;
	v3 =	vmul.f32 v20, v41  }
0x444: {  	v2 =	vadd.f32 v15, v37;
	v37 =	vld [tilespmem:$0x1F8D0]  }
0x445: {  	v35 =	vmul.f32 v33, v44;
	v1 =	vadd.f32 v3, v1;
	v3 =	vmul.f32 v36, v44;
	v44 =	vld [tilespmem:$0x1F8E0];
	_ =	sdelay $0x4  }
0x446: {  	v1 =	vadd.f32 v3, v1;
	v3 =	vmul.f32 v37, v31;
	v31 =	vmul.f32 v44, v31;
	_ =	sdelay $0x1  }
0x447: {  	v1 =	vadd.f32 v31, v1;
	v31 =	vld [tilespmem:$0x1F8F0]  }
0x448: {  	v33 =	vld [tilespmem:$0x1F900]  }
0x449: {  	v0 =	vadd.f32 v35, v0;
	v35 =	vld [tilespmem:$0x1F910];
	_ =	sdelay $0x2  }
0x44a: {  	v28 =	vor.u32 $0x27, v6;
	v37 =	vld [tilespmem:$0x1F920];
	v0 =	vadd.f32 v3, v0;
	v3 =	vmul.f32 v31, v29  }
0x44b: {  	v46 =	vor.u32 $0x26, v6  }
0x44c: {  	v36 =	vmul.f32 v35, v42;
	v0 =	vadd.f32 v3, v0;
	v3 =	vmul.f32 v33, v29;
	v29 =	vld [tilespmem:$0x1F930]  }
0x44d: {  	v32 =	vor.u32 $0x26, v7  }
0x44e: {  	v0 =	vadd.f32 v36, v0;
	v36 =	vld [tilespmem:$0x1F950]  }
0x44f: {  	v44 =	vld.idx.msk [tilespmem:v28+s28+$0x0], $0xffff;
	v28 =	vor.u32 $0x28, v6;
	v1 =	vadd.f32 v3, v1;
	v3 =	vmul.f32 v37, v42  }
0x450: {  	v9 =	vld [tilespmem:$0x1F970]  }
0x451: {  	v30 =	vor.u32 $0x27, v8;
	v46 =	vld.idx.msk [tilespmem:v46+s28+$0x0], $0xffff;
	v1 =	vadd.f32 v3, v1;
	v3 =	vmul.f32 v29, v40  }
0x452: {  	v50 =	vld.idx.msk [tilespmem:v32+s25+$0x0], $0xffff  }
0x453: {  	v33 =	vld [tilespmem:$0x1F940];
	v0 =	vadd.f32 v3, v0;
	v3 =	vmul.f32 v36, v38  }
0x454: {  	v32 =	vor.u32 $0x27, v7;
	v37 =	vld.idx.msk [tilespmem:v28+s28+$0x0], $0xffff  }
0x455: {  	v28 =	vld [tilespmem:$0x1F960];
	v29 =	vmul.f32 v9, v45;
	v0 =	vadd.f32 v3, v0  }
0x456: {  	v20 =	vld.idx.msk [tilespmem:v30+s23+$0x0], $0xffff;
	v30 =	vor.u32 $0x28, v8  }
0x457: {  	v15 =	vmul.f32 v50, v50;
	v0 =	vadd.f32 v29, v0;
	v29 =	vld [tilespmem:$0x1F980]  }
0x458: {  	v35 =	vmul.f32 v33, v40  }
0x459: {  	v32 =	vld.idx.msk [tilespmem:v32+s25+$0x0], $0xffff;
	v2 =	vadd.f32 v15, v2;
	v15 =	vmul.f32 v46, v46  }
0x45a: {  	v1 =	vadd.f32 v35, v1;
	v3 =	vmul.f32 v28, v38  }
0x45b: {  	v41 =	vor.u32 $0x28, v7;
	v2 =	vadd.f32 v15, v2;
	v31 =	vld.idx.msk [tilespmem:v30+s23+$0x0], $0xffff  }
0x45c: {  	v15 =	vmul.f32 v20, v20;
	v1 =	vadd.f32 v3, v1;
	v3 =	vmul.f32 v29, v45;
	v45 =	vld [tilespmem:$0x1F990]  }
0x45d: {  	v9 =	vld [tilespmem:$0x1F9A0]  }
0x45e: {  	v2 =	vadd.f32 v15, v2;
	v15 =	vmul.f32 v32, v32;
	v29 =	vld [tilespmem:$0x1F9B0];
	_ =	sdelay $0x1  }
0x45f: {  	v41 =	vld.idx.msk [tilespmem:v41+s25+$0x0], $0xffff;
	v2 =	vadd.f32 v15, v2;
	v15 =	vmul.f32 v44, v44;
	v30 =	vor.u32 $0x29, v8  }
0x460: {  	v1 =	vadd.f32 v3, v1;
	v3 =	vmul.f32 v45, v49  }
0x461: {  	v4 =	vor.u32 $0x29, v7;
	v2 =	vadd.f32 v15, v2;
	v49 =	vmul.f32 v9, v49;
	v9 =	vld [tilespmem:$0x1F9D0]  }
0x462: {  	v15 =	vmul.f32 v31, v31;
	v0 =	vadd.f32 v3, v0;
	v3 =	vmul.f32 v29, v47;
	v29 =	vld [tilespmem:$0x1F9C0]  }
0x463: {  	v42 =	vor.u32 $0x29, v6  }
0x464: {  	v40 =	vld.idx.msk [tilespmem:v30+s23+$0x0], $0xffff;
	v2 =	vadd.f32 v15, v2;
	v15 =	vmul.f32 v41, v41  }
0x465: {  	v30 =	vor.u32 $0x2A, v8  }
0x466: {  	v5 =	vor.u32 $0x2A, v7;
	v36 =	vld.idx.msk [tilespmem:v4+s25+$0x0], $0xffff;
	v2 =	vadd.f32 v15, v2;
	v4 =	vmul.f32 v37, v37  }
0x467: {  	v0 =	vadd.f32 v3, v0;
	v3 =	vmul.f32 v29, v47;
	v47 =	vmul.f32 v9, v52  }
0x468: {  	v35 =	vld.idx.msk [tilespmem:v42+s28+$0x0], $0xffff  }
0x469: {  	v2 =	vadd.f32 v4, v2;
	v28 =	vmul.f32 v40, v40;
	v0 =	vadd.f32 v47, v0;
	v47 =	vld [tilespmem:$0x1F9E0]  }
0x46a: {  	v38 =	vld.idx.msk [tilespmem:v30+s23+$0x0], $0xffff  }
0x46b: {  	v2 =	vadd.f32 v28, v2;
	v33 =	vmul.f32 v36, v36;
	v29 =	vld [tilespmem:$0x1F9F0]  }
0x46c: {  	v45 =	vld.idx.msk [tilespmem:v5+s25+$0x0], $0xffff;
	v1 =	vadd.f32 v49, v1  }
0x46d: {  	v28 =	vmul.f32 v35, v35;
	v2 =	vadd.f32 v33, v2  }
0x46e: {  	v15 =	vld [tilespmem:$0x1FA00];
	v1 =	vadd.f32 v3, v1;
	v3 =	vmul.f32 v47, v52  }
0x46f: {  	v42 =	vor.u32 $0x2A, v6;
	v33 =	vmul.f32 v38, v38;
	v2 =	vadd.f32 v28, v2  }
0x470: {  	v1 =	vadd.f32 v3, v1;
	v3 =	vmul.f32 v29, v58;
	v29 =	vld [tilespmem:$0x1FA10]  }
0x471: {  	v2 =	vadd.f32 v33, v2;
	v33 =	vmul.f32 v45, v45  }
0x472: {  	v30 =	vor.u32 $0x2B, v8  }
0x473: {  	v2 =	vadd.f32 v33, v2;
	v33 =	vmul.f32 v15, v58  }
0x474: {  	v5 =	vor.u32 $0x2B, v7;
	v49 =	vld.idx.msk [tilespmem:v42+s28+$0x0], $0xffff  }
0x475: {  	v1 =	vadd.f32 v33, v1;
	v33 =	vmul.f32 v29, v56;
	v29 =	vld [tilespmem:$0x1FA20]  }
0x476: {  	v42 =	vor.u32 $0x2B, v6  }
0x477: {  	v30 =	vld.idx.msk [tilespmem:v30+s23+$0x0], $0xffff  }
0x478: {  	v3 =	vadd.f32 v3, v0  }
0x479: {  	v52 =	vld.idx.msk [tilespmem:v5+s25+$0x0], $0xffff  }
0x47a: {  	v28 =	vmul.f32 v49, v49;
	v3 =	vadd.f32 v33, v3;
	v33 =	vmul.f32 v29, v56;
	v56 =	vld [tilespmem:$0x1FA30]  }
0x47b: {  	v58 =	vld.idx.msk [tilespmem:v42+s28+$0x0], $0xffff  }
0x47c: {  	v9 =	vor.u32 $0x2C, v8;
	v2 =	vadd.f32 v28, v2;
	v28 =	vmul.f32 v30, v30;
	v29 =	vld [tilespmem:$0x1FA40]  }
0x47d: {  	v47 =	vld [tilespmem:$0x1FA60]  }
0x47e: {  	v2 =	vadd.f32 v28, v2;
	v28 =	vmul.f32 v52, v52;
	v1 =	vadd.f32 v33, v1;
	v33 =	vld [tilespmem:$0x1FA50]  }
0x47f: {  	v0 =	vmul.f32 v56, v61  }
0x480: {  	v5 =	vor.u32 $0x2C, v7;
	v2 =	vadd.f32 v28, v2;
	v28 =	vmul.f32 v58, v58  }
0x481: {  	v15 =	vld.idx.msk [tilespmem:v9+s23+$0x0], $0xffff;
	v0 =	vadd.f32 v0, v3;
	v3 =	vmul.f32 v29, v61  }
0x482: {  	v42 =	vor.u32 $0x2C, v6;
	v2 =	vadd.f32 v28, v2;
	v28 =	vld [tilespmem:$0x1FA70]  }
0x483: {  	v1 =	vadd.f32 v3, v1;
	v3 =	vmul.f32 v33, v24;
	v33 =	vmul.f32 v47, v24;
	v47 =	vld [tilespmem:$0x1FA80];
	_ =	sdelay $0x1  }
0x484: {  	v9 =	vor.u32 $0x2D, v8;
	v56 =	vld.idx.msk [tilespmem:v5+s25+$0x0], $0xffff;
	_ =	sdelay $0x1  }
0x485: {  	v4 =	vmul.f32 v15, v15;
	v61 =	vld.idx.msk [tilespmem:v42+s28+$0x0], $0xffff  }
0x486: {  	v29 =	vmul.f32 v28, v26;
	v47 =	vmul.f32 v47, v26;
	v26 =	vld [tilespmem:$0x1FA90]  }
0x487: {  	v2 =	vadd.f32 v4, v2  }
0x488: {  	v24 =	vld.idx.msk [tilespmem:v9+s23+$0x0], $0xffff;
	v4 =	vmul.f32 v56, v56;
	v0 =	vadd.f32 v3, v0;
	v3 =	vadd.f32 v33, v1;
	_ =	sdelay $0x1  }
0x489: {  	v2 =	vadd.f32 v4, v2;
	v3 =	vadd.f32 v47, v3;
	v47 =	vld [tilespmem:$0x1FAC0]  }
0x48a: {  	v4 =	vmul.f32 v61, v61;
	v1 =	vadd.f32 v29, v0;
	v0 =	vmul.f32 v26, v25;
	v26 =	vld [tilespmem:$0x1FAA0];
	_ =	sdelay $0x1  }
0x48b: {  	v2 =	vadd.f32 v4, v2;
	v28 =	vmul.f32 v24, v24;
	_ =	sdelay $0x1  }
0x48c: {  	v2 =	vadd.f32 v28, v2;
	v28 =	vld [tilespmem:$0x1FAB0]  }
0x48d: {  	v0 =	vadd.f32 v0, v1;
	v1 =	vmul.f32 v26, v25;
	v26 =	vmul.f32 v47, v19;
	v47 =	vld [tilespmem:$0x1FAD0];
	_ =	sdelay $0x4  }
0x48e: {  	v1 =	vadd.f32 v1, v3;
	v3 =	vmul.f32 v28, v19;
	v19 =	vmul.f32 v47, v27;
	v47 =	vld [tilespmem:$0x1FAE0];
	_ =	sdelay $0x2  }
0x48f: {  	v3 =	vadd.f32 v3, v0;
	_ =	sdelay $0x1  }
0x490: {  	v1 =	vadd.f32 v26, v1;
	v3 =	vadd.f32 v19, v3;
	v19 =	vmul.f32 v47, v27;
	v27 =	vld [tilespmem:$0x1FAF0];
	_ =	sdelay $0x1  }
0x491: {  	v1 =	vadd.f32 v19, v1;
	v19 =	vld [tilespmem:$0x1FB00];
	_ =	sdelay $0x2  }
0x492: {  	v0 =	vmul.f32 v27, v22  }
0x493: {  	v47 =	vld [tilespmem:$0x1FB10]  }
0x494: {  	v0 =	vadd.f32 v0, v3;
	v3 =	vmul.f32 v19, v22;
	v19 =	vld [tilespmem:$0x1FB20];
	_ =	sdelay $0x4  }
0x495: {  	v47 =	vmul.f32 v47, v16;
	v3 =	vadd.f32 v3, v1;
	v16 =	vmul.f32 v19, v16;
	_ =	sdelay $0x1  }
0x496: {  	v3 =	vadd.f32 v16, v3;
	v16 =	vld [tilespmem:$0x1FB30];
	_ =	sdelay $0x4  }
0x497: {  	v0 =	vadd.f32 v47, v0;
	v47 =	vmul.f32 v16, v18;
	_ =	sdelay $0x1  }
0x498: {  	v1 =	vadd.f32 v47, v0;
	v47 =	vld [tilespmem:$0x1FB40];
	_ =	sdelay $0x4  }
0x499: {  	v47 =	vmul.f32 v47, v18;
	v18 =	vld [tilespmem:$0x1FB50];
	_ =	sdelay $0x1  }
0x49a: {  	v3 =	vadd.f32 v47, v3;
	v47 =	vld [tilespmem:$0x1FB60];
	_ =	sdelay $0x2  }
0x49b: {  	v0 =	vmul.f32 v18, v17;
	_ =	sdelay $0x1  }
0x49c: {  	v0 =	vadd.f32 v0, v1;
	v1 =	vmul.f32 v47, v17;
	v47 =	vld [tilespmem:$0x1FB70];
	_ =	sdelay $0x4  }
0x49d: {  	v1 =	vadd.f32 v1, v3;
	v3 =	vmul.f32 v47, v13;
	v47 =	vld [tilespmem:$0x1FB80];
	_ =	sdelay $0x2  }
0x49e: {  	v5 =	vor.u32 $0x2D, v7;
	_ =	sdelay $0x1  }
0x49f: {  	v42 =	vor.u32 $0x2D, v6;
	v47 =	vmul.f32 v47, v13  }
0x4a0: {  	v9 =	vor.u32 $0x2E, v8  }
0x4a1: {  	v0 =	vadd.f32 v3, v0;
	v1 =	vadd.f32 v47, v1;
	v47 =	vmul.f32 v57, v14  }
0x4a2: {  	v33 =	vld.idx.msk [tilespmem:v5+s25+$0x0], $0xffff;
	v5 =	vor.u32 $0x2E, v7  }
0x4a3: {  	v0 =	vadd.f32 v47, v0;
	v47 =	vld [tilespmem:$0x1FB90]  }
0x4a4: {  	v29 =	vld.idx.msk [tilespmem:v42+s28+$0x0], $0xffff  }
0x4a5: {  	v42 =	vor.u32 $0x2E, v6  }
0x4a6: {  	v25 =	vld.idx.msk [tilespmem:v9+s23+$0x0], $0xffff  }
0x4a7: {  	v4 =	vmul.f32 v33, v33;
	v9 =	vor.u32 $0x2F, v8;
	v28 =	vld.idx.msk [tilespmem:v5+s25+$0x0], $0xffff  }
0x4a8: {  	v3 =	vmul.f32 v47, v14;
	v14 =	vld [tilespmem:$0x1FBA0]  }
0x4a9: {  	v4 =	vadd.f32 v4, v2;
	v2 =	vor.u32 $0x2F, v7;
	v5 =	vmul.f32 v29, v29  }
0x4aa: {  	v26 =	vld.idx.msk [tilespmem:v42+s28+$0x0], $0xffff  }
0x4ab: {  	v4 =	vadd.f32 v5, v4;
	v5 =	vmul.f32 v25, v25  }
0x4ac: {  	v42 =	vor.u32 $0x2F, v6;
	v27 =	vld.idx.msk [tilespmem:v9+s23+$0x0], $0xffff  }
0x4ad: {  	v4 =	vadd.f32 v5, v4;
	v5 =	vmul.f32 v28, v28;
	v47 =	vmul.f32 v14, v12  }
0x4ae: {  	v9 =	vor.u32 $0x30, v8;
	v22 =	vld.idx.msk [tilespmem:v2+s25+$0x0], $0xffff  }
0x4af: {  	v2 =	vadd.f32 v5, v4;
	v4 =	vmul.f32 v26, v26;
	v0 =	vadd.f32 v47, v0;
	v47 =	vld [tilespmem:$0x1FBB0];
	_ =	sdelay $0x1  }
0x4b0: {  	v5 =	vor.u32 $0x30, v7;
	v2 =	vadd.f32 v4, v2;
	v4 =	vmul.f32 v27, v27;
	v19 =	vld.idx.msk [tilespmem:v42+s28+$0x0], $0xffff;
	_ =	sdelay $0x1  }
0x4b1: {  	v42 =	vor.u32 $0x30, v6;
	v2 =	vadd.f32 v4, v2;
	v16 =	vld.idx.msk [tilespmem:v9+s23+$0x0], $0xffff  }
0x4b2: {  	v4 =	vmul.f32 v22, v22;
	v1 =	vadd.f32 v3, v1;
	v3 =	vmul.f32 v47, v12;
	v47 =	vld [tilespmem:$0x1FBC0]  }
0x4b3: {  	v9 =	vor.u32 $0x31, v8  }
0x4b4: {  	v2 =	vadd.f32 v4, v2;
	v4 =	vmul.f32 v19, v19;
	v18 =	vld.idx.msk [tilespmem:v5+s25+$0x0], $0xffff  }
0x4b5: {  	v5 =	vor.u32 $0x31, v7  }
0x4b6: {  	v2 =	vadd.f32 v4, v2;
	v4 =	vmul.f32 v16, v16;
	v17 =	vld.idx.msk [tilespmem:v42+s28+$0x0], $0xffff  }
0x4b7: {  	v42 =	vor.u32 $0x31, v6;
	v1 =	vadd.f32 v3, v1;
	v3 =	vmul.f32 v47, v10;
	v47 =	vld [tilespmem:$0x1FBD0]  }
0x4b8: {  	v13 =	vld.idx.msk [tilespmem:v9+s23+$0x0], $0xffff  }
0x4b9: {  	v2 =	vadd.f32 v4, v2;
	v4 =	vmul.f32 v18, v18;
	v9 =	vor.u32 $0x32, v8  }
0x4ba: {  	v57 =	vld.idx.msk [tilespmem:v5+s25+$0x0], $0xffff;
	v5 =	vor.u32 $0x32, v7  }
0x4bb: {  	v2 =	vadd.f32 v4, v2;
	v4 =	vmul.f32 v17, v17  }
0x4bc: {  	v14 =	vld.idx.msk [tilespmem:v42+s28+$0x0], $0xffff;
	v47 =	vmul.f32 v47, v10  }
0x4bd: {  	v2 =	vadd.f32 v4, v2;
	v4 =	vmul.f32 v13, v13;
	v42 =	vor.u32 $0x32, v6  }
0x4be: {  	v12 =	vld.idx.msk [tilespmem:v9+s23+$0x0], $0xffff;
	v0 =	vadd.f32 v3, v0;
	v1 =	vadd.f32 v47, v1;
	v47 =	vmul.f32 v48, v11  }
0x4bf: {  	v2 =	vadd.f32 v4, v2;
	v4 =	vmul.f32 v57, v57;
	v10 =	vld.idx.msk [tilespmem:v5+s25+$0x0], $0xffff  }
0x4c0: {  	v9 =	vor.u32 $0x33, v8;
	v0 =	vadd.f32 v47, v0;
	v47 =	vld [tilespmem:$0x1FBE0]  }
0x4c1: {  	v2 =	vadd.f32 v4, v2;
	v4 =	vmul.f32 v14, v14  }
0x4c2: {  	v5 =	vor.u32 $0x33, v7  }
0x4c3: {  	v2 =	vadd.f32 v4, v2;
	v4 =	vmul.f32 v12, v12;
	v48 =	vld.idx.msk [tilespmem:v42+s28+$0x0], $0xffff  }
0x4c4: {  	v42 =	vor.u32 $0x33, v6  }
0x4c5: {  	v2 =	vadd.f32 v4, v2;
	v4 =	vmul.f32 v10, v10;
	v3 =	vmul.f32 v47, v11;
	v11 =	vld.idx.msk [tilespmem:v9+s23+$0x0], $0xffff  }
0x4c6: {  	v47 =	vmul.f32 v60, v43;
	v60 =	vor.u32 $0x34, v8  }
0x4c7: {  	v62 =	vmul.f32 v62, v34;
	v2 =	vadd.f32 v4, v2;
	v9 =	vld.idx.msk [tilespmem:v5+s25+$0x0], $0xffff  }
0x4c8: {  	v5 =	vor.u32 $0x34, v7;
	v0 =	vadd.f32 v47, v0;
	v47 =	vmul.f32 v48, v48  }
0x4c9: {  	v34 =	vmul.f32 v59, v34;
	v42 =	vld.idx.msk [tilespmem:v42+s28+$0x0], $0xffff;
	v43 =	vmul.f32 v63, v43;
	v1 =	vadd.f32 v3, v1  }
0x4ca: {  	v2 =	vadd.f32 v47, v2;
	v47 =	vor.u32 $0x34, v6;
	v63 =	vmul.f32 v11, v11  }
0x4cb: {  	v59 =	vmul.f32 v55, v39;
	v1 =	vadd.f32 v43, v1;
	v0 =	vadd.f32 v62, v0;
	v4 =	vld.idx.msk [tilespmem:v60+s23+$0x0], $0xffff  }
0x4cc: {  	v43 =	vor.u32 $0x35, v8;
	v60 =	vmul.f32 v9, v9;
	v2 =	vadd.f32 v63, v2  }
0x4cd: {  	v55 =	vor.u32 $0x35, v7;
	v62 =	vmul.f32 v54, v39;
	v5 =	vld.idx.msk [tilespmem:v5+s25+$0x0], $0xffff;
	v1 =	vadd.f32 v34, v1  }
0x4ce: {  	v54 =	vmul.f32 v42, v42;
	v0 =	vadd.f32 v59, v0;
	v2 =	vadd.f32 v60, v2  }
0x4cf: {  	v59 =	vmul.f32 v53, v23;
	v63 =	vmul.f32 v51, v23;
	v1 =	vadd.f32 v62, v1;
	v23 =	vld.idx.msk [tilespmem:v47+s28+$0x0], $0xffff  }
0x4d0: {  	v62 =	vor.u32 $0x35, v6;
	v60 =	vmul.f32 v4, v4;
	v2 =	vadd.f32 v54, v2  }
0x4d1: {  	v46 =	vmul.f32 v46, v21;
	v0 =	vadd.f32 v63, v0;
	v63 =	vmul.f32 v50, v21;
	v21 =	vld.idx.msk [tilespmem:v43+s23+$0x0], $0xffff  }
0x4d2: {  	v50 =	vor.u32 $0x36, v8;
	v47 =	vmul.f32 v5, v5;
	v2 =	vadd.f32 v60, v2  }
0x4d3: {  	v53 =	vmul.f32 v32, v20;
	v32 =	vld.idx.msk [tilespmem:v55+s25+$0x0], $0xffff;
	v1 =	vadd.f32 v59, v1  }
0x4d4: {  	v55 =	vor.u32 $0x36, v7;
	v54 =	vmul.f32 v23, v23;
	v2 =	vadd.f32 v47, v2  }
0x4d5: {  	v59 =	vmul.f32 v44, v20;
	v0 =	vadd.f32 v63, v0;
	v1 =	vadd.f32 v46, v1;
	v39 =	vld.idx.msk [tilespmem:v62+s28+$0x0], $0xffff  }
0x4d6: {  	v63 =	vor.u32 $0x36, v6;
	v62 =	vmul.f32 v21, v21;
	v2 =	vadd.f32 v54, v2  }
0x4d7: {  	v37 =	vmul.f32 v37, v31;
	v35 =	vmul.f32 v35, v40;
	v1 =	vadd.f32 v59, v1;
	v20 =	vld.idx.msk [tilespmem:v50+s23+$0x0], $0xffff  }
0x4d8: {  	v44 =	vor.u32 $0x37, v8;
	v43 =	vmul.f32 v32, v32;
	v2 =	vadd.f32 v62, v2  }
0x4d9: {  	v51 =	vor.u32 $0x37, v7;
	v47 =	vmul.f32 v36, v40;
	v36 =	vld.idx.msk [tilespmem:v55+s25+$0x0], $0xffff;
	v1 =	vadd.f32 v37, v1  }
0x4da: {  	v46 =	vmul.f32 v56, v15;
	v50 =	vmul.f32 v39, v39;
	v2 =	vadd.f32 v43, v2  }
0x4db: {  	v0 =	vadd.f32 v53, v0;
	v60 =	vmul.f32 v41, v31;
	v1 =	vadd.f32 v35, v1;
	v35 =	vld.idx.msk [tilespmem:v63+s28+$0x0], $0xffff  }
0x4dc: {  	v55 =	vor.u32 $0x37, v6;
	v54 =	vmul.f32 v20, v20;
	v2 =	vadd.f32 v50, v2  }
0x4dd: {  	v53 =	vmul.f32 v45, v38;
	v59 =	vmul.f32 v49, v38;
	v0 =	vadd.f32 v60, v0;
	v34 =	vld.idx.msk [tilespmem:v44+s23+$0x0], $0xffff  }
0x4de: {  	v63 =	vor.u32 $0x38, v8;
	v62 =	vmul.f32 v36, v36;
	v2 =	vadd.f32 v54, v2  }
0x4df: {  	v60 =	vmul.f32 v52, v30;
	v1 =	vadd.f32 v59, v1;
	v43 =	vmul.f32 v58, v30;
	v30 =	vld.idx.msk [tilespmem:v51+s25+$0x0], $0xffff  }
0x4e0: {  	v45 =	vor.u32 $0x38, v7;
	v44 =	vmul.f32 v35, v35;
	v2 =	vadd.f32 v62, v2  }
0x4e1: {  	v15 =	vmul.f32 v61, v15;
	v49 =	vor.u32 $0x38, v6;
	v38 =	vld.idx.msk [tilespmem:v55+s28+$0x0], $0xffff;
	v1 =	vadd.f32 v43, v1  }
0x4e2: {  	v0 =	vadd.f32 v47, v0;
	v47 =	vmul.f32 v34, v34;
	v2 =	vadd.f32 v44, v2  }
0x4e3: {  	v19 =	vmul.f32 v19, v27;
	v5 =	vmul.f32 v5, v4;
	v1 =	vadd.f32 v15, v1;
	v15 =	vld.idx.msk [tilespmem:v63+s23+$0x0], $0xffff  }
0x4e4: {  	v52 =	vor.u32 $0x39, v8;
	v51 =	vmul.f32 v30, v30;
	v2 =	vadd.f32 v47, v2  }
0x4e5: {  	v56 =	vor.u32 $0x39, v7;
	v0 =	vadd.f32 v53, v0;
	v54 =	vmul.f32 v28, v25;
	v28 =	vld.idx.msk [tilespmem:v45+s25+$0x0], $0xffff  }
0x4e6: {  	v61 =	vmul.f32 v22, v27;
	v55 =	vmul.f32 v38, v38;
	v2 =	vadd.f32 v51, v2  }
0x4e7: {  	v53 =	vmul.f32 v29, v24;
	v0 =	vadd.f32 v60, v0;
	v50 =	vmul.f32 v33, v24;
	v24 =	vld.idx.msk [tilespmem:v49+s28+$0x0], $0xffff  }
0x4e8: {  	v60 =	vor.u32 $0x39, v6;
	v59 =	vmul.f32 v15, v15;
	v2 =	vadd.f32 v55, v2  }
0x4e9: {  	v41 =	vmul.f32 v57, v13;
	v22 =	vld.idx.msk [tilespmem:v52+s23+$0x0], $0xffff;
	v58 =	vmul.f32 v26, v25;
	v1 =	vadd.f32 v53, v1  }
0x4ea: {  	v63 =	vor.u32 $0x3A, v8;
	v62 =	vmul.f32 v28, v28;
	v2 =	vadd.f32 v59, v2  }
0x4eb: {  	v57 =	vmul.f32 v32, v21;
	v29 =	vmul.f32 v18, v16;
	v18 =	vld.idx.msk [tilespmem:v56+s25+$0x0], $0xffff;
	v1 =	vadd.f32 v58, v1  }
0x4ec: {  	v37 =	vor.u32 $0x3A, v7;
	v33 =	vmul.f32 v24, v24;
	v2 =	vadd.f32 v62, v2  }
0x4ed: {  	v40 =	vmul.f32 v17, v16;
	v0 =	vadd.f32 v46, v0;
	v43 =	vld.idx.msk [tilespmem:v60+s28+$0x0], $0xffff;
	v1 =	vadd.f32 v19, v1  }
0x4ee: {  	v45 =	vor.u32 $0x3A, v6;
	v44 =	vmul.f32 v22, v22;
	v2 =	vadd.f32 v33, v2  }
0x4ef: {  	v46 =	vmul.f32 v14, v13;
	v49 =	vmul.f32 v10, v12;
	v13 =	vld.idx.msk [tilespmem:v63+s23+$0x0], $0xffff;
	v1 =	vadd.f32 v40, v1  }
0x4f0: {  	v14 =	vmul.f32 v18, v18;
	v47 =	vor.u32 $0x3B, v8;
	v2 =	vadd.f32 v44, v2  }
0x4f1: {  	v10 =	vmul.f32 v48, v12;
	v12 =	vld.idx.msk [tilespmem:v37+s25+$0x0], $0xffff;
	v0 =	vadd.f32 v50, v0;
	v1 =	vadd.f32 v46, v1  }
0x4f2: {  	v50 =	vor.u32 $0x3B, v7;
	v2 =	vadd.f32 v14, v2;
	v14 =	vmul.f32 v43, v43  }
0x4f3: {  	v0 =	vadd.f32 v54, v0;
	v51 =	vmul.f32 v9, v11;
	v9 =	vld.idx.msk [tilespmem:v45+s28+$0x0], $0xffff;
	v1 =	vadd.f32 v10, v1  }
0x4f4: {  	v10 =	vmul.f32 v13, v13;
	v2 =	vadd.f32 v14, v2;
	v14 =	vor.u32 $0x3B, v6  }
0x4f5: {  	v52 =	vmul.f32 v42, v11;
	v25 =	vmul.f32 v35, v20;
	v0 =	vadd.f32 v61, v0;
	v11 =	vld.idx.msk [tilespmem:v47+s23+$0x0], $0xffff  }
0x4f6: {  	v53 =	vor.u32 $0x3C, v8;
	v2 =	vadd.f32 v10, v2;
	v10 =	vmul.f32 v12, v12  }
0x4f7: {  	v60 =	vor.u32 $0x3C, v6;
	v26 =	vmul.f32 v30, v34;
	v0 =	vadd.f32 v29, v0;
	v55 =	vld.idx.msk [tilespmem:v50+s25+$0x0], $0xffff  }
0x4f8: {  	v56 =	vmul.f32 v9, v9;
	v2 =	vadd.f32 v10, v2;
	v10 =	vor.u32 $0x3C, v7  }
0x4f9: {  	v54 =	vmul.f32 v23, v4;
	v0 =	vadd.f32 v41, v0;
	v1 =	vadd.f32 v52, v1;
	v14 =	vld.idx.msk [tilespmem:v14+s28+$0x0], $0xffff  }
0x4fa: {  	v30 =	vmul.f32 v38, v34;
	v59 =	vmul.f32 v11, v11;
	v2 =	vadd.f32 v56, v2  }
0x4fb: {  	v58 =	vmul.f32 v39, v21;
	v16 =	vld.idx.msk [tilespmem:v53+s23+$0x0], $0xffff;
	v0 =	vadd.f32 v49, v0;
	v1 =	vadd.f32 v54, v1  }
0x4fc: {  	v63 =	vor.u32 $0x3D, v8;
	v62 =	vmul.f32 v55, v55;
	v2 =	vadd.f32 v59, v2  }
0x4fd: {  	v61 =	vmul.f32 v36, v20;
	v0 =	vadd.f32 v51, v0;
	v1 =	vadd.f32 v58, v1;
	v10 =	vld.idx.msk [tilespmem:v10+s25+$0x0], $0xffff  }
0x4fe: {  	v29 =	vor.u32 $0x3D, v7;
	v2 =	vadd.f32 v62, v2;
	v27 =	vmul.f32 v14, v14  }
0x4ff: {  	v34 =	vmul.f32 v28, v15;
	v31 =	vld.idx.msk [tilespmem:v60+s28+$0x0], $0xffff;
	v0 =	vadd.f32 v5, v0;
	v1 =	vadd.f32 v25, v1  }
0x500: {  	v32 =	vmul.f32 v16, v16;
	v33 =	vor.u32 $0x3D, v6;
	v2 =	vadd.f32 v27, v2  }
0x501: {  	v15 =	vmul.f32 v24, v15;
	v19 =	vld.idx.msk [tilespmem:v63+s23+$0x0], $0xffff;
	v0 =	vadd.f32 v57, v0;
	v1 =	vadd.f32 v30, v1  }
0x502: {  	v36 =	vor.u32 $0x3E, v8;
	v2 =	vadd.f32 v32, v2;
	v35 =	vmul.f32 v10, v10  }
0x503: {  	v0 =	vadd.f32 v61, v0;
	v1 =	vadd.f32 v15, v1;
	v15 =	vld.idx.msk [tilespmem:v29+s25+$0x0], $0xffff  }
0x504: {  	v39 =	vor.u32 $0x3E, v7;
	v38 =	vmul.f32 v31, v31;
	v2 =	vadd.f32 v35, v2  }
0x505: {  	v37 =	vmul.f32 v18, v22;
	v40 =	vmul.f32 v43, v22;
	v0 =	vadd.f32 v26, v0;
	v41 =	vld.idx.msk [tilespmem:v33+s28+$0x0], $0xffff  }
0x506: {  	v42 =	vmul.f32 v19, v19;
	v43 =	vor.u32 $0x3E, v6;
	v2 =	vadd.f32 v38, v2  }
0x507: {  	v8 =	vor.u32 $0x3F, v8;
	v44 =	vmul.f32 v9, v13;
	v9 =	vld.idx.msk [tilespmem:v36+s23+$0x0], $0xffff;
	v0 =	vadd.f32 v34, v0  }
0x508: {  	v6 =	vor.u32 $0x3F, v6;
	v45 =	vmul.f32 v15, v15;
	v2 =	vadd.f32 v42, v2  }
0x509: {  	v47 =	vld.idx.msk [tilespmem:v39+s25+$0x0], $0xffff;
	v0 =	vadd.f32 v37, v0;
	v12 =	vmul.f32 v12, v13;
	v7 =	vor.u32 $0x3F, v7  }
0x50a: {  	v1 =	vadd.f32 v40, v1;
	v48 =	vmul.f32 v41, v41;
	v2 =	vadd.f32 v45, v2  }
0x50b: {  	v46 =	vmul.f32 v55, v11;
	v0 =	vadd.f32 v12, v0;
	v49 =	vmul.f32 v14, v11;
	v11 =	vld.idx.msk [tilespmem:v43+s28+$0x0], $0xffff  }
0x50c: {  	v8 =	vld.idx.msk [tilespmem:v8+s23+$0x0], $0xffff;
	v50 =	vmul.f32 v9, v9;
	v1 =	vadd.f32 v44, v1;
	v2 =	vadd.f32 v48, v2  }
0x50d: {  	v51 =	vmul.f32 v31, v16;
	v6 =	vld.idx.msk [tilespmem:v6+s28+$0x0], $0xffff;
	v0 =	vadd.f32 v46, v0;
	v10 =	vmul.f32 v10, v16  }
0x50e: {  	v52 =	vmul.f32 v47, v47;
	v7 =	vld.idx.msk [tilespmem:v7+s25+$0x0], $0xffff;
	v1 =	vadd.f32 v49, v1;
	v2 =	vadd.f32 v50, v2  }
0x50f: {  	v53 =	vmul.f32 v41, v19;
	v62 =	vld [tilespmem:$0x1FC20];
	v0 =	vadd.f32 v10, v0;
	v10 =	vmul.f32 v15, v19  }
0x510: {  	v63 =	vld [tilespmem:$0x1FC30];
	v1 =	vadd.f32 v51, v1;
	v54 =	vmul.f32 v11, v11;
	v2 =	vadd.f32 v52, v2  }
0x511: {  	v57 =	vmul.f32 v8, v8;
	v55 =	vmul.f32 v47, v9;
	v0 =	vadd.f32 v10, v0  }
0x512: {  	v56 =	vmul.f32 v11, v9;
	v1 =	vadd.f32 v53, v1;
	v2 =	vadd.f32 v54, v2  }
0x513: {  	p1 =	sne.s32 s3, $0x1C0;
	v59 =	vmul.f32 v6, v8;
	v58 =	vmul.f32 v7, v8;
	v0 =	vadd.f32 v55, v0  }
.Ltmp2:
0x514: {  	v60 =	vmul.f32 v7, v7;
	v1 =	vadd.f32 v56, v1;
	v2 =	vadd.f32 v57, v2;
	(pc) =	sbr.rel @p1 .LBB2_7-.Ltmp2, $4  }
0x515: {  	v0 =	vadd.f32 v58, v0  }
0x516: {  	v61 =	vmul.f32 v6, v6;
	v1 =	vadd.f32 v59, v1;
	v2 =	vadd.f32 v60, v2  }
0x517: {  	[tilespmem:v62+s5+$0x0 ss:$0x1] =	vst.idx.msk $0xffff, v0  }
0x518: {  	s0 =	sadd.s32 $0x10, s0;
	s3 =	sadd.s32 $0x40, s3;
	v14 =	vld [tilespmem:$0x1FFF0];
	[tilespmem:v63+s5+$0x0 ss:$0x1] =	vst.idx.msk $0xffff, v1;
	v11 =	vadd.f32 v61, v2  }
.Ltmp3:
0x519: {  	(pc) =	sbr.rel @p0 .LBB2_2-.Ltmp3, $2  }
0x51a: {  	_ =	sdelay $0x2  }
0x51b: {  	s14 =	simm.s32 $0x100;
	p2 =	por $0x0, $0x0;
	p1 =	por $0x1, $0x1  }
0x51c: {  	[tilespmem:$0x18E00] =	vst v11;
	s0 =	rddreg [dreg:$0xc];
	s3 =	simm.s32 $0x18A00  }
0x51d: {  	[hbm4b:s0+s4] =	stream.linear.scatter [tilespmem:s3], [sflag:$0x3], $0x200, $0x38;
	[tilespmem:$0x18E80] =	vst v63  }
0x51e: {  	_ =	swait.ge [sflag:s12], $0x200  }
0x51f: {  	[sflag:s12] =	ssyncset.done $0x0  }
0x520: {  	s14 =	simm.s32 $0x18C00;
	[sflag:s12] =	ssyncadd.s32 $0xFFFFFE00  }
0x521: {  	[hbm4b:s9+s4] =	stream.linear.scatter [tilespmem:s14], [sflag:$0x3], $0x200, $0x38;
	[tilespmem:$0x18E80] =	vst v63  }
0x522: {  	s13 =	sadd.s32 $0x1, s13;
	_ =	swait.ge [sflag:s12], $0x200  }
0x523: {  	p0 =	sne.s32 s13, s11;
	[sflag:s12] =	ssyncset.done $0x0  }
.Ltmp4:
0x524: {  	s31 =	simm.s32 $0x18E00;
	[sflag:s12] =	ssyncadd.s32 $0xFFFFFE00;
	(pc) =	sbr.rel @p0 .LBB2_1-.Ltmp4, $4  }
0x525: {  	[hbm4b:s10+s4] =	stream.linear.scatter [tilespmem:s31], [sflag:$0x3], $0x80, $0x38;
	[tilespmem:$0x18E80] =	vst v63  }
0x526: {  	_ =	swait.ge [sflag:s12], $0x80  }
0x527: {  	[sflag:s12] =	ssyncset.done $0x0  }
0x528: {  	[sflag:s12] =	ssyncadd.s32 $0xFFFFFF80  }
0x529: {  	_ =	sfence.sel $0x180000  }
0x52a: {  	[bflag:$0x0] =	sbarrier.arrive $0xFFFF  }
0x52b: {  	_ =	strace $0x90000047  }
0x52c: {  	s0 =	stileid.u32;
	[bflag:$0x2] =	sbarrier.arrive $0xFFFF  }
0x52d: {  	p0 =	sne.s32 s0, $0x0;
	s0 =	rddreg [dreg:$0x8]  }
0x52e: {  	s0 =	sadd.s32 @!p0 $0x100000, s0  }
0x52f: {  	[sflag:s0] =	ssyncadd.tile.s32 @!p0 $0x1;
	_ =	shalt  }
.Lfunc_end2:
_tile_overlayer_lowered:
.L_overlay_start_2:
0x530: {  	(tag) =	ssettag $0x2  }
0x531: {  	s0 =	rddreg [dreg:$0x0];
	s2 =	stileid.u32  }
0x532: {  	s1 =	rddreg [dreg:$0x1];
	p0 =	sne.s32 s2, $0x0  }
0x533: {  	s3 =	rddreg [dreg:$0x2];
	[bflag:$0x3] =	sbarrier.arrive $0xFFFF;
	s2 =	simm.s32 @!p0 $0x1C03  }
0x534: {  	[timem:s3], [sflag:s2] =	dma.local @!p0 [hbm:s0], s1  }
0x535: {  	s0 =	simm.s32 @!p0 $0x3  }
0x536: {  	_ =	swait.ge @!p0 [sflag:s0], s1  }
0x537: {  	s1 =	ssub.s32 @!p0 $0x0, s1;
	[sflag:s0] =	ssyncset.done @!p0 $0x0  }
0x538: {  	[sflag:s0] =	ssyncadd.s32 @!p0 s1  }
0x539: {  	[bflag:$0x3] =	sbarrier.arrive $0xFFFF  }
0x53a: {  	_ =	shalt  }

</sc_bundles>
